<compile_context>
chip_gen: v7x
topology: tpu7x:2x2x1
jax: 0.10.2.dev20260603
libtpu: 0.0.44.dev20260713+nightly
codegen_flags: <defaults>
</compile_context>

<pallas_src>
import functools

import jax
import jax.numpy as jnp
from jax import lax
from jax.experimental import pallas as pl
from jax.experimental.pallas import tpu as pltpu
from jax.experimental.pallas import tpu_sc as plsc

NC = 2
NS = 16
NW = NC * NS
K = 128
G = 4


@functools.lru_cache(maxsize=None)
def _make_segment_sum_sc(n, d, ch):
    rows_per_tile = -(-(n + 1) // (NS * K)) * K
    agg_rows = rows_per_tile * NS
    mesh = plsc.VectorSubcoreMesh(core_axis_name="c", subcore_axis_name="s",
                                  num_cores=NC, num_subcores=NS)

    @functools.partial(
        pl.kernel,
        out_type=jax.ShapeDtypeStruct((NC, agg_rows, d), jnp.bfloat16),
        mesh=mesh,
        scratch_types=[
            pltpu.VMEM((ch, K), jnp.int32),
            pltpu.VMEM((ch, K), jnp.int32),
            pltpu.VMEM((G, K, d), jnp.bfloat16),
            pltpu.VMEM((K, d), jnp.bfloat16),
            pltpu.VMEM_SHARED((agg_rows, d), jnp.bfloat16),
            pltpu.SemaphoreType.DMA,
            pltpu.SemaphoreType.DMA,
            pltpu.SemaphoreType.DMA,
            pltpu.SemaphoreType.DMA,
        ],
        compiler_params=pltpu.CompilerParams(use_tc_tiling_on_sc=False),
    )
    def seg_sum(table, srcp, dstp, out, src_v, dst_v, rows_v, zero_v, agg_sh,
                sga, sgb, ssa, ssb):
        c = lax.axis_index("c")
        s = lax.axis_index("s")
        wid = s * NC + c

        GS = G // 2

        def _fire_g(buf0, chunk0, sem):
            for g in range(GS):
                pltpu.async_copy(table.at[src_v.at[chunk0 + g]],
                                 rows_v.at[buf0 + g], sem)

        def _drain_g(buf0, sem):
            for g in range(GS):
                pltpu.make_async_copy(table.at[src_v.at[0]],
                                      rows_v.at[buf0 + g], sem).wait()

        def _fire_s(buf0, chunk0, sem):
            for g in range(GS):
                pltpu.async_copy(rows_v.at[buf0 + g],
                                 agg_sh.at[dst_v.at[chunk0 + g]], sem,
                                 add=True)

        def _drain_s(buf0, sem):
            for g in range(GS):
                pltpu.make_async_copy(rows_v.at[buf0 + g],
                                      agg_sh.at[dst_v.at[0]], sem).wait()

        dsteps = ch // G
        pltpu.sync_copy(srcp.at[wid], src_v)
        pltpu.sync_copy(dstp.at[wid], dst_v)
        _fire_g(0, 0, sga)

        def _zero_row(i, _):
            for j in range(d // 32):
                zero_v[i, pl.ds(j * 32, 32)] = jnp.zeros((32,), jnp.bfloat16)
            return 0
        lax.fori_loop(0, K, _zero_row, 0)
        for t in range(rows_per_tile // K):
            pltpu.sync_copy(zero_v,
                            agg_sh.at[pl.ds(s * rows_per_tile + t * K, K)])
        plsc.subcore_barrier()

        def _dstep(ds, _):
            c0 = ds * G
            _drain_g(0, sga)
            _fire_s(0, c0, ssa)

            @pl.when(ds > 0)
            def _():
                _drain_s(2, ssb)

            _fire_g(2, c0 + GS, sgb)
            _drain_g(2, sgb)
            _fire_s(2, c0 + GS, ssb)
            _drain_s(0, ssa)

            @pl.when(ds < dsteps - 1)
            def _():
                _fire_g(0, c0 + G, sga)
            return 0
        lax.fori_loop(0, dsteps, _dstep, 0)
        _drain_s(2, ssb)

        plsc.subcore_barrier()
        pltpu.sync_copy(agg_sh.at[pl.ds(s * rows_per_tile, rows_per_tile)],
                        out.at[c, pl.ds(s * rows_per_tile, rows_per_tile)])

    return seg_sum


def _layer_tc(cur_ref, p_ref, w_ref, b_ref, g_ref, be_ref,
              out_ref, outbf_ref, sin_ref, sout_ref):
    n = cur_ref.shape[0]
    cur = cur_ref[...]
    agg = (p_ref[0, :n, :].astype(jnp.float32)
           + p_ref[1, :n, :].astype(jnp.float32))
    r = cur + agg
    z = jnp.dot(r, w_ref[...], preferred_element_type=jnp.float32) + b_ref[...]
    m = jnp.mean(z, axis=0, keepdims=True)
    v = jnp.mean((z - m) ** 2, axis=0, keepdims=True)
    zn = (z - m) * lax.rsqrt(v + 1e-5) * g_ref[...] + be_ref[...]
    outv = jnp.maximum(zn, 0.0)
    out_ref[...] = outv
    outbf_ref[...] = outv.astype(jnp.bfloat16)
    sin_ref[...] = jnp.sum(cur, axis=0, keepdims=True)
    sout_ref[...] = jnp.sum(outv, axis=0, keepdims=True)


@functools.lru_cache(maxsize=None)
def _make_layer_tc(n, d):
    return pl.pallas_call(
        _layer_tc,
        out_shape=[jax.ShapeDtypeStruct((n, d), jnp.float32),
                   jax.ShapeDtypeStruct((n, d), jnp.bfloat16),
                   jax.ShapeDtypeStruct((1, d), jnp.float32),
                   jax.ShapeDtypeStruct((1, d), jnp.float32)],
    )


def _score_tc(pool_ref, wp_ref, bp_ref, out_ref):
    acc = jnp.sum(bp_ref[...], axis=0, keepdims=True)
    for i in range(pool_ref.shape[0]):
        acc = acc + jnp.dot(pool_ref[pl.ds(i, 1), :], wp_ref[i],
                            preferred_element_type=jnp.float32)
    out_ref[...] = acc


@functools.lru_cache(maxsize=None)
def _make_score_tc(d):
    return pl.pallas_call(
        _score_tc,
        out_shape=jax.ShapeDtypeStruct((1, d), jnp.float32),
    )


def kernel(h, edge_index, params):
    n, d = h.shape
    e = edge_index.shape[1]
    ch = -(-e // (NW * K * G)) * G
    epad = NW * ch * K

    rows_per_tile = -(-(n + 1) // (NS * K)) * K
    agg_rows = rows_per_tile * NS

    src = edge_index[0].astype(jnp.int32)
    dst = edge_index[1].astype(jnp.int32)
    npad = epad - e
    pad_src = jnp.arange(npad, dtype=jnp.int32) % n
    pad_dst = n + jnp.arange(npad, dtype=jnp.int32) % (agg_rows - n)
    srcp = jnp.concatenate([src, pad_src]).reshape(NW, ch, K)
    dstp = jnp.concatenate([dst, pad_dst]).reshape(NW, ch, K)

    seg_sum = _make_segment_sum_sc(n, d, ch)
    layer_call = _make_layer_tc(n, d)

    cur = h
    curbf = h.astype(jnp.bfloat16)
    pools = []
    for i, lay in enumerate(params['layers']):
        part = seg_sum(curbf, srcp, dstp)
        cur, curbf, sin, sout = layer_call(cur, part, lay['W'],
                                           lay['b'].reshape(1, d),
                                           lay['g'].reshape(1, d),
                                           lay['be'].reshape(1, d))
        if i == 0:
            pools.append(sin)
        pools.append(sout)

    pool = jnp.concatenate(pools, axis=0)
    wp = jnp.stack([p['W'] for p in params['pred']])
    bp = jnp.stack([p['b'] for p in params['pred']])
    return _make_score_tc(d)(pool, wp, bp)

# --- scband reference (transcript-rebuilt; emitter-appended) ---
"""Pipeline reference for scband-gin-78065325572476 (READ-ONLY COPY).

The authoritative reference and input builder live on the scoring server;
editing this copy changes nothing except your own understanding.
"""

import jax, jax.numpy as jnp
import numpy as np

N = 10000
E = 320000
D = 128
L = 4  # num_layers - 1 GIN conv layers


def setup_inputs(seed: int = 0) -> dict:
    key = jax.random.key(seed)
    ks = jax.random.split(key, 40)
    h = jax.random.normal(ks[0], (N, D), dtype=jnp.float32)
    edge_index = jax.random.randint(ks[1], (2, E), 0, N)
    layers = []
    for i in range(L):
        layers.append({
            'W': jax.random.normal(ks[2 + 2 * i], (D, D), dtype=jnp.float32) * 0.05,
            'b': jnp.zeros((D,), jnp.float32),
            'g': jnp.ones((D,), jnp.float32),
            'be': jnp.zeros((D,), jnp.float32),
        })
    pred = []
    for i in range(L + 1):
        pred.append({
            'W': jax.random.normal(ks[12 + i], (D, D), dtype=jnp.float32) * 0.05,
            'b': jnp.zeros((D,), jnp.float32),
        })
    params = {'layers': layers, 'pred': pred}
    return {'h': h, 'edge_index': edge_index, 'params': params}


def _bn(x, g, b):
    m = jnp.mean(x, axis=0)
    v = jnp.var(x, axis=0)
    return (x - m) / jnp.sqrt(v + 1e-5) * g + b


def _forward(h, params, edge_index):
    src = edge_index[0]
    dst = edge_index[1]
    hidden = [h]
    cur = h
    eps = 0.0  # learn_eps=False, init_eps=0
    for lay in params['layers']:
        # GINConv: aggregate neighbor messages via scatter-add on dst nodes
        agg = jax.ops.segment_sum(cur[src], dst, num_segments=cur.shape[0])
        r = (1.0 + eps) * cur + agg
        # MLP (num_mlp_layers=1 -> single linear)
        z = r @ lay['W'] + lay['b']
        # ApplyNodeFunc: BN + ReLU
        z = jax.nn.relu(_bn(z, lay['g'], lay['be']))
        # GIN.forward applies an extra ReLU (no-op after previous ReLU but kept faithful)
        cur = jax.nn.relu(z)
        hidden.append(cur)
    score = jnp.zeros((1, D), jnp.float32)
    for i, hh in enumerate(hidden):
        # SumPooling over single graph -> [1, D]
        pooled = jnp.sum(hh, axis=0, keepdims=True)
        score = score + pooled @ params['pred'][i]['W'] + params['pred'][i]['b']
    return score


def reference(h, edge_index, params):
    return _forward(h, params, edge_index)

if __name__ == "__main__":
    import jax
    _d = setup_inputs()
    print(jax.jit(kernel)(*tuple(_d.values())))

</pallas_src>

<mosaic_0001>
#map = affine_map<(d0, d1) -> (0, 0)>
#map1 = affine_map<(d0, d1) -> (0, 0, 0)>
module attributes {stable_mosaic.version = 14 : i64} {
  func.func @seg_sum(%arg0: i32, %arg1: i32, %arg2: memref<10000x128xbf16, #tpu.memory_space<hbm>>, %arg3: memref<32x80x128xi32, #tpu.memory_space<hbm>>, %arg4: memref<32x80x128xi32, #tpu.memory_space<hbm>>, %arg5: memref<2x10240x128xbf16, #tpu.memory_space<hbm>>, %arg6: memref<80x128xi32, #tpu.memory_space<vmem>>, %arg7: memref<80x128xi32, #tpu.memory_space<vmem>>, %arg8: memref<4x128x128xbf16, #tpu.memory_space<vmem>>, %arg9: memref<128x128xbf16, #tpu.memory_space<vmem>>, %arg10: memref<10240x128xbf16, #tpu.memory_space<vmem_shared>>, %arg11: memref<!tpu.dma_semaphore, #tpu.memory_space<semaphore_mem>>, %arg12: memref<!tpu.dma_semaphore, #tpu.memory_space<semaphore_mem>>, %arg13: memref<!tpu.dma_semaphore, #tpu.memory_space<semaphore_mem>>, %arg14: memref<!tpu.dma_semaphore, #tpu.memory_space<semaphore_mem>>) attributes {dimension_semantics = [#tpu.dimension_semantics<core_parallel>, #tpu.dimension_semantics<subcore_parallel>], iteration_bounds = array<i64: 2, 16>, scalar_prefetch = 0 : i64, scratch_operands = 9 : i64, tpu.core_type = #tpu.core_type<sc_vector_subcore>, window_params = [{transform_indices = #map}, {transform_indices = #map1}, {transform_indices = #map1}, {transform_indices = #map1}]} {
    %mul3A = arith.constant 2 : i32
    %mul3A_0 = arith.muli %arg1, %mul3A : i32
    %add3A = arith.addi %mul3A_0, %arg0 : i32
    "tpu.region"() ({
      %run_scoped3A = tpu.sem_alloc : memref<!tpu.dma_semaphore, #tpu.memory_space<semaphore_mem>>
      %dma_start3A_85 = arith.constant 0 : i32
      %dma_start3A_86 = arith.constant 0 : i32
      %dma_start3A_87 = tpu.memref_slice %arg3[%add3A, %dma_start3A_85, %dma_start3A_86] : memref<32x80x128xi32, #tpu.memory_space<hbm>> -> memref<1x80x128xi32, #tpu.memory_space<hbm>>
      %dma_start3A_88 = tpu.memref_squeeze %dma_start3A_87 : memref<1x80x128xi32, #tpu.memory_space<hbm>> -> memref<80x128xi32, #tpu.memory_space<hbm>>
      %dma_start3A_89 = arith.constant 0 : i32
      %dma_start3A_90 = arith.constant 0 : i32
      %dma_start3A_91 = tpu.memref_slice %arg3[%add3A, %dma_start3A_89, %dma_start3A_90] : memref<32x80x128xi32, #tpu.memory_space<hbm>> -> memref<1x80x128xi32, #tpu.memory_space<hbm>>
      %dma_start3A_92 = tpu.memref_squeeze %dma_start3A_91 : memref<1x80x128xi32, #tpu.memory_space<hbm>> -> memref<80x128xi32, #tpu.memory_space<hbm>>
      tpu.enqueue_dma source(%dma_start3A_92 : memref<80x128xi32, #tpu.memory_space<hbm>>) target(%arg6 : memref<80x128xi32, #tpu.memory_space<vmem>>) target_semaphore(%run_scoped3A : memref<!tpu.dma_semaphore, #tpu.memory_space<semaphore_mem>>)
      %dma_wait3A_93 = arith.constant 0 : i32
      %dma_wait3A_94 = arith.constant 0 : i32
      %dma_wait3A_95 = tpu.memref_slice %arg3[%add3A, %dma_wait3A_93, %dma_wait3A_94] : memref<32x80x128xi32, #tpu.memory_space<hbm>> -> memref<1x80x128xi32, #tpu.memory_space<hbm>>
      %dma_wait3A_96 = tpu.memref_squeeze %dma_wait3A_95 : memref<1x80x128xi32, #tpu.memory_space<hbm>> -> memref<80x128xi32, #tpu.memory_space<hbm>>
      %dma_wait3A_97 = arith.constant 0 : i32
      %dma_wait3A_98 = arith.constant 0 : i32
      %dma_wait3A_99 = tpu.memref_slice %arg3[%add3A, %dma_wait3A_97, %dma_wait3A_98] : memref<32x80x128xi32, #tpu.memory_space<hbm>> -> memref<1x80x128xi32, #tpu.memory_space<hbm>>
      %dma_wait3A_100 = tpu.memref_squeeze %dma_wait3A_99 : memref<1x80x128xi32, #tpu.memory_space<hbm>> -> memref<80x128xi32, #tpu.memory_space<hbm>>
      tpu.wait_dma2 semaphore(%run_scoped3A : memref<!tpu.dma_semaphore, #tpu.memory_space<semaphore_mem>>) src(%dma_wait3A_100 : memref<80x128xi32, #tpu.memory_space<hbm>>) dst(%arg6 : memref<80x128xi32, #tpu.memory_space<vmem>>)
      tpu.yield
    }) : () -> ()
    "tpu.region"() ({
      %run_scoped3A = tpu.sem_alloc : memref<!tpu.dma_semaphore, #tpu.memory_space<semaphore_mem>>
      %dma_start3A_85 = arith.constant 0 : i32
      %dma_start3A_86 = arith.constant 0 : i32
      %dma_start3A_87 = tpu.memref_slice %arg4[%add3A, %dma_start3A_85, %dma_start3A_86] : memref<32x80x128xi32, #tpu.memory_space<hbm>> -> memref<1x80x128xi32, #tpu.memory_space<hbm>>
      %dma_start3A_88 = tpu.memref_squeeze %dma_start3A_87 : memref<1x80x128xi32, #tpu.memory_space<hbm>> -> memref<80x128xi32, #tpu.memory_space<hbm>>
      %dma_start3A_89 = arith.constant 0 : i32
      %dma_start3A_90 = arith.constant 0 : i32
      %dma_start3A_91 = tpu.memref_slice %arg4[%add3A, %dma_start3A_89, %dma_start3A_90] : memref<32x80x128xi32, #tpu.memory_space<hbm>> -> memref<1x80x128xi32, #tpu.memory_space<hbm>>
      %dma_start3A_92 = tpu.memref_squeeze %dma_start3A_91 : memref<1x80x128xi32, #tpu.memory_space<hbm>> -> memref<80x128xi32, #tpu.memory_space<hbm>>
      tpu.enqueue_dma source(%dma_start3A_92 : memref<80x128xi32, #tpu.memory_space<hbm>>) target(%arg7 : memref<80x128xi32, #tpu.memory_space<vmem>>) target_semaphore(%run_scoped3A : memref<!tpu.dma_semaphore, #tpu.memory_space<semaphore_mem>>)
      %dma_wait3A_93 = arith.constant 0 : i32
      %dma_wait3A_94 = arith.constant 0 : i32
      %dma_wait3A_95 = tpu.memref_slice %arg4[%add3A, %dma_wait3A_93, %dma_wait3A_94] : memref<32x80x128xi32, #tpu.memory_space<hbm>> -> memref<1x80x128xi32, #tpu.memory_space<hbm>>
      %dma_wait3A_96 = tpu.memref_squeeze %dma_wait3A_95 : memref<1x80x128xi32, #tpu.memory_space<hbm>> -> memref<80x128xi32, #tpu.memory_space<hbm>>
      %dma_wait3A_97 = arith.constant 0 : i32
      %dma_wait3A_98 = arith.constant 0 : i32
      %dma_wait3A_99 = tpu.memref_slice %arg4[%add3A, %dma_wait3A_97, %dma_wait3A_98] : memref<32x80x128xi32, #tpu.memory_space<hbm>> -> memref<1x80x128xi32, #tpu.memory_space<hbm>>
      %dma_wait3A_100 = tpu.memref_squeeze %dma_wait3A_99 : memref<1x80x128xi32, #tpu.memory_space<hbm>> -> memref<80x128xi32, #tpu.memory_space<hbm>>
      tpu.wait_dma2 semaphore(%run_scoped3A : memref<!tpu.dma_semaphore, #tpu.memory_space<semaphore_mem>>) src(%dma_wait3A_100 : memref<80x128xi32, #tpu.memory_space<hbm>>) dst(%arg7 : memref<80x128xi32, #tpu.memory_space<vmem>>)
      tpu.yield
    }) : () -> ()
    %dma_start3A = arith.constant 0 : i32
    %dma_start3A_1 = arith.constant 0 : i32
    %dma_start3A_2 = arith.constant 0 : i32
    %dma_start3A_3 = arith.constant 0 : i32
    %dma_start3A_4 = tpu.memref_slice %arg8[%dma_start3A_1, %dma_start3A_2, %dma_start3A_3] : memref<4x128x128xbf16, #tpu.memory_space<vmem>> -> memref<1x128x128xbf16, #tpu.memory_space<vmem>>
    %dma_start3A_5 = tpu.memref_squeeze %dma_start3A_4 : memref<1x128x128xbf16, #tpu.memory_space<vmem>> -> memref<128x128xbf16, #tpu.memory_space<vmem>>
    %dma_start3A_6 = arith.constant 0 : i32
    %dma_start3A_7 = tpu.memref_slice %arg6[%dma_start3A, %dma_start3A_6] : memref<80x128xi32, #tpu.memory_space<vmem>> -> memref<1x128xi32, #tpu.memory_space<vmem>>
    %dma_start3A_8 = tpu.memref_squeeze %dma_start3A_7 : memref<1x128xi32, #tpu.memory_space<vmem>> -> memref<128xi32, #tpu.memory_space<vmem>>
    %dma_start3A_9 = arith.constant 0 : i32
    %dma_start3A_10 = arith.constant 0 : i32
    %dma_start3A_11 = tpu.memref_slice %arg2[%dma_start3A_9, %dma_start3A_10] : memref<10000x128xbf16, #tpu.memory_space<hbm>> -> memref<10000x128xbf16, #tpu.memory_space<hbm>>
    tpu.enqueue_indirect_dma source(%dma_start3A_11 : memref<10000x128xbf16, #tpu.memory_space<hbm>>) target(%dma_start3A_5 : memref<128x128xbf16, #tpu.memory_space<vmem>>) offsets(%dma_start3A_8 : memref<128xi32, #tpu.memory_space<vmem>>) semaphore(%arg11 : memref<!tpu.dma_semaphore, #tpu.memory_space<semaphore_mem>>)
    %dma_start3A_12 = arith.constant 1 : i32
    %dma_start3A_13 = arith.constant 1 : i32
    %dma_start3A_14 = arith.constant 0 : i32
    %dma_start3A_15 = arith.constant 0 : i32
    %dma_start3A_16 = tpu.memref_slice %arg8[%dma_start3A_13, %dma_start3A_14, %dma_start3A_15] : memref<4x128x128xbf16, #tpu.memory_space<vmem>> -> memref<1x128x128xbf16, #tpu.memory_space<vmem>>
    %dma_start3A_17 = tpu.memref_squeeze %dma_start3A_16 : memref<1x128x128xbf16, #tpu.memory_space<vmem>> -> memref<128x128xbf16, #tpu.memory_space<vmem>>
    %dma_start3A_18 = arith.constant 0 : i32
    %dma_start3A_19 = tpu.memref_slice %arg6[%dma_start3A_12, %dma_start3A_18] : memref<80x128xi32, #tpu.memory_space<vmem>> -> memref<1x128xi32, #tpu.memory_space<vmem>>
    %dma_start3A_20 = tpu.memref_squeeze %dma_start3A_19 : memref<1x128xi32, #tpu.memory_space<vmem>> -> memref<128xi32, #tpu.memory_space<vmem>>
    %dma_start3A_21 = arith.constant 0 : i32
    %dma_start3A_22 = arith.constant 0 : i32
    %dma_start3A_23 = tpu.memref_slice %arg2[%dma_start3A_21, %dma_start3A_22] : memref<10000x128xbf16, #tpu.memory_space<hbm>> -> memref<10000x128xbf16, #tpu.memory_space<hbm>>
    tpu.enqueue_indirect_dma source(%dma_start3A_23 : memref<10000x128xbf16, #tpu.memory_space<hbm>>) target(%dma_start3A_17 : memref<128x128xbf16, #tpu.memory_space<vmem>>) offsets(%dma_start3A_20 : memref<128xi32, #tpu.memory_space<vmem>>) semaphore(%arg11 : memref<!tpu.dma_semaphore, #tpu.memory_space<semaphore_mem>>)
    %scan3A = arith.constant 0 : i32
    %scan3A_24 = arith.constant 0 : i32
    %scan3A_25 = arith.constant 128 : i32
    %scan3A_26 = arith.addi %scan3A_24, %scan3A_25 : i32
    %scan3A_27 = arith.constant 1 : i32
    %scan3A_28 = scf.for %scan3A_85 = %scan3A_24 to %scan3A_26 step %scan3A_27 iter_args(%scan3A_86 = %scan3A) -> (i32)  : i32 {
      %broadcast_in_dim3A = arith.constant 0.000000e+00 : bf16
      %broadcast_in_dim3A_87 = vector.broadcast %broadcast_in_dim3A : bf16 to vector<32xbf16>
      %swap3A = arith.index_cast %scan3A_85 : i32 to index
      %swap3A_88 = arith.constant 0 : index
      %swap3A_89 = tpu.vector_load %arg9[%swap3A, %swap3A_88] {strides = array<i32>} : memref<128x128xbf16, #tpu.memory_space<vmem>>, vector<1x32xbf16>,
      %swap3A_90 = vector.shape_cast %swap3A_89 : vector<1x32xbf16> to vector<32xbf16>
      %swap3A_91 = vector.shape_cast %broadcast_in_dim3A_87 : vector<32xbf16> to vector<1x32xbf16>
      tpu.vector_store %arg9[%swap3A, %swap3A_88], %swap3A_91 {strides = array<i32>} : memref<128x128xbf16, #tpu.memory_space<vmem>>, vector<1x32xbf16>,
      %broadcast_in_dim3A_92 = arith.constant 0.000000e+00 : bf16
      %broadcast_in_dim3A_93 = vector.broadcast %broadcast_in_dim3A_92 : bf16 to vector<32xbf16>
      %swap3A_94 = arith.index_cast %scan3A_85 : i32 to index
      %swap3A_95 = arith.constant 32 : index
      %swap3A_96 = tpu.vector_load %arg9[%swap3A_94, %swap3A_95] {strides = array<i32>} : memref<128x128xbf16, #tpu.memory_space<vmem>>, vector<1x32xbf16>,
      %swap3A_97 = vector.shape_cast %swap3A_96 : vector<1x32xbf16> to vector<32xbf16>
      %swap3A_98 = vector.shape_cast %broadcast_in_dim3A_93 : vector<32xbf16> to vector<1x32xbf16>
      tpu.vector_store %arg9[%swap3A_94, %swap3A_95], %swap3A_98 {strides = array<i32>} : memref<128x128xbf16, #tpu.memory_space<vmem>>, vector<1x32xbf16>,
      %broadcast_in_dim3A_99 = arith.constant 0.000000e+00 : bf16
      %broadcast_in_dim3A_100 = vector.broadcast %broadcast_in_dim3A_99 : bf16 to vector<32xbf16>
      %swap3A_101 = arith.index_cast %scan3A_85 : i32 to index
      %swap3A_102 = arith.constant 64 : index
      %swap3A_103 = tpu.vector_load %arg9[%swap3A_101, %swap3A_102] {strides = array<i32>} : memref<128x128xbf16, #tpu.memory_space<vmem>>, vector<1x32xbf16>,
      %swap3A_104 = vector.shape_cast %swap3A_103 : vector<1x32xbf16> to vector<32xbf16>
      %swap3A_105 = vector.shape_cast %broadcast_in_dim3A_100 : vector<32xbf16> to vector<1x32xbf16>
      tpu.vector_store %arg9[%swap3A_101, %swap3A_102], %swap3A_105 {strides = array<i32>} : memref<128x128xbf16, #tpu.memory_space<vmem>>, vector<1x32xbf16>,
      %broadcast_in_dim3A_106 = arith.constant 0.000000e+00 : bf16
      %broadcast_in_dim3A_107 = vector.broadcast %broadcast_in_dim3A_106 : bf16 to vector<32xbf16>
      %swap3A_108 = arith.index_cast %scan3A_85 : i32 to index
      %swap3A_109 = arith.constant 96 : index
      %swap3A_110 = tpu.vector_load %arg9[%swap3A_108, %swap3A_109] {strides = array<i32>} : memref<128x128xbf16, #tpu.memory_space<vmem>>, vector<1x32xbf16>,
      %swap3A_111 = vector.shape_cast %swap3A_110 : vector<1x32xbf16> to vector<32xbf16>
      %swap3A_112 = vector.shape_cast %broadcast_in_dim3A_107 : vector<32xbf16> to vector<1x32xbf16>
      tpu.vector_store %arg9[%swap3A_108, %swap3A_109], %swap3A_112 {strides = array<i32>} : memref<128x128xbf16, #tpu.memory_space<vmem>>, vector<1x32xbf16>,
      %scan3A_113 = arith.constant 0 : i32
      scf.yield %scan3A_113 : i32
    }
    %scan3A_29 = arith.constant 128 : i32
    %mul3A_30 = arith.constant 640 : i32
    %mul3A_31 = arith.muli %arg1, %mul3A_30 : i32
    %add3A_32 = arith.constant 0 : i32
    %add3A_33 = arith.addi %mul3A_31, %add3A_32 : i32
    "tpu.region"() ({
      %run_scoped3A = tpu.sem_alloc : memref<!tpu.dma_semaphore, #tpu.memory_space<semaphore_mem>>
      %dma_start3A_85 = arith.constant 0 : i32
      %dma_start3A_86 = tpu.memref_slice %arg10[%add3A_33, %dma_start3A_85] : memref<10240x128xbf16, #tpu.memory_space<vmem_shared>> -> memref<128x128xbf16, #tpu.memory_space<vmem_shared>>
      %dma_start3A_87 = arith.constant 0 : i32
      %dma_start3A_88 = tpu.memref_slice %arg10[%add3A_33, %dma_start3A_87] : memref<10240x128xbf16, #tpu.memory_space<vmem_shared>> -> memref<128x128xbf16, #tpu.memory_space<vmem_shared>>
      tpu.enqueue_dma source(%arg9 : memref<128x128xbf16, #tpu.memory_space<vmem>>) target(%dma_start3A_88 : memref<128x128xbf16, #tpu.memory_space<vmem_shared>>) target_semaphore(%run_scoped3A : memref<!tpu.dma_semaphore, #tpu.memory_space<semaphore_mem>>)
      %dma_wait3A_89 = arith.constant 0 : i32
      %dma_wait3A_90 = tpu.memref_slice %arg10[%add3A_33, %dma_wait3A_89] : memref<10240x128xbf16, #tpu.memory_space<vmem_shared>> -> memref<128x128xbf16, #tpu.memory_space<vmem_shared>>
      %dma_wait3A_91 = arith.constant 0 : i32
      %dma_wait3A_92 = tpu.memref_slice %arg10[%add3A_33, %dma_wait3A_91] : memref<10240x128xbf16, #tpu.memory_space<vmem_shared>> -> memref<128x128xbf16, #tpu.memory_space<vmem_shared>>
      tpu.wait_dma2 semaphore(%run_scoped3A : memref<!tpu.dma_semaphore, #tpu.memory_space<semaphore_mem>>) src(%arg9 : memref<128x128xbf16, #tpu.memory_space<vmem>>) dst(%dma_wait3A_92 : memref<128x128xbf16, #tpu.memory_space<vmem_shared>>)
      tpu.yield
    }) : () -> ()
    %mul3A_34 = arith.constant 640 : i32
    %mul3A_35 = arith.muli %arg1, %mul3A_34 : i32
    %add3A_36 = arith.constant 128 : i32
    %add3A_37 = arith.addi %mul3A_35, %add3A_36 : i32
    "tpu.region"() ({
      %run_scoped3A = tpu.sem_alloc : memref<!tpu.dma_semaphore, #tpu.memory_space<semaphore_mem>>
      %dma_start3A_85 = arith.constant 0 : i32
      %dma_start3A_86 = tpu.memref_slice %arg10[%add3A_37, %dma_start3A_85] : memref<10240x128xbf16, #tpu.memory_space<vmem_shared>> -> memref<128x128xbf16, #tpu.memory_space<vmem_shared>>
      %dma_start3A_87 = arith.constant 0 : i32
      %dma_start3A_88 = tpu.memref_slice %arg10[%add3A_37, %dma_start3A_87] : memref<10240x128xbf16, #tpu.memory_space<vmem_shared>> -> memref<128x128xbf16, #tpu.memory_space<vmem_shared>>
      tpu.enqueue_dma source(%arg9 : memref<128x128xbf16, #tpu.memory_space<vmem>>) target(%dma_start3A_88 : memref<128x128xbf16, #tpu.memory_space<vmem_shared>>) target_semaphore(%run_scoped3A : memref<!tpu.dma_semaphore, #tpu.memory_space<semaphore_mem>>)
      %dma_wait3A_89 = arith.constant 0 : i32
      %dma_wait3A_90 = tpu.memref_slice %arg10[%add3A_37, %dma_wait3A_89] : memref<10240x128xbf16, #tpu.memory_space<vmem_shared>> -> memref<128x128xbf16, #tpu.memory_space<vmem_shared>>
      %dma_wait3A_91 = arith.constant 0 : i32
      %dma_wait3A_92 = tpu.memref_slice %arg10[%add3A_37, %dma_wait3A_91] : memref<10240x128xbf16, #tpu.memory_space<vmem_shared>> -> memref<128x128xbf16, #tpu.memory_space<vmem_shared>>
      tpu.wait_dma2 semaphore(%run_scoped3A : memref<!tpu.dma_semaphore, #tpu.memory_space<semaphore_mem>>) src(%arg9 : memref<128x128xbf16, #tpu.memory_space<vmem>>) dst(%dma_wait3A_92 : memref<128x128xbf16, #tpu.memory_space<vmem_shared>>)
      tpu.yield
    }) : () -> ()
    %mul3A_38 = arith.constant 640 : i32
    %mul3A_39 = arith.muli %arg1, %mul3A_38 : i32
    %add3A_40 = arith.constant 256 : i32
    %add3A_41 = arith.addi %mul3A_39, %add3A_40 : i32
    "tpu.region"() ({
      %run_scoped3A = tpu.sem_alloc : memref<!tpu.dma_semaphore, #tpu.memory_space<semaphore_mem>>
      %dma_start3A_85 = arith.constant 0 : i32
      %dma_start3A_86 = tpu.memref_slice %arg10[%add3A_41, %dma_start3A_85] : memref<10240x128xbf16, #tpu.memory_space<vmem_shared>> -> memref<128x128xbf16, #tpu.memory_space<vmem_shared>>
      %dma_start3A_87 = arith.constant 0 : i32
      %dma_start3A_88 = tpu.memref_slice %arg10[%add3A_41, %dma_start3A_87] : memref<10240x128xbf16, #tpu.memory_space<vmem_shared>> -> memref<128x128xbf16, #tpu.memory_space<vmem_shared>>
      tpu.enqueue_dma source(%arg9 : memref<128x128xbf16, #tpu.memory_space<vmem>>) target(%dma_start3A_88 : memref<128x128xbf16, #tpu.memory_space<vmem_shared>>) target_semaphore(%run_scoped3A : memref<!tpu.dma_semaphore, #tpu.memory_space<semaphore_mem>>)
      %dma_wait3A_89 = arith.constant 0 : i32
      %dma_wait3A_90 = tpu.memref_slice %arg10[%add3A_41, %dma_wait3A_89] : memref<10240x128xbf16, #tpu.memory_space<vmem_shared>> -> memref<128x128xbf16, #tpu.memory_space<vmem_shared>>
      %dma_wait3A_91 = arith.constant 0 : i32
      %dma_wait3A_92 = tpu.memref_slice %arg10[%add3A_41, %dma_wait3A_91] : memref<10240x128xbf16, #tpu.memory_space<vmem_shared>> -> memref<128x128xbf16, #tpu.memory_space<vmem_shared>>
      tpu.wait_dma2 semaphore(%run_scoped3A : memref<!tpu.dma_semaphore, #tpu.memory_space<semaphore_mem>>) src(%arg9 : memref<128x128xbf16, #tpu.memory_space<vmem>>) dst(%dma_wait3A_92 : memref<128x128xbf16, #tpu.memory_space<vmem_shared>>)
      tpu.yield
    }) : () -> ()
    %mul3A_42 = arith.constant 640 : i32
    %mul3A_43 = arith.muli %arg1, %mul3A_42 : i32
    %add3A_44 = arith.constant 384 : i32
    %add3A_45 = arith.addi %mul3A_43, %add3A_44 : i32
    "tpu.region"() ({
      %run_scoped3A = tpu.sem_alloc : memref<!tpu.dma_semaphore, #tpu.memory_space<semaphore_mem>>
      %dma_start3A_85 = arith.constant 0 : i32
      %dma_start3A_86 = tpu.memref_slice %arg10[%add3A_45, %dma_start3A_85] : memref<10240x128xbf16, #tpu.memory_space<vmem_shared>> -> memref<128x128xbf16, #tpu.memory_space<vmem_shared>>
      %dma_start3A_87 = arith.constant 0 : i32
      %dma_start3A_88 = tpu.memref_slice %arg10[%add3A_45, %dma_start3A_87] : memref<10240x128xbf16, #tpu.memory_space<vmem_shared>> -> memref<128x128xbf16, #tpu.memory_space<vmem_shared>>
      tpu.enqueue_dma source(%arg9 : memref<128x128xbf16, #tpu.memory_space<vmem>>) target(%dma_start3A_88 : memref<128x128xbf16, #tpu.memory_space<vmem_shared>>) target_semaphore(%run_scoped3A : memref<!tpu.dma_semaphore, #tpu.memory_space<semaphore_mem>>)
      %dma_wait3A_89 = arith.constant 0 : i32
      %dma_wait3A_90 = tpu.memref_slice %arg10[%add3A_45, %dma_wait3A_89] : memref<10240x128xbf16, #tpu.memory_space<vmem_shared>> -> memref<128x128xbf16, #tpu.memory_space<vmem_shared>>
      %dma_wait3A_91 = arith.constant 0 : i32
      %dma_wait3A_92 = tpu.memref_slice %arg10[%add3A_45, %dma_wait3A_91] : memref<10240x128xbf16, #tpu.memory_space<vmem_shared>> -> memref<128x128xbf16, #tpu.memory_space<vmem_shared>>
      tpu.wait_dma2 semaphore(%run_scoped3A : memref<!tpu.dma_semaphore, #tpu.memory_space<semaphore_mem>>) src(%arg9 : memref<128x128xbf16, #tpu.memory_space<vmem>>) dst(%dma_wait3A_92 : memref<128x128xbf16, #tpu.memory_space<vmem_shared>>)
      tpu.yield
    }) : () -> ()
    %mul3A_46 = arith.constant 640 : i32
    %mul3A_47 = arith.muli %arg1, %mul3A_46 : i32
    %add3A_48 = arith.constant 512 : i32
    %add3A_49 = arith.addi %mul3A_47, %add3A_48 : i32
    "tpu.region"() ({
      %run_scoped3A = tpu.sem_alloc : memref<!tpu.dma_semaphore, #tpu.memory_space<semaphore_mem>>
      %dma_start3A_85 = arith.constant 0 : i32
      %dma_start3A_86 = tpu.memref_slice %arg10[%add3A_49, %dma_start3A_85] : memref<10240x128xbf16, #tpu.memory_space<vmem_shared>> -> memref<128x128xbf16, #tpu.memory_space<vmem_shared>>
      %dma_start3A_87 = arith.constant 0 : i32
      %dma_start3A_88 = tpu.memref_slice %arg10[%add3A_49, %dma_start3A_87] : memref<10240x128xbf16, #tpu.memory_space<vmem_shared>> -> memref<128x128xbf16, #tpu.memory_space<vmem_shared>>
      tpu.enqueue_dma source(%arg9 : memref<128x128xbf16, #tpu.memory_space<vmem>>) target(%dma_start3A_88 : memref<128x128xbf16, #tpu.memory_space<vmem_shared>>) target_semaphore(%run_scoped3A : memref<!tpu.dma_semaphore, #tpu.memory_space<semaphore_mem>>)
      %dma_wait3A_89 = arith.constant 0 : i32
      %dma_wait3A_90 = tpu.memref_slice %arg10[%add3A_49, %dma_wait3A_89] : memref<10240x128xbf16, #tpu.memory_space<vmem_shared>> -> memref<128x128xbf16, #tpu.memory_space<vmem_shared>>
      %dma_wait3A_91 = arith.constant 0 : i32
      %dma_wait3A_92 = tpu.memref_slice %arg10[%add3A_49, %dma_wait3A_91] : memref<10240x128xbf16, #tpu.memory_space<vmem_shared>> -> memref<128x128xbf16, #tpu.memory_space<vmem_shared>>
      tpu.wait_dma2 semaphore(%run_scoped3A : memref<!tpu.dma_semaphore, #tpu.memory_space<semaphore_mem>>) src(%arg9 : memref<128x128xbf16, #tpu.memory_space<vmem>>) dst(%dma_wait3A_92 : memref<128x128xbf16, #tpu.memory_space<vmem_shared>>)
      tpu.yield
    }) : () -> ()
    %barrier3A = arith.constant 0 : index
    tpu.barrier barrier_id(%barrier3A)
    %scan3A_50 = arith.constant 0 : i32
    %scan3A_51 = arith.constant 0 : i32
    %scan3A_52 = arith.constant 20 : i32
    %scan3A_53 = arith.addi %scan3A_51, %scan3A_52 : i32
    %scan3A_54 = arith.constant 1 : i32
    %scan3A_55 = scf.for %scan3A_85 = %scan3A_51 to %scan3A_53 step %scan3A_54 iter_args(%scan3A_86 = %scan3A_50) -> (i32)  : i32 {
      %mul3A_87 = arith.constant 4 : i32
      %mul3A_88 = arith.muli %scan3A_85, %mul3A_87 : i32
      %dma_wait3A_89 = arith.constant 0 : i32
      %dma_wait3A_90 = arith.constant 0 : i32
      %dma_wait3A_91 = arith.constant 0 : i32
      %dma_wait3A_92 = arith.constant 0 : i32
      %dma_wait3A_93 = tpu.memref_slice %arg8[%dma_wait3A_90, %dma_wait3A_91, %dma_wait3A_92] : memref<4x128x128xbf16, #tpu.memory_space<vmem>> -> memref<1x128x128xbf16, #tpu.memory_space<vmem>>
      %dma_wait3A_94 = tpu.memref_squeeze %dma_wait3A_93 : memref<1x128x128xbf16, #tpu.memory_space<vmem>> -> memref<128x128xbf16, #tpu.memory_space<vmem>>
      %dma_wait3A_95 = arith.constant 0 : i32
      %dma_wait3A_96 = tpu.memref_slice %arg6[%dma_wait3A_89, %dma_wait3A_95] : memref<80x128xi32, #tpu.memory_space<vmem>> -> memref<1x128xi32, #tpu.memory_space<vmem>>
      %dma_wait3A_97 = tpu.memref_squeeze %dma_wait3A_96 : memref<1x128xi32, #tpu.memory_space<vmem>> -> memref<128xi32, #tpu.memory_space<vmem>>
      %dma_wait3A_98 = arith.constant 0 : i32
      %dma_wait3A_99 = arith.constant 0 : i32
      %dma_wait3A_100 = tpu.memref_slice %arg2[%dma_wait3A_98, %dma_wait3A_99] : memref<10000x128xbf16, #tpu.memory_space<hbm>> -> memref<10000x128xbf16, #tpu.memory_space<hbm>>
      tpu.wait_indirect_dma semaphore(%arg11 : memref<!tpu.dma_semaphore, #tpu.memory_space<semaphore_mem>>) src(%dma_wait3A_100 : memref<10000x128xbf16, #tpu.memory_space<hbm>>) dst(%dma_wait3A_94 : memref<128x128xbf16, #tpu.memory_space<vmem>>)
      %dma_wait3A_101 = arith.constant 0 : i32
      %dma_wait3A_102 = arith.constant 1 : i32
      %dma_wait3A_103 = arith.constant 0 : i32
      %dma_wait3A_104 = arith.constant 0 : i32
      %dma_wait3A_105 = tpu.memref_slice %arg8[%dma_wait3A_102, %dma_wait3A_103, %dma_wait3A_104] : memref<4x128x128xbf16, #tpu.memory_space<vmem>> -> memref<1x128x128xbf16, #tpu.memory_space<vmem>>
      %dma_wait3A_106 = tpu.memref_squeeze %dma_wait3A_105 : memref<1x128x128xbf16, #tpu.memory_space<vmem>> -> memref<128x128xbf16, #tpu.memory_space<vmem>>
      %dma_wait3A_107 = arith.constant 0 : i32
      %dma_wait3A_108 = tpu.memref_slice %arg6[%dma_wait3A_101, %dma_wait3A_107] : memref<80x128xi32, #tpu.memory_space<vmem>> -> memref<1x128xi32, #tpu.memory_space<vmem>>
      %dma_wait3A_109 = tpu.memref_squeeze %dma_wait3A_108 : memref<1x128xi32, #tpu.memory_space<vmem>> -> memref<128xi32, #tpu.memory_space<vmem>>
      %dma_wait3A_110 = arith.constant 0 : i32
      %dma_wait3A_111 = arith.constant 0 : i32
      %dma_wait3A_112 = tpu.memref_slice %arg2[%dma_wait3A_110, %dma_wait3A_111] : memref<10000x128xbf16, #tpu.memory_space<hbm>> -> memref<10000x128xbf16, #tpu.memory_space<hbm>>
      tpu.wait_indirect_dma semaphore(%arg11 : memref<!tpu.dma_semaphore, #tpu.memory_space<semaphore_mem>>) src(%dma_wait3A_112 : memref<10000x128xbf16, #tpu.memory_space<hbm>>) dst(%dma_wait3A_106 : memref<128x128xbf16, #tpu.memory_space<vmem>>)
      %add3A_113 = arith.constant 0 : i32
      %add3A_114 = arith.addi %mul3A_88, %add3A_113 : i32
      %dma_start3A_115 = arith.constant 0 : i32
      %dma_start3A_116 = arith.constant 0 : i32
      %dma_start3A_117 = arith.constant 0 : i32
      %dma_start3A_118 = tpu.memref_slice %arg8[%dma_start3A_115, %dma_start3A_116, %dma_start3A_117] : memref<4x128x128xbf16, #tpu.memory_space<vmem>> -> memref<1x128x128xbf16, #tpu.memory_space<vmem>>
      %dma_start3A_119 = tpu.memref_squeeze %dma_start3A_118 : memref<1x128x128xbf16, #tpu.memory_space<vmem>> -> memref<128x128xbf16, #tpu.memory_space<vmem>>
      %dma_start3A_120 = arith.constant 0 : i32
      %dma_start3A_121 = tpu.memref_slice %arg7[%add3A_114, %dma_start3A_120] : memref<80x128xi32, #tpu.memory_space<vmem>> -> memref<1x128xi32, #tpu.memory_space<vmem>>
      %dma_start3A_122 = tpu.memref_squeeze %dma_start3A_121 : memref<1x128xi32, #tpu.memory_space<vmem>> -> memref<128xi32, #tpu.memory_space<vmem>>
      %dma_start3A_123 = arith.constant 0 : i32
      %dma_start3A_124 = arith.constant 0 : i32
      %dma_start3A_125 = tpu.memref_slice %arg10[%dma_start3A_123, %dma_start3A_124] : memref<10240x128xbf16, #tpu.memory_space<vmem_shared>> -> memref<10240x128xbf16, #tpu.memory_space<vmem_shared>>
      tpu.enqueue_indirect_dma source(%dma_start3A_119 : memref<128x128xbf16, #tpu.memory_space<vmem>>) target(%dma_start3A_125 : memref<10240x128xbf16, #tpu.memory_space<vmem_shared>>) offsets(%dma_start3A_122 : memref<128xi32, #tpu.memory_space<vmem>>) semaphore(%arg13 : memref<!tpu.dma_semaphore, #tpu.memory_space<semaphore_mem>>) {add = true}
      %add3A_126 = arith.constant 1 : i32
      %add3A_127 = arith.addi %mul3A_88, %add3A_126 : i32
      %dma_start3A_128 = arith.constant 1 : i32
      %dma_start3A_129 = arith.constant 0 : i32
      %dma_start3A_130 = arith.constant 0 : i32
      %dma_start3A_131 = tpu.memref_slice %arg8[%dma_start3A_128, %dma_start3A_129, %dma_start3A_130] : memref<4x128x128xbf16, #tpu.memory_space<vmem>> -> memref<1x128x128xbf16, #tpu.memory_space<vmem>>
      %dma_start3A_132 = tpu.memref_squeeze %dma_start3A_131 : memref<1x128x128xbf16, #tpu.memory_space<vmem>> -> memref<128x128xbf16, #tpu.memory_space<vmem>>
      %dma_start3A_133 = arith.constant 0 : i32
      %dma_start3A_134 = tpu.memref_slice %arg7[%add3A_127, %dma_start3A_133] : memref<80x128xi32, #tpu.memory_space<vmem>> -> memref<1x128xi32, #tpu.memory_space<vmem>>
      %dma_start3A_135 = tpu.memref_squeeze %dma_start3A_134 : memref<1x128xi32, #tpu.memory_space<vmem>> -> memref<128xi32, #tpu.memory_space<vmem>>
      %dma_start3A_136 = arith.constant 0 : i32
      %dma_start3A_137 = arith.constant 0 : i32
      %dma_start3A_138 = tpu.memref_slice %arg10[%dma_start3A_136, %dma_start3A_137] : memref<10240x128xbf16, #tpu.memory_space<vmem_shared>> -> memref<10240x128xbf16, #tpu.memory_space<vmem_shared>>
      tpu.enqueue_indirect_dma source(%dma_start3A_132 : memref<128x128xbf16, #tpu.memory_space<vmem>>) target(%dma_start3A_138 : memref<10240x128xbf16, #tpu.memory_space<vmem_shared>>) offsets(%dma_start3A_135 : memref<128xi32, #tpu.memory_space<vmem>>) semaphore(%arg13 : memref<!tpu.dma_semaphore, #tpu.memory_space<semaphore_mem>>) {add = true}
      %gt3A = arith.constant 0 : i32
      %gt3A_139 = arith.cmpi sgt, %scan3A_85, %gt3A : i32
      %convert_element_type3A = arith.extui %gt3A_139 : i1 to i32
      %cond3A = arith.constant 0 : i32
      %cond3A_140 = arith.cmpi ne, %convert_element_type3A, %cond3A : i32
      scf.if %cond3A_140 {
        %dma_wait3A_250 = arith.constant 2 : i32
        %dma_wait3A_251 = arith.constant 0 : i32
        %dma_wait3A_252 = arith.constant 0 : i32
        %dma_wait3A_253 = arith.constant 0 : i32
        %dma_wait3A_254 = tpu.memref_slice %arg8[%dma_wait3A_250, %dma_wait3A_252, %dma_wait3A_253] : memref<4x128x128xbf16, #tpu.memory_space<vmem>> -> memref<1x128x128xbf16, #tpu.memory_space<vmem>>
        %dma_wait3A_255 = tpu.memref_squeeze %dma_wait3A_254 : memref<1x128x128xbf16, #tpu.memory_space<vmem>> -> memref<128x128xbf16, #tpu.memory_space<vmem>>
        %dma_wait3A_256 = arith.constant 0 : i32
        %dma_wait3A_257 = tpu.memref_slice %arg7[%dma_wait3A_251, %dma_wait3A_256] : memref<80x128xi32, #tpu.memory_space<vmem>> -> memref<1x128xi32, #tpu.memory_space<vmem>>
        %dma_wait3A_258 = tpu.memref_squeeze %dma_wait3A_257 : memref<1x128xi32, #tpu.memory_space<vmem>> -> memref<128xi32, #tpu.memory_space<vmem>>
        %dma_wait3A_259 = arith.constant 0 : i32
        %dma_wait3A_260 = arith.constant 0 : i32
        %dma_wait3A_261 = tpu.memref_slice %arg10[%dma_wait3A_259, %dma_wait3A_260] : memref<10240x128xbf16, #tpu.memory_space<vmem_shared>> -> memref<10240x128xbf16, #tpu.memory_space<vmem_shared>>
        tpu.wait_indirect_dma semaphore(%arg14 : memref<!tpu.dma_semaphore, #tpu.memory_space<semaphore_mem>>) src(%dma_wait3A_255 : memref<128x128xbf16, #tpu.memory_space<vmem>>) dst(%dma_wait3A_261 : memref<10240x128xbf16, #tpu.memory_space<vmem_shared>>)
        %dma_wait3A_262 = arith.constant 3 : i32
        %dma_wait3A_263 = arith.constant 0 : i32
        %dma_wait3A_264 = arith.constant 0 : i32
        %dma_wait3A_265 = arith.constant 0 : i32
        %dma_wait3A_266 = tpu.memref_slice %arg8[%dma_wait3A_262, %dma_wait3A_264, %dma_wait3A_265] : memref<4x128x128xbf16, #tpu.memory_space<vmem>> -> memref<1x128x128xbf16, #tpu.memory_space<vmem>>
        %dma_wait3A_267 = tpu.memref_squeeze %dma_wait3A_266 : memref<1x128x128xbf16, #tpu.memory_space<vmem>> -> memref<128x128xbf16, #tpu.memory_space<vmem>>
        %dma_wait3A_268 = arith.constant 0 : i32
        %dma_wait3A_269 = tpu.memref_slice %arg7[%dma_wait3A_263, %dma_wait3A_268] : memref<80x128xi32, #tpu.memory_space<vmem>> -> memref<1x128xi32, #tpu.memory_space<vmem>>
        %dma_wait3A_270 = tpu.memref_squeeze %dma_wait3A_269 : memref<1x128xi32, #tpu.memory_space<vmem>> -> memref<128xi32, #tpu.memory_space<vmem>>
        %dma_wait3A_271 = arith.constant 0 : i32
        %dma_wait3A_272 = arith.constant 0 : i32
        %dma_wait3A_273 = tpu.memref_slice %arg10[%dma_wait3A_271, %dma_wait3A_272] : memref<10240x128xbf16, #tpu.memory_space<vmem_shared>> -> memref<10240x128xbf16, #tpu.memory_space<vmem_shared>>
        tpu.wait_indirect_dma semaphore(%arg14 : memref<!tpu.dma_semaphore, #tpu.memory_space<semaphore_mem>>) src(%dma_wait3A_267 : memref<128x128xbf16, #tpu.memory_space<vmem>>) dst(%dma_wait3A_273 : memref<10240x128xbf16, #tpu.memory_space<vmem_shared>>)
      } else {
      }
      %add3A_141 = arith.constant 2 : i32
      %add3A_142 = arith.addi %mul3A_88, %add3A_141 : i32
      %add3A_143 = arith.constant 0 : i32
      %add3A_144 = arith.addi %add3A_142, %add3A_143 : i32
      %dma_start3A_145 = arith.constant 2 : i32
      %dma_start3A_146 = arith.constant 0 : i32
      %dma_start3A_147 = arith.constant 0 : i32
      %dma_start3A_148 = tpu.memref_slice %arg8[%dma_start3A_145, %dma_start3A_146, %dma_start3A_147] : memref<4x128x128xbf16, #tpu.memory_space<vmem>> -> memref<1x128x128xbf16, #tpu.memory_space<vmem>>
      %dma_start3A_149 = tpu.memref_squeeze %dma_start3A_148 : memref<1x128x128xbf16, #tpu.memory_space<vmem>> -> memref<128x128xbf16, #tpu.memory_space<vmem>>
      %dma_start3A_150 = arith.constant 0 : i32
      %dma_start3A_151 = tpu.memref_slice %arg6[%add3A_144, %dma_start3A_150] : memref<80x128xi32, #tpu.memory_space<vmem>> -> memref<1x128xi32, #tpu.memory_space<vmem>>
      %dma_start3A_152 = tpu.memref_squeeze %dma_start3A_151 : memref<1x128xi32, #tpu.memory_space<vmem>> -> memref<128xi32, #tpu.memory_space<vmem>>
      %dma_start3A_153 = arith.constant 0 : i32
      %dma_start3A_154 = arith.constant 0 : i32
      %dma_start3A_155 = tpu.memref_slice %arg2[%dma_start3A_153, %dma_start3A_154] : memref<10000x128xbf16, #tpu.memory_space<hbm>> -> memref<10000x128xbf16, #tpu.memory_space<hbm>>
      tpu.enqueue_indirect_dma source(%dma_start3A_155 : memref<10000x128xbf16, #tpu.memory_space<hbm>>) target(%dma_start3A_149 : memref<128x128xbf16, #tpu.memory_space<vmem>>) offsets(%dma_start3A_152 : memref<128xi32, #tpu.memory_space<vmem>>) semaphore(%arg12 : memref<!tpu.dma_semaphore, #tpu.memory_space<semaphore_mem>>)
      %add3A_156 = arith.constant 1 : i32
      %add3A_157 = arith.addi %add3A_142, %add3A_156 : i32
      %dma_start3A_158 = arith.constant 3 : i32
      %dma_start3A_159 = arith.constant 0 : i32
      %dma_start3A_160 = arith.constant 0 : i32
      %dma_start3A_161 = tpu.memref_slice %arg8[%dma_start3A_158, %dma_start3A_159, %dma_start3A_160] : memref<4x128x128xbf16, #tpu.memory_space<vmem>> -> memref<1x128x128xbf16, #tpu.memory_space<vmem>>
      %dma_start3A_162 = tpu.memref_squeeze %dma_start3A_161 : memref<1x128x128xbf16, #tpu.memory_space<vmem>> -> memref<128x128xbf16, #tpu.memory_space<vmem>>
      %dma_start3A_163 = arith.constant 0 : i32
      %dma_start3A_164 = tpu.memref_slice %arg6[%add3A_157, %dma_start3A_163] : memref<80x128xi32, #tpu.memory_space<vmem>> -> memref<1x128xi32, #tpu.memory_space<vmem>>
      %dma_start3A_165 = tpu.memref_squeeze %dma_start3A_164 : memref<1x128xi32, #tpu.memory_space<vmem>> -> memref<128xi32, #tpu.memory_space<vmem>>
      %dma_start3A_166 = arith.constant 0 : i32
      %dma_start3A_167 = arith.constant 0 : i32
      %dma_start3A_168 = tpu.memref_slice %arg2[%dma_start3A_166, %dma_start3A_167] : memref<10000x128xbf16, #tpu.memory_space<hbm>> -> memref<10000x128xbf16, #tpu.memory_space<hbm>>
      tpu.enqueue_indirect_dma source(%dma_start3A_168 : memref<10000x128xbf16, #tpu.memory_space<hbm>>) target(%dma_start3A_162 : memref<128x128xbf16, #tpu.memory_space<vmem>>) offsets(%dma_start3A_165 : memref<128xi32, #tpu.memory_space<vmem>>) semaphore(%arg12 : memref<!tpu.dma_semaphore, #tpu.memory_space<semaphore_mem>>)
      %dma_wait3A_169 = arith.constant 0 : i32
      %dma_wait3A_170 = arith.constant 2 : i32
      %dma_wait3A_171 = arith.constant 0 : i32
      %dma_wait3A_172 = arith.constant 0 : i32
      %dma_wait3A_173 = tpu.memref_slice %arg8[%dma_wait3A_170, %dma_wait3A_171, %dma_wait3A_172] : memref<4x128x128xbf16, #tpu.memory_space<vmem>> -> memref<1x128x128xbf16, #tpu.memory_space<vmem>>
      %dma_wait3A_174 = tpu.memref_squeeze %dma_wait3A_173 : memref<1x128x128xbf16, #tpu.memory_space<vmem>> -> memref<128x128xbf16, #tpu.memory_space<vmem>>
      %dma_wait3A_175 = arith.constant 0 : i32
      %dma_wait3A_176 = tpu.memref_slice %arg6[%dma_wait3A_169, %dma_wait3A_175] : memref<80x128xi32, #tpu.memory_space<vmem>> -> memref<1x128xi32, #tpu.memory_space<vmem>>
      %dma_wait3A_177 = tpu.memref_squeeze %dma_wait3A_176 : memref<1x128xi32, #tpu.memory_space<vmem>> -> memref<128xi32, #tpu.memory_space<vmem>>
      %dma_wait3A_178 = arith.constant 0 : i32
      %dma_wait3A_179 = arith.constant 0 : i32
      %dma_wait3A_180 = tpu.memref_slice %arg2[%dma_wait3A_178, %dma_wait3A_179] : memref<10000x128xbf16, #tpu.memory_space<hbm>> -> memref<10000x128xbf16, #tpu.memory_space<hbm>>
      tpu.wait_indirect_dma semaphore(%arg12 : memref<!tpu.dma_semaphore, #tpu.memory_space<semaphore_mem>>) src(%dma_wait3A_180 : memref<10000x128xbf16, #tpu.memory_space<hbm>>) dst(%dma_wait3A_174 : memref<128x128xbf16, #tpu.memory_space<vmem>>)
      %dma_wait3A_181 = arith.constant 0 : i32
      %dma_wait3A_182 = arith.constant 3 : i32
      %dma_wait3A_183 = arith.constant 0 : i32
      %dma_wait3A_184 = arith.constant 0 : i32
      %dma_wait3A_185 = tpu.memref_slice %arg8[%dma_wait3A_182, %dma_wait3A_183, %dma_wait3A_184] : memref<4x128x128xbf16, #tpu.memory_space<vmem>> -> memref<1x128x128xbf16, #tpu.memory_space<vmem>>
      %dma_wait3A_186 = tpu.memref_squeeze %dma_wait3A_185 : memref<1x128x128xbf16, #tpu.memory_space<vmem>> -> memref<128x128xbf16, #tpu.memory_space<vmem>>
      %dma_wait3A_187 = arith.constant 0 : i32
      %dma_wait3A_188 = tpu.memref_slice %arg6[%dma_wait3A_181, %dma_wait3A_187] : memref<80x128xi32, #tpu.memory_space<vmem>> -> memref<1x128xi32, #tpu.memory_space<vmem>>
      %dma_wait3A_189 = tpu.memref_squeeze %dma_wait3A_188 : memref<1x128xi32, #tpu.memory_space<vmem>> -> memref<128xi32, #tpu.memory_space<vmem>>
      %dma_wait3A_190 = arith.constant 0 : i32
      %dma_wait3A_191 = arith.constant 0 : i32
      %dma_wait3A_192 = tpu.memref_slice %arg2[%dma_wait3A_190, %dma_wait3A_191] : memref<10000x128xbf16, #tpu.memory_space<hbm>> -> memref<10000x128xbf16, #tpu.memory_space<hbm>>
      tpu.wait_indirect_dma semaphore(%arg12 : memref<!tpu.dma_semaphore, #tpu.memory_space<semaphore_mem>>) src(%dma_wait3A_192 : memref<10000x128xbf16, #tpu.memory_space<hbm>>) dst(%dma_wait3A_186 : memref<128x128xbf16, #tpu.memory_space<vmem>>)
      %add3A_193 = arith.constant 2 : i32
      %add3A_194 = arith.addi %mul3A_88, %add3A_193 : i32
      %add3A_195 = arith.constant 0 : i32
      %add3A_196 = arith.addi %add3A_194, %add3A_195 : i32
      %dma_start3A_197 = arith.constant 2 : i32
      %dma_start3A_198 = arith.constant 0 : i32
      %dma_start3A_199 = arith.constant 0 : i32
      %dma_start3A_200 = tpu.memref_slice %arg8[%dma_start3A_197, %dma_start3A_198, %dma_start3A_199] : memref<4x128x128xbf16, #tpu.memory_space<vmem>> -> memref<1x128x128xbf16, #tpu.memory_space<vmem>>
      %dma_start3A_201 = tpu.memref_squeeze %dma_start3A_200 : memref<1x128x128xbf16, #tpu.memory_space<vmem>> -> memref<128x128xbf16, #tpu.memory_space<vmem>>
      %dma_start3A_202 = arith.constant 0 : i32
      %dma_start3A_203 = tpu.memref_slice %arg7[%add3A_196, %dma_start3A_202] : memref<80x128xi32, #tpu.memory_space<vmem>> -> memref<1x128xi32, #tpu.memory_space<vmem>>
      %dma_start3A_204 = tpu.memref_squeeze %dma_start3A_203 : memref<1x128xi32, #tpu.memory_space<vmem>> -> memref<128xi32, #tpu.memory_space<vmem>>
      %dma_start3A_205 = arith.constant 0 : i32
      %dma_start3A_206 = arith.constant 0 : i32
      %dma_start3A_207 = tpu.memref_slice %arg10[%dma_start3A_205, %dma_start3A_206] : memref<10240x128xbf16, #tpu.memory_space<vmem_shared>> -> memref<10240x128xbf16, #tpu.memory_space<vmem_shared>>
      tpu.enqueue_indirect_dma source(%dma_start3A_201 : memref<128x128xbf16, #tpu.memory_space<vmem>>) target(%dma_start3A_207 : memref<10240x128xbf16, #tpu.memory_space<vmem_shared>>) offsets(%dma_start3A_204 : memref<128xi32, #tpu.memory_space<vmem>>) semaphore(%arg14 : memref<!tpu.dma_semaphore, #tpu.memory_space<semaphore_mem>>) {add = true}
      %add3A_208 = arith.constant 1 : i32
      %add3A_209 = arith.addi %add3A_194, %add3A_208 : i32
      %dma_start3A_210 = arith.constant 3 : i32
      %dma_start3A_211 = arith.constant 0 : i32
      %dma_start3A_212 = arith.constant 0 : i32
      %dma_start3A_213 = tpu.memref_slice %arg8[%dma_start3A_210, %dma_start3A_211, %dma_start3A_212] : memref<4x128x128xbf16, #tpu.memory_space<vmem>> -> memref<1x128x128xbf16, #tpu.memory_space<vmem>>
      %dma_start3A_214 = tpu.memref_squeeze %dma_start3A_213 : memref<1x128x128xbf16, #tpu.memory_space<vmem>> -> memref<128x128xbf16, #tpu.memory_space<vmem>>
      %dma_start3A_215 = arith.constant 0 : i32
      %dma_start3A_216 = tpu.memref_slice %arg7[%add3A_209, %dma_start3A_215] : memref<80x128xi32, #tpu.memory_space<vmem>> -> memref<1x128xi32, #tpu.memory_space<vmem>>
      %dma_start3A_217 = tpu.memref_squeeze %dma_start3A_216 : memref<1x128xi32, #tpu.memory_space<vmem>> -> memref<128xi32, #tpu.memory_space<vmem>>
      %dma_start3A_218 = arith.constant 0 : i32
      %dma_start3A_219 = arith.constant 0 : i32
      %dma_start3A_220 = tpu.memref_slice %arg10[%dma_start3A_218, %dma_start3A_219] : memref<10240x128xbf16, #tpu.memory_space<vmem_shared>> -> memref<10240x128xbf16, #tpu.memory_space<vmem_shared>>
      tpu.enqueue_indirect_dma source(%dma_start3A_214 : memref<128x128xbf16, #tpu.memory_space<vmem>>) target(%dma_start3A_220 : memref<10240x128xbf16, #tpu.memory_space<vmem_shared>>) offsets(%dma_start3A_217 : memref<128xi32, #tpu.memory_space<vmem>>) semaphore(%arg14 : memref<!tpu.dma_semaphore, #tpu.memory_space<semaphore_mem>>) {add = true}
      %dma_wait3A_221 = arith.constant 0 : i32
      %dma_wait3A_222 = arith.constant 0 : i32
      %dma_wait3A_223 = arith.constant 0 : i32
      %dma_wait3A_224 = arith.constant 0 : i32
      %dma_wait3A_225 = tpu.memref_slice %arg8[%dma_wait3A_221, %dma_wait3A_223, %dma_wait3A_224] : memref<4x128x128xbf16, #tpu.memory_space<vmem>> -> memref<1x128x128xbf16, #tpu.memory_space<vmem>>
      %dma_wait3A_226 = tpu.memref_squeeze %dma_wait3A_225 : memref<1x128x128xbf16, #tpu.memory_space<vmem>> -> memref<128x128xbf16, #tpu.memory_space<vmem>>
      %dma_wait3A_227 = arith.constant 0 : i32
      %dma_wait3A_228 = tpu.memref_slice %arg7[%dma_wait3A_222, %dma_wait3A_227] : memref<80x128xi32, #tpu.memory_space<vmem>> -> memref<1x128xi32, #tpu.memory_space<vmem>>
      %dma_wait3A_229 = tpu.memref_squeeze %dma_wait3A_228 : memref<1x128xi32, #tpu.memory_space<vmem>> -> memref<128xi32, #tpu.memory_space<vmem>>
      %dma_wait3A_230 = arith.constant 0 : i32
      %dma_wait3A_231 = arith.constant 0 : i32
      %dma_wait3A_232 = tpu.memref_slice %arg10[%dma_wait3A_230, %dma_wait3A_231] : memref<10240x128xbf16, #tpu.memory_space<vmem_shared>> -> memref<10240x128xbf16, #tpu.memory_space<vmem_shared>>
      tpu.wait_indirect_dma semaphore(%arg13 : memref<!tpu.dma_semaphore, #tpu.memory_space<semaphore_mem>>) src(%dma_wait3A_226 : memref<128x128xbf16, #tpu.memory_space<vmem>>) dst(%dma_wait3A_232 : memref<10240x128xbf16, #tpu.memory_space<vmem_shared>>)
      %dma_wait3A_233 = arith.constant 1 : i32
      %dma_wait3A_234 = arith.constant 0 : i32
      %dma_wait3A_235 = arith.constant 0 : i32
      %dma_wait3A_236 = arith.constant 0 : i32
      %dma_wait3A_237 = tpu.memref_slice %arg8[%dma_wait3A_233, %dma_wait3A_235, %dma_wait3A_236] : memref<4x128x128xbf16, #tpu.memory_space<vmem>> -> memref<1x128x128xbf16, #tpu.memory_space<vmem>>
      %dma_wait3A_238 = tpu.memref_squeeze %dma_wait3A_237 : memref<1x128x128xbf16, #tpu.memory_space<vmem>> -> memref<128x128xbf16, #tpu.memory_space<vmem>>
      %dma_wait3A_239 = arith.constant 0 : i32
      %dma_wait3A_240 = tpu.memref_slice %arg7[%dma_wait3A_234, %dma_wait3A_239] : memref<80x128xi32, #tpu.memory_space<vmem>> -> memref<1x128xi32, #tpu.memory_space<vmem>>
      %dma_wait3A_241 = tpu.memref_squeeze %dma_wait3A_240 : memref<1x128xi32, #tpu.memory_space<vmem>> -> memref<128xi32, #tpu.memory_space<vmem>>
      %dma_wait3A_242 = arith.constant 0 : i32
      %dma_wait3A_243 = arith.constant 0 : i32
      %dma_wait3A_244 = tpu.memref_slice %arg10[%dma_wait3A_242, %dma_wait3A_243] : memref<10240x128xbf16, #tpu.memory_space<vmem_shared>> -> memref<10240x128xbf16, #tpu.memory_space<vmem_shared>>
      tpu.wait_indirect_dma semaphore(%arg13 : memref<!tpu.dma_semaphore, #tpu.memory_space<semaphore_mem>>) src(%dma_wait3A_238 : memref<128x128xbf16, #tpu.memory_space<vmem>>) dst(%dma_wait3A_244 : memref<10240x128xbf16, #tpu.memory_space<vmem_shared>>)
      %lt3A = arith.constant 19 : i32
      %lt3A_245 = arith.cmpi slt, %scan3A_85, %lt3A : i32
      %convert_element_type3A_246 = arith.extui %lt3A_245 : i1 to i32
      %cond3A_247 = arith.constant 0 : i32
      %cond3A_248 = arith.cmpi ne, %convert_element_type3A_246, %cond3A_247 : i32
      scf.if %cond3A_248 {
        %add3A_250 = arith.constant 4 : i32
        %add3A_251 = arith.addi %mul3A_88, %add3A_250 : i32
        %add3A_252 = arith.constant 0 : i32
        %add3A_253 = arith.addi %add3A_251, %add3A_252 : i32
        %dma_start3A_254 = arith.constant 0 : i32
        %dma_start3A_255 = arith.constant 0 : i32
        %dma_start3A_256 = arith.constant 0 : i32
        %dma_start3A_257 = tpu.memref_slice %arg8[%dma_start3A_254, %dma_start3A_255, %dma_start3A_256] : memref<4x128x128xbf16, #tpu.memory_space<vmem>> -> memref<1x128x128xbf16, #tpu.memory_space<vmem>>
        %dma_start3A_258 = tpu.memref_squeeze %dma_start3A_257 : memref<1x128x128xbf16, #tpu.memory_space<vmem>> -> memref<128x128xbf16, #tpu.memory_space<vmem>>
        %dma_start3A_259 = arith.constant 0 : i32
        %dma_start3A_260 = tpu.memref_slice %arg6[%add3A_253, %dma_start3A_259] : memref<80x128xi32, #tpu.memory_space<vmem>> -> memref<1x128xi32, #tpu.memory_space<vmem>>
        %dma_start3A_261 = tpu.memref_squeeze %dma_start3A_260 : memref<1x128xi32, #tpu.memory_space<vmem>> -> memref<128xi32, #tpu.memory_space<vmem>>
        %dma_start3A_262 = arith.constant 0 : i32
        %dma_start3A_263 = arith.constant 0 : i32
        %dma_start3A_264 = tpu.memref_slice %arg2[%dma_start3A_262, %dma_start3A_263] : memref<10000x128xbf16, #tpu.memory_space<hbm>> -> memref<10000x128xbf16, #tpu.memory_space<hbm>>
        tpu.enqueue_indirect_dma source(%dma_start3A_264 : memref<10000x128xbf16, #tpu.memory_space<hbm>>) target(%dma_start3A_258 : memref<128x128xbf16, #tpu.memory_space<vmem>>) offsets(%dma_start3A_261 : memref<128xi32, #tpu.memory_space<vmem>>) semaphore(%arg11 : memref<!tpu.dma_semaphore, #tpu.memory_space<semaphore_mem>>)
        %add3A_265 = arith.constant 1 : i32
        %add3A_266 = arith.addi %add3A_251, %add3A_265 : i32
        %dma_start3A_267 = arith.constant 1 : i32
        %dma_start3A_268 = arith.constant 0 : i32
        %dma_start3A_269 = arith.constant 0 : i32
        %dma_start3A_270 = tpu.memref_slice %arg8[%dma_start3A_267, %dma_start3A_268, %dma_start3A_269] : memref<4x128x128xbf16, #tpu.memory_space<vmem>> -> memref<1x128x128xbf16, #tpu.memory_space<vmem>>
        %dma_start3A_271 = tpu.memref_squeeze %dma_start3A_270 : memref<1x128x128xbf16, #tpu.memory_space<vmem>> -> memref<128x128xbf16, #tpu.memory_space<vmem>>
        %dma_start3A_272 = arith.constant 0 : i32
        %dma_start3A_273 = tpu.memref_slice %arg6[%add3A_266, %dma_start3A_272] : memref<80x128xi32, #tpu.memory_space<vmem>> -> memref<1x128xi32, #tpu.memory_space<vmem>>
        %dma_start3A_274 = tpu.memref_squeeze %dma_start3A_273 : memref<1x128xi32, #tpu.memory_space<vmem>> -> memref<128xi32, #tpu.memory_space<vmem>>
        %dma_start3A_275 = arith.constant 0 : i32
        %dma_start3A_276 = arith.constant 0 : i32
        %dma_start3A_277 = tpu.memref_slice %arg2[%dma_start3A_275, %dma_start3A_276] : memref<10000x128xbf16, #tpu.memory_space<hbm>> -> memref<10000x128xbf16, #tpu.memory_space<hbm>>
        tpu.enqueue_indirect_dma source(%dma_start3A_277 : memref<10000x128xbf16, #tpu.memory_space<hbm>>) target(%dma_start3A_271 : memref<128x128xbf16, #tpu.memory_space<vmem>>) offsets(%dma_start3A_274 : memref<128xi32, #tpu.memory_space<vmem>>) semaphore(%arg11 : memref<!tpu.dma_semaphore, #tpu.memory_space<semaphore_mem>>)
      } else {
      }
      %scan3A_249 = arith.constant 0 : i32
      scf.yield %scan3A_249 : i32
    }
    %scan3A_56 = arith.constant 20 : i32
    %dma_wait3A = arith.constant 2 : i32
    %dma_wait3A_57 = arith.constant 0 : i32
    %dma_wait3A_58 = arith.constant 0 : i32
    %dma_wait3A_59 = arith.constant 0 : i32
    %dma_wait3A_60 = tpu.memref_slice %arg8[%dma_wait3A, %dma_wait3A_58, %dma_wait3A_59] : memref<4x128x128xbf16, #tpu.memory_space<vmem>> -> memref<1x128x128xbf16, #tpu.memory_space<vmem>>
    %dma_wait3A_61 = tpu.memref_squeeze %dma_wait3A_60 : memref<1x128x128xbf16, #tpu.memory_space<vmem>> -> memref<128x128xbf16, #tpu.memory_space<vmem>>
    %dma_wait3A_62 = arith.constant 0 : i32
    %dma_wait3A_63 = tpu.memref_slice %arg7[%dma_wait3A_57, %dma_wait3A_62] : memref<80x128xi32, #tpu.memory_space<vmem>> -> memref<1x128xi32, #tpu.memory_space<vmem>>
    %dma_wait3A_64 = tpu.memref_squeeze %dma_wait3A_63 : memref<1x128xi32, #tpu.memory_space<vmem>> -> memref<128xi32, #tpu.memory_space<vmem>>
    %dma_wait3A_65 = arith.constant 0 : i32
    %dma_wait3A_66 = arith.constant 0 : i32
    %dma_wait3A_67 = tpu.memref_slice %arg10[%dma_wait3A_65, %dma_wait3A_66] : memref<10240x128xbf16, #tpu.memory_space<vmem_shared>> -> memref<10240x128xbf16, #tpu.memory_space<vmem_shared>>
    tpu.wait_indirect_dma semaphore(%arg14 : memref<!tpu.dma_semaphore, #tpu.memory_space<semaphore_mem>>) src(%dma_wait3A_61 : memref<128x128xbf16, #tpu.memory_space<vmem>>) dst(%dma_wait3A_67 : memref<10240x128xbf16, #tpu.memory_space<vmem_shared>>)
    %dma_wait3A_68 = arith.constant 3 : i32
    %dma_wait3A_69 = arith.constant 0 : i32
    %dma_wait3A_70 = arith.constant 0 : i32
    %dma_wait3A_71 = arith.constant 0 : i32
    %dma_wait3A_72 = tpu.memref_slice %arg8[%dma_wait3A_68, %dma_wait3A_70, %dma_wait3A_71] : memref<4x128x128xbf16, #tpu.memory_space<vmem>> -> memref<1x128x128xbf16, #tpu.memory_space<vmem>>
    %dma_wait3A_73 = tpu.memref_squeeze %dma_wait3A_72 : memref<1x128x128xbf16, #tpu.memory_space<vmem>> -> memref<128x128xbf16, #tpu.memory_space<vmem>>
    %dma_wait3A_74 = arith.constant 0 : i32
    %dma_wait3A_75 = tpu.memref_slice %arg7[%dma_wait3A_69, %dma_wait3A_74] : memref<80x128xi32, #tpu.memory_space<vmem>> -> memref<1x128xi32, #tpu.memory_space<vmem>>
    %dma_wait3A_76 = tpu.memref_squeeze %dma_wait3A_75 : memref<1x128xi32, #tpu.memory_space<vmem>> -> memref<128xi32, #tpu.memory_space<vmem>>
    %dma_wait3A_77 = arith.constant 0 : i32
    %dma_wait3A_78 = arith.constant 0 : i32
    %dma_wait3A_79 = tpu.memref_slice %arg10[%dma_wait3A_77, %dma_wait3A_78] : memref<10240x128xbf16, #tpu.memory_space<vmem_shared>> -> memref<10240x128xbf16, #tpu.memory_space<vmem_shared>>
    tpu.wait_indirect_dma semaphore(%arg14 : memref<!tpu.dma_semaphore, #tpu.memory_space<semaphore_mem>>) src(%dma_wait3A_73 : memref<128x128xbf16, #tpu.memory_space<vmem>>) dst(%dma_wait3A_79 : memref<10240x128xbf16, #tpu.memory_space<vmem_shared>>)
    %barrier3A_80 = arith.constant 0 : index
    tpu.barrier barrier_id(%barrier3A_80)
    %mul3A_81 = arith.constant 640 : i32
    %mul3A_82 = arith.muli %arg1, %mul3A_81 : i32
    %mul3A_83 = arith.constant 640 : i32
    %mul3A_84 = arith.muli %arg1, %mul3A_83 : i32
    "tpu.region"() ({
      %run_scoped3A = tpu.sem_alloc : memref<!tpu.dma_semaphore, #tpu.memory_space<semaphore_mem>>
      %dma_start3A_85 = arith.constant 0 : i32
      %dma_start3A_86 = tpu.memref_slice %arg5[%arg0, %mul3A_84, %dma_start3A_85] : memref<2x10240x128xbf16, #tpu.memory_space<hbm>> -> memref<1x640x128xbf16, #tpu.memory_space<hbm>>
      %dma_start3A_87 = tpu.memref_squeeze %dma_start3A_86 : memref<1x640x128xbf16, #tpu.memory_space<hbm>> -> memref<640x128xbf16, #tpu.memory_space<hbm>>
      %dma_start3A_88 = arith.constant 0 : i32
      %dma_start3A_89 = tpu.memref_slice %arg10[%mul3A_82, %dma_start3A_88] : memref<10240x128xbf16, #tpu.memory_space<vmem_shared>> -> memref<640x128xbf16, #tpu.memory_space<vmem_shared>>
      tpu.enqueue_dma source(%dma_start3A_89 : memref<640x128xbf16, #tpu.memory_space<vmem_shared>>) target(%dma_start3A_87 : memref<640x128xbf16, #tpu.memory_space<hbm>>) target_semaphore(%run_scoped3A : memref<!tpu.dma_semaphore, #tpu.memory_space<semaphore_mem>>)
      %dma_wait3A_90 = arith.constant 0 : i32
      %dma_wait3A_91 = tpu.memref_slice %arg5[%arg0, %mul3A_84, %dma_wait3A_90] : memref<2x10240x128xbf16, #tpu.memory_space<hbm>> -> memref<1x640x128xbf16, #tpu.memory_space<hbm>>
      %dma_wait3A_92 = tpu.memref_squeeze %dma_wait3A_91 : memref<1x640x128xbf16, #tpu.memory_space<hbm>> -> memref<640x128xbf16, #tpu.memory_space<hbm>>
      %dma_wait3A_93 = arith.constant 0 : i32
      %dma_wait3A_94 = tpu.memref_slice %arg10[%mul3A_82, %dma_wait3A_93] : memref<10240x128xbf16, #tpu.memory_space<vmem_shared>> -> memref<640x128xbf16, #tpu.memory_space<vmem_shared>>
      tpu.wait_dma2 semaphore(%run_scoped3A : memref<!tpu.dma_semaphore, #tpu.memory_space<semaphore_mem>>) src(%dma_wait3A_94 : memref<640x128xbf16, #tpu.memory_space<vmem_shared>>) dst(%dma_wait3A_92 : memref<640x128xbf16, #tpu.memory_space<hbm>>)
      tpu.yield
    }) : () -> ()
    return
  }
}

#map = affine_map<(d0, d1) -> (0, 0)>
#map1 = affine_map<(d0, d1) -> (0, 0, 0)>
module attributes {stable_mosaic.version = 14 : i64} {
  func.func @seg_sum(%arg0: i32, %arg1: i32, %arg2: memref<10000x128xbf16, #tpu.memory_space<hbm>>, %arg3: memref<32x80x128xi32, #tpu.memory_space<hbm>>, %arg4: memref<32x80x128xi32, #tpu.memory_space<hbm>>, %arg5: memref<2x10240x128xbf16, #tpu.memory_space<hbm>>, %arg6: memref<80x128xi32, #tpu.memory_space<vmem>>, %arg7: memref<80x128xi32, #tpu.memory_space<vmem>>, %arg8: memref<4x128x128xbf16, #tpu.memory_space<vmem>>, %arg9: memref<128x128xbf16, #tpu.memory_space<vmem>>, %arg10: memref<10240x128xbf16, #tpu.memory_space<vmem_shared>>, %arg11: memref<!tpu.dma_semaphore, #tpu.memory_space<semaphore_mem>>, %arg12: memref<!tpu.dma_semaphore, #tpu.memory_space<semaphore_mem>>, %arg13: memref<!tpu.dma_semaphore, #tpu.memory_space<semaphore_mem>>, %arg14: memref<!tpu.dma_semaphore, #tpu.memory_space<semaphore_mem>>) attributes {dimension_semantics = [#tpu.dimension_semantics<core_parallel>, #tpu.dimension_semantics<subcore_parallel>], iteration_bounds = array<i64: 2, 16>, scalar_prefetch = 0 : i64, scratch_operands = 9 : i64, tpu.core_type = #tpu.core_type<sc_vector_subcore>, window_params = [{transform_indices = #map}, {transform_indices = #map1}, {transform_indices = #map1}, {transform_indices = #map1}]} {
    %mul3A = arith.constant 2 : i32
    %mul3A_0 = arith.muli %arg1, %mul3A : i32
    %add3A = arith.addi %mul3A_0, %arg0 : i32
    "tpu.region"() ({
      %run_scoped3A = tpu.sem_alloc : memref<!tpu.dma_semaphore, #tpu.memory_space<semaphore_mem>>
      %dma_start3A_85 = arith.constant 0 : i32
      %dma_start3A_86 = arith.constant 0 : i32
      %dma_start3A_87 = tpu.memref_slice %arg3[%add3A, %dma_start3A_85, %dma_start3A_86] : memref<32x80x128xi32, #tpu.memory_space<hbm>> -> memref<1x80x128xi32, #tpu.memory_space<hbm>>
      %dma_start3A_88 = tpu.memref_squeeze %dma_start3A_87 : memref<1x80x128xi32, #tpu.memory_space<hbm>> -> memref<80x128xi32, #tpu.memory_space<hbm>>
      %dma_start3A_89 = arith.constant 0 : i32
      %dma_start3A_90 = arith.constant 0 : i32
      %dma_start3A_91 = tpu.memref_slice %arg3[%add3A, %dma_start3A_89, %dma_start3A_90] : memref<32x80x128xi32, #tpu.memory_space<hbm>> -> memref<1x80x128xi32, #tpu.memory_space<hbm>>
      %dma_start3A_92 = tpu.memref_squeeze %dma_start3A_91 : memref<1x80x128xi32, #tpu.memory_space<hbm>> -> memref<80x128xi32, #tpu.memory_space<hbm>>
      tpu.enqueue_dma source(%dma_start3A_92 : memref<80x128xi32, #tpu.memory_space<hbm>>) target(%arg6 : memref<80x128xi32, #tpu.memory_space<vmem>>) target_semaphore(%run_scoped3A : memref<!tpu.dma_semaphore, #tpu.memory_space<semaphore_mem>>)
      %dma_wait3A_93 = arith.constant 0 : i32
      %dma_wait3A_94 = arith.constant 0 : i32
      %dma_wait3A_95 = tpu.memref_slice %arg3[%add3A, %dma_wait3A_93, %dma_wait3A_94] : memref<32x80x128xi32, #tpu.memory_space<hbm>> -> memref<1x80x128xi32, #tpu.memory_space<hbm>>
      %dma_wait3A_96 = tpu.memref_squeeze %dma_wait3A_95 : memref<1x80x128xi32, #tpu.memory_space<hbm>> -> memref<80x128xi32, #tpu.memory_space<hbm>>
      %dma_wait3A_97 = arith.constant 0 : i32
      %dma_wait3A_98 = arith.constant 0 : i32
      %dma_wait3A_99 = tpu.memref_slice %arg3[%add3A, %dma_wait3A_97, %dma_wait3A_98] : memref<32x80x128xi32, #tpu.memory_space<hbm>> -> memref<1x80x128xi32, #tpu.memory_space<hbm>>
      %dma_wait3A_100 = tpu.memref_squeeze %dma_wait3A_99 : memref<1x80x128xi32, #tpu.memory_space<hbm>> -> memref<80x128xi32, #tpu.memory_space<hbm>>
      tpu.wait_dma2 semaphore(%run_scoped3A : memref<!tpu.dma_semaphore, #tpu.memory_space<semaphore_mem>>) src(%dma_wait3A_100 : memref<80x128xi32, #tpu.memory_space<hbm>>) dst(%arg6 : memref<80x128xi32, #tpu.memory_space<vmem>>)
      tpu.yield
    }) : () -> ()
    "tpu.region"() ({
      %run_scoped3A = tpu.sem_alloc : memref<!tpu.dma_semaphore, #tpu.memory_space<semaphore_mem>>
      %dma_start3A_85 = arith.constant 0 : i32
      %dma_start3A_86 = arith.constant 0 : i32
      %dma_start3A_87 = tpu.memref_slice %arg4[%add3A, %dma_start3A_85, %dma_start3A_86] : memref<32x80x128xi32, #tpu.memory_space<hbm>> -> memref<1x80x128xi32, #tpu.memory_space<hbm>>
      %dma_start3A_88 = tpu.memref_squeeze %dma_start3A_87 : memref<1x80x128xi32, #tpu.memory_space<hbm>> -> memref<80x128xi32, #tpu.memory_space<hbm>>
      %dma_start3A_89 = arith.constant 0 : i32
      %dma_start3A_90 = arith.constant 0 : i32
      %dma_start3A_91 = tpu.memref_slice %arg4[%add3A, %dma_start3A_89, %dma_start3A_90] : memref<32x80x128xi32, #tpu.memory_space<hbm>> -> memref<1x80x128xi32, #tpu.memory_space<hbm>>
      %dma_start3A_92 = tpu.memref_squeeze %dma_start3A_91 : memref<1x80x128xi32, #tpu.memory_space<hbm>> -> memref<80x128xi32, #tpu.memory_space<hbm>>
      tpu.enqueue_dma source(%dma_start3A_92 : memref<80x128xi32, #tpu.memory_space<hbm>>) target(%arg7 : memref<80x128xi32, #tpu.memory_space<vmem>>) target_semaphore(%run_scoped3A : memref<!tpu.dma_semaphore, #tpu.memory_space<semaphore_mem>>)
      %dma_wait3A_93 = arith.constant 0 : i32
      %dma_wait3A_94 = arith.constant 0 : i32
      %dma_wait3A_95 = tpu.memref_slice %arg4[%add3A, %dma_wait3A_93, %dma_wait3A_94] : memref<32x80x128xi32, #tpu.memory_space<hbm>> -> memref<1x80x128xi32, #tpu.memory_space<hbm>>
      %dma_wait3A_96 = tpu.memref_squeeze %dma_wait3A_95 : memref<1x80x128xi32, #tpu.memory_space<hbm>> -> memref<80x128xi32, #tpu.memory_space<hbm>>
      %dma_wait3A_97 = arith.constant 0 : i32
      %dma_wait3A_98 = arith.constant 0 : i32
      %dma_wait3A_99 = tpu.memref_slice %arg4[%add3A, %dma_wait3A_97, %dma_wait3A_98] : memref<32x80x128xi32, #tpu.memory_space<hbm>> -> memref<1x80x128xi32, #tpu.memory_space<hbm>>
      %dma_wait3A_100 = tpu.memref_squeeze %dma_wait3A_99 : memref<1x80x128xi32, #tpu.memory_space<hbm>> -> memref<80x128xi32, #tpu.memory_space<hbm>>
      tpu.wait_dma2 semaphore(%run_scoped3A : memref<!tpu.dma_semaphore, #tpu.memory_space<semaphore_mem>>) src(%dma_wait3A_100 : memref<80x128xi32, #tpu.memory_space<hbm>>) dst(%arg7 : memref<80x128xi32, #tpu.memory_space<vmem>>)
      tpu.yield
    }) : () -> ()
    %dma_start3A = arith.constant 0 : i32
    %dma_start3A_1 = arith.constant 0 : i32
    %dma_start3A_2 = arith.constant 0 : i32
    %dma_start3A_3 = arith.constant 0 : i32
    %dma_start3A_4 = tpu.memref_slice %arg8[%dma_start3A_1, %dma_start3A_2, %dma_start3A_3] : memref<4x128x128xbf16, #tpu.memory_space<vmem>> -> memref<1x128x128xbf16, #tpu.memory_space<vmem>>
    %dma_start3A_5 = tpu.memref_squeeze %dma_start3A_4 : memref<1x128x128xbf16, #tpu.memory_space<vmem>> -> memref<128x128xbf16, #tpu.memory_space<vmem>>
    %dma_start3A_6 = arith.constant 0 : i32
    %dma_start3A_7 = tpu.memref_slice %arg6[%dma_start3A, %dma_start3A_6] : memref<80x128xi32, #tpu.memory_space<vmem>> -> memref<1x128xi32, #tpu.memory_space<vmem>>
    %dma_start3A_8 = tpu.memref_squeeze %dma_start3A_7 : memref<1x128xi32, #tpu.memory_space<vmem>> -> memref<128xi32, #tpu.memory_space<vmem>>
    %dma_start3A_9 = arith.constant 0 : i32
    %dma_start3A_10 = arith.constant 0 : i32
    %dma_start3A_11 = tpu.memref_slice %arg2[%dma_start3A_9, %dma_start3A_10] : memref<10000x128xbf16, #tpu.memory_space<hbm>> -> memref<10000x128xbf16, #tpu.memory_space<hbm>>
    tpu.enqueue_indirect_dma source(%dma_start3A_11 : memref<10000x128xbf16, #tpu.memory_space<hbm>>) target(%dma_start3A_5 : memref<128x128xbf16, #tpu.memory_space<vmem>>) offsets(%dma_start3A_8 : memref<128xi32, #tpu.memory_space<vmem>>) semaphore(%arg11 : memref<!tpu.dma_semaphore, #tpu.memory_space<semaphore_mem>>)
    %dma_start3A_12 = arith.constant 1 : i32
    %dma_start3A_13 = arith.constant 1 : i32
    %dma_start3A_14 = arith.constant 0 : i32
    %dma_start3A_15 = arith.constant 0 : i32
    %dma_start3A_16 = tpu.memref_slice %arg8[%dma_start3A_13, %dma_start3A_14, %dma_start3A_15] : memref<4x128x128xbf16, #tpu.memory_space<vmem>> -> memref<1x128x128xbf16, #tpu.memory_space<vmem>>
    %dma_start3A_17 = tpu.memref_squeeze %dma_start3A_16 : memref<1x128x128xbf16, #tpu.memory_space<vmem>> -> memref<128x128xbf16, #tpu.memory_space<vmem>>
    %dma_start3A_18 = arith.constant 0 : i32
    %dma_start3A_19 = tpu.memref_slice %arg6[%dma_start3A_12, %dma_start3A_18] : memref<80x128xi32, #tpu.memory_space<vmem>> -> memref<1x128xi32, #tpu.memory_space<vmem>>
    %dma_start3A_20 = tpu.memref_squeeze %dma_start3A_19 : memref<1x128xi32, #tpu.memory_space<vmem>> -> memref<128xi32, #tpu.memory_space<vmem>>
    %dma_start3A_21 = arith.constant 0 : i32
    %dma_start3A_22 = arith.constant 0 : i32
    %dma_start3A_23 = tpu.memref_slice %arg2[%dma_start3A_21, %dma_start3A_22] : memref<10000x128xbf16, #tpu.memory_space<hbm>> -> memref<10000x128xbf16, #tpu.memory_space<hbm>>
    tpu.enqueue_indirect_dma source(%dma_start3A_23 : memref<10000x128xbf16, #tpu.memory_space<hbm>>) target(%dma_start3A_17 : memref<128x128xbf16, #tpu.memory_space<vmem>>) offsets(%dma_start3A_20 : memref<128xi32, #tpu.memory_space<vmem>>) semaphore(%arg11 : memref<!tpu.dma_semaphore, #tpu.memory_space<semaphore_mem>>)
    %scan3A = arith.constant 0 : i32
    %scan3A_24 = arith.constant 0 : i32
    %scan3A_25 = arith.constant 128 : i32
    %scan3A_26 = arith.addi %scan3A_24, %scan3A_25 : i32
    %scan3A_27 = arith.constant 1 : i32
    %scan3A_28 = scf.for %scan3A_85 = %scan3A_24 to %scan3A_26 step %scan3A_27 iter_args(%scan3A_86 = %scan3A) -> (i32)  : i32 {
      %broadcast_in_dim3A = arith.constant 0.000000e+00 : bf16
      %broadcast_in_dim3A_87 = vector.broadcast %broadcast_in_dim3A : bf16 to vector<32xbf16>
      %swap3A = arith.index_cast %scan3A_85 : i32 to index
      %swap3A_88 = arith.constant 0 : index
      %swap3A_89 = tpu.vector_load %arg9[%swap3A, %swap3A_88] {strides = array<i32>} : memref<128x128xbf16, #tpu.memory_space<vmem>>, vector<1x32xbf16>,
      %swap3A_90 = vector.shape_cast %swap3A_89 : vector<1x32xbf16> to vector<32xbf16>
      %swap3A_91 = vector.shape_cast %broadcast_in_dim3A_87 : vector<32xbf16> to vector<1x32xbf16>
      tpu.vector_store %arg9[%swap3A, %swap3A_88], %swap3A_91 {strides = array<i32>} : memref<128x128xbf16, #tpu.memory_space<vmem>>, vector<1x32xbf16>,
      %broadcast_in_dim3A_92 = arith.constant 0.000000e+00 : bf16
      %broadcast_in_dim3A_93 = vector.broadcast %broadcast_in_dim3A_92 : bf16 to vector<32xbf16>
      %swap3A_94 = arith.index_cast %scan3A_85 : i32 to index
      %swap3A_95 = arith.constant 32 : index
      %swap3A_96 = tpu.vector_load %arg9[%swap3A_94, %swap3A_95] {strides = array<i32>} : memref<128x128xbf16, #tpu.memory_space<vmem>>, vector<1x32xbf16>,
      %swap3A_97 = vector.shape_cast %swap3A_96 : vector<1x32xbf16> to vector<32xbf16>
      %swap3A_98 = vector.shape_cast %broadcast_in_dim3A_93 : vector<32xbf16> to vector<1x32xbf16>
      tpu.vector_store %arg9[%swap3A_94, %swap3A_95], %swap3A_98 {strides = array<i32>} : memref<128x128xbf16, #tpu.memory_space<vmem>>, vector<1x32xbf16>,
      %broadcast_in_dim3A_99 = arith.constant 0.000000e+00 : bf16
      %broadcast_in_dim3A_100 = vector.broadcast %broadcast_in_dim3A_99 : bf16 to vector<32xbf16>
      %swap3A_101 = arith.index_cast %scan3A_85 : i32 to index
      %swap3A_102 = arith.constant 64 : index
      %swap3A_103 = tpu.vector_load %arg9[%swap3A_101, %swap3A_102] {strides = array<i32>} : memref<128x128xbf16, #tpu.memory_space<vmem>>, vector<1x32xbf16>,
      %swap3A_104 = vector.shape_cast %swap3A_103 : vector<1x32xbf16> to vector<32xbf16>
      %swap3A_105 = vector.shape_cast %broadcast_in_dim3A_100 : vector<32xbf16> to vector<1x32xbf16>
      tpu.vector_store %arg9[%swap3A_101, %swap3A_102], %swap3A_105 {strides = array<i32>} : memref<128x128xbf16, #tpu.memory_space<vmem>>, vector<1x32xbf16>,
      %broadcast_in_dim3A_106 = arith.constant 0.000000e+00 : bf16
      %broadcast_in_dim3A_107 = vector.broadcast %broadcast_in_dim3A_106 : bf16 to vector<32xbf16>
      %swap3A_108 = arith.index_cast %scan3A_85 : i32 to index
      %swap3A_109 = arith.constant 96 : index
      %swap3A_110 = tpu.vector_load %arg9[%swap3A_108, %swap3A_109] {strides = array<i32>} : memref<128x128xbf16, #tpu.memory_space<vmem>>, vector<1x32xbf16>,
      %swap3A_111 = vector.shape_cast %swap3A_110 : vector<1x32xbf16> to vector<32xbf16>
      %swap3A_112 = vector.shape_cast %broadcast_in_dim3A_107 : vector<32xbf16> to vector<1x32xbf16>
      tpu.vector_store %arg9[%swap3A_108, %swap3A_109], %swap3A_112 {strides = array<i32>} : memref<128x128xbf16, #tpu.memory_space<vmem>>, vector<1x32xbf16>,
      %scan3A_113 = arith.constant 0 : i32
      scf.yield %scan3A_113 : i32
    }
    %scan3A_29 = arith.constant 128 : i32
    %mul3A_30 = arith.constant 640 : i32
    %mul3A_31 = arith.muli %arg1, %mul3A_30 : i32
    %add3A_32 = arith.constant 0 : i32
    %add3A_33 = arith.addi %mul3A_31, %add3A_32 : i32
    "tpu.region"() ({
      %run_scoped3A = tpu.sem_alloc : memref<!tpu.dma_semaphore, #tpu.memory_space<semaphore_mem>>
      %dma_start3A_85 = arith.constant 0 : i32
      %dma_start3A_86 = tpu.memref_slice %arg10[%add3A_33, %dma_start3A_85] : memref<10240x128xbf16, #tpu.memory_space<vmem_shared>> -> memref<128x128xbf16, #tpu.memory_space<vmem_shared>>
      %dma_start3A_87 = arith.constant 0 : i32
      %dma_start3A_88 = tpu.memref_slice %arg10[%add3A_33, %dma_start3A_87] : memref<10240x128xbf16, #tpu.memory_space<vmem_shared>> -> memref<128x128xbf16, #tpu.memory_space<vmem_shared>>
      tpu.enqueue_dma source(%arg9 : memref<128x128xbf16, #tpu.memory_space<vmem>>) target(%dma_start3A_88 : memref<128x128xbf16, #tpu.memory_space<vmem_shared>>) target_semaphore(%run_scoped3A : memref<!tpu.dma_semaphore, #tpu.memory_space<semaphore_mem>>)
      %dma_wait3A_89 = arith.constant 0 : i32
      %dma_wait3A_90 = tpu.memref_slice %arg10[%add3A_33, %dma_wait3A_89] : memref<10240x128xbf16, #tpu.memory_space<vmem_shared>> -> memref<128x128xbf16, #tpu.memory_space<vmem_shared>>
      %dma_wait3A_91 = arith.constant 0 : i32
      %dma_wait3A_92 = tpu.memref_slice %arg10[%add3A_33, %dma_wait3A_91] : memref<10240x128xbf16, #tpu.memory_space<vmem_shared>> -> memref<128x128xbf16, #tpu.memory_space<vmem_shared>>
      tpu.wait_dma2 semaphore(%run_scoped3A : memref<!tpu.dma_semaphore, #tpu.memory_space<semaphore_mem>>) src(%arg9 : memref<128x128xbf16, #tpu.memory_space<vmem>>) dst(%dma_wait3A_92 : memref<128x128xbf16, #tpu.memory_space<vmem_shared>>)
      tpu.yield
    }) : () -> ()
    %mul3A_34 = arith.constant 640 : i32
    %mul3A_35 = arith.muli %arg1, %mul3A_34 : i32
    %add3A_36 = arith.constant 128 : i32
    %add3A_37 = arith.addi %mul3A_35, %add3A_36 : i32
    "tpu.region"() ({
      %run_scoped3A = tpu.sem_alloc : memref<!tpu.dma_semaphore, #tpu.memory_space<semaphore_mem>>
      %dma_start3A_85 = arith.constant 0 : i32
      %dma_start3A_86 = tpu.memref_slice %arg10[%add3A_37, %dma_start3A_85] : memref<10240x128xbf16, #tpu.memory_space<vmem_shared>> -> memref<128x128xbf16, #tpu.memory_space<vmem_shared>>
      %dma_start3A_87 = arith.constant 0 : i32
      %dma_start3A_88 = tpu.memref_slice %arg10[%add3A_37, %dma_start3A_87] : memref<10240x128xbf16, #tpu.memory_space<vmem_shared>> -> memref<128x128xbf16, #tpu.memory_space<vmem_shared>>
      tpu.enqueue_dma source(%arg9 : memref<128x128xbf16, #tpu.memory_space<vmem>>) target(%dma_start3A_88 : memref<128x128xbf16, #tpu.memory_space<vmem_shared>>) target_semaphore(%run_scoped3A : memref<!tpu.dma_semaphore, #tpu.memory_space<semaphore_mem>>)
      %dma_wait3A_89 = arith.constant 0 : i32
      %dma_wait3A_90 = tpu.memref_slice %arg10[%add3A_37, %dma_wait3A_89] : memref<10240x128xbf16, #tpu.memory_space<vmem_shared>> -> memref<128x128xbf16, #tpu.memory_space<vmem_shared>>
      %dma_wait3A_91 = arith.constant 0 : i32
      %dma_wait3A_92 = tpu.memref_slice %arg10[%add3A_37, %dma_wait3A_91] : memref<10240x128xbf16, #tpu.memory_space<vmem_shared>> -> memref<128x128xbf16, #tpu.memory_space<vmem_shared>>
      tpu.wait_dma2 semaphore(%run_scoped3A : memref<!tpu.dma_semaphore, #tpu.memory_space<semaphore_mem>>) src(%arg9 : memref<128x128xbf16, #tpu.memory_space<vmem>>) dst(%dma_wait3A_92 : memref<128x128xbf16, #tpu.memory_space<vmem_shared>>)
      tpu.yield
    }) : () -> ()
    %mul3A_38 = arith.constant 640 : i32
    %mul3A_39 = arith.muli %arg1, %mul3A_38 : i32
    %add3A_40 = arith.constant 256 : i32
    %add3A_41 = arith.addi %mul3A_39, %add3A_40 : i32
    "tpu.region"() ({
      %run_scoped3A = tpu.sem_alloc : memref<!tpu.dma_semaphore, #tpu.memory_space<semaphore_mem>>
      %dma_start3A_85 = arith.constant 0 : i32
      %dma_start3A_86 = tpu.memref_slice %arg10[%add3A_41, %dma_start3A_85] : memref<10240x128xbf16, #tpu.memory_space<vmem_shared>> -> memref<128x128xbf16, #tpu.memory_space<vmem_shared>>
      %dma_start3A_87 = arith.constant 0 : i32
      %dma_start3A_88 = tpu.memref_slice %arg10[%add3A_41, %dma_start3A_87] : memref<10240x128xbf16, #tpu.memory_space<vmem_shared>> -> memref<128x128xbf16, #tpu.memory_space<vmem_shared>>
      tpu.enqueue_dma source(%arg9 : memref<128x128xbf16, #tpu.memory_space<vmem>>) target(%dma_start3A_88 : memref<128x128xbf16, #tpu.memory_space<vmem_shared>>) target_semaphore(%run_scoped3A : memref<!tpu.dma_semaphore, #tpu.memory_space<semaphore_mem>>)
      %dma_wait3A_89 = arith.constant 0 : i32
      %dma_wait3A_90 = tpu.memref_slice %arg10[%add3A_41, %dma_wait3A_89] : memref<10240x128xbf16, #tpu.memory_space<vmem_shared>> -> memref<128x128xbf16, #tpu.memory_space<vmem_shared>>
      %dma_wait3A_91 = arith.constant 0 : i32
      %dma_wait3A_92 = tpu.memref_slice %arg10[%add3A_41, %dma_wait3A_91] : memref<10240x128xbf16, #tpu.memory_space<vmem_shared>> -> memref<128x128xbf16, #tpu.memory_space<vmem_shared>>
      tpu.wait_dma2 semaphore(%run_scoped3A : memref<!tpu.dma_semaphore, #tpu.memory_space<semaphore_mem>>) src(%arg9 : memref<128x128xbf16, #tpu.memory_space<vmem>>) dst(%dma_wait3A_92 : memref<128x128xbf16, #tpu.memory_space<vmem_shared>>)
      tpu.yield
    }) : () -> ()
    %mul3A_42 = arith.constant 640 : i32
    %mul3A_43 = arith.muli %arg1, %mul3A_42 : i32
    %add3A_44 = arith.constant 384 : i32
    %add3A_45 = arith.addi %mul3A_43, %add3A_44 : i32
    "tpu.region"() ({
      %run_scoped3A = tpu.sem_alloc : memref<!tpu.dma_semaphore, #tpu.memory_space<semaphore_mem>>
      %dma_start3A_85 = arith.constant 0 : i32
      %dma_start3A_86 = tpu.memref_slice %arg10[%add3A_45, %dma_start3A_85] : memref<10240x128xbf16, #tpu.memory_space<vmem_shared>> -> memref<128x128xbf16, #tpu.memory_space<vmem_shared>>
      %dma_start3A_87 = arith.constant 0 : i32
      %dma_start3A_88 = tpu.memref_slice %arg10[%add3A_45, %dma_start3A_87] : memref<10240x128xbf16, #tpu.memory_space<vmem_shared>> -> memref<128x128xbf16, #tpu.memory_space<vmem_shared>>
      tpu.enqueue_dma source(%arg9 : memref<128x128xbf16, #tpu.memory_space<vmem>>) target(%dma_start3A_88 : memref<128x128xbf16, #tpu.memory_space<vmem_shared>>) target_semaphore(%run_scoped3A : memref<!tpu.dma_semaphore, #tpu.memory_space<semaphore_mem>>)
      %dma_wait3A_89 = arith.constant 0 : i32
      %dma_wait3A_90 = tpu.memref_slice %arg10[%add3A_45, %dma_wait3A_89] : memref<10240x128xbf16, #tpu.memory_space<vmem_shared>> -> memref<128x128xbf16, #tpu.memory_space<vmem_shared>>
      %dma_wait3A_91 = arith.constant 0 : i32
      %dma_wait3A_92 = tpu.memref_slice %arg10[%add3A_45, %dma_wait3A_91] : memref<10240x128xbf16, #tpu.memory_space<vmem_shared>> -> memref<128x128xbf16, #tpu.memory_space<vmem_shared>>
      tpu.wait_dma2 semaphore(%run_scoped3A : memref<!tpu.dma_semaphore, #tpu.memory_space<semaphore_mem>>) src(%arg9 : memref<128x128xbf16, #tpu.memory_space<vmem>>) dst(%dma_wait3A_92 : memref<128x128xbf16, #tpu.memory_space<vmem_shared>>)
      tpu.yield
    }) : () -> ()
    %mul3A_46 = arith.constant 640 : i32
    %mul3A_47 = arith.muli %arg1, %mul3A_46 : i32
    %add3A_48 = arith.constant 512 : i32
    %add3A_49 = arith.addi %mul3A_47, %add3A_48 : i32
    "tpu.region"() ({
      %run_scoped3A = tpu.sem_alloc : memref<!tpu.dma_semaphore, #tpu.memory_space<semaphore_mem>>
      %dma_start3A_85 = arith.constant 0 : i32
      %dma_start3A_86 = tpu.memref_slice %arg10[%add3A_49, %dma_start3A_85] : memref<10240x128xbf16, #tpu.memory_space<vmem_shared>> -> memref<128x128xbf16, #tpu.memory_space<vmem_shared>>
      %dma_start3A_87 = arith.constant 0 : i32
      %dma_start3A_88 = tpu.memref_slice %arg10[%add3A_49, %dma_start3A_87] : memref<10240x128xbf16, #tpu.memory_space<vmem_shared>> -> memref<128x128xbf16, #tpu.memory_space<vmem_shared>>
      tpu.enqueue_dma source(%arg9 : memref<128x128xbf16, #tpu.memory_space<vmem>>) target(%dma_start3A_88 : memref<128x128xbf16, #tpu.memory_space<vmem_shared>>) target_semaphore(%run_scoped3A : memref<!tpu.dma_semaphore, #tpu.memory_space<semaphore_mem>>)
      %dma_wait3A_89 = arith.constant 0 : i32
      %dma_wait3A_90 = tpu.memref_slice %arg10[%add3A_49, %dma_wait3A_89] : memref<10240x128xbf16, #tpu.memory_space<vmem_shared>> -> memref<128x128xbf16, #tpu.memory_space<vmem_shared>>
      %dma_wait3A_91 = arith.constant 0 : i32
      %dma_wait3A_92 = tpu.memref_slice %arg10[%add3A_49, %dma_wait3A_91] : memref<10240x128xbf16, #tpu.memory_space<vmem_shared>> -> memref<128x128xbf16, #tpu.memory_space<vmem_shared>>
      tpu.wait_dma2 semaphore(%run_scoped3A : memref<!tpu.dma_semaphore, #tpu.memory_space<semaphore_mem>>) src(%arg9 : memref<128x128xbf16, #tpu.memory_space<vmem>>) dst(%dma_wait3A_92 : memref<128x128xbf16, #tpu.memory_space<vmem_shared>>)
      tpu.yield
    }) : () -> ()
    %barrier3A = arith.constant 0 : index
    tpu.barrier barrier_id(%barrier3A)
    %scan3A_50 = arith.constant 0 : i32
    %scan3A_51 = arith.constant 0 : i32
    %scan3A_52 = arith.constant 20 : i32
    %scan3A_53 = arith.addi %scan3A_51, %scan3A_52 : i32
    %scan3A_54 = arith.constant 1 : i32
    %scan3A_55 = scf.for %scan3A_85 = %scan3A_51 to %scan3A_53 step %scan3A_54 iter_args(%scan3A_86 = %scan3A_50) -> (i32)  : i32 {
      %mul3A_87 = arith.constant 4 : i32
      %mul3A_88 = arith.muli %scan3A_85, %mul3A_87 : i32
      %dma_wait3A_89 = arith.constant 0 : i32
      %dma_wait3A_90 = arith.constant 0 : i32
      %dma_wait3A_91 = arith.constant 0 : i32
      %dma_wait3A_92 = arith.constant 0 : i32
      %dma_wait3A_93 = tpu.memref_slice %arg8[%dma_wait3A_90, %dma_wait3A_91, %dma_wait3A_92] : memref<4x128x128xbf16, #tpu.memory_space<vmem>> -> memref<1x128x128xbf16, #tpu.memory_space<vmem>>
      %dma_wait3A_94 = tpu.memref_squeeze %dma_wait3A_93 : memref<1x128x128xbf16, #tpu.memory_space<vmem>> -> memref<128x128xbf16, #tpu.memory_space<vmem>>
      %dma_wait3A_95 = arith.constant 0 : i32
      %dma_wait3A_96 = tpu.memref_slice %arg6[%dma_wait3A_89, %dma_wait3A_95] : memref<80x128xi32, #tpu.memory_space<vmem>> -> memref<1x128xi32, #tpu.memory_space<vmem>>
      %dma_wait3A_97 = tpu.memref_squeeze %dma_wait3A_96 : memref<1x128xi32, #tpu.memory_space<vmem>> -> memref<128xi32, #tpu.memory_space<vmem>>
      %dma_wait3A_98 = arith.constant 0 : i32
      %dma_wait3A_99 = arith.constant 0 : i32
      %dma_wait3A_100 = tpu.memref_slice %arg2[%dma_wait3A_98, %dma_wait3A_99] : memref<10000x128xbf16, #tpu.memory_space<hbm>> -> memref<10000x128xbf16, #tpu.memory_space<hbm>>
      tpu.wait_indirect_dma semaphore(%arg11 : memref<!tpu.dma_semaphore, #tpu.memory_space<semaphore_mem>>) src(%dma_wait3A_100 : memref<10000x128xbf16, #tpu.memory_space<hbm>>) dst(%dma_wait3A_94 : memref<128x128xbf16, #tpu.memory_space<vmem>>)
      %dma_wait3A_101 = arith.constant 0 : i32
      %dma_wait3A_102 = arith.constant 1 : i32
      %dma_wait3A_103 = arith.constant 0 : i32
      %dma_wait3A_104 = arith.constant 0 : i32
      %dma_wait3A_105 = tpu.memref_slice %arg8[%dma_wait3A_102, %dma_wait3A_103, %dma_wait3A_104] : memref<4x128x128xbf16, #tpu.memory_space<vmem>> -> memref<1x128x128xbf16, #tpu.memory_space<vmem>>
      %dma_wait3A_106 = tpu.memref_squeeze %dma_wait3A_105 : memref<1x128x128xbf16, #tpu.memory_space<vmem>> -> memref<128x128xbf16, #tpu.memory_space<vmem>>
      %dma_wait3A_107 = arith.constant 0 : i32
      %dma_wait3A_108 = tpu.memref_slice %arg6[%dma_wait3A_101, %dma_wait3A_107] : memref<80x128xi32, #tpu.memory_space<vmem>> -> memref<1x128xi32, #tpu.memory_space<vmem>>
      %dma_wait3A_109 = tpu.memref_squeeze %dma_wait3A_108 : memref<1x128xi32, #tpu.memory_space<vmem>> -> memref<128xi32, #tpu.memory_space<vmem>>
      %dma_wait3A_110 = arith.constant 0 : i32
      %dma_wait3A_111 = arith.constant 0 : i32
      %dma_wait3A_112 = tpu.memref_slice %arg2[%dma_wait3A_110, %dma_wait3A_111] : memref<10000x128xbf16, #tpu.memory_space<hbm>> -> memref<10000x128xbf16, #tpu.memory_space<hbm>>
      tpu.wait_indirect_dma semaphore(%arg11 : memref<!tpu.dma_semaphore, #tpu.memory_space<semaphore_mem>>) src(%dma_wait3A_112 : memref<10000x128xbf16, #tpu.memory_space<hbm>>) dst(%dma_wait3A_106 : memref<128x128xbf16, #tpu.memory_space<vmem>>)
      %add3A_113 = arith.constant 0 : i32
      %add3A_114 = arith.addi %mul3A_88, %add3A_113 : i32
      %dma_start3A_115 = arith.constant 0 : i32
      %dma_start3A_116 = arith.constant 0 : i32
      %dma_start3A_117 = arith.constant 0 : i32
      %dma_start3A_118 = tpu.memref_slice %arg8[%dma_start3A_115, %dma_start3A_116, %dma_start3A_117] : memref<4x128x128xbf16, #tpu.memory_space<vmem>> -> memref<1x128x128xbf16, #tpu.memory_space<vmem>>
      %dma_start3A_119 = tpu.memref_squeeze %dma_start3A_118 : memref<1x128x128xbf16, #tpu.memory_space<vmem>> -> memref<128x128xbf16, #tpu.memory_space<vmem>>
      %dma_start3A_120 = arith.constant 0 : i32
      %dma_start3A_121 = tpu.memref_slice %arg7[%add3A_114, %dma_start3A_120] : memref<80x128xi32, #tpu.memory_space<vmem>> -> memref<1x128xi32, #tpu.memory_space<vmem>>
      %dma_start3A_122 = tpu.memref_squeeze %dma_start3A_121 : memref<1x128xi32, #tpu.memory_space<vmem>> -> memref<128xi32, #tpu.memory_space<vmem>>
      %dma_start3A_123 = arith.constant 0 : i32
      %dma_start3A_124 = arith.constant 0 : i32
      %dma_start3A_125 = tpu.memref_slice %arg10[%dma_start3A_123, %dma_start3A_124] : memref<10240x128xbf16, #tpu.memory_space<vmem_shared>> -> memref<10240x128xbf16, #tpu.memory_space<vmem_shared>>
      tpu.enqueue_indirect_dma source(%dma_start3A_119 : memref<128x128xbf16, #tpu.memory_space<vmem>>) target(%dma_start3A_125 : memref<10240x128xbf16, #tpu.memory_space<vmem_shared>>) offsets(%dma_start3A_122 : memref<128xi32, #tpu.memory_space<vmem>>) semaphore(%arg13 : memref<!tpu.dma_semaphore, #tpu.memory_space<semaphore_mem>>) {add = true}
      %add3A_126 = arith.constant 1 : i32
      %add3A_127 = arith.addi %mul3A_88, %add3A_126 : i32
      %dma_start3A_128 = arith.constant 1 : i32
      %dma_start3A_129 = arith.constant 0 : i32
      %dma_start3A_130 = arith.constant 0 : i32
      %dma_start3A_131 = tpu.memref_slice %arg8[%dma_start3A_128, %dma_start3A_129, %dma_start3A_130] : memref<4x128x128xbf16, #tpu.memory_space<vmem>> -> memref<1x128x128xbf16, #tpu.memory_space<vmem>>
      %dma_start3A_132 = tpu.memref_squeeze %dma_start3A_131 : memref<1x128x128xbf16, #tpu.memory_space<vmem>> -> memref<128x128xbf16, #tpu.memory_space<vmem>>
      %dma_start3A_133 = arith.constant 0 : i32
      %dma_start3A_134 = tpu.memref_slice %arg7[%add3A_127, %dma_start3A_133] : memref<80x128xi32, #tpu.memory_space<vmem>> -> memref<1x128xi32, #tpu.memory_space<vmem>>
      %dma_start3A_135 = tpu.memref_squeeze %dma_start3A_134 : memref<1x128xi32, #tpu.memory_space<vmem>> -> memref<128xi32, #tpu.memory_space<vmem>>
      %dma_start3A_136 = arith.constant 0 : i32
      %dma_start3A_137 = arith.constant 0 : i32
      %dma_start3A_138 = tpu.memref_slice %arg10[%dma_start3A_136, %dma_start3A_137] : memref<10240x128xbf16, #tpu.memory_space<vmem_shared>> -> memref<10240x128xbf16, #tpu.memory_space<vmem_shared>>
      tpu.enqueue_indirect_dma source(%dma_start3A_132 : memref<128x128xbf16, #tpu.memory_space<vmem>>) target(%dma_start3A_138 : memref<10240x128xbf16, #tpu.memory_space<vmem_shared>>) offsets(%dma_start3A_135 : memref<128xi32, #tpu.memory_space<vmem>>) semaphore(%arg13 : memref<!tpu.dma_semaphore, #tpu.memory_space<semaphore_mem>>) {add = true}
      %gt3A = arith.constant 0 : i32
      %gt3A_139 = arith.cmpi sgt, %scan3A_85, %gt3A : i32
      %convert_element_type3A = arith.extui %gt3A_139 : i1 to i32
      %cond3A = arith.constant 0 : i32
      %cond3A_140 = arith.cmpi ne, %convert_element_type3A, %cond3A : i32
      scf.if %cond3A_140 {
        %dma_wait3A_250 = arith.constant 2 : i32
        %dma_wait3A_251 = arith.constant 0 : i32
        %dma_wait3A_252 = arith.constant 0 : i32
        %dma_wait3A_253 = arith.constant 0 : i32
        %dma_wait3A_254 = tpu.memref_slice %arg8[%dma_wait3A_250, %dma_wait3A_252, %dma_wait3A_253] : memref<4x128x128xbf16, #tpu.memory_space<vmem>> -> memref<1x128x128xbf16, #tpu.memory_space<vmem>>
        %dma_wait3A_255 = tpu.memref_squeeze %dma_wait3A_254 : memref<1x128x128xbf16, #tpu.memory_space<vmem>> -> memref<128x128xbf16, #tpu.memory_space<vmem>>
        %dma_wait3A_256 = arith.constant 0 : i32
        %dma_wait3A_257 = tpu.memref_slice %arg7[%dma_wait3A_251, %dma_wait3A_256] : memref<80x128xi32, #tpu.memory_space<vmem>> -> memref<1x128xi32, #tpu.memory_space<vmem>>
        %dma_wait3A_258 = tpu.memref_squeeze %dma_wait3A_257 : memref<1x128xi32, #tpu.memory_space<vmem>> -> memref<128xi32, #tpu.memory_space<vmem>>
        %dma_wait3A_259 = arith.constant 0 : i32
        %dma_wait3A_260 = arith.constant 0 : i32
        %dma_wait3A_261 = tpu.memref_slice %arg10[%dma_wait3A_259, %dma_wait3A_260] : memref<10240x128xbf16, #tpu.memory_space<vmem_shared>> -> memref<10240x128xbf16, #tpu.memory_space<vmem_shared>>
        tpu.wait_indirect_dma semaphore(%arg14 : memref<!tpu.dma_semaphore, #tpu.memory_space<semaphore_mem>>) src(%dma_wait3A_255 : memref<128x128xbf16, #tpu.memory_space<vmem>>) dst(%dma_wait3A_261 : memref<10240x128xbf16, #tpu.memory_space<vmem_shared>>)
        %dma_wait3A_262 = arith.constant 3 : i32
        %dma_wait3A_263 = arith.constant 0 : i32
        %dma_wait3A_264 = arith.constant 0 : i32
        %dma_wait3A_265 = arith.constant 0 : i32
        %dma_wait3A_266 = tpu.memref_slice %arg8[%dma_wait3A_262, %dma_wait3A_264, %dma_wait3A_265] : memref<4x128x128xbf16, #tpu.memory_space<vmem>> -> memref<1x128x128xbf16, #tpu.memory_space<vmem>>
        %dma_wait3A_267 = tpu.memref_squeeze %dma_wait3A_266 : memref<1x128x128xbf16, #tpu.memory_space<vmem>> -> memref<128x128xbf16, #tpu.memory_space<vmem>>
        %dma_wait3A_268 = arith.constant 0 : i32
        %dma_wait3A_269 = tpu.memref_slice %arg7[%dma_wait3A_263, %dma_wait3A_268] : memref<80x128xi32, #tpu.memory_space<vmem>> -> memref<1x128xi32, #tpu.memory_space<vmem>>
        %dma_wait3A_270 = tpu.memref_squeeze %dma_wait3A_269 : memref<1x128xi32, #tpu.memory_space<vmem>> -> memref<128xi32, #tpu.memory_space<vmem>>
        %dma_wait3A_271 = arith.constant 0 : i32
        %dma_wait3A_272 = arith.constant 0 : i32
        %dma_wait3A_273 = tpu.memref_slice %arg10[%dma_wait3A_271, %dma_wait3A_272] : memref<10240x128xbf16, #tpu.memory_space<vmem_shared>> -> memref<10240x128xbf16, #tpu.memory_space<vmem_shared>>
        tpu.wait_indirect_dma semaphore(%arg14 : memref<!tpu.dma_semaphore, #tpu.memory_space<semaphore_mem>>) src(%dma_wait3A_267 : memref<128x128xbf16, #tpu.memory_space<vmem>>) dst(%dma_wait3A_273 : memref<10240x128xbf16, #tpu.memory_space<vmem_shared>>)
      } else {
      }
      %add3A_141 = arith.constant 2 : i32
      %add3A_142 = arith.addi %mul3A_88, %add3A_141 : i32
      %add3A_143 = arith.constant 0 : i32
      %add3A_144 = arith.addi %add3A_142, %add3A_143 : i32
      %dma_start3A_145 = arith.constant 2 : i32
      %dma_start3A_146 = arith.constant 0 : i32
      %dma_start3A_147 = arith.constant 0 : i32
      %dma_start3A_148 = tpu.memref_slice %arg8[%dma_start3A_145, %dma_start3A_146, %dma_start3A_147] : memref<4x128x128xbf16, #tpu.memory_space<vmem>> -> memref<1x128x128xbf16, #tpu.memory_space<vmem>>
      %dma_start3A_149 = tpu.memref_squeeze %dma_start3A_148 : memref<1x128x128xbf16, #tpu.memory_space<vmem>> -> memref<128x128xbf16, #tpu.memory_space<vmem>>
      %dma_start3A_150 = arith.constant 0 : i32
      %dma_start3A_151 = tpu.memref_slice %arg6[%add3A_144, %dma_start3A_150] : memref<80x128xi32, #tpu.memory_space<vmem>> -> memref<1x128xi32, #tpu.memory_space<vmem>>
      %dma_start3A_152 = tpu.memref_squeeze %dma_start3A_151 : memref<1x128xi32, #tpu.memory_space<vmem>> -> memref<128xi32, #tpu.memory_space<vmem>>
      %dma_start3A_153 = arith.constant 0 : i32
      %dma_start3A_154 = arith.constant 0 : i32
      %dma_start3A_155 = tpu.memref_slice %arg2[%dma_start3A_153, %dma_start3A_154] : memref<10000x128xbf16, #tpu.memory_space<hbm>> -> memref<10000x128xbf16, #tpu.memory_space<hbm>>
      tpu.enqueue_indirect_dma source(%dma_start3A_155 : memref<10000x128xbf16, #tpu.memory_space<hbm>>) target(%dma_start3A_149 : memref<128x128xbf16, #tpu.memory_space<vmem>>) offsets(%dma_start3A_152 : memref<128xi32, #tpu.memory_space<vmem>>) semaphore(%arg12 : memref<!tpu.dma_semaphore, #tpu.memory_space<semaphore_mem>>)
      %add3A_156 = arith.constant 1 : i32
      %add3A_157 = arith.addi %add3A_142, %add3A_156 : i32
      %dma_start3A_158 = arith.constant 3 : i32
      %dma_start3A_159 = arith.constant 0 : i32
      %dma_start3A_160 = arith.constant 0 : i32
      %dma_start3A_161 = tpu.memref_slice %arg8[%dma_start3A_158, %dma_start3A_159, %dma_start3A_160] : memref<4x128x128xbf16, #tpu.memory_space<vmem>> -> memref<1x128x128xbf16, #tpu.memory_space<vmem>>
      %dma_start3A_162 = tpu.memref_squeeze %dma_start3A_161 : memref<1x128x128xbf16, #tpu.memory_space<vmem>> -> memref<128x128xbf16, #tpu.memory_space<vmem>>
      %dma_start3A_163 = arith.constant 0 : i32
      %dma_start3A_164 = tpu.memref_slice %arg6[%add3A_157, %dma_start3A_163] : memref<80x128xi32, #tpu.memory_space<vmem>> -> memref<1x128xi32, #tpu.memory_space<vmem>>
      %dma_start3A_165 = tpu.memref_squeeze %dma_start3A_164 : memref<1x128xi32, #tpu.memory_space<vmem>> -> memref<128xi32, #tpu.memory_space<vmem>>
      %dma_start3A_166 = arith.constant 0 : i32
      %dma_start3A_167 = arith.constant 0 : i32
      %dma_start3A_168 = tpu.memref_slice %arg2[%dma_start3A_166, %dma_start3A_167] : memref<10000x128xbf16, #tpu.memory_space<hbm>> -> memref<10000x128xbf16, #tpu.memory_space<hbm>>
      tpu.enqueue_indirect_dma source(%dma_start3A_168 : memref<10000x128xbf16, #tpu.memory_space<hbm>>) target(%dma_start3A_162 : memref<128x128xbf16, #tpu.memory_space<vmem>>) offsets(%dma_start3A_165 : memref<128xi32, #tpu.memory_space<vmem>>) semaphore(%arg12 : memref<!tpu.dma_semaphore, #tpu.memory_space<semaphore_mem>>)
      %dma_wait3A_169 = arith.constant 0 : i32
      %dma_wait3A_170 = arith.constant 2 : i32
      %dma_wait3A_171 = arith.constant 0 : i32
      %dma_wait3A_172 = arith.constant 0 : i32
      %dma_wait3A_173 = tpu.memref_slice %arg8[%dma_wait3A_170, %dma_wait3A_171, %dma_wait3A_172] : memref<4x128x128xbf16, #tpu.memory_space<vmem>> -> memref<1x128x128xbf16, #tpu.memory_space<vmem>>
      %dma_wait3A_174 = tpu.memref_squeeze %dma_wait3A_173 : memref<1x128x128xbf16, #tpu.memory_space<vmem>> -> memref<128x128xbf16, #tpu.memory_space<vmem>>
      %dma_wait3A_175 = arith.constant 0 : i32
      %dma_wait3A_176 = tpu.memref_slice %arg6[%dma_wait3A_169, %dma_wait3A_175] : memref<80x128xi32, #tpu.memory_space<vmem>> -> memref<1x128xi32, #tpu.memory_space<vmem>>
      %dma_wait3A_177 = tpu.memref_squeeze %dma_wait3A_176 : memref<1x128xi32, #tpu.memory_space<vmem>> -> memref<128xi32, #tpu.memory_space<vmem>>
      %dma_wait3A_178 = arith.constant 0 : i32
      %dma_wait3A_179 = arith.constant 0 : i32
      %dma_wait3A_180 = tpu.memref_slice %arg2[%dma_wait3A_178, %dma_wait3A_179] : memref<10000x128xbf16, #tpu.memory_space<hbm>> -> memref<10000x128xbf16, #tpu.memory_space<hbm>>
      tpu.wait_indirect_dma semaphore(%arg12 : memref<!tpu.dma_semaphore, #tpu.memory_space<semaphore_mem>>) src(%dma_wait3A_180 : memref<10000x128xbf16, #tpu.memory_space<hbm>>) dst(%dma_wait3A_174 : memref<128x128xbf16, #tpu.memory_space<vmem>>)
      %dma_wait3A_181 = arith.constant 0 : i32
      %dma_wait3A_182 = arith.constant 3 : i32
      %dma_wait3A_183 = arith.constant 0 : i32
      %dma_wait3A_184 = arith.constant 0 : i32
      %dma_wait3A_185 = tpu.memref_slice %arg8[%dma_wait3A_182, %dma_wait3A_183, %dma_wait3A_184] : memref<4x128x128xbf16, #tpu.memory_space<vmem>> -> memref<1x128x128xbf16, #tpu.memory_space<vmem>>
      %dma_wait3A_186 = tpu.memref_squeeze %dma_wait3A_185 : memref<1x128x128xbf16, #tpu.memory_space<vmem>> -> memref<128x128xbf16, #tpu.memory_space<vmem>>
      %dma_wait3A_187 = arith.constant 0 : i32
      %dma_wait3A_188 = tpu.memref_slice %arg6[%dma_wait3A_181, %dma_wait3A_187] : memref<80x128xi32, #tpu.memory_space<vmem>> -> memref<1x128xi32, #tpu.memory_space<vmem>>
      %dma_wait3A_189 = tpu.memref_squeeze %dma_wait3A_188 : memref<1x128xi32, #tpu.memory_space<vmem>> -> memref<128xi32, #tpu.memory_space<vmem>>
      %dma_wait3A_190 = arith.constant 0 : i32
      %dma_wait3A_191 = arith.constant 0 : i32
      %dma_wait3A_192 = tpu.memref_slice %arg2[%dma_wait3A_190, %dma_wait3A_191] : memref<10000x128xbf16, #tpu.memory_space<hbm>> -> memref<10000x128xbf16, #tpu.memory_space<hbm>>
      tpu.wait_indirect_dma semaphore(%arg12 : memref<!tpu.dma_semaphore, #tpu.memory_space<semaphore_mem>>) src(%dma_wait3A_192 : memref<10000x128xbf16, #tpu.memory_space<hbm>>) dst(%dma_wait3A_186 : memref<128x128xbf16, #tpu.memory_space<vmem>>)
      %add3A_193 = arith.constant 2 : i32
      %add3A_194 = arith.addi %mul3A_88, %add3A_193 : i32
      %add3A_195 = arith.constant 0 : i32
      %add3A_196 = arith.addi %add3A_194, %add3A_195 : i32
      %dma_start3A_197 = arith.constant 2 : i32
      %dma_start3A_198 = arith.constant 0 : i32
      %dma_start3A_199 = arith.constant 0 : i32
      %dma_start3A_200 = tpu.memref_slice %arg8[%dma_start3A_197, %dma_start3A_198, %dma_start3A_199] : memref<4x128x128xbf16, #tpu.memory_space<vmem>> -> memref<1x128x128xbf16, #tpu.memory_space<vmem>>
      %dma_start3A_201 = tpu.memref_squeeze %dma_start3A_200 : memref<1x128x128xbf16, #tpu.memory_space<vmem>> -> memref<128x128xbf16, #tpu.memory_space<vmem>>
      %dma_start3A_202 = arith.constant 0 : i32
      %dma_start3A_203 = tpu.memref_slice %arg7[%add3A_196, %dma_start3A_202] : memref<80x128xi32, #tpu.memory_space<vmem>> -> memref<1x128xi32, #tpu.memory_space<vmem>>
      %dma_start3A_204 = tpu.memref_squeeze %dma_start3A_203 : memref<1x128xi32, #tpu.memory_space<vmem>> -> memref<128xi32, #tpu.memory_space<vmem>>
      %dma_start3A_205 = arith.constant 0 : i32
      %dma_start3A_206 = arith.constant 0 : i32
      %dma_start3A_207 = tpu.memref_slice %arg10[%dma_start3A_205, %dma_start3A_206] : memref<10240x128xbf16, #tpu.memory_space<vmem_shared>> -> memref<10240x128xbf16, #tpu.memory_space<vmem_shared>>
      tpu.enqueue_indirect_dma source(%dma_start3A_201 : memref<128x128xbf16, #tpu.memory_space<vmem>>) target(%dma_start3A_207 : memref<10240x128xbf16, #tpu.memory_space<vmem_shared>>) offsets(%dma_start3A_204 : memref<128xi32, #tpu.memory_space<vmem>>) semaphore(%arg14 : memref<!tpu.dma_semaphore, #tpu.memory_space<semaphore_mem>>) {add = true}
      %add3A_208 = arith.constant 1 : i32
      %add3A_209 = arith.addi %add3A_194, %add3A_208 : i32
      %dma_start3A_210 = arith.constant 3 : i32
      %dma_start3A_211 = arith.constant 0 : i32
      %dma_start3A_212 = arith.constant 0 : i32
      %dma_start3A_213 = tpu.memref_slice %arg8[%dma_start3A_210, %dma_start3A_211, %dma_start3A_212] : memref<4x128x128xbf16, #tpu.memory_space<vmem>> -> memref<1x128x128xbf16, #tpu.memory_space<vmem>>
      %dma_start3A_214 = tpu.memref_squeeze %dma_start3A_213 : memref<1x128x128xbf16, #tpu.memory_space<vmem>> -> memref<128x128xbf16, #tpu.memory_space<vmem>>
      %dma_start3A_215 = arith.constant 0 : i32
      %dma_start3A_216 = tpu.memref_slice %arg7[%add3A_209, %dma_start3A_215] : memref<80x128xi32, #tpu.memory_space<vmem>> -> memref<1x128xi32, #tpu.memory_space<vmem>>
      %dma_start3A_217 = tpu.memref_squeeze %dma_start3A_216 : memref<1x128xi32, #tpu.memory_space<vmem>> -> memref<128xi32, #tpu.memory_space<vmem>>
      %dma_start3A_218 = arith.constant 0 : i32
      %dma_start3A_219 = arith.constant 0 : i32
      %dma_start3A_220 = tpu.memref_slice %arg10[%dma_start3A_218, %dma_start3A_219] : memref<10240x128xbf16, #tpu.memory_space<vmem_shared>> -> memref<10240x128xbf16, #tpu.memory_space<vmem_shared>>
      tpu.enqueue_indirect_dma source(%dma_start3A_214 : memref<128x128xbf16, #tpu.memory_space<vmem>>) target(%dma_start3A_220 : memref<10240x128xbf16, #tpu.memory_space<vmem_shared>>) offsets(%dma_start3A_217 : memref<128xi32, #tpu.memory_space<vmem>>) semaphore(%arg14 : memref<!tpu.dma_semaphore, #tpu.memory_space<semaphore_mem>>) {add = true}
      %dma_wait3A_221 = arith.constant 0 : i32
      %dma_wait3A_222 = arith.constant 0 : i32
      %dma_wait3A_223 = arith.constant 0 : i32
      %dma_wait3A_224 = arith.constant 0 : i32
      %dma_wait3A_225 = tpu.memref_slice %arg8[%dma_wait3A_221, %dma_wait3A_223, %dma_wait3A_224] : memref<4x128x128xbf16, #tpu.memory_space<vmem>> -> memref<1x128x128xbf16, #tpu.memory_space<vmem>>
      %dma_wait3A_226 = tpu.memref_squeeze %dma_wait3A_225 : memref<1x128x128xbf16, #tpu.memory_space<vmem>> -> memref<128x128xbf16, #tpu.memory_space<vmem>>
      %dma_wait3A_227 = arith.constant 0 : i32
      %dma_wait3A_228 = tpu.memref_slice %arg7[%dma_wait3A_222, %dma_wait3A_227] : memref<80x128xi32, #tpu.memory_space<vmem>> -> memref<1x128xi32, #tpu.memory_space<vmem>>
      %dma_wait3A_229 = tpu.memref_squeeze %dma_wait3A_228 : memref<1x128xi32, #tpu.memory_space<vmem>> -> memref<128xi32, #tpu.memory_space<vmem>>
      %dma_wait3A_230 = arith.constant 0 : i32
      %dma_wait3A_231 = arith.constant 0 : i32
      %dma_wait3A_232 = tpu.memref_slice %arg10[%dma_wait3A_230, %dma_wait3A_231] : memref<10240x128xbf16, #tpu.memory_space<vmem_shared>> -> memref<10240x128xbf16, #tpu.memory_space<vmem_shared>>
      tpu.wait_indirect_dma semaphore(%arg13 : memref<!tpu.dma_semaphore, #tpu.memory_space<semaphore_mem>>) src(%dma_wait3A_226 : memref<128x128xbf16, #tpu.memory_space<vmem>>) dst(%dma_wait3A_232 : memref<10240x128xbf16, #tpu.memory_space<vmem_shared>>)
      %dma_wait3A_233 = arith.constant 1 : i32
      %dma_wait3A_234 = arith.constant 0 : i32
      %dma_wait3A_235 = arith.constant 0 : i32
      %dma_wait3A_236 = arith.constant 0 : i32
      %dma_wait3A_237 = tpu.memref_slice %arg8[%dma_wait3A_233, %dma_wait3A_235, %dma_wait3A_236] : memref<4x128x128xbf16, #tpu.memory_space<vmem>> -> memref<1x128x128xbf16, #tpu.memory_space<vmem>>
      %dma_wait3A_238 = tpu.memref_squeeze %dma_wait3A_237 : memref<1x128x128xbf16, #tpu.memory_space<vmem>> -> memref<128x128xbf16, #tpu.memory_space<vmem>>
      %dma_wait3A_239 = arith.constant 0 : i32
      %dma_wait3A_240 = tpu.memref_slice %arg7[%dma_wait3A_234, %dma_wait3A_239] : memref<80x128xi32, #tpu.memory_space<vmem>> -> memref<1x128xi32, #tpu.memory_space<vmem>>
      %dma_wait3A_241 = tpu.memref_squeeze %dma_wait3A_240 : memref<1x128xi32, #tpu.memory_space<vmem>> -> memref<128xi32, #tpu.memory_space<vmem>>
      %dma_wait3A_242 = arith.constant 0 : i32
      %dma_wait3A_243 = arith.constant 0 : i32
      %dma_wait3A_244 = tpu.memref_slice %arg10[%dma_wait3A_242, %dma_wait3A_243] : memref<10240x128xbf16, #tpu.memory_space<vmem_shared>> -> memref<10240x128xbf16, #tpu.memory_space<vmem_shared>>
      tpu.wait_indirect_dma semaphore(%arg13 : memref<!tpu.dma_semaphore, #tpu.memory_space<semaphore_mem>>) src(%dma_wait3A_238 : memref<128x128xbf16, #tpu.memory_space<vmem>>) dst(%dma_wait3A_244 : memref<10240x128xbf16, #tpu.memory_space<vmem_shared>>)
      %lt3A = arith.constant 19 : i32
      %lt3A_245 = arith.cmpi slt, %scan3A_85, %lt3A : i32
      %convert_element_type3A_246 = arith.extui %lt3A_245 : i1 to i32
      %cond3A_247 = arith.constant 0 : i32
      %cond3A_248 = arith.cmpi ne, %convert_element_type3A_246, %cond3A_247 : i32
      scf.if %cond3A_248 {
        %add3A_250 = arith.constant 4 : i32
        %add3A_251 = arith.addi %mul3A_88, %add3A_250 : i32
        %add3A_252 = arith.constant 0 : i32
        %add3A_253 = arith.addi %add3A_251, %add3A_252 : i32
        %dma_start3A_254 = arith.constant 0 : i32
        %dma_start3A_255 = arith.constant 0 : i32
        %dma_start3A_256 = arith.constant 0 : i32
        %dma_start3A_257 = tpu.memref_slice %arg8[%dma_start3A_254, %dma_start3A_255, %dma_start3A_256] : memref<4x128x128xbf16, #tpu.memory_space<vmem>> -> memref<1x128x128xbf16, #tpu.memory_space<vmem>>
        %dma_start3A_258 = tpu.memref_squeeze %dma_start3A_257 : memref<1x128x128xbf16, #tpu.memory_space<vmem>> -> memref<128x128xbf16, #tpu.memory_space<vmem>>
        %dma_start3A_259 = arith.constant 0 : i32
        %dma_start3A_260 = tpu.memref_slice %arg6[%add3A_253, %dma_start3A_259] : memref<80x128xi32, #tpu.memory_space<vmem>> -> memref<1x128xi32, #tpu.memory_space<vmem>>
        %dma_start3A_261 = tpu.memref_squeeze %dma_start3A_260 : memref<1x128xi32, #tpu.memory_space<vmem>> -> memref<128xi32, #tpu.memory_space<vmem>>
        %dma_start3A_262 = arith.constant 0 : i32
        %dma_start3A_263 = arith.constant 0 : i32
        %dma_start3A_264 = tpu.memref_slice %arg2[%dma_start3A_262, %dma_start3A_263] : memref<10000x128xbf16, #tpu.memory_space<hbm>> -> memref<10000x128xbf16, #tpu.memory_space<hbm>>
        tpu.enqueue_indirect_dma source(%dma_start3A_264 : memref<10000x128xbf16, #tpu.memory_space<hbm>>) target(%dma_start3A_258 : memref<128x128xbf16, #tpu.memory_space<vmem>>) offsets(%dma_start3A_261 : memref<128xi32, #tpu.memory_space<vmem>>) semaphore(%arg11 : memref<!tpu.dma_semaphore, #tpu.memory_space<semaphore_mem>>)
        %add3A_265 = arith.constant 1 : i32
        %add3A_266 = arith.addi %add3A_251, %add3A_265 : i32
        %dma_start3A_267 = arith.constant 1 : i32
        %dma_start3A_268 = arith.constant 0 : i32
        %dma_start3A_269 = arith.constant 0 : i32
        %dma_start3A_270 = tpu.memref_slice %arg8[%dma_start3A_267, %dma_start3A_268, %dma_start3A_269] : memref<4x128x128xbf16, #tpu.memory_space<vmem>> -> memref<1x128x128xbf16, #tpu.memory_space<vmem>>
        %dma_start3A_271 = tpu.memref_squeeze %dma_start3A_270 : memref<1x128x128xbf16, #tpu.memory_space<vmem>> -> memref<128x128xbf16, #tpu.memory_space<vmem>>
        %dma_start3A_272 = arith.constant 0 : i32
        %dma_start3A_273 = tpu.memref_slice %arg6[%add3A_266, %dma_start3A_272] : memref<80x128xi32, #tpu.memory_space<vmem>> -> memref<1x128xi32, #tpu.memory_space<vmem>>
        %dma_start3A_274 = tpu.memref_squeeze %dma_start3A_273 : memref<1x128xi32, #tpu.memory_space<vmem>> -> memref<128xi32, #tpu.memory_space<vmem>>
        %dma_start3A_275 = arith.constant 0 : i32
        %dma_start3A_276 = arith.constant 0 : i32
        %dma_start3A_277 = tpu.memref_slice %arg2[%dma_start3A_275, %dma_start3A_276] : memref<10000x128xbf16, #tpu.memory_space<hbm>> -> memref<10000x128xbf16, #tpu.memory_space<hbm>>
        tpu.enqueue_indirect_dma source(%dma_start3A_277 : memref<10000x128xbf16, #tpu.memory_space<hbm>>) target(%dma_start3A_271 : memref<128x128xbf16, #tpu.memory_space<vmem>>) offsets(%dma_start3A_274 : memref<128xi32, #tpu.memory_space<vmem>>) semaphore(%arg11 : memref<!tpu.dma_semaphore, #tpu.memory_space<semaphore_mem>>)
      } else {
      }
      %scan3A_249 = arith.constant 0 : i32
      scf.yield %scan3A_249 : i32
    }
    %scan3A_56 = arith.constant 20 : i32
    %dma_wait3A = arith.constant 2 : i32
    %dma_wait3A_57 = arith.constant 0 : i32
    %dma_wait3A_58 = arith.constant 0 : i32
    %dma_wait3A_59 = arith.constant 0 : i32
    %dma_wait3A_60 = tpu.memref_slice %arg8[%dma_wait3A, %dma_wait3A_58, %dma_wait3A_59] : memref<4x128x128xbf16, #tpu.memory_space<vmem>> -> memref<1x128x128xbf16, #tpu.memory_space<vmem>>
    %dma_wait3A_61 = tpu.memref_squeeze %dma_wait3A_60 : memref<1x128x128xbf16, #tpu.memory_space<vmem>> -> memref<128x128xbf16, #tpu.memory_space<vmem>>
    %dma_wait3A_62 = arith.constant 0 : i32
    %dma_wait3A_63 = tpu.memref_slice %arg7[%dma_wait3A_57, %dma_wait3A_62] : memref<80x128xi32, #tpu.memory_space<vmem>> -> memref<1x128xi32, #tpu.memory_space<vmem>>
    %dma_wait3A_64 = tpu.memref_squeeze %dma_wait3A_63 : memref<1x128xi32, #tpu.memory_space<vmem>> -> memref<128xi32, #tpu.memory_space<vmem>>
    %dma_wait3A_65 = arith.constant 0 : i32
    %dma_wait3A_66 = arith.constant 0 : i32
    %dma_wait3A_67 = tpu.memref_slice %arg10[%dma_wait3A_65, %dma_wait3A_66] : memref<10240x128xbf16, #tpu.memory_space<vmem_shared>> -> memref<10240x128xbf16, #tpu.memory_space<vmem_shared>>
    tpu.wait_indirect_dma semaphore(%arg14 : memref<!tpu.dma_semaphore, #tpu.memory_space<semaphore_mem>>) src(%dma_wait3A_61 : memref<128x128xbf16, #tpu.memory_space<vmem>>) dst(%dma_wait3A_67 : memref<10240x128xbf16, #tpu.memory_space<vmem_shared>>)
    %dma_wait3A_68 = arith.constant 3 : i32
    %dma_wait3A_69 = arith.constant 0 : i32
    %dma_wait3A_70 = arith.constant 0 : i32
    %dma_wait3A_71 = arith.constant 0 : i32
    %dma_wait3A_72 = tpu.memref_slice %arg8[%dma_wait3A_68, %dma_wait3A_70, %dma_wait3A_71] : memref<4x128x128xbf16, #tpu.memory_space<vmem>> -> memref<1x128x128xbf16, #tpu.memory_space<vmem>>
    %dma_wait3A_73 = tpu.memref_squeeze %dma_wait3A_72 : memref<1x128x128xbf16, #tpu.memory_space<vmem>> -> memref<128x128xbf16, #tpu.memory_space<vmem>>
    %dma_wait3A_74 = arith.constant 0 : i32
    %dma_wait3A_75 = tpu.memref_slice %arg7[%dma_wait3A_69, %dma_wait3A_74] : memref<80x128xi32, #tpu.memory_space<vmem>> -> memref<1x128xi32, #tpu.memory_space<vmem>>
    %dma_wait3A_76 = tpu.memref_squeeze %dma_wait3A_75 : memref<1x128xi32, #tpu.memory_space<vmem>> -> memref<128xi32, #tpu.memory_space<vmem>>
    %dma_wait3A_77 = arith.constant 0 : i32
    %dma_wait3A_78 = arith.constant 0 : i32
    %dma_wait3A_79 = tpu.memref_slice %arg10[%dma_wait3A_77, %dma_wait3A_78] : memref<10240x128xbf16, #tpu.memory_space<vmem_shared>> -> memref<10240x128xbf16, #tpu.memory_space<vmem_shared>>
    tpu.wait_indirect_dma semaphore(%arg14 : memref<!tpu.dma_semaphore, #tpu.memory_space<semaphore_mem>>) src(%dma_wait3A_73 : memref<128x128xbf16, #tpu.memory_space<vmem>>) dst(%dma_wait3A_79 : memref<10240x128xbf16, #tpu.memory_space<vmem_shared>>)
    %barrier3A_80 = arith.constant 0 : index
    tpu.barrier barrier_id(%barrier3A_80)
    %mul3A_81 = arith.constant 640 : i32
    %mul3A_82 = arith.muli %arg1, %mul3A_81 : i32
    %mul3A_83 = arith.constant 640 : i32
    %mul3A_84 = arith.muli %arg1, %mul3A_83 : i32
    "tpu.region"() ({
      %run_scoped3A = tpu.sem_alloc : memref<!tpu.dma_semaphore, #tpu.memory_space<semaphore_mem>>
      %dma_start3A_85 = arith.constant 0 : i32
      %dma_start3A_86 = tpu.memref_slice %arg5[%arg0, %mul3A_84, %dma_start3A_85] : memref<2x10240x128xbf16, #tpu.memory_space<hbm>> -> memref<1x640x128xbf16, #tpu.memory_space<hbm>>
      %dma_start3A_87 = tpu.memref_squeeze %dma_start3A_86 : memref<1x640x128xbf16, #tpu.memory_space<hbm>> -> memref<640x128xbf16, #tpu.memory_space<hbm>>
      %dma_start3A_88 = arith.constant 0 : i32
      %dma_start3A_89 = tpu.memref_slice %arg10[%mul3A_82, %dma_start3A_88] : memref<10240x128xbf16, #tpu.memory_space<vmem_shared>> -> memref<640x128xbf16, #tpu.memory_space<vmem_shared>>
      tpu.enqueue_dma source(%dma_start3A_89 : memref<640x128xbf16, #tpu.memory_space<vmem_shared>>) target(%dma_start3A_87 : memref<640x128xbf16, #tpu.memory_space<hbm>>) target_semaphore(%run_scoped3A : memref<!tpu.dma_semaphore, #tpu.memory_space<semaphore_mem>>)
      %dma_wait3A_90 = arith.constant 0 : i32
      %dma_wait3A_91 = tpu.memref_slice %arg5[%arg0, %mul3A_84, %dma_wait3A_90] : memref<2x10240x128xbf16, #tpu.memory_space<hbm>> -> memref<1x640x128xbf16, #tpu.memory_space<hbm>>
      %dma_wait3A_92 = tpu.memref_squeeze %dma_wait3A_91 : memref<1x640x128xbf16, #tpu.memory_space<hbm>> -> memref<640x128xbf16, #tpu.memory_space<hbm>>
      %dma_wait3A_93 = arith.constant 0 : i32
      %dma_wait3A_94 = tpu.memref_slice %arg10[%mul3A_82, %dma_wait3A_93] : memref<10240x128xbf16, #tpu.memory_space<vmem_shared>> -> memref<640x128xbf16, #tpu.memory_space<vmem_shared>>
      tpu.wait_dma2 semaphore(%run_scoped3A : memref<!tpu.dma_semaphore, #tpu.memory_space<semaphore_mem>>) src(%dma_wait3A_94 : memref<640x128xbf16, #tpu.memory_space<vmem_shared>>) dst(%dma_wait3A_92 : memref<640x128xbf16, #tpu.memory_space<hbm>>)
      tpu.yield
    }) : () -> ()
    return
  }
}

#map = affine_map<(d0, d1) -> (0, 0)>
#map1 = affine_map<(d0, d1) -> (0, 0, 0)>
module attributes {stable_mosaic.version = 14 : i64} {
  func.func @seg_sum(%arg0: i32, %arg1: i32, %arg2: memref<10000x128xbf16, #tpu.memory_space<hbm>>, %arg3: memref<32x80x128xi32, #tpu.memory_space<hbm>>, %arg4: memref<32x80x128xi32, #tpu.memory_space<hbm>>, %arg5: memref<2x10240x128xbf16, #tpu.memory_space<hbm>>, %arg6: memref<80x128xi32, #tpu.memory_space<vmem>>, %arg7: memref<80x128xi32, #tpu.memory_space<vmem>>, %arg8: memref<4x128x128xbf16, #tpu.memory_space<vmem>>, %arg9: memref<128x128xbf16, #tpu.memory_space<vmem>>, %arg10: memref<10240x128xbf16, #tpu.memory_space<vmem_shared>>, %arg11: memref<!tpu.dma_semaphore, #tpu.memory_space<semaphore_mem>>, %arg12: memref<!tpu.dma_semaphore, #tpu.memory_space<semaphore_mem>>, %arg13: memref<!tpu.dma_semaphore, #tpu.memory_space<semaphore_mem>>, %arg14: memref<!tpu.dma_semaphore, #tpu.memory_space<semaphore_mem>>) attributes {dimension_semantics = [#tpu.dimension_semantics<core_parallel>, #tpu.dimension_semantics<subcore_parallel>], iteration_bounds = array<i64: 2, 16>, scalar_prefetch = 0 : i64, scratch_operands = 9 : i64, tpu.core_type = #tpu.core_type<sc_vector_subcore>, window_params = [{transform_indices = #map}, {transform_indices = #map1}, {transform_indices = #map1}, {transform_indices = #map1}]} {
    %mul3A = arith.constant 2 : i32
    %mul3A_0 = arith.muli %arg1, %mul3A : i32
    %add3A = arith.addi %mul3A_0, %arg0 : i32
    "tpu.region"() ({
      %run_scoped3A = tpu.sem_alloc : memref<!tpu.dma_semaphore, #tpu.memory_space<semaphore_mem>>
      %dma_start3A_85 = arith.constant 0 : i32
      %dma_start3A_86 = arith.constant 0 : i32
      %dma_start3A_87 = tpu.memref_slice %arg3[%add3A, %dma_start3A_85, %dma_start3A_86] : memref<32x80x128xi32, #tpu.memory_space<hbm>> -> memref<1x80x128xi32, #tpu.memory_space<hbm>>
      %dma_start3A_88 = tpu.memref_squeeze %dma_start3A_87 : memref<1x80x128xi32, #tpu.memory_space<hbm>> -> memref<80x128xi32, #tpu.memory_space<hbm>>
      %dma_start3A_89 = arith.constant 0 : i32
      %dma_start3A_90 = arith.constant 0 : i32
      %dma_start3A_91 = tpu.memref_slice %arg3[%add3A, %dma_start3A_89, %dma_start3A_90] : memref<32x80x128xi32, #tpu.memory_space<hbm>> -> memref<1x80x128xi32, #tpu.memory_space<hbm>>
      %dma_start3A_92 = tpu.memref_squeeze %dma_start3A_91 : memref<1x80x128xi32, #tpu.memory_space<hbm>> -> memref<80x128xi32, #tpu.memory_space<hbm>>
      tpu.enqueue_dma source(%dma_start3A_92 : memref<80x128xi32, #tpu.memory_space<hbm>>) target(%arg6 : memref<80x128xi32, #tpu.memory_space<vmem>>) target_semaphore(%run_scoped3A : memref<!tpu.dma_semaphore, #tpu.memory_space<semaphore_mem>>)
      %dma_wait3A_93 = arith.constant 0 : i32
      %dma_wait3A_94 = arith.constant 0 : i32
      %dma_wait3A_95 = tpu.memref_slice %arg3[%add3A, %dma_wait3A_93, %dma_wait3A_94] : memref<32x80x128xi32, #tpu.memory_space<hbm>> -> memref<1x80x128xi32, #tpu.memory_space<hbm>>
      %dma_wait3A_96 = tpu.memref_squeeze %dma_wait3A_95 : memref<1x80x128xi32, #tpu.memory_space<hbm>> -> memref<80x128xi32, #tpu.memory_space<hbm>>
      %dma_wait3A_97 = arith.constant 0 : i32
      %dma_wait3A_98 = arith.constant 0 : i32
      %dma_wait3A_99 = tpu.memref_slice %arg3[%add3A, %dma_wait3A_97, %dma_wait3A_98] : memref<32x80x128xi32, #tpu.memory_space<hbm>> -> memref<1x80x128xi32, #tpu.memory_space<hbm>>
      %dma_wait3A_100 = tpu.memref_squeeze %dma_wait3A_99 : memref<1x80x128xi32, #tpu.memory_space<hbm>> -> memref<80x128xi32, #tpu.memory_space<hbm>>
      tpu.wait_dma2 semaphore(%run_scoped3A : memref<!tpu.dma_semaphore, #tpu.memory_space<semaphore_mem>>) src(%dma_wait3A_100 : memref<80x128xi32, #tpu.memory_space<hbm>>) dst(%arg6 : memref<80x128xi32, #tpu.memory_space<vmem>>)
      tpu.yield
    }) : () -> ()
    "tpu.region"() ({
      %run_scoped3A = tpu.sem_alloc : memref<!tpu.dma_semaphore, #tpu.memory_space<semaphore_mem>>
      %dma_start3A_85 = arith.constant 0 : i32
      %dma_start3A_86 = arith.constant 0 : i32
      %dma_start3A_87 = tpu.memref_slice %arg4[%add3A, %dma_start3A_85, %dma_start3A_86] : memref<32x80x128xi32, #tpu.memory_space<hbm>> -> memref<1x80x128xi32, #tpu.memory_space<hbm>>
      %dma_start3A_88 = tpu.memref_squeeze %dma_start3A_87 : memref<1x80x128xi32, #tpu.memory_space<hbm>> -> memref<80x128xi32, #tpu.memory_space<hbm>>
      %dma_start3A_89 = arith.constant 0 : i32
      %dma_start3A_90 = arith.constant 0 : i32
      %dma_start3A_91 = tpu.memref_slice %arg4[%add3A, %dma_start3A_89, %dma_start3A_90] : memref<32x80x128xi32, #tpu.memory_space<hbm>> -> memref<1x80x128xi32, #tpu.memory_space<hbm>>
      %dma_start3A_92 = tpu.memref_squeeze %dma_start3A_91 : memref<1x80x128xi32, #tpu.memory_space<hbm>> -> memref<80x128xi32, #tpu.memory_space<hbm>>
      tpu.enqueue_dma source(%dma_start3A_92 : memref<80x128xi32, #tpu.memory_space<hbm>>) target(%arg7 : memref<80x128xi32, #tpu.memory_space<vmem>>) target_semaphore(%run_scoped3A : memref<!tpu.dma_semaphore, #tpu.memory_space<semaphore_mem>>)
      %dma_wait3A_93 = arith.constant 0 : i32
      %dma_wait3A_94 = arith.constant 0 : i32
      %dma_wait3A_95 = tpu.memref_slice %arg4[%add3A, %dma_wait3A_93, %dma_wait3A_94] : memref<32x80x128xi32, #tpu.memory_space<hbm>> -> memref<1x80x128xi32, #tpu.memory_space<hbm>>
      %dma_wait3A_96 = tpu.memref_squeeze %dma_wait3A_95 : memref<1x80x128xi32, #tpu.memory_space<hbm>> -> memref<80x128xi32, #tpu.memory_space<hbm>>
      %dma_wait3A_97 = arith.constant 0 : i32
      %dma_wait3A_98 = arith.constant 0 : i32
      %dma_wait3A_99 = tpu.memref_slice %arg4[%add3A, %dma_wait3A_97, %dma_wait3A_98] : memref<32x80x128xi32, #tpu.memory_space<hbm>> -> memref<1x80x128xi32, #tpu.memory_space<hbm>>
      %dma_wait3A_100 = tpu.memref_squeeze %dma_wait3A_99 : memref<1x80x128xi32, #tpu.memory_space<hbm>> -> memref<80x128xi32, #tpu.memory_space<hbm>>
      tpu.wait_dma2 semaphore(%run_scoped3A : memref<!tpu.dma_semaphore, #tpu.memory_space<semaphore_mem>>) src(%dma_wait3A_100 : memref<80x128xi32, #tpu.memory_space<hbm>>) dst(%arg7 : memref<80x128xi32, #tpu.memory_space<vmem>>)
      tpu.yield
    }) : () -> ()
    %dma_start3A = arith.constant 0 : i32
    %dma_start3A_1 = arith.constant 0 : i32
    %dma_start3A_2 = arith.constant 0 : i32
    %dma_start3A_3 = arith.constant 0 : i32
    %dma_start3A_4 = tpu.memref_slice %arg8[%dma_start3A_1, %dma_start3A_2, %dma_start3A_3] : memref<4x128x128xbf16, #tpu.memory_space<vmem>> -> memref<1x128x128xbf16, #tpu.memory_space<vmem>>
    %dma_start3A_5 = tpu.memref_squeeze %dma_start3A_4 : memref<1x128x128xbf16, #tpu.memory_space<vmem>> -> memref<128x128xbf16, #tpu.memory_space<vmem>>
    %dma_start3A_6 = arith.constant 0 : i32
    %dma_start3A_7 = tpu.memref_slice %arg6[%dma_start3A, %dma_start3A_6] : memref<80x128xi32, #tpu.memory_space<vmem>> -> memref<1x128xi32, #tpu.memory_space<vmem>>
    %dma_start3A_8 = tpu.memref_squeeze %dma_start3A_7 : memref<1x128xi32, #tpu.memory_space<vmem>> -> memref<128xi32, #tpu.memory_space<vmem>>
    %dma_start3A_9 = arith.constant 0 : i32
    %dma_start3A_10 = arith.constant 0 : i32
    %dma_start3A_11 = tpu.memref_slice %arg2[%dma_start3A_9, %dma_start3A_10] : memref<10000x128xbf16, #tpu.memory_space<hbm>> -> memref<10000x128xbf16, #tpu.memory_space<hbm>>
    tpu.enqueue_indirect_dma source(%dma_start3A_11 : memref<10000x128xbf16, #tpu.memory_space<hbm>>) target(%dma_start3A_5 : memref<128x128xbf16, #tpu.memory_space<vmem>>) offsets(%dma_start3A_8 : memref<128xi32, #tpu.memory_space<vmem>>) semaphore(%arg11 : memref<!tpu.dma_semaphore, #tpu.memory_space<semaphore_mem>>)
    %dma_start3A_12 = arith.constant 1 : i32
    %dma_start3A_13 = arith.constant 1 : i32
    %dma_start3A_14 = arith.constant 0 : i32
    %dma_start3A_15 = arith.constant 0 : i32
    %dma_start3A_16 = tpu.memref_slice %arg8[%dma_start3A_13, %dma_start3A_14, %dma_start3A_15] : memref<4x128x128xbf16, #tpu.memory_space<vmem>> -> memref<1x128x128xbf16, #tpu.memory_space<vmem>>
    %dma_start3A_17 = tpu.memref_squeeze %dma_start3A_16 : memref<1x128x128xbf16, #tpu.memory_space<vmem>> -> memref<128x128xbf16, #tpu.memory_space<vmem>>
    %dma_start3A_18 = arith.constant 0 : i32
    %dma_start3A_19 = tpu.memref_slice %arg6[%dma_start3A_12, %dma_start3A_18] : memref<80x128xi32, #tpu.memory_space<vmem>> -> memref<1x128xi32, #tpu.memory_space<vmem>>
    %dma_start3A_20 = tpu.memref_squeeze %dma_start3A_19 : memref<1x128xi32, #tpu.memory_space<vmem>> -> memref<128xi32, #tpu.memory_space<vmem>>
    %dma_start3A_21 = arith.constant 0 : i32
    %dma_start3A_22 = arith.constant 0 : i32
    %dma_start3A_23 = tpu.memref_slice %arg2[%dma_start3A_21, %dma_start3A_22] : memref<10000x128xbf16, #tpu.memory_space<hbm>> -> memref<10000x128xbf16, #tpu.memory_space<hbm>>
    tpu.enqueue_indirect_dma source(%dma_start3A_23 : memref<10000x128xbf16, #tpu.memory_space<hbm>>) target(%dma_start3A_17 : memref<128x128xbf16, #tpu.memory_space<vmem>>) offsets(%dma_start3A_20 : memref<128xi32, #tpu.memory_space<vmem>>) semaphore(%arg11 : memref<!tpu.dma_semaphore, #tpu.memory_space<semaphore_mem>>)
    %scan3A = arith.constant 0 : i32
    %scan3A_24 = arith.constant 0 : i32
    %scan3A_25 = arith.constant 128 : i32
    %scan3A_26 = arith.addi %scan3A_24, %scan3A_25 : i32
    %scan3A_27 = arith.constant 1 : i32
    %scan3A_28 = scf.for %scan3A_85 = %scan3A_24 to %scan3A_26 step %scan3A_27 iter_args(%scan3A_86 = %scan3A) -> (i32)  : i32 {
      %broadcast_in_dim3A = arith.constant 0.000000e+00 : bf16
      %broadcast_in_dim3A_87 = vector.broadcast %broadcast_in_dim3A : bf16 to vector<32xbf16>
      %swap3A = arith.index_cast %scan3A_85 : i32 to index
      %swap3A_88 = arith.constant 0 : index
      %swap3A_89 = tpu.vector_load %arg9[%swap3A, %swap3A_88] {strides = array<i32>} : memref<128x128xbf16, #tpu.memory_space<vmem>>, vector<1x32xbf16>,
      %swap3A_90 = vector.shape_cast %swap3A_89 : vector<1x32xbf16> to vector<32xbf16>
      %swap3A_91 = vector.shape_cast %broadcast_in_dim3A_87 : vector<32xbf16> to vector<1x32xbf16>
      tpu.vector_store %arg9[%swap3A, %swap3A_88], %swap3A_91 {strides = array<i32>} : memref<128x128xbf16, #tpu.memory_space<vmem>>, vector<1x32xbf16>,
      %broadcast_in_dim3A_92 = arith.constant 0.000000e+00 : bf16
      %broadcast_in_dim3A_93 = vector.broadcast %broadcast_in_dim3A_92 : bf16 to vector<32xbf16>
      %swap3A_94 = arith.index_cast %scan3A_85 : i32 to index
      %swap3A_95 = arith.constant 32 : index
      %swap3A_96 = tpu.vector_load %arg9[%swap3A_94, %swap3A_95] {strides = array<i32>} : memref<128x128xbf16, #tpu.memory_space<vmem>>, vector<1x32xbf16>,
      %swap3A_97 = vector.shape_cast %swap3A_96 : vector<1x32xbf16> to vector<32xbf16>
      %swap3A_98 = vector.shape_cast %broadcast_in_dim3A_93 : vector<32xbf16> to vector<1x32xbf16>
      tpu.vector_store %arg9[%swap3A_94, %swap3A_95], %swap3A_98 {strides = array<i32>} : memref<128x128xbf16, #tpu.memory_space<vmem>>, vector<1x32xbf16>,
      %broadcast_in_dim3A_99 = arith.constant 0.000000e+00 : bf16
      %broadcast_in_dim3A_100 = vector.broadcast %broadcast_in_dim3A_99 : bf16 to vector<32xbf16>
      %swap3A_101 = arith.index_cast %scan3A_85 : i32 to index
      %swap3A_102 = arith.constant 64 : index
      %swap3A_103 = tpu.vector_load %arg9[%swap3A_101, %swap3A_102] {strides = array<i32>} : memref<128x128xbf16, #tpu.memory_space<vmem>>, vector<1x32xbf16>,
      %swap3A_104 = vector.shape_cast %swap3A_103 : vector<1x32xbf16> to vector<32xbf16>
      %swap3A_105 = vector.shape_cast %broadcast_in_dim3A_100 : vector<32xbf16> to vector<1x32xbf16>
      tpu.vector_store %arg9[%swap3A_101, %swap3A_102], %swap3A_105 {strides = array<i32>} : memref<128x128xbf16, #tpu.memory_space<vmem>>, vector<1x32xbf16>,
      %broadcast_in_dim3A_106 = arith.constant 0.000000e+00 : bf16
      %broadcast_in_dim3A_107 = vector.broadcast %broadcast_in_dim3A_106 : bf16 to vector<32xbf16>
      %swap3A_108 = arith.index_cast %scan3A_85 : i32 to index
      %swap3A_109 = arith.constant 96 : index
      %swap3A_110 = tpu.vector_load %arg9[%swap3A_108, %swap3A_109] {strides = array<i32>} : memref<128x128xbf16, #tpu.memory_space<vmem>>, vector<1x32xbf16>,
      %swap3A_111 = vector.shape_cast %swap3A_110 : vector<1x32xbf16> to vector<32xbf16>
      %swap3A_112 = vector.shape_cast %broadcast_in_dim3A_107 : vector<32xbf16> to vector<1x32xbf16>
      tpu.vector_store %arg9[%swap3A_108, %swap3A_109], %swap3A_112 {strides = array<i32>} : memref<128x128xbf16, #tpu.memory_space<vmem>>, vector<1x32xbf16>,
      %scan3A_113 = arith.constant 0 : i32
      scf.yield %scan3A_113 : i32
    }
    %scan3A_29 = arith.constant 128 : i32
    %mul3A_30 = arith.constant 640 : i32
    %mul3A_31 = arith.muli %arg1, %mul3A_30 : i32
    %add3A_32 = arith.constant 0 : i32
    %add3A_33 = arith.addi %mul3A_31, %add3A_32 : i32
    "tpu.region"() ({
      %run_scoped3A = tpu.sem_alloc : memref<!tpu.dma_semaphore, #tpu.memory_space<semaphore_mem>>
      %dma_start3A_85 = arith.constant 0 : i32
      %dma_start3A_86 = tpu.memref_slice %arg10[%add3A_33, %dma_start3A_85] : memref<10240x128xbf16, #tpu.memory_space<vmem_shared>> -> memref<128x128xbf16, #tpu.memory_space<vmem_shared>>
      %dma_start3A_87 = arith.constant 0 : i32
      %dma_start3A_88 = tpu.memref_slice %arg10[%add3A_33, %dma_start3A_87] : memref<10240x128xbf16, #tpu.memory_space<vmem_shared>> -> memref<128x128xbf16, #tpu.memory_space<vmem_shared>>
      tpu.enqueue_dma source(%arg9 : memref<128x128xbf16, #tpu.memory_space<vmem>>) target(%dma_start3A_88 : memref<128x128xbf16, #tpu.memory_space<vmem_shared>>) target_semaphore(%run_scoped3A : memref<!tpu.dma_semaphore, #tpu.memory_space<semaphore_mem>>)
      %dma_wait3A_89 = arith.constant 0 : i32
      %dma_wait3A_90 = tpu.memref_slice %arg10[%add3A_33, %dma_wait3A_89] : memref<10240x128xbf16, #tpu.memory_space<vmem_shared>> -> memref<128x128xbf16, #tpu.memory_space<vmem_shared>>
      %dma_wait3A_91 = arith.constant 0 : i32
      %dma_wait3A_92 = tpu.memref_slice %arg10[%add3A_33, %dma_wait3A_91] : memref<10240x128xbf16, #tpu.memory_space<vmem_shared>> -> memref<128x128xbf16, #tpu.memory_space<vmem_shared>>
      tpu.wait_dma2 semaphore(%run_scoped3A : memref<!tpu.dma_semaphore, #tpu.memory_space<semaphore_mem>>) src(%arg9 : memref<128x128xbf16, #tpu.memory_space<vmem>>) dst(%dma_wait3A_92 : memref<128x128xbf16, #tpu.memory_space<vmem_shared>>)
      tpu.yield
    }) : () -> ()
    %mul3A_34 = arith.constant 640 : i32
    %mul3A_35 = arith.muli %arg1, %mul3A_34 : i32
    %add3A_36 = arith.constant 128 : i32
    %add3A_37 = arith.addi %mul3A_35, %add3A_36 : i32
    "tpu.region"() ({
      %run_scoped3A = tpu.sem_alloc : memref<!tpu.dma_semaphore, #tpu.memory_space<semaphore_mem>>
      %dma_start3A_85 = arith.constant 0 : i32
      %dma_start3A_86 = tpu.memref_slice %arg10[%add3A_37, %dma_start3A_85] : memref<10240x128xbf16, #tpu.memory_space<vmem_shared>> -> memref<128x128xbf16, #tpu.memory_space<vmem_shared>>
      %dma_start3A_87 = arith.constant 0 : i32
      %dma_start3A_88 = tpu.memref_slice %arg10[%add3A_37, %dma_start3A_87] : memref<10240x128xbf16, #tpu.memory_space<vmem_shared>> -> memref<128x128xbf16, #tpu.memory_space<vmem_shared>>
      tpu.enqueue_dma source(%arg9 : memref<128x128xbf16, #tpu.memory_space<vmem>>) target(%dma_start3A_88 : memref<128x128xbf16, #tpu.memory_space<vmem_shared>>) target_semaphore(%run_scoped3A : memref<!tpu.dma_semaphore, #tpu.memory_space<semaphore_mem>>)
      %dma_wait3A_89 = arith.constant 0 : i32
      %dma_wait3A_90 = tpu.memref_slice %arg10[%add3A_37, %dma_wait3A_89] : memref<10240x128xbf16, #tpu.memory_space<vmem_shared>> -> memref<128x128xbf16, #tpu.memory_space<vmem_shared>>
      %dma_wait3A_91 = arith.constant 0 : i32
      %dma_wait3A_92 = tpu.memref_slice %arg10[%add3A_37, %dma_wait3A_91] : memref<10240x128xbf16, #tpu.memory_space<vmem_shared>> -> memref<128x128xbf16, #tpu.memory_space<vmem_shared>>
      tpu.wait_dma2 semaphore(%run_scoped3A : memref<!tpu.dma_semaphore, #tpu.memory_space<semaphore_mem>>) src(%arg9 : memref<128x128xbf16, #tpu.memory_space<vmem>>) dst(%dma_wait3A_92 : memref<128x128xbf16, #tpu.memory_space<vmem_shared>>)
      tpu.yield
    }) : () -> ()
    %mul3A_38 = arith.constant 640 : i32
    %mul3A_39 = arith.muli %arg1, %mul3A_38 : i32
    %add3A_40 = arith.constant 256 : i32
    %add3A_41 = arith.addi %mul3A_39, %add3A_40 : i32
    "tpu.region"() ({
      %run_scoped3A = tpu.sem_alloc : memref<!tpu.dma_semaphore, #tpu.memory_space<semaphore_mem>>
      %dma_start3A_85 = arith.constant 0 : i32
      %dma_start3A_86 = tpu.memref_slice %arg10[%add3A_41, %dma_start3A_85] : memref<10240x128xbf16, #tpu.memory_space<vmem_shared>> -> memref<128x128xbf16, #tpu.memory_space<vmem_shared>>
      %dma_start3A_87 = arith.constant 0 : i32
      %dma_start3A_88 = tpu.memref_slice %arg10[%add3A_41, %dma_start3A_87] : memref<10240x128xbf16, #tpu.memory_space<vmem_shared>> -> memref<128x128xbf16, #tpu.memory_space<vmem_shared>>
      tpu.enqueue_dma source(%arg9 : memref<128x128xbf16, #tpu.memory_space<vmem>>) target(%dma_start3A_88 : memref<128x128xbf16, #tpu.memory_space<vmem_shared>>) target_semaphore(%run_scoped3A : memref<!tpu.dma_semaphore, #tpu.memory_space<semaphore_mem>>)
      %dma_wait3A_89 = arith.constant 0 : i32
      %dma_wait3A_90 = tpu.memref_slice %arg10[%add3A_41, %dma_wait3A_89] : memref<10240x128xbf16, #tpu.memory_space<vmem_shared>> -> memref<128x128xbf16, #tpu.memory_space<vmem_shared>>
      %dma_wait3A_91 = arith.constant 0 : i32
      %dma_wait3A_92 = tpu.memref_slice %arg10[%add3A_41, %dma_wait3A_91] : memref<10240x128xbf16, #tpu.memory_space<vmem_shared>> -> memref<128x128xbf16, #tpu.memory_space<vmem_shared>>
      tpu.wait_dma2 semaphore(%run_scoped3A : memref<!tpu.dma_semaphore, #tpu.memory_space<semaphore_mem>>) src(%arg9 : memref<128x128xbf16, #tpu.memory_space<vmem>>) dst(%dma_wait3A_92 : memref<128x128xbf16, #tpu.memory_space<vmem_shared>>)
      tpu.yield
    }) : () -> ()
    %mul3A_42 = arith.constant 640 : i32
    %mul3A_43 = arith.muli %arg1, %mul3A_42 : i32
    %add3A_44 = arith.constant 384 : i32
    %add3A_45 = arith.addi %mul3A_43, %add3A_44 : i32
    "tpu.region"() ({
      %run_scoped3A = tpu.sem_alloc : memref<!tpu.dma_semaphore, #tpu.memory_space<semaphore_mem>>
      %dma_start3A_85 = arith.constant 0 : i32
      %dma_start3A_86 = tpu.memref_slice %arg10[%add3A_45, %dma_start3A_85] : memref<10240x128xbf16, #tpu.memory_space<vmem_shared>> -> memref<128x128xbf16, #tpu.memory_space<vmem_shared>>
      %dma_start3A_87 = arith.constant 0 : i32
      %dma_start3A_88 = tpu.memref_slice %arg10[%add3A_45, %dma_start3A_87] : memref<10240x128xbf16, #tpu.memory_space<vmem_shared>> -> memref<128x128xbf16, #tpu.memory_space<vmem_shared>>
      tpu.enqueue_dma source(%arg9 : memref<128x128xbf16, #tpu.memory_space<vmem>>) target(%dma_start3A_88 : memref<128x128xbf16, #tpu.memory_space<vmem_shared>>) target_semaphore(%run_scoped3A : memref<!tpu.dma_semaphore, #tpu.memory_space<semaphore_mem>>)
      %dma_wait3A_89 = arith.constant 0 : i32
      %dma_wait3A_90 = tpu.memref_slice %arg10[%add3A_45, %dma_wait3A_89] : memref<10240x128xbf16, #tpu.memory_space<vmem_shared>> -> memref<128x128xbf16, #tpu.memory_space<vmem_shared>>
      %dma_wait3A_91 = arith.constant 0 : i32
      %dma_wait3A_92 = tpu.memref_slice %arg10[%add3A_45, %dma_wait3A_91] : memref<10240x128xbf16, #tpu.memory_space<vmem_shared>> -> memref<128x128xbf16, #tpu.memory_space<vmem_shared>>
      tpu.wait_dma2 semaphore(%run_scoped3A : memref<!tpu.dma_semaphore, #tpu.memory_space<semaphore_mem>>) src(%arg9 : memref<128x128xbf16, #tpu.memory_space<vmem>>) dst(%dma_wait3A_92 : memref<128x128xbf16, #tpu.memory_space<vmem_shared>>)
      tpu.yield
    }) : () -> ()
    %mul3A_46 = arith.constant 640 : i32
    %mul3A_47 = arith.muli %arg1, %mul3A_46 : i32
    %add3A_48 = arith.constant 512 : i32
    %add3A_49 = arith.addi %mul3A_47, %add3A_48 : i32
    "tpu.region"() ({
      %run_scoped3A = tpu.sem_alloc : memref<!tpu.dma_semaphore, #tpu.memory_space<semaphore_mem>>
      %dma_start3A_85 = arith.constant 0 : i32
      %dma_start3A_86 = tpu.memref_slice %arg10[%add3A_49, %dma_start3A_85] : memref<10240x128xbf16, #tpu.memory_space<vmem_shared>> -> memref<128x128xbf16, #tpu.memory_space<vmem_shared>>
      %dma_start3A_87 = arith.constant 0 : i32
      %dma_start3A_88 = tpu.memref_slice %arg10[%add3A_49, %dma_start3A_87] : memref<10240x128xbf16, #tpu.memory_space<vmem_shared>> -> memref<128x128xbf16, #tpu.memory_space<vmem_shared>>
      tpu.enqueue_dma source(%arg9 : memref<128x128xbf16, #tpu.memory_space<vmem>>) target(%dma_start3A_88 : memref<128x128xbf16, #tpu.memory_space<vmem_shared>>) target_semaphore(%run_scoped3A : memref<!tpu.dma_semaphore, #tpu.memory_space<semaphore_mem>>)
      %dma_wait3A_89 = arith.constant 0 : i32
      %dma_wait3A_90 = tpu.memref_slice %arg10[%add3A_49, %dma_wait3A_89] : memref<10240x128xbf16, #tpu.memory_space<vmem_shared>> -> memref<128x128xbf16, #tpu.memory_space<vmem_shared>>
      %dma_wait3A_91 = arith.constant 0 : i32
      %dma_wait3A_92 = tpu.memref_slice %arg10[%add3A_49, %dma_wait3A_91] : memref<10240x128xbf16, #tpu.memory_space<vmem_shared>> -> memref<128x128xbf16, #tpu.memory_space<vmem_shared>>
      tpu.wait_dma2 semaphore(%run_scoped3A : memref<!tpu.dma_semaphore, #tpu.memory_space<semaphore_mem>>) src(%arg9 : memref<128x128xbf16, #tpu.memory_space<vmem>>) dst(%dma_wait3A_92 : memref<128x128xbf16, #tpu.memory_space<vmem_shared>>)
      tpu.yield
    }) : () -> ()
    %barrier3A = arith.constant 0 : index
    tpu.barrier barrier_id(%barrier3A)
    %scan3A_50 = arith.constant 0 : i32
    %scan3A_51 = arith.constant 0 : i32
    %scan3A_52 = arith.constant 20 : i32
    %scan3A_53 = arith.addi %scan3A_51, %scan3A_52 : i32
    %scan3A_54 = arith.constant 1 : i32
    %scan3A_55 = scf.for %scan3A_85 = %scan3A_51 to %scan3A_53 step %scan3A_54 iter_args(%scan3A_86 = %scan3A_50) -> (i32)  : i32 {
      %mul3A_87 = arith.constant 4 : i32
      %mul3A_88 = arith.muli %scan3A_85, %mul3A_87 : i32
      %dma_wait3A_89 = arith.constant 0 : i32
      %dma_wait3A_90 = arith.constant 0 : i32
      %dma_wait3A_91 = arith.constant 0 : i32
      %dma_wait3A_92 = arith.constant 0 : i32
      %dma_wait3A_93 = tpu.memref_slice %arg8[%dma_wait3A_90, %dma_wait3A_91, %dma_wait3A_92] : memref<4x128x128xbf16, #tpu.memory_space<vmem>> -> memref<1x128x128xbf16, #tpu.memory_space<vmem>>
      %dma_wait3A_94 = tpu.memref_squeeze %dma_wait3A_93 : memref<1x128x128xbf16, #tpu.memory_space<vmem>> -> memref<128x128xbf16, #tpu.memory_space<vmem>>
      %dma_wait3A_95 = arith.constant 0 : i32
      %dma_wait3A_96 = tpu.memref_slice %arg6[%dma_wait3A_89, %dma_wait3A_95] : memref<80x128xi32, #tpu.memory_space<vmem>> -> memref<1x128xi32, #tpu.memory_space<vmem>>
      %dma_wait3A_97 = tpu.memref_squeeze %dma_wait3A_96 : memref<1x128xi32, #tpu.memory_space<vmem>> -> memref<128xi32, #tpu.memory_space<vmem>>
      %dma_wait3A_98 = arith.constant 0 : i32
      %dma_wait3A_99 = arith.constant 0 : i32
      %dma_wait3A_100 = tpu.memref_slice %arg2[%dma_wait3A_98, %dma_wait3A_99] : memref<10000x128xbf16, #tpu.memory_space<hbm>> -> memref<10000x128xbf16, #tpu.memory_space<hbm>>
      tpu.wait_indirect_dma semaphore(%arg11 : memref<!tpu.dma_semaphore, #tpu.memory_space<semaphore_mem>>) src(%dma_wait3A_100 : memref<10000x128xbf16, #tpu.memory_space<hbm>>) dst(%dma_wait3A_94 : memref<128x128xbf16, #tpu.memory_space<vmem>>)
      %dma_wait3A_101 = arith.constant 0 : i32
      %dma_wait3A_102 = arith.constant 1 : i32
      %dma_wait3A_103 = arith.constant 0 : i32
      %dma_wait3A_104 = arith.constant 0 : i32
      %dma_wait3A_105 = tpu.memref_slice %arg8[%dma_wait3A_102, %dma_wait3A_103, %dma_wait3A_104] : memref<4x128x128xbf16, #tpu.memory_space<vmem>> -> memref<1x128x128xbf16, #tpu.memory_space<vmem>>
      %dma_wait3A_106 = tpu.memref_squeeze %dma_wait3A_105 : memref<1x128x128xbf16, #tpu.memory_space<vmem>> -> memref<128x128xbf16, #tpu.memory_space<vmem>>
      %dma_wait3A_107 = arith.constant 0 : i32
      %dma_wait3A_108 = tpu.memref_slice %arg6[%dma_wait3A_101, %dma_wait3A_107] : memref<80x128xi32, #tpu.memory_space<vmem>> -> memref<1x128xi32, #tpu.memory_space<vmem>>
      %dma_wait3A_109 = tpu.memref_squeeze %dma_wait3A_108 : memref<1x128xi32, #tpu.memory_space<vmem>> -> memref<128xi32, #tpu.memory_space<vmem>>
      %dma_wait3A_110 = arith.constant 0 : i32
      %dma_wait3A_111 = arith.constant 0 : i32
      %dma_wait3A_112 = tpu.memref_slice %arg2[%dma_wait3A_110, %dma_wait3A_111] : memref<10000x128xbf16, #tpu.memory_space<hbm>> -> memref<10000x128xbf16, #tpu.memory_space<hbm>>
      tpu.wait_indirect_dma semaphore(%arg11 : memref<!tpu.dma_semaphore, #tpu.memory_space<semaphore_mem>>) src(%dma_wait3A_112 : memref<10000x128xbf16, #tpu.memory_space<hbm>>) dst(%dma_wait3A_106 : memref<128x128xbf16, #tpu.memory_space<vmem>>)
      %add3A_113 = arith.constant 0 : i32
      %add3A_114 = arith.addi %mul3A_88, %add3A_113 : i32
      %dma_start3A_115 = arith.constant 0 : i32
      %dma_start3A_116 = arith.constant 0 : i32
      %dma_start3A_117 = arith.constant 0 : i32
      %dma_start3A_118 = tpu.memref_slice %arg8[%dma_start3A_115, %dma_start3A_116, %dma_start3A_117] : memref<4x128x128xbf16, #tpu.memory_space<vmem>> -> memref<1x128x128xbf16, #tpu.memory_space<vmem>>
      %dma_start3A_119 = tpu.memref_squeeze %dma_start3A_118 : memref<1x128x128xbf16, #tpu.memory_space<vmem>> -> memref<128x128xbf16, #tpu.memory_space<vmem>>
      %dma_start3A_120 = arith.constant 0 : i32
      %dma_start3A_121 = tpu.memref_slice %arg7[%add3A_114, %dma_start3A_120] : memref<80x128xi32, #tpu.memory_space<vmem>> -> memref<1x128xi32, #tpu.memory_space<vmem>>
      %dma_start3A_122 = tpu.memref_squeeze %dma_start3A_121 : memref<1x128xi32, #tpu.memory_space<vmem>> -> memref<128xi32, #tpu.memory_space<vmem>>
      %dma_start3A_123 = arith.constant 0 : i32
      %dma_start3A_124 = arith.constant 0 : i32
      %dma_start3A_125 = tpu.memref_slice %arg10[%dma_start3A_123, %dma_start3A_124] : memref<10240x128xbf16, #tpu.memory_space<vmem_shared>> -> memref<10240x128xbf16, #tpu.memory_space<vmem_shared>>
      tpu.enqueue_indirect_dma source(%dma_start3A_119 : memref<128x128xbf16, #tpu.memory_space<vmem>>) target(%dma_start3A_125 : memref<10240x128xbf16, #tpu.memory_space<vmem_shared>>) offsets(%dma_start3A_122 : memref<128xi32, #tpu.memory_space<vmem>>) semaphore(%arg13 : memref<!tpu.dma_semaphore, #tpu.memory_space<semaphore_mem>>) {add = true}
      %add3A_126 = arith.constant 1 : i32
      %add3A_127 = arith.addi %mul3A_88, %add3A_126 : i32
      %dma_start3A_128 = arith.constant 1 : i32
      %dma_start3A_129 = arith.constant 0 : i32
      %dma_start3A_130 = arith.constant 0 : i32
      %dma_start3A_131 = tpu.memref_slice %arg8[%dma_start3A_128, %dma_start3A_129, %dma_start3A_130] : memref<4x128x128xbf16, #tpu.memory_space<vmem>> -> memref<1x128x128xbf16, #tpu.memory_space<vmem>>
      %dma_start3A_132 = tpu.memref_squeeze %dma_start3A_131 : memref<1x128x128xbf16, #tpu.memory_space<vmem>> -> memref<128x128xbf16, #tpu.memory_space<vmem>>
      %dma_start3A_133 = arith.constant 0 : i32
      %dma_start3A_134 = tpu.memref_slice %arg7[%add3A_127, %dma_start3A_133] : memref<80x128xi32, #tpu.memory_space<vmem>> -> memref<1x128xi32, #tpu.memory_space<vmem>>
      %dma_start3A_135 = tpu.memref_squeeze %dma_start3A_134 : memref<1x128xi32, #tpu.memory_space<vmem>> -> memref<128xi32, #tpu.memory_space<vmem>>
      %dma_start3A_136 = arith.constant 0 : i32
      %dma_start3A_137 = arith.constant 0 : i32
      %dma_start3A_138 = tpu.memref_slice %arg10[%dma_start3A_136, %dma_start3A_137] : memref<10240x128xbf16, #tpu.memory_space<vmem_shared>> -> memref<10240x128xbf16, #tpu.memory_space<vmem_shared>>
      tpu.enqueue_indirect_dma source(%dma_start3A_132 : memref<128x128xbf16, #tpu.memory_space<vmem>>) target(%dma_start3A_138 : memref<10240x128xbf16, #tpu.memory_space<vmem_shared>>) offsets(%dma_start3A_135 : memref<128xi32, #tpu.memory_space<vmem>>) semaphore(%arg13 : memref<!tpu.dma_semaphore, #tpu.memory_space<semaphore_mem>>) {add = true}
      %gt3A = arith.constant 0 : i32
      %gt3A_139 = arith.cmpi sgt, %scan3A_85, %gt3A : i32
      %convert_element_type3A = arith.extui %gt3A_139 : i1 to i32
      %cond3A = arith.constant 0 : i32
      %cond3A_140 = arith.cmpi ne, %convert_element_type3A, %cond3A : i32
      scf.if %cond3A_140 {
        %dma_wait3A_250 = arith.constant 2 : i32
        %dma_wait3A_251 = arith.constant 0 : i32
        %dma_wait3A_252 = arith.constant 0 : i32
        %dma_wait3A_253 = arith.constant 0 : i32
        %dma_wait3A_254 = tpu.memref_slice %arg8[%dma_wait3A_250, %dma_wait3A_252, %dma_wait3A_253] : memref<4x128x128xbf16, #tpu.memory_space<vmem>> -> memref<1x128x128xbf16, #tpu.memory_space<vmem>>
        %dma_wait3A_255 = tpu.memref_squeeze %dma_wait3A_254 : memref<1x128x128xbf16, #tpu.memory_space<vmem>> -> memref<128x128xbf16, #tpu.memory_space<vmem>>
        %dma_wait3A_256 = arith.constant 0 : i32
        %dma_wait3A_257 = tpu.memref_slice %arg7[%dma_wait3A_251, %dma_wait3A_256] : memref<80x128xi32, #tpu.memory_space<vmem>> -> memref<1x128xi32, #tpu.memory_space<vmem>>
        %dma_wait3A_258 = tpu.memref_squeeze %dma_wait3A_257 : memref<1x128xi32, #tpu.memory_space<vmem>> -> memref<128xi32, #tpu.memory_space<vmem>>
        %dma_wait3A_259 = arith.constant 0 : i32
        %dma_wait3A_260 = arith.constant 0 : i32
        %dma_wait3A_261 = tpu.memref_slice %arg10[%dma_wait3A_259, %dma_wait3A_260] : memref<10240x128xbf16, #tpu.memory_space<vmem_shared>> -> memref<10240x128xbf16, #tpu.memory_space<vmem_shared>>
        tpu.wait_indirect_dma semaphore(%arg14 : memref<!tpu.dma_semaphore, #tpu.memory_space<semaphore_mem>>) src(%dma_wait3A_255 : memref<128x128xbf16, #tpu.memory_space<vmem>>) dst(%dma_wait3A_261 : memref<10240x128xbf16, #tpu.memory_space<vmem_shared>>)
        %dma_wait3A_262 = arith.constant 3 : i32
        %dma_wait3A_263 = arith.constant 0 : i32
        %dma_wait3A_264 = arith.constant 0 : i32
        %dma_wait3A_265 = arith.constant 0 : i32
        %dma_wait3A_266 = tpu.memref_slice %arg8[%dma_wait3A_262, %dma_wait3A_264, %dma_wait3A_265] : memref<4x128x128xbf16, #tpu.memory_space<vmem>> -> memref<1x128x128xbf16, #tpu.memory_space<vmem>>
        %dma_wait3A_267 = tpu.memref_squeeze %dma_wait3A_266 : memref<1x128x128xbf16, #tpu.memory_space<vmem>> -> memref<128x128xbf16, #tpu.memory_space<vmem>>
        %dma_wait3A_268 = arith.constant 0 : i32
        %dma_wait3A_269 = tpu.memref_slice %arg7[%dma_wait3A_263, %dma_wait3A_268] : memref<80x128xi32, #tpu.memory_space<vmem>> -> memref<1x128xi32, #tpu.memory_space<vmem>>
        %dma_wait3A_270 = tpu.memref_squeeze %dma_wait3A_269 : memref<1x128xi32, #tpu.memory_space<vmem>> -> memref<128xi32, #tpu.memory_space<vmem>>
        %dma_wait3A_271 = arith.constant 0 : i32
        %dma_wait3A_272 = arith.constant 0 : i32
        %dma_wait3A_273 = tpu.memref_slice %arg10[%dma_wait3A_271, %dma_wait3A_272] : memref<10240x128xbf16, #tpu.memory_space<vmem_shared>> -> memref<10240x128xbf16, #tpu.memory_space<vmem_shared>>
        tpu.wait_indirect_dma semaphore(%arg14 : memref<!tpu.dma_semaphore, #tpu.memory_space<semaphore_mem>>) src(%dma_wait3A_267 : memref<128x128xbf16, #tpu.memory_space<vmem>>) dst(%dma_wait3A_273 : memref<10240x128xbf16, #tpu.memory_space<vmem_shared>>)
      } else {
      }
      %add3A_141 = arith.constant 2 : i32
      %add3A_142 = arith.addi %mul3A_88, %add3A_141 : i32
      %add3A_143 = arith.constant 0 : i32
      %add3A_144 = arith.addi %add3A_142, %add3A_143 : i32
      %dma_start3A_145 = arith.constant 2 : i32
      %dma_start3A_146 = arith.constant 0 : i32
      %dma_start3A_147 = arith.constant 0 : i32
      %dma_start3A_148 = tpu.memref_slice %arg8[%dma_start3A_145, %dma_start3A_146, %dma_start3A_147] : memref<4x128x128xbf16, #tpu.memory_space<vmem>> -> memref<1x128x128xbf16, #tpu.memory_space<vmem>>
      %dma_start3A_149 = tpu.memref_squeeze %dma_start3A_148 : memref<1x128x128xbf16, #tpu.memory_space<vmem>> -> memref<128x128xbf16, #tpu.memory_space<vmem>>
      %dma_start3A_150 = arith.constant 0 : i32
      %dma_start3A_151 = tpu.memref_slice %arg6[%add3A_144, %dma_start3A_150] : memref<80x128xi32, #tpu.memory_space<vmem>> -> memref<1x128xi32, #tpu.memory_space<vmem>>
      %dma_start3A_152 = tpu.memref_squeeze %dma_start3A_151 : memref<1x128xi32, #tpu.memory_space<vmem>> -> memref<128xi32, #tpu.memory_space<vmem>>
      %dma_start3A_153 = arith.constant 0 : i32
      %dma_start3A_154 = arith.constant 0 : i32
      %dma_start3A_155 = tpu.memref_slice %arg2[%dma_start3A_153, %dma_start3A_154] : memref<10000x128xbf16, #tpu.memory_space<hbm>> -> memref<10000x128xbf16, #tpu.memory_space<hbm>>
      tpu.enqueue_indirect_dma source(%dma_start3A_155 : memref<10000x128xbf16, #tpu.memory_space<hbm>>) target(%dma_start3A_149 : memref<128x128xbf16, #tpu.memory_space<vmem>>) offsets(%dma_start3A_152 : memref<128xi32, #tpu.memory_space<vmem>>) semaphore(%arg12 : memref<!tpu.dma_semaphore, #tpu.memory_space<semaphore_mem>>)
      %add3A_156 = arith.constant 1 : i32
      %add3A_157 = arith.addi %add3A_142, %add3A_156 : i32
      %dma_start3A_158 = arith.constant 3 : i32
      %dma_start3A_159 = arith.constant 0 : i32
      %dma_start3A_160 = arith.constant 0 : i32
      %dma_start3A_161 = tpu.memref_slice %arg8[%dma_start3A_158, %dma_start3A_159, %dma_start3A_160] : memref<4x128x128xbf16, #tpu.memory_space<vmem>> -> memref<1x128x128xbf16, #tpu.memory_space<vmem>>
      %dma_start3A_162 = tpu.memref_squeeze %dma_start3A_161 : memref<1x128x128xbf16, #tpu.memory_space<vmem>> -> memref<128x128xbf16, #tpu.memory_space<vmem>>
      %dma_start3A_163 = arith.constant 0 : i32
      %dma_start3A_164 = tpu.memref_slice %arg6[%add3A_157, %dma_start3A_163] : memref<80x128xi32, #tpu.memory_space<vmem>> -> memref<1x128xi32, #tpu.memory_space<vmem>>
      %dma_start3A_165 = tpu.memref_squeeze %dma_start3A_164 : memref<1x128xi32, #tpu.memory_space<vmem>> -> memref<128xi32, #tpu.memory_space<vmem>>
      %dma_start3A_166 = arith.constant 0 : i32
      %dma_start3A_167 = arith.constant 0 : i32
      %dma_start3A_168 = tpu.memref_slice %arg2[%dma_start3A_166, %dma_start3A_167] : memref<10000x128xbf16, #tpu.memory_space<hbm>> -> memref<10000x128xbf16, #tpu.memory_space<hbm>>
      tpu.enqueue_indirect_dma source(%dma_start3A_168 : memref<10000x128xbf16, #tpu.memory_space<hbm>>) target(%dma_start3A_162 : memref<128x128xbf16, #tpu.memory_space<vmem>>) offsets(%dma_start3A_165 : memref<128xi32, #tpu.memory_space<vmem>>) semaphore(%arg12 : memref<!tpu.dma_semaphore, #tpu.memory_space<semaphore_mem>>)
      %dma_wait3A_169 = arith.constant 0 : i32
      %dma_wait3A_170 = arith.constant 2 : i32
      %dma_wait3A_171 = arith.constant 0 : i32
      %dma_wait3A_172 = arith.constant 0 : i32
      %dma_wait3A_173 = tpu.memref_slice %arg8[%dma_wait3A_170, %dma_wait3A_171, %dma_wait3A_172] : memref<4x128x128xbf16, #tpu.memory_space<vmem>> -> memref<1x128x128xbf16, #tpu.memory_space<vmem>>
      %dma_wait3A_174 = tpu.memref_squeeze %dma_wait3A_173 : memref<1x128x128xbf16, #tpu.memory_space<vmem>> -> memref<128x128xbf16, #tpu.memory_space<vmem>>
      %dma_wait3A_175 = arith.constant 0 : i32
      %dma_wait3A_176 = tpu.memref_slice %arg6[%dma_wait3A_169, %dma_wait3A_175] : memref<80x128xi32, #tpu.memory_space<vmem>> -> memref<1x128xi32, #tpu.memory_space<vmem>>
      %dma_wait3A_177 = tpu.memref_squeeze %dma_wait3A_176 : memref<1x128xi32, #tpu.memory_space<vmem>> -> memref<128xi32, #tpu.memory_space<vmem>>
      %dma_wait3A_178 = arith.constant 0 : i32
      %dma_wait3A_179 = arith.constant 0 : i32
      %dma_wait3A_180 = tpu.memref_slice %arg2[%dma_wait3A_178, %dma_wait3A_179] : memref<10000x128xbf16, #tpu.memory_space<hbm>> -> memref<10000x128xbf16, #tpu.memory_space<hbm>>
      tpu.wait_indirect_dma semaphore(%arg12 : memref<!tpu.dma_semaphore, #tpu.memory_space<semaphore_mem>>) src(%dma_wait3A_180 : memref<10000x128xbf16, #tpu.memory_space<hbm>>) dst(%dma_wait3A_174 : memref<128x128xbf16, #tpu.memory_space<vmem>>)
      %dma_wait3A_181 = arith.constant 0 : i32
      %dma_wait3A_182 = arith.constant 3 : i32
      %dma_wait3A_183 = arith.constant 0 : i32
      %dma_wait3A_184 = arith.constant 0 : i32
      %dma_wait3A_185 = tpu.memref_slice %arg8[%dma_wait3A_182, %dma_wait3A_183, %dma_wait3A_184] : memref<4x128x128xbf16, #tpu.memory_space<vmem>> -> memref<1x128x128xbf16, #tpu.memory_space<vmem>>
      %dma_wait3A_186 = tpu.memref_squeeze %dma_wait3A_185 : memref<1x128x128xbf16, #tpu.memory_space<vmem>> -> memref<128x128xbf16, #tpu.memory_space<vmem>>
      %dma_wait3A_187 = arith.constant 0 : i32
      %dma_wait3A_188 = tpu.memref_slice %arg6[%dma_wait3A_181, %dma_wait3A_187] : memref<80x128xi32, #tpu.memory_space<vmem>> -> memref<1x128xi32, #tpu.memory_space<vmem>>
      %dma_wait3A_189 = tpu.memref_squeeze %dma_wait3A_188 : memref<1x128xi32, #tpu.memory_space<vmem>> -> memref<128xi32, #tpu.memory_space<vmem>>
      %dma_wait3A_190 = arith.constant 0 : i32
      %dma_wait3A_191 = arith.constant 0 : i32
      %dma_wait3A_192 = tpu.memref_slice %arg2[%dma_wait3A_190, %dma_wait3A_191] : memref<10000x128xbf16, #tpu.memory_space<hbm>> -> memref<10000x128xbf16, #tpu.memory_space<hbm>>
      tpu.wait_indirect_dma semaphore(%arg12 : memref<!tpu.dma_semaphore, #tpu.memory_space<semaphore_mem>>) src(%dma_wait3A_192 : memref<10000x128xbf16, #tpu.memory_space<hbm>>) dst(%dma_wait3A_186 : memref<128x128xbf16, #tpu.memory_space<vmem>>)
      %add3A_193 = arith.constant 2 : i32
      %add3A_194 = arith.addi %mul3A_88, %add3A_193 : i32
      %add3A_195 = arith.constant 0 : i32
      %add3A_196 = arith.addi %add3A_194, %add3A_195 : i32
      %dma_start3A_197 = arith.constant 2 : i32
      %dma_start3A_198 = arith.constant 0 : i32
      %dma_start3A_199 = arith.constant 0 : i32
      %dma_start3A_200 = tpu.memref_slice %arg8[%dma_start3A_197, %dma_start3A_198, %dma_start3A_199] : memref<4x128x128xbf16, #tpu.memory_space<vmem>> -> memref<1x128x128xbf16, #tpu.memory_space<vmem>>
      %dma_start3A_201 = tpu.memref_squeeze %dma_start3A_200 : memref<1x128x128xbf16, #tpu.memory_space<vmem>> -> memref<128x128xbf16, #tpu.memory_space<vmem>>
      %dma_start3A_202 = arith.constant 0 : i32
      %dma_start3A_203 = tpu.memref_slice %arg7[%add3A_196, %dma_start3A_202] : memref<80x128xi32, #tpu.memory_space<vmem>> -> memref<1x128xi32, #tpu.memory_space<vmem>>
      %dma_start3A_204 = tpu.memref_squeeze %dma_start3A_203 : memref<1x128xi32, #tpu.memory_space<vmem>> -> memref<128xi32, #tpu.memory_space<vmem>>
      %dma_start3A_205 = arith.constant 0 : i32
      %dma_start3A_206 = arith.constant 0 : i32
      %dma_start3A_207 = tpu.memref_slice %arg10[%dma_start3A_205, %dma_start3A_206] : memref<10240x128xbf16, #tpu.memory_space<vmem_shared>> -> memref<10240x128xbf16, #tpu.memory_space<vmem_shared>>
      tpu.enqueue_indirect_dma source(%dma_start3A_201 : memref<128x128xbf16, #tpu.memory_space<vmem>>) target(%dma_start3A_207 : memref<10240x128xbf16, #tpu.memory_space<vmem_shared>>) offsets(%dma_start3A_204 : memref<128xi32, #tpu.memory_space<vmem>>) semaphore(%arg14 : memref<!tpu.dma_semaphore, #tpu.memory_space<semaphore_mem>>) {add = true}
      %add3A_208 = arith.constant 1 : i32
      %add3A_209 = arith.addi %add3A_194, %add3A_208 : i32
      %dma_start3A_210 = arith.constant 3 : i32
      %dma_start3A_211 = arith.constant 0 : i32
      %dma_start3A_212 = arith.constant 0 : i32
      %dma_start3A_213 = tpu.memref_slice %arg8[%dma_start3A_210, %dma_start3A_211, %dma_start3A_212] : memref<4x128x128xbf16, #tpu.memory_space<vmem>> -> memref<1x128x128xbf16, #tpu.memory_space<vmem>>
      %dma_start3A_214 = tpu.memref_squeeze %dma_start3A_213 : memref<1x128x128xbf16, #tpu.memory_space<vmem>> -> memref<128x128xbf16, #tpu.memory_space<vmem>>
      %dma_start3A_215 = arith.constant 0 : i32
      %dma_start3A_216 = tpu.memref_slice %arg7[%add3A_209, %dma_start3A_215] : memref<80x128xi32, #tpu.memory_space<vmem>> -> memref<1x128xi32, #tpu.memory_space<vmem>>
      %dma_start3A_217 = tpu.memref_squeeze %dma_start3A_216 : memref<1x128xi32, #tpu.memory_space<vmem>> -> memref<128xi32, #tpu.memory_space<vmem>>
      %dma_start3A_218 = arith.constant 0 : i32
      %dma_start3A_219 = arith.constant 0 : i32
      %dma_start3A_220 = tpu.memref_slice %arg10[%dma_start3A_218, %dma_start3A_219] : memref<10240x128xbf16, #tpu.memory_space<vmem_shared>> -> memref<10240x128xbf16, #tpu.memory_space<vmem_shared>>
      tpu.enqueue_indirect_dma source(%dma_start3A_214 : memref<128x128xbf16, #tpu.memory_space<vmem>>) target(%dma_start3A_220 : memref<10240x128xbf16, #tpu.memory_space<vmem_shared>>) offsets(%dma_start3A_217 : memref<128xi32, #tpu.memory_space<vmem>>) semaphore(%arg14 : memref<!tpu.dma_semaphore, #tpu.memory_space<semaphore_mem>>) {add = true}
      %dma_wait3A_221 = arith.constant 0 : i32
      %dma_wait3A_222 = arith.constant 0 : i32
      %dma_wait3A_223 = arith.constant 0 : i32
      %dma_wait3A_224 = arith.constant 0 : i32
      %dma_wait3A_225 = tpu.memref_slice %arg8[%dma_wait3A_221, %dma_wait3A_223, %dma_wait3A_224] : memref<4x128x128xbf16, #tpu.memory_space<vmem>> -> memref<1x128x128xbf16, #tpu.memory_space<vmem>>
      %dma_wait3A_226 = tpu.memref_squeeze %dma_wait3A_225 : memref<1x128x128xbf16, #tpu.memory_space<vmem>> -> memref<128x128xbf16, #tpu.memory_space<vmem>>
      %dma_wait3A_227 = arith.constant 0 : i32
      %dma_wait3A_228 = tpu.memref_slice %arg7[%dma_wait3A_222, %dma_wait3A_227] : memref<80x128xi32, #tpu.memory_space<vmem>> -> memref<1x128xi32, #tpu.memory_space<vmem>>
      %dma_wait3A_229 = tpu.memref_squeeze %dma_wait3A_228 : memref<1x128xi32, #tpu.memory_space<vmem>> -> memref<128xi32, #tpu.memory_space<vmem>>
      %dma_wait3A_230 = arith.constant 0 : i32
      %dma_wait3A_231 = arith.constant 0 : i32
      %dma_wait3A_232 = tpu.memref_slice %arg10[%dma_wait3A_230, %dma_wait3A_231] : memref<10240x128xbf16, #tpu.memory_space<vmem_shared>> -> memref<10240x128xbf16, #tpu.memory_space<vmem_shared>>
      tpu.wait_indirect_dma semaphore(%arg13 : memref<!tpu.dma_semaphore, #tpu.memory_space<semaphore_mem>>) src(%dma_wait3A_226 : memref<128x128xbf16, #tpu.memory_space<vmem>>) dst(%dma_wait3A_232 : memref<10240x128xbf16, #tpu.memory_space<vmem_shared>>)
      %dma_wait3A_233 = arith.constant 1 : i32
      %dma_wait3A_234 = arith.constant 0 : i32
      %dma_wait3A_235 = arith.constant 0 : i32
      %dma_wait3A_236 = arith.constant 0 : i32
      %dma_wait3A_237 = tpu.memref_slice %arg8[%dma_wait3A_233, %dma_wait3A_235, %dma_wait3A_236] : memref<4x128x128xbf16, #tpu.memory_space<vmem>> -> memref<1x128x128xbf16, #tpu.memory_space<vmem>>
      %dma_wait3A_238 = tpu.memref_squeeze %dma_wait3A_237 : memref<1x128x128xbf16, #tpu.memory_space<vmem>> -> memref<128x128xbf16, #tpu.memory_space<vmem>>
      %dma_wait3A_239 = arith.constant 0 : i32
      %dma_wait3A_240 = tpu.memref_slice %arg7[%dma_wait3A_234, %dma_wait3A_239] : memref<80x128xi32, #tpu.memory_space<vmem>> -> memref<1x128xi32, #tpu.memory_space<vmem>>
      %dma_wait3A_241 = tpu.memref_squeeze %dma_wait3A_240 : memref<1x128xi32, #tpu.memory_space<vmem>> -> memref<128xi32, #tpu.memory_space<vmem>>
      %dma_wait3A_242 = arith.constant 0 : i32
      %dma_wait3A_243 = arith.constant 0 : i32
      %dma_wait3A_244 = tpu.memref_slice %arg10[%dma_wait3A_242, %dma_wait3A_243] : memref<10240x128xbf16, #tpu.memory_space<vmem_shared>> -> memref<10240x128xbf16, #tpu.memory_space<vmem_shared>>
      tpu.wait_indirect_dma semaphore(%arg13 : memref<!tpu.dma_semaphore, #tpu.memory_space<semaphore_mem>>) src(%dma_wait3A_238 : memref<128x128xbf16, #tpu.memory_space<vmem>>) dst(%dma_wait3A_244 : memref<10240x128xbf16, #tpu.memory_space<vmem_shared>>)
      %lt3A = arith.constant 19 : i32
      %lt3A_245 = arith.cmpi slt, %scan3A_85, %lt3A : i32
      %convert_element_type3A_246 = arith.extui %lt3A_245 : i1 to i32
      %cond3A_247 = arith.constant 0 : i32
      %cond3A_248 = arith.cmpi ne, %convert_element_type3A_246, %cond3A_247 : i32
      scf.if %cond3A_248 {
        %add3A_250 = arith.constant 4 : i32
        %add3A_251 = arith.addi %mul3A_88, %add3A_250 : i32
        %add3A_252 = arith.constant 0 : i32
        %add3A_253 = arith.addi %add3A_251, %add3A_252 : i32
        %dma_start3A_254 = arith.constant 0 : i32
        %dma_start3A_255 = arith.constant 0 : i32
        %dma_start3A_256 = arith.constant 0 : i32
        %dma_start3A_257 = tpu.memref_slice %arg8[%dma_start3A_254, %dma_start3A_255, %dma_start3A_256] : memref<4x128x128xbf16, #tpu.memory_space<vmem>> -> memref<1x128x128xbf16, #tpu.memory_space<vmem>>
        %dma_start3A_258 = tpu.memref_squeeze %dma_start3A_257 : memref<1x128x128xbf16, #tpu.memory_space<vmem>> -> memref<128x128xbf16, #tpu.memory_space<vmem>>
        %dma_start3A_259 = arith.constant 0 : i32
        %dma_start3A_260 = tpu.memref_slice %arg6[%add3A_253, %dma_start3A_259] : memref<80x128xi32, #tpu.memory_space<vmem>> -> memref<1x128xi32, #tpu.memory_space<vmem>>
        %dma_start3A_261 = tpu.memref_squeeze %dma_start3A_260 : memref<1x128xi32, #tpu.memory_space<vmem>> -> memref<128xi32, #tpu.memory_space<vmem>>
        %dma_start3A_262 = arith.constant 0 : i32
        %dma_start3A_263 = arith.constant 0 : i32
        %dma_start3A_264 = tpu.memref_slice %arg2[%dma_start3A_262, %dma_start3A_263] : memref<10000x128xbf16, #tpu.memory_space<hbm>> -> memref<10000x128xbf16, #tpu.memory_space<hbm>>
        tpu.enqueue_indirect_dma source(%dma_start3A_264 : memref<10000x128xbf16, #tpu.memory_space<hbm>>) target(%dma_start3A_258 : memref<128x128xbf16, #tpu.memory_space<vmem>>) offsets(%dma_start3A_261 : memref<128xi32, #tpu.memory_space<vmem>>) semaphore(%arg11 : memref<!tpu.dma_semaphore, #tpu.memory_space<semaphore_mem>>)
        %add3A_265 = arith.constant 1 : i32
        %add3A_266 = arith.addi %add3A_251, %add3A_265 : i32
        %dma_start3A_267 = arith.constant 1 : i32
        %dma_start3A_268 = arith.constant 0 : i32
        %dma_start3A_269 = arith.constant 0 : i32
        %dma_start3A_270 = tpu.memref_slice %arg8[%dma_start3A_267, %dma_start3A_268, %dma_start3A_269] : memref<4x128x128xbf16, #tpu.memory_space<vmem>> -> memref<1x128x128xbf16, #tpu.memory_space<vmem>>
        %dma_start3A_271 = tpu.memref_squeeze %dma_start3A_270 : memref<1x128x128xbf16, #tpu.memory_space<vmem>> -> memref<128x128xbf16, #tpu.memory_space<vmem>>
        %dma_start3A_272 = arith.constant 0 : i32
        %dma_start3A_273 = tpu.memref_slice %arg6[%add3A_266, %dma_start3A_272] : memref<80x128xi32, #tpu.memory_space<vmem>> -> memref<1x128xi32, #tpu.memory_space<vmem>>
        %dma_start3A_274 = tpu.memref_squeeze %dma_start3A_273 : memref<1x128xi32, #tpu.memory_space<vmem>> -> memref<128xi32, #tpu.memory_space<vmem>>
        %dma_start3A_275 = arith.constant 0 : i32
        %dma_start3A_276 = arith.constant 0 : i32
        %dma_start3A_277 = tpu.memref_slice %arg2[%dma_start3A_275, %dma_start3A_276] : memref<10000x128xbf16, #tpu.memory_space<hbm>> -> memref<10000x128xbf16, #tpu.memory_space<hbm>>
        tpu.enqueue_indirect_dma source(%dma_start3A_277 : memref<10000x128xbf16, #tpu.memory_space<hbm>>) target(%dma_start3A_271 : memref<128x128xbf16, #tpu.memory_space<vmem>>) offsets(%dma_start3A_274 : memref<128xi32, #tpu.memory_space<vmem>>) semaphore(%arg11 : memref<!tpu.dma_semaphore, #tpu.memory_space<semaphore_mem>>)
      } else {
      }
      %scan3A_249 = arith.constant 0 : i32
      scf.yield %scan3A_249 : i32
    }
    %scan3A_56 = arith.constant 20 : i32
    %dma_wait3A = arith.constant 2 : i32
    %dma_wait3A_57 = arith.constant 0 : i32
    %dma_wait3A_58 = arith.constant 0 : i32
    %dma_wait3A_59 = arith.constant 0 : i32
    %dma_wait3A_60 = tpu.memref_slice %arg8[%dma_wait3A, %dma_wait3A_58, %dma_wait3A_59] : memref<4x128x128xbf16, #tpu.memory_space<vmem>> -> memref<1x128x128xbf16, #tpu.memory_space<vmem>>
    %dma_wait3A_61 = tpu.memref_squeeze %dma_wait3A_60 : memref<1x128x128xbf16, #tpu.memory_space<vmem>> -> memref<128x128xbf16, #tpu.memory_space<vmem>>
    %dma_wait3A_62 = arith.constant 0 : i32
    %dma_wait3A_63 = tpu.memref_slice %arg7[%dma_wait3A_57, %dma_wait3A_62] : memref<80x128xi32, #tpu.memory_space<vmem>> -> memref<1x128xi32, #tpu.memory_space<vmem>>
    %dma_wait3A_64 = tpu.memref_squeeze %dma_wait3A_63 : memref<1x128xi32, #tpu.memory_space<vmem>> -> memref<128xi32, #tpu.memory_space<vmem>>
    %dma_wait3A_65 = arith.constant 0 : i32
    %dma_wait3A_66 = arith.constant 0 : i32
    %dma_wait3A_67 = tpu.memref_slice %arg10[%dma_wait3A_65, %dma_wait3A_66] : memref<10240x128xbf16, #tpu.memory_space<vmem_shared>> -> memref<10240x128xbf16, #tpu.memory_space<vmem_shared>>
    tpu.wait_indirect_dma semaphore(%arg14 : memref<!tpu.dma_semaphore, #tpu.memory_space<semaphore_mem>>) src(%dma_wait3A_61 : memref<128x128xbf16, #tpu.memory_space<vmem>>) dst(%dma_wait3A_67 : memref<10240x128xbf16, #tpu.memory_space<vmem_shared>>)
    %dma_wait3A_68 = arith.constant 3 : i32
    %dma_wait3A_69 = arith.constant 0 : i32
    %dma_wait3A_70 = arith.constant 0 : i32
    %dma_wait3A_71 = arith.constant 0 : i32
    %dma_wait3A_72 = tpu.memref_slice %arg8[%dma_wait3A_68, %dma_wait3A_70, %dma_wait3A_71] : memref<4x128x128xbf16, #tpu.memory_space<vmem>> -> memref<1x128x128xbf16, #tpu.memory_space<vmem>>
    %dma_wait3A_73 = tpu.memref_squeeze %dma_wait3A_72 : memref<1x128x128xbf16, #tpu.memory_space<vmem>> -> memref<128x128xbf16, #tpu.memory_space<vmem>>
    %dma_wait3A_74 = arith.constant 0 : i32
    %dma_wait3A_75 = tpu.memref_slice %arg7[%dma_wait3A_69, %dma_wait3A_74] : memref<80x128xi32, #tpu.memory_space<vmem>> -> memref<1x128xi32, #tpu.memory_space<vmem>>
    %dma_wait3A_76 = tpu.memref_squeeze %dma_wait3A_75 : memref<1x128xi32, #tpu.memory_space<vmem>> -> memref<128xi32, #tpu.memory_space<vmem>>
    %dma_wait3A_77 = arith.constant 0 : i32
    %dma_wait3A_78 = arith.constant 0 : i32
    %dma_wait3A_79 = tpu.memref_slice %arg10[%dma_wait3A_77, %dma_wait3A_78] : memref<10240x128xbf16, #tpu.memory_space<vmem_shared>> -> memref<10240x128xbf16, #tpu.memory_space<vmem_shared>>
    tpu.wait_indirect_dma semaphore(%arg14 : memref<!tpu.dma_semaphore, #tpu.memory_space<semaphore_mem>>) src(%dma_wait3A_73 : memref<128x128xbf16, #tpu.memory_space<vmem>>) dst(%dma_wait3A_79 : memref<10240x128xbf16, #tpu.memory_space<vmem_shared>>)
    %barrier3A_80 = arith.constant 0 : index
    tpu.barrier barrier_id(%barrier3A_80)
    %mul3A_81 = arith.constant 640 : i32
    %mul3A_82 = arith.muli %arg1, %mul3A_81 : i32
    %mul3A_83 = arith.constant 640 : i32
    %mul3A_84 = arith.muli %arg1, %mul3A_83 : i32
    "tpu.region"() ({
      %run_scoped3A = tpu.sem_alloc : memref<!tpu.dma_semaphore, #tpu.memory_space<semaphore_mem>>
      %dma_start3A_85 = arith.constant 0 : i32
      %dma_start3A_86 = tpu.memref_slice %arg5[%arg0, %mul3A_84, %dma_start3A_85] : memref<2x10240x128xbf16, #tpu.memory_space<hbm>> -> memref<1x640x128xbf16, #tpu.memory_space<hbm>>
      %dma_start3A_87 = tpu.memref_squeeze %dma_start3A_86 : memref<1x640x128xbf16, #tpu.memory_space<hbm>> -> memref<640x128xbf16, #tpu.memory_space<hbm>>
      %dma_start3A_88 = arith.constant 0 : i32
      %dma_start3A_89 = tpu.memref_slice %arg10[%mul3A_82, %dma_start3A_88] : memref<10240x128xbf16, #tpu.memory_space<vmem_shared>> -> memref<640x128xbf16, #tpu.memory_space<vmem_shared>>
      tpu.enqueue_dma source(%dma_start3A_89 : memref<640x128xbf16, #tpu.memory_space<vmem_shared>>) target(%dma_start3A_87 : memref<640x128xbf16, #tpu.memory_space<hbm>>) target_semaphore(%run_scoped3A : memref<!tpu.dma_semaphore, #tpu.memory_space<semaphore_mem>>)
      %dma_wait3A_90 = arith.constant 0 : i32
      %dma_wait3A_91 = tpu.memref_slice %arg5[%arg0, %mul3A_84, %dma_wait3A_90] : memref<2x10240x128xbf16, #tpu.memory_space<hbm>> -> memref<1x640x128xbf16, #tpu.memory_space<hbm>>
      %dma_wait3A_92 = tpu.memref_squeeze %dma_wait3A_91 : memref<1x640x128xbf16, #tpu.memory_space<hbm>> -> memref<640x128xbf16, #tpu.memory_space<hbm>>
      %dma_wait3A_93 = arith.constant 0 : i32
      %dma_wait3A_94 = tpu.memref_slice %arg10[%mul3A_82, %dma_wait3A_93] : memref<10240x128xbf16, #tpu.memory_space<vmem_shared>> -> memref<640x128xbf16, #tpu.memory_space<vmem_shared>>
      tpu.wait_dma2 semaphore(%run_scoped3A : memref<!tpu.dma_semaphore, #tpu.memory_space<semaphore_mem>>) src(%dma_wait3A_94 : memref<640x128xbf16, #tpu.memory_space<vmem_shared>>) dst(%dma_wait3A_92 : memref<640x128xbf16, #tpu.memory_space<hbm>>)
      tpu.yield
    }) : () -> ()
    return
  }
}

#map = affine_map<(d0, d1) -> (0, 0)>
#map1 = affine_map<(d0, d1) -> (0, 0, 0)>
module attributes {stable_mosaic.version = 14 : i64} {
  func.func @seg_sum(%arg0: i32, %arg1: i32, %arg2: memref<10000x128xbf16, #tpu.memory_space<hbm>>, %arg3: memref<32x80x128xi32, #tpu.memory_space<hbm>>, %arg4: memref<32x80x128xi32, #tpu.memory_space<hbm>>, %arg5: memref<2x10240x128xbf16, #tpu.memory_space<hbm>>, %arg6: memref<80x128xi32, #tpu.memory_space<vmem>>, %arg7: memref<80x128xi32, #tpu.memory_space<vmem>>, %arg8: memref<4x128x128xbf16, #tpu.memory_space<vmem>>, %arg9: memref<128x128xbf16, #tpu.memory_space<vmem>>, %arg10: memref<10240x128xbf16, #tpu.memory_space<vmem_shared>>, %arg11: memref<!tpu.dma_semaphore, #tpu.memory_space<semaphore_mem>>, %arg12: memref<!tpu.dma_semaphore, #tpu.memory_space<semaphore_mem>>, %arg13: memref<!tpu.dma_semaphore, #tpu.memory_space<semaphore_mem>>, %arg14: memref<!tpu.dma_semaphore, #tpu.memory_space<semaphore_mem>>) attributes {dimension_semantics = [#tpu.dimension_semantics<core_parallel>, #tpu.dimension_semantics<subcore_parallel>], iteration_bounds = array<i64: 2, 16>, scalar_prefetch = 0 : i64, scratch_operands = 9 : i64, tpu.core_type = #tpu.core_type<sc_vector_subcore>, window_params = [{transform_indices = #map}, {transform_indices = #map1}, {transform_indices = #map1}, {transform_indices = #map1}]} {
    %mul3A = arith.constant 2 : i32
    %mul3A_0 = arith.muli %arg1, %mul3A : i32
    %add3A = arith.addi %mul3A_0, %arg0 : i32
    "tpu.region"() ({
      %run_scoped3A = tpu.sem_alloc : memref<!tpu.dma_semaphore, #tpu.memory_space<semaphore_mem>>
      %dma_start3A_85 = arith.constant 0 : i32
      %dma_start3A_86 = arith.constant 0 : i32
      %dma_start3A_87 = tpu.memref_slice %arg3[%add3A, %dma_start3A_85, %dma_start3A_86] : memref<32x80x128xi32, #tpu.memory_space<hbm>> -> memref<1x80x128xi32, #tpu.memory_space<hbm>>
      %dma_start3A_88 = tpu.memref_squeeze %dma_start3A_87 : memref<1x80x128xi32, #tpu.memory_space<hbm>> -> memref<80x128xi32, #tpu.memory_space<hbm>>
      %dma_start3A_89 = arith.constant 0 : i32
      %dma_start3A_90 = arith.constant 0 : i32
      %dma_start3A_91 = tpu.memref_slice %arg3[%add3A, %dma_start3A_89, %dma_start3A_90] : memref<32x80x128xi32, #tpu.memory_space<hbm>> -> memref<1x80x128xi32, #tpu.memory_space<hbm>>
      %dma_start3A_92 = tpu.memref_squeeze %dma_start3A_91 : memref<1x80x128xi32, #tpu.memory_space<hbm>> -> memref<80x128xi32, #tpu.memory_space<hbm>>
      tpu.enqueue_dma source(%dma_start3A_92 : memref<80x128xi32, #tpu.memory_space<hbm>>) target(%arg6 : memref<80x128xi32, #tpu.memory_space<vmem>>) target_semaphore(%run_scoped3A : memref<!tpu.dma_semaphore, #tpu.memory_space<semaphore_mem>>)
      %dma_wait3A_93 = arith.constant 0 : i32
      %dma_wait3A_94 = arith.constant 0 : i32
      %dma_wait3A_95 = tpu.memref_slice %arg3[%add3A, %dma_wait3A_93, %dma_wait3A_94] : memref<32x80x128xi32, #tpu.memory_space<hbm>> -> memref<1x80x128xi32, #tpu.memory_space<hbm>>
      %dma_wait3A_96 = tpu.memref_squeeze %dma_wait3A_95 : memref<1x80x128xi32, #tpu.memory_space<hbm>> -> memref<80x128xi32, #tpu.memory_space<hbm>>
      %dma_wait3A_97 = arith.constant 0 : i32
      %dma_wait3A_98 = arith.constant 0 : i32
      %dma_wait3A_99 = tpu.memref_slice %arg3[%add3A, %dma_wait3A_97, %dma_wait3A_98] : memref<32x80x128xi32, #tpu.memory_space<hbm>> -> memref<1x80x128xi32, #tpu.memory_space<hbm>>
      %dma_wait3A_100 = tpu.memref_squeeze %dma_wait3A_99 : memref<1x80x128xi32, #tpu.memory_space<hbm>> -> memref<80x128xi32, #tpu.memory_space<hbm>>
      tpu.wait_dma2 semaphore(%run_scoped3A : memref<!tpu.dma_semaphore, #tpu.memory_space<semaphore_mem>>) src(%dma_wait3A_100 : memref<80x128xi32, #tpu.memory_space<hbm>>) dst(%arg6 : memref<80x128xi32, #tpu.memory_space<vmem>>)
      tpu.yield
    }) : () -> ()
    "tpu.region"() ({
      %run_scoped3A = tpu.sem_alloc : memref<!tpu.dma_semaphore, #tpu.memory_space<semaphore_mem>>
      %dma_start3A_85 = arith.constant 0 : i32
      %dma_start3A_86 = arith.constant 0 : i32
      %dma_start3A_87 = tpu.memref_slice %arg4[%add3A, %dma_start3A_85, %dma_start3A_86] : memref<32x80x128xi32, #tpu.memory_space<hbm>> -> memref<1x80x128xi32, #tpu.memory_space<hbm>>
      %dma_start3A_88 = tpu.memref_squeeze %dma_start3A_87 : memref<1x80x128xi32, #tpu.memory_space<hbm>> -> memref<80x128xi32, #tpu.memory_space<hbm>>
      %dma_start3A_89 = arith.constant 0 : i32
      %dma_start3A_90 = arith.constant 0 : i32
      %dma_start3A_91 = tpu.memref_slice %arg4[%add3A, %dma_start3A_89, %dma_start3A_90] : memref<32x80x128xi32, #tpu.memory_space<hbm>> -> memref<1x80x128xi32, #tpu.memory_space<hbm>>
      %dma_start3A_92 = tpu.memref_squeeze %dma_start3A_91 : memref<1x80x128xi32, #tpu.memory_space<hbm>> -> memref<80x128xi32, #tpu.memory_space<hbm>>
      tpu.enqueue_dma source(%dma_start3A_92 : memref<80x128xi32, #tpu.memory_space<hbm>>) target(%arg7 : memref<80x128xi32, #tpu.memory_space<vmem>>) target_semaphore(%run_scoped3A : memref<!tpu.dma_semaphore, #tpu.memory_space<semaphore_mem>>)
      %dma_wait3A_93 = arith.constant 0 : i32
      %dma_wait3A_94 = arith.constant 0 : i32
      %dma_wait3A_95 = tpu.memref_slice %arg4[%add3A, %dma_wait3A_93, %dma_wait3A_94] : memref<32x80x128xi32, #tpu.memory_space<hbm>> -> memref<1x80x128xi32, #tpu.memory_space<hbm>>
      %dma_wait3A_96 = tpu.memref_squeeze %dma_wait3A_95 : memref<1x80x128xi32, #tpu.memory_space<hbm>> -> memref<80x128xi32, #tpu.memory_space<hbm>>
      %dma_wait3A_97 = arith.constant 0 : i32
      %dma_wait3A_98 = arith.constant 0 : i32
      %dma_wait3A_99 = tpu.memref_slice %arg4[%add3A, %dma_wait3A_97, %dma_wait3A_98] : memref<32x80x128xi32, #tpu.memory_space<hbm>> -> memref<1x80x128xi32, #tpu.memory_space<hbm>>
      %dma_wait3A_100 = tpu.memref_squeeze %dma_wait3A_99 : memref<1x80x128xi32, #tpu.memory_space<hbm>> -> memref<80x128xi32, #tpu.memory_space<hbm>>
      tpu.wait_dma2 semaphore(%run_scoped3A : memref<!tpu.dma_semaphore, #tpu.memory_space<semaphore_mem>>) src(%dma_wait3A_100 : memref<80x128xi32, #tpu.memory_space<hbm>>) dst(%arg7 : memref<80x128xi32, #tpu.memory_space<vmem>>)
      tpu.yield
    }) : () -> ()
    %dma_start3A = arith.constant 0 : i32
    %dma_start3A_1 = arith.constant 0 : i32
    %dma_start3A_2 = arith.constant 0 : i32
    %dma_start3A_3 = arith.constant 0 : i32
    %dma_start3A_4 = tpu.memref_slice %arg8[%dma_start3A_1, %dma_start3A_2, %dma_start3A_3] : memref<4x128x128xbf16, #tpu.memory_space<vmem>> -> memref<1x128x128xbf16, #tpu.memory_space<vmem>>
    %dma_start3A_5 = tpu.memref_squeeze %dma_start3A_4 : memref<1x128x128xbf16, #tpu.memory_space<vmem>> -> memref<128x128xbf16, #tpu.memory_space<vmem>>
    %dma_start3A_6 = arith.constant 0 : i32
    %dma_start3A_7 = tpu.memref_slice %arg6[%dma_start3A, %dma_start3A_6] : memref<80x128xi32, #tpu.memory_space<vmem>> -> memref<1x128xi32, #tpu.memory_space<vmem>>
    %dma_start3A_8 = tpu.memref_squeeze %dma_start3A_7 : memref<1x128xi32, #tpu.memory_space<vmem>> -> memref<128xi32, #tpu.memory_space<vmem>>
    %dma_start3A_9 = arith.constant 0 : i32
    %dma_start3A_10 = arith.constant 0 : i32
    %dma_start3A_11 = tpu.memref_slice %arg2[%dma_start3A_9, %dma_start3A_10] : memref<10000x128xbf16, #tpu.memory_space<hbm>> -> memref<10000x128xbf16, #tpu.memory_space<hbm>>
    tpu.enqueue_indirect_dma source(%dma_start3A_11 : memref<10000x128xbf16, #tpu.memory_space<hbm>>) target(%dma_start3A_5 : memref<128x128xbf16, #tpu.memory_space<vmem>>) offsets(%dma_start3A_8 : memref<128xi32, #tpu.memory_space<vmem>>) semaphore(%arg11 : memref<!tpu.dma_semaphore, #tpu.memory_space<semaphore_mem>>)
    %dma_start3A_12 = arith.constant 1 : i32
    %dma_start3A_13 = arith.constant 1 : i32
    %dma_start3A_14 = arith.constant 0 : i32
    %dma_start3A_15 = arith.constant 0 : i32
    %dma_start3A_16 = tpu.memref_slice %arg8[%dma_start3A_13, %dma_start3A_14, %dma_start3A_15] : memref<4x128x128xbf16, #tpu.memory_space<vmem>> -> memref<1x128x128xbf16, #tpu.memory_space<vmem>>
    %dma_start3A_17 = tpu.memref_squeeze %dma_start3A_16 : memref<1x128x128xbf16, #tpu.memory_space<vmem>> -> memref<128x128xbf16, #tpu.memory_space<vmem>>
    %dma_start3A_18 = arith.constant 0 : i32
    %dma_start3A_19 = tpu.memref_slice %arg6[%dma_start3A_12, %dma_start3A_18] : memref<80x128xi32, #tpu.memory_space<vmem>> -> memref<1x128xi32, #tpu.memory_space<vmem>>
    %dma_start3A_20 = tpu.memref_squeeze %dma_start3A_19 : memref<1x128xi32, #tpu.memory_space<vmem>> -> memref<128xi32, #tpu.memory_space<vmem>>
    %dma_start3A_21 = arith.constant 0 : i32
    %dma_start3A_22 = arith.constant 0 : i32
    %dma_start3A_23 = tpu.memref_slice %arg2[%dma_start3A_21, %dma_start3A_22] : memref<10000x128xbf16, #tpu.memory_space<hbm>> -> memref<10000x128xbf16, #tpu.memory_space<hbm>>
    tpu.enqueue_indirect_dma source(%dma_start3A_23 : memref<10000x128xbf16, #tpu.memory_space<hbm>>) target(%dma_start3A_17 : memref<128x128xbf16, #tpu.memory_space<vmem>>) offsets(%dma_start3A_20 : memref<128xi32, #tpu.memory_space<vmem>>) semaphore(%arg11 : memref<!tpu.dma_semaphore, #tpu.memory_space<semaphore_mem>>)
    %scan3A = arith.constant 0 : i32
    %scan3A_24 = arith.constant 0 : i32
    %scan3A_25 = arith.constant 128 : i32
    %scan3A_26 = arith.addi %scan3A_24, %scan3A_25 : i32
    %scan3A_27 = arith.constant 1 : i32
    %scan3A_28 = scf.for %scan3A_85 = %scan3A_24 to %scan3A_26 step %scan3A_27 iter_args(%scan3A_86 = %scan3A) -> (i32)  : i32 {
      %broadcast_in_dim3A = arith.constant 0.000000e+00 : bf16
      %broadcast_in_dim3A_87 = vector.broadcast %broadcast_in_dim3A : bf16 to vector<32xbf16>
      %swap3A = arith.index_cast %scan3A_85 : i32 to index
      %swap3A_88 = arith.constant 0 : index
      %swap3A_89 = tpu.vector_load %arg9[%swap3A, %swap3A_88] {strides = array<i32>} : memref<128x128xbf16, #tpu.memory_space<vmem>>, vector<1x32xbf16>,
      %swap3A_90 = vector.shape_cast %swap3A_89 : vector<1x32xbf16> to vector<32xbf16>
      %swap3A_91 = vector.shape_cast %broadcast_in_dim3A_87 : vector<32xbf16> to vector<1x32xbf16>
      tpu.vector_store %arg9[%swap3A, %swap3A_88], %swap3A_91 {strides = array<i32>} : memref<128x128xbf16, #tpu.memory_space<vmem>>, vector<1x32xbf16>,
      %broadcast_in_dim3A_92 = arith.constant 0.000000e+00 : bf16
      %broadcast_in_dim3A_93 = vector.broadcast %broadcast_in_dim3A_92 : bf16 to vector<32xbf16>
      %swap3A_94 = arith.index_cast %scan3A_85 : i32 to index
      %swap3A_95 = arith.constant 32 : index
      %swap3A_96 = tpu.vector_load %arg9[%swap3A_94, %swap3A_95] {strides = array<i32>} : memref<128x128xbf16, #tpu.memory_space<vmem>>, vector<1x32xbf16>,
      %swap3A_97 = vector.shape_cast %swap3A_96 : vector<1x32xbf16> to vector<32xbf16>
      %swap3A_98 = vector.shape_cast %broadcast_in_dim3A_93 : vector<32xbf16> to vector<1x32xbf16>
      tpu.vector_store %arg9[%swap3A_94, %swap3A_95], %swap3A_98 {strides = array<i32>} : memref<128x128xbf16, #tpu.memory_space<vmem>>, vector<1x32xbf16>,
      %broadcast_in_dim3A_99 = arith.constant 0.000000e+00 : bf16
      %broadcast_in_dim3A_100 = vector.broadcast %broadcast_in_dim3A_99 : bf16 to vector<32xbf16>
      %swap3A_101 = arith.index_cast %scan3A_85 : i32 to index
      %swap3A_102 = arith.constant 64 : index
      %swap3A_103 = tpu.vector_load %arg9[%swap3A_101, %swap3A_102] {strides = array<i32>} : memref<128x128xbf16, #tpu.memory_space<vmem>>, vector<1x32xbf16>,
      %swap3A_104 = vector.shape_cast %swap3A_103 : vector<1x32xbf16> to vector<32xbf16>
      %swap3A_105 = vector.shape_cast %broadcast_in_dim3A_100 : vector<32xbf16> to vector<1x32xbf16>
      tpu.vector_store %arg9[%swap3A_101, %swap3A_102], %swap3A_105 {strides = array<i32>} : memref<128x128xbf16, #tpu.memory_space<vmem>>, vector<1x32xbf16>,
      %broadcast_in_dim3A_106 = arith.constant 0.000000e+00 : bf16
      %broadcast_in_dim3A_107 = vector.broadcast %broadcast_in_dim3A_106 : bf16 to vector<32xbf16>
      %swap3A_108 = arith.index_cast %scan3A_85 : i32 to index
      %swap3A_109 = arith.constant 96 : index
      %swap3A_110 = tpu.vector_load %arg9[%swap3A_108, %swap3A_109] {strides = array<i32>} : memref<128x128xbf16, #tpu.memory_space<vmem>>, vector<1x32xbf16>,
      %swap3A_111 = vector.shape_cast %swap3A_110 : vector<1x32xbf16> to vector<32xbf16>
      %swap3A_112 = vector.shape_cast %broadcast_in_dim3A_107 : vector<32xbf16> to vector<1x32xbf16>
      tpu.vector_store %arg9[%swap3A_108, %swap3A_109], %swap3A_112 {strides = array<i32>} : memref<128x128xbf16, #tpu.memory_space<vmem>>, vector<1x32xbf16>,
      %scan3A_113 = arith.constant 0 : i32
      scf.yield %scan3A_113 : i32
    }
    %scan3A_29 = arith.constant 128 : i32
    %mul3A_30 = arith.constant 640 : i32
    %mul3A_31 = arith.muli %arg1, %mul3A_30 : i32
    %add3A_32 = arith.constant 0 : i32
    %add3A_33 = arith.addi %mul3A_31, %add3A_32 : i32
    "tpu.region"() ({
      %run_scoped3A = tpu.sem_alloc : memref<!tpu.dma_semaphore, #tpu.memory_space<semaphore_mem>>
      %dma_start3A_85 = arith.constant 0 : i32
      %dma_start3A_86 = tpu.memref_slice %arg10[%add3A_33, %dma_start3A_85] : memref<10240x128xbf16, #tpu.memory_space<vmem_shared>> -> memref<128x128xbf16, #tpu.memory_space<vmem_shared>>
      %dma_start3A_87 = arith.constant 0 : i32
      %dma_start3A_88 = tpu.memref_slice %arg10[%add3A_33, %dma_start3A_87] : memref<10240x128xbf16, #tpu.memory_space<vmem_shared>> -> memref<128x128xbf16, #tpu.memory_space<vmem_shared>>
      tpu.enqueue_dma source(%arg9 : memref<128x128xbf16, #tpu.memory_space<vmem>>) target(%dma_start3A_88 : memref<128x128xbf16, #tpu.memory_space<vmem_shared>>) target_semaphore(%run_scoped3A : memref<!tpu.dma_semaphore, #tpu.memory_space<semaphore_mem>>)
      %dma_wait3A_89 = arith.constant 0 : i32
      %dma_wait3A_90 = tpu.memref_slice %arg10[%add3A_33, %dma_wait3A_89] : memref<10240x128xbf16, #tpu.memory_space<vmem_shared>> -> memref<128x128xbf16, #tpu.memory_space<vmem_shared>>
      %dma_wait3A_91 = arith.constant 0 : i32
      %dma_wait3A_92 = tpu.memref_slice %arg10[%add3A_33, %dma_wait3A_91] : memref<10240x128xbf16, #tpu.memory_space<vmem_shared>> -> memref<128x128xbf16, #tpu.memory_space<vmem_shared>>
      tpu.wait_dma2 semaphore(%run_scoped3A : memref<!tpu.dma_semaphore, #tpu.memory_space<semaphore_mem>>) src(%arg9 : memref<128x128xbf16, #tpu.memory_space<vmem>>) dst(%dma_wait3A_92 : memref<128x128xbf16, #tpu.memory_space<vmem_shared>>)
      tpu.yield
    }) : () -> ()
    %mul3A_34 = arith.constant 640 : i32
    %mul3A_35 = arith.muli %arg1, %mul3A_34 : i32
    %add3A_36 = arith.constant 128 : i32
    %add3A_37 = arith.addi %mul3A_35, %add3A_36 : i32
    "tpu.region"() ({
      %run_scoped3A = tpu.sem_alloc : memref<!tpu.dma_semaphore, #tpu.memory_space<semaphore_mem>>
      %dma_start3A_85 = arith.constant 0 : i32
      %dma_start3A_86 = tpu.memref_slice %arg10[%add3A_37, %dma_start3A_85] : memref<10240x128xbf16, #tpu.memory_space<vmem_shared>> -> memref<128x128xbf16, #tpu.memory_space<vmem_shared>>
      %dma_start3A_87 = arith.constant 0 : i32
      %dma_start3A_88 = tpu.memref_slice %arg10[%add3A_37, %dma_start3A_87] : memref<10240x128xbf16, #tpu.memory_space<vmem_shared>> -> memref<128x128xbf16, #tpu.memory_space<vmem_shared>>
      tpu.enqueue_dma source(%arg9 : memref<128x128xbf16, #tpu.memory_space<vmem>>) target(%dma_start3A_88 : memref<128x128xbf16, #tpu.memory_space<vmem_shared>>) target_semaphore(%run_scoped3A : memref<!tpu.dma_semaphore, #tpu.memory_space<semaphore_mem>>)
      %dma_wait3A_89 = arith.constant 0 : i32
      %dma_wait3A_90 = tpu.memref_slice %arg10[%add3A_37, %dma_wait3A_89] : memref<10240x128xbf16, #tpu.memory_space<vmem_shared>> -> memref<128x128xbf16, #tpu.memory_space<vmem_shared>>
      %dma_wait3A_91 = arith.constant 0 : i32
      %dma_wait3A_92 = tpu.memref_slice %arg10[%add3A_37, %dma_wait3A_91] : memref<10240x128xbf16, #tpu.memory_space<vmem_shared>> -> memref<128x128xbf16, #tpu.memory_space<vmem_shared>>
      tpu.wait_dma2 semaphore(%run_scoped3A : memref<!tpu.dma_semaphore, #tpu.memory_space<semaphore_mem>>) src(%arg9 : memref<128x128xbf16, #tpu.memory_space<vmem>>) dst(%dma_wait3A_92 : memref<128x128xbf16, #tpu.memory_space<vmem_shared>>)
      tpu.yield
    }) : () -> ()
    %mul3A_38 = arith.constant 640 : i32
    %mul3A_39 = arith.muli %arg1, %mul3A_38 : i32
    %add3A_40 = arith.constant 256 : i32
    %add3A_41 = arith.addi %mul3A_39, %add3A_40 : i32
    "tpu.region"() ({
      %run_scoped3A = tpu.sem_alloc : memref<!tpu.dma_semaphore, #tpu.memory_space<semaphore_mem>>
      %dma_start3A_85 = arith.constant 0 : i32
      %dma_start3A_86 = tpu.memref_slice %arg10[%add3A_41, %dma_start3A_85] : memref<10240x128xbf16, #tpu.memory_space<vmem_shared>> -> memref<128x128xbf16, #tpu.memory_space<vmem_shared>>
      %dma_start3A_87 = arith.constant 0 : i32
      %dma_start3A_88 = tpu.memref_slice %arg10[%add3A_41, %dma_start3A_87] : memref<10240x128xbf16, #tpu.memory_space<vmem_shared>> -> memref<128x128xbf16, #tpu.memory_space<vmem_shared>>
      tpu.enqueue_dma source(%arg9 : memref<128x128xbf16, #tpu.memory_space<vmem>>) target(%dma_start3A_88 : memref<128x128xbf16, #tpu.memory_space<vmem_shared>>) target_semaphore(%run_scoped3A : memref<!tpu.dma_semaphore, #tpu.memory_space<semaphore_mem>>)
      %dma_wait3A_89 = arith.constant 0 : i32
      %dma_wait3A_90 = tpu.memref_slice %arg10[%add3A_41, %dma_wait3A_89] : memref<10240x128xbf16, #tpu.memory_space<vmem_shared>> -> memref<128x128xbf16, #tpu.memory_space<vmem_shared>>
      %dma_wait3A_91 = arith.constant 0 : i32
      %dma_wait3A_92 = tpu.memref_slice %arg10[%add3A_41, %dma_wait3A_91] : memref<10240x128xbf16, #tpu.memory_space<vmem_shared>> -> memref<128x128xbf16, #tpu.memory_space<vmem_shared>>
      tpu.wait_dma2 semaphore(%run_scoped3A : memref<!tpu.dma_semaphore, #tpu.memory_space<semaphore_mem>>) src(%arg9 : memref<128x128xbf16, #tpu.memory_space<vmem>>) dst(%dma_wait3A_92 : memref<128x128xbf16, #tpu.memory_space<vmem_shared>>)
      tpu.yield
    }) : () -> ()
    %mul3A_42 = arith.constant 640 : i32
    %mul3A_43 = arith.muli %arg1, %mul3A_42 : i32
    %add3A_44 = arith.constant 384 : i32
    %add3A_45 = arith.addi %mul3A_43, %add3A_44 : i32
    "tpu.region"() ({
      %run_scoped3A = tpu.sem_alloc : memref<!tpu.dma_semaphore, #tpu.memory_space<semaphore_mem>>
      %dma_start3A_85 = arith.constant 0 : i32
      %dma_start3A_86 = tpu.memref_slice %arg10[%add3A_45, %dma_start3A_85] : memref<10240x128xbf16, #tpu.memory_space<vmem_shared>> -> memref<128x128xbf16, #tpu.memory_space<vmem_shared>>
      %dma_start3A_87 = arith.constant 0 : i32
      %dma_start3A_88 = tpu.memref_slice %arg10[%add3A_45, %dma_start3A_87] : memref<10240x128xbf16, #tpu.memory_space<vmem_shared>> -> memref<128x128xbf16, #tpu.memory_space<vmem_shared>>
      tpu.enqueue_dma source(%arg9 : memref<128x128xbf16, #tpu.memory_space<vmem>>) target(%dma_start3A_88 : memref<128x128xbf16, #tpu.memory_space<vmem_shared>>) target_semaphore(%run_scoped3A : memref<!tpu.dma_semaphore, #tpu.memory_space<semaphore_mem>>)
      %dma_wait3A_89 = arith.constant 0 : i32
      %dma_wait3A_90 = tpu.memref_slice %arg10[%add3A_45, %dma_wait3A_89] : memref<10240x128xbf16, #tpu.memory_space<vmem_shared>> -> memref<128x128xbf16, #tpu.memory_space<vmem_shared>>
      %dma_wait3A_91 = arith.constant 0 : i32
      %dma_wait3A_92 = tpu.memref_slice %arg10[%add3A_45, %dma_wait3A_91] : memref<10240x128xbf16, #tpu.memory_space<vmem_shared>> -> memref<128x128xbf16, #tpu.memory_space<vmem_shared>>
      tpu.wait_dma2 semaphore(%run_scoped3A : memref<!tpu.dma_semaphore, #tpu.memory_space<semaphore_mem>>) src(%arg9 : memref<128x128xbf16, #tpu.memory_space<vmem>>) dst(%dma_wait3A_92 : memref<128x128xbf16, #tpu.memory_space<vmem_shared>>)
      tpu.yield
    }) : () -> ()
    %mul3A_46 = arith.constant 640 : i32
    %mul3A_47 = arith.muli %arg1, %mul3A_46 : i32
    %add3A_48 = arith.constant 512 : i32
    %add3A_49 = arith.addi %mul3A_47, %add3A_48 : i32
    "tpu.region"() ({
      %run_scoped3A = tpu.sem_alloc : memref<!tpu.dma_semaphore, #tpu.memory_space<semaphore_mem>>
      %dma_start3A_85 = arith.constant 0 : i32
      %dma_start3A_86 = tpu.memref_slice %arg10[%add3A_49, %dma_start3A_85] : memref<10240x128xbf16, #tpu.memory_space<vmem_shared>> -> memref<128x128xbf16, #tpu.memory_space<vmem_shared>>
      %dma_start3A_87 = arith.constant 0 : i32
      %dma_start3A_88 = tpu.memref_slice %arg10[%add3A_49, %dma_start3A_87] : memref<10240x128xbf16, #tpu.memory_space<vmem_shared>> -> memref<128x128xbf16, #tpu.memory_space<vmem_shared>>
      tpu.enqueue_dma source(%arg9 : memref<128x128xbf16, #tpu.memory_space<vmem>>) target(%dma_start3A_88 : memref<128x128xbf16, #tpu.memory_space<vmem_shared>>) target_semaphore(%run_scoped3A : memref<!tpu.dma_semaphore, #tpu.memory_space<semaphore_mem>>)
      %dma_wait3A_89 = arith.constant 0 : i32
      %dma_wait3A_90 = tpu.memref_slice %arg10[%add3A_49, %dma_wait3A_89] : memref<10240x128xbf16, #tpu.memory_space<vmem_shared>> -> memref<128x128xbf16, #tpu.memory_space<vmem_shared>>
      %dma_wait3A_91 = arith.constant 0 : i32
      %dma_wait3A_92 = tpu.memref_slice %arg10[%add3A_49, %dma_wait3A_91] : memref<10240x128xbf16, #tpu.memory_space<vmem_shared>> -> memref<128x128xbf16, #tpu.memory_space<vmem_shared>>
      tpu.wait_dma2 semaphore(%run_scoped3A : memref<!tpu.dma_semaphore, #tpu.memory_space<semaphore_mem>>) src(%arg9 : memref<128x128xbf16, #tpu.memory_space<vmem>>) dst(%dma_wait3A_92 : memref<128x128xbf16, #tpu.memory_space<vmem_shared>>)
      tpu.yield
    }) : () -> ()
    %barrier3A = arith.constant 0 : index
    tpu.barrier barrier_id(%barrier3A)
    %scan3A_50 = arith.constant 0 : i32
    %scan3A_51 = arith.constant 0 : i32
    %scan3A_52 = arith.constant 20 : i32
    %scan3A_53 = arith.addi %scan3A_51, %scan3A_52 : i32
    %scan3A_54 = arith.constant 1 : i32
    %scan3A_55 = scf.for %scan3A_85 = %scan3A_51 to %scan3A_53 step %scan3A_54 iter_args(%scan3A_86 = %scan3A_50) -> (i32)  : i32 {
      %mul3A_87 = arith.constant 4 : i32
      %mul3A_88 = arith.muli %scan3A_85, %mul3A_87 : i32
      %dma_wait3A_89 = arith.constant 0 : i32
      %dma_wait3A_90 = arith.constant 0 : i32
      %dma_wait3A_91 = arith.constant 0 : i32
      %dma_wait3A_92 = arith.constant 0 : i32
      %dma_wait3A_93 = tpu.memref_slice %arg8[%dma_wait3A_90, %dma_wait3A_91, %dma_wait3A_92] : memref<4x128x128xbf16, #tpu.memory_space<vmem>> -> memref<1x128x128xbf16, #tpu.memory_space<vmem>>
      %dma_wait3A_94 = tpu.memref_squeeze %dma_wait3A_93 : memref<1x128x128xbf16, #tpu.memory_space<vmem>> -> memref<128x128xbf16, #tpu.memory_space<vmem>>
      %dma_wait3A_95 = arith.constant 0 : i32
      %dma_wait3A_96 = tpu.memref_slice %arg6[%dma_wait3A_89, %dma_wait3A_95] : memref<80x128xi32, #tpu.memory_space<vmem>> -> memref<1x128xi32, #tpu.memory_space<vmem>>
      %dma_wait3A_97 = tpu.memref_squeeze %dma_wait3A_96 : memref<1x128xi32, #tpu.memory_space<vmem>> -> memref<128xi32, #tpu.memory_space<vmem>>
      %dma_wait3A_98 = arith.constant 0 : i32
      %dma_wait3A_99 = arith.constant 0 : i32
      %dma_wait3A_100 = tpu.memref_slice %arg2[%dma_wait3A_98, %dma_wait3A_99] : memref<10000x128xbf16, #tpu.memory_space<hbm>> -> memref<10000x128xbf16, #tpu.memory_space<hbm>>
      tpu.wait_indirect_dma semaphore(%arg11 : memref<!tpu.dma_semaphore, #tpu.memory_space<semaphore_mem>>) src(%dma_wait3A_100 : memref<10000x128xbf16, #tpu.memory_space<hbm>>) dst(%dma_wait3A_94 : memref<128x128xbf16, #tpu.memory_space<vmem>>)
      %dma_wait3A_101 = arith.constant 0 : i32
      %dma_wait3A_102 = arith.constant 1 : i32
      %dma_wait3A_103 = arith.constant 0 : i32
      %dma_wait3A_104 = arith.constant 0 : i32
      %dma_wait3A_105 = tpu.memref_slice %arg8[%dma_wait3A_102, %dma_wait3A_103, %dma_wait3A_104] : memref<4x128x128xbf16, #tpu.memory_space<vmem>> -> memref<1x128x128xbf16, #tpu.memory_space<vmem>>
      %dma_wait3A_106 = tpu.memref_squeeze %dma_wait3A_105 : memref<1x128x128xbf16, #tpu.memory_space<vmem>> -> memref<128x128xbf16, #tpu.memory_space<vmem>>
      %dma_wait3A_107 = arith.constant 0 : i32
      %dma_wait3A_108 = tpu.memref_slice %arg6[%dma_wait3A_101, %dma_wait3A_107] : memref<80x128xi32, #tpu.memory_space<vmem>> -> memref<1x128xi32, #tpu.memory_space<vmem>>
      %dma_wait3A_109 = tpu.memref_squeeze %dma_wait3A_108 : memref<1x128xi32, #tpu.memory_space<vmem>> -> memref<128xi32, #tpu.memory_space<vmem>>
      %dma_wait3A_110 = arith.constant 0 : i32
      %dma_wait3A_111 = arith.constant 0 : i32
      %dma_wait3A_112 = tpu.memref_slice %arg2[%dma_wait3A_110, %dma_wait3A_111] : memref<10000x128xbf16, #tpu.memory_space<hbm>> -> memref<10000x128xbf16, #tpu.memory_space<hbm>>
      tpu.wait_indirect_dma semaphore(%arg11 : memref<!tpu.dma_semaphore, #tpu.memory_space<semaphore_mem>>) src(%dma_wait3A_112 : memref<10000x128xbf16, #tpu.memory_space<hbm>>) dst(%dma_wait3A_106 : memref<128x128xbf16, #tpu.memory_space<vmem>>)
      %add3A_113 = arith.constant 0 : i32
      %add3A_114 = arith.addi %mul3A_88, %add3A_113 : i32
      %dma_start3A_115 = arith.constant 0 : i32
      %dma_start3A_116 = arith.constant 0 : i32
      %dma_start3A_117 = arith.constant 0 : i32
      %dma_start3A_118 = tpu.memref_slice %arg8[%dma_start3A_115, %dma_start3A_116, %dma_start3A_117] : memref<4x128x128xbf16, #tpu.memory_space<vmem>> -> memref<1x128x128xbf16, #tpu.memory_space<vmem>>
      %dma_start3A_119 = tpu.memref_squeeze %dma_start3A_118 : memref<1x128x128xbf16, #tpu.memory_space<vmem>> -> memref<128x128xbf16, #tpu.memory_space<vmem>>
      %dma_start3A_120 = arith.constant 0 : i32
      %dma_start3A_121 = tpu.memref_slice %arg7[%add3A_114, %dma_start3A_120] : memref<80x128xi32, #tpu.memory_space<vmem>> -> memref<1x128xi32, #tpu.memory_space<vmem>>
      %dma_start3A_122 = tpu.memref_squeeze %dma_start3A_121 : memref<1x128xi32, #tpu.memory_space<vmem>> -> memref<128xi32, #tpu.memory_space<vmem>>
      %dma_start3A_123 = arith.constant 0 : i32
      %dma_start3A_124 = arith.constant 0 : i32
      %dma_start3A_125 = tpu.memref_slice %arg10[%dma_start3A_123, %dma_start3A_124] : memref<10240x128xbf16, #tpu.memory_space<vmem_shared>> -> memref<10240x128xbf16, #tpu.memory_space<vmem_shared>>
      tpu.enqueue_indirect_dma source(%dma_start3A_119 : memref<128x128xbf16, #tpu.memory_space<vmem>>) target(%dma_start3A_125 : memref<10240x128xbf16, #tpu.memory_space<vmem_shared>>) offsets(%dma_start3A_122 : memref<128xi32, #tpu.memory_space<vmem>>) semaphore(%arg13 : memref<!tpu.dma_semaphore, #tpu.memory_space<semaphore_mem>>) {add = true}
      %add3A_126 = arith.constant 1 : i32
      %add3A_127 = arith.addi %mul3A_88, %add3A_126 : i32
      %dma_start3A_128 = arith.constant 1 : i32
      %dma_start3A_129 = arith.constant 0 : i32
      %dma_start3A_130 = arith.constant 0 : i32
      %dma_start3A_131 = tpu.memref_slice %arg8[%dma_start3A_128, %dma_start3A_129, %dma_start3A_130] : memref<4x128x128xbf16, #tpu.memory_space<vmem>> -> memref<1x128x128xbf16, #tpu.memory_space<vmem>>
      %dma_start3A_132 = tpu.memref_squeeze %dma_start3A_131 : memref<1x128x128xbf16, #tpu.memory_space<vmem>> -> memref<128x128xbf16, #tpu.memory_space<vmem>>
      %dma_start3A_133 = arith.constant 0 : i32
      %dma_start3A_134 = tpu.memref_slice %arg7[%add3A_127, %dma_start3A_133] : memref<80x128xi32, #tpu.memory_space<vmem>> -> memref<1x128xi32, #tpu.memory_space<vmem>>
      %dma_start3A_135 = tpu.memref_squeeze %dma_start3A_134 : memref<1x128xi32, #tpu.memory_space<vmem>> -> memref<128xi32, #tpu.memory_space<vmem>>
      %dma_start3A_136 = arith.constant 0 : i32
      %dma_start3A_137 = arith.constant 0 : i32
      %dma_start3A_138 = tpu.memref_slice %arg10[%dma_start3A_136, %dma_start3A_137] : memref<10240x128xbf16, #tpu.memory_space<vmem_shared>> -> memref<10240x128xbf16, #tpu.memory_space<vmem_shared>>
      tpu.enqueue_indirect_dma source(%dma_start3A_132 : memref<128x128xbf16, #tpu.memory_space<vmem>>) target(%dma_start3A_138 : memref<10240x128xbf16, #tpu.memory_space<vmem_shared>>) offsets(%dma_start3A_135 : memref<128xi32, #tpu.memory_space<vmem>>) semaphore(%arg13 : memref<!tpu.dma_semaphore, #tpu.memory_space<semaphore_mem>>) {add = true}
      %gt3A = arith.constant 0 : i32
      %gt3A_139 = arith.cmpi sgt, %scan3A_85, %gt3A : i32
      %convert_element_type3A = arith.extui %gt3A_139 : i1 to i32
      %cond3A = arith.constant 0 : i32
      %cond3A_140 = arith.cmpi ne, %convert_element_type3A, %cond3A : i32
      scf.if %cond3A_140 {
        %dma_wait3A_250 = arith.constant 2 : i32
        %dma_wait3A_251 = arith.constant 0 : i32
        %dma_wait3A_252 = arith.constant 0 : i32
        %dma_wait3A_253 = arith.constant 0 : i32
        %dma_wait3A_254 = tpu.memref_slice %arg8[%dma_wait3A_250, %dma_wait3A_252, %dma_wait3A_253] : memref<4x128x128xbf16, #tpu.memory_space<vmem>> -> memref<1x128x128xbf16, #tpu.memory_space<vmem>>
        %dma_wait3A_255 = tpu.memref_squeeze %dma_wait3A_254 : memref<1x128x128xbf16, #tpu.memory_space<vmem>> -> memref<128x128xbf16, #tpu.memory_space<vmem>>
        %dma_wait3A_256 = arith.constant 0 : i32
        %dma_wait3A_257 = tpu.memref_slice %arg7[%dma_wait3A_251, %dma_wait3A_256] : memref<80x128xi32, #tpu.memory_space<vmem>> -> memref<1x128xi32, #tpu.memory_space<vmem>>
        %dma_wait3A_258 = tpu.memref_squeeze %dma_wait3A_257 : memref<1x128xi32, #tpu.memory_space<vmem>> -> memref<128xi32, #tpu.memory_space<vmem>>
        %dma_wait3A_259 = arith.constant 0 : i32
        %dma_wait3A_260 = arith.constant 0 : i32
        %dma_wait3A_261 = tpu.memref_slice %arg10[%dma_wait3A_259, %dma_wait3A_260] : memref<10240x128xbf16, #tpu.memory_space<vmem_shared>> -> memref<10240x128xbf16, #tpu.memory_space<vmem_shared>>
        tpu.wait_indirect_dma semaphore(%arg14 : memref<!tpu.dma_semaphore, #tpu.memory_space<semaphore_mem>>) src(%dma_wait3A_255 : memref<128x128xbf16, #tpu.memory_space<vmem>>) dst(%dma_wait3A_261 : memref<10240x128xbf16, #tpu.memory_space<vmem_shared>>)
        %dma_wait3A_262 = arith.constant 3 : i32
        %dma_wait3A_263 = arith.constant 0 : i32
        %dma_wait3A_264 = arith.constant 0 : i32
        %dma_wait3A_265 = arith.constant 0 : i32
        %dma_wait3A_266 = tpu.memref_slice %arg8[%dma_wait3A_262, %dma_wait3A_264, %dma_wait3A_265] : memref<4x128x128xbf16, #tpu.memory_space<vmem>> -> memref<1x128x128xbf16, #tpu.memory_space<vmem>>
        %dma_wait3A_267 = tpu.memref_squeeze %dma_wait3A_266 : memref<1x128x128xbf16, #tpu.memory_space<vmem>> -> memref<128x128xbf16, #tpu.memory_space<vmem>>
        %dma_wait3A_268 = arith.constant 0 : i32
        %dma_wait3A_269 = tpu.memref_slice %arg7[%dma_wait3A_263, %dma_wait3A_268] : memref<80x128xi32, #tpu.memory_space<vmem>> -> memref<1x128xi32, #tpu.memory_space<vmem>>
        %dma_wait3A_270 = tpu.memref_squeeze %dma_wait3A_269 : memref<1x128xi32, #tpu.memory_space<vmem>> -> memref<128xi32, #tpu.memory_space<vmem>>
        %dma_wait3A_271 = arith.constant 0 : i32
        %dma_wait3A_272 = arith.constant 0 : i32
        %dma_wait3A_273 = tpu.memref_slice %arg10[%dma_wait3A_271, %dma_wait3A_272] : memref<10240x128xbf16, #tpu.memory_space<vmem_shared>> -> memref<10240x128xbf16, #tpu.memory_space<vmem_shared>>
        tpu.wait_indirect_dma semaphore(%arg14 : memref<!tpu.dma_semaphore, #tpu.memory_space<semaphore_mem>>) src(%dma_wait3A_267 : memref<128x128xbf16, #tpu.memory_space<vmem>>) dst(%dma_wait3A_273 : memref<10240x128xbf16, #tpu.memory_space<vmem_shared>>)
      } else {
      }
      %add3A_141 = arith.constant 2 : i32
      %add3A_142 = arith.addi %mul3A_88, %add3A_141 : i32
      %add3A_143 = arith.constant 0 : i32
      %add3A_144 = arith.addi %add3A_142, %add3A_143 : i32
      %dma_start3A_145 = arith.constant 2 : i32
      %dma_start3A_146 = arith.constant 0 : i32
      %dma_start3A_147 = arith.constant 0 : i32
      %dma_start3A_148 = tpu.memref_slice %arg8[%dma_start3A_145, %dma_start3A_146, %dma_start3A_147] : memref<4x128x128xbf16, #tpu.memory_space<vmem>> -> memref<1x128x128xbf16, #tpu.memory_space<vmem>>
      %dma_start3A_149 = tpu.memref_squeeze %dma_start3A_148 : memref<1x128x128xbf16, #tpu.memory_space<vmem>> -> memref<128x128xbf16, #tpu.memory_space<vmem>>
      %dma_start3A_150 = arith.constant 0 : i32
      %dma_start3A_151 = tpu.memref_slice %arg6[%add3A_144, %dma_start3A_150] : memref<80x128xi32, #tpu.memory_space<vmem>> -> memref<1x128xi32, #tpu.memory_space<vmem>>
      %dma_start3A_152 = tpu.memref_squeeze %dma_start3A_151 : memref<1x128xi32, #tpu.memory_space<vmem>> -> memref<128xi32, #tpu.memory_space<vmem>>
      %dma_start3A_153 = arith.constant 0 : i32
      %dma_start3A_154 = arith.constant 0 : i32
      %dma_start3A_155 = tpu.memref_slice %arg2[%dma_start3A_153, %dma_start3A_154] : memref<10000x128xbf16, #tpu.memory_space<hbm>> -> memref<10000x128xbf16, #tpu.memory_space<hbm>>
      tpu.enqueue_indirect_dma source(%dma_start3A_155 : memref<10000x128xbf16, #tpu.memory_space<hbm>>) target(%dma_start3A_149 : memref<128x128xbf16, #tpu.memory_space<vmem>>) offsets(%dma_start3A_152 : memref<128xi32, #tpu.memory_space<vmem>>) semaphore(%arg12 : memref<!tpu.dma_semaphore, #tpu.memory_space<semaphore_mem>>)
      %add3A_156 = arith.constant 1 : i32
      %add3A_157 = arith.addi %add3A_142, %add3A_156 : i32
      %dma_start3A_158 = arith.constant 3 : i32
      %dma_start3A_159 = arith.constant 0 : i32
      %dma_start3A_160 = arith.constant 0 : i32
      %dma_start3A_161 = tpu.memref_slice %arg8[%dma_start3A_158, %dma_start3A_159, %dma_start3A_160] : memref<4x128x128xbf16, #tpu.memory_space<vmem>> -> memref<1x128x128xbf16, #tpu.memory_space<vmem>>
      %dma_start3A_162 = tpu.memref_squeeze %dma_start3A_161 : memref<1x128x128xbf16, #tpu.memory_space<vmem>> -> memref<128x128xbf16, #tpu.memory_space<vmem>>
      %dma_start3A_163 = arith.constant 0 : i32
      %dma_start3A_164 = tpu.memref_slice %arg6[%add3A_157, %dma_start3A_163] : memref<80x128xi32, #tpu.memory_space<vmem>> -> memref<1x128xi32, #tpu.memory_space<vmem>>
      %dma_start3A_165 = tpu.memref_squeeze %dma_start3A_164 : memref<1x128xi32, #tpu.memory_space<vmem>> -> memref<128xi32, #tpu.memory_space<vmem>>
      %dma_start3A_166 = arith.constant 0 : i32
      %dma_start3A_167 = arith.constant 0 : i32
      %dma_start3A_168 = tpu.memref_slice %arg2[%dma_start3A_166, %dma_start3A_167] : memref<10000x128xbf16, #tpu.memory_space<hbm>> -> memref<10000x128xbf16, #tpu.memory_space<hbm>>
      tpu.enqueue_indirect_dma source(%dma_start3A_168 : memref<10000x128xbf16, #tpu.memory_space<hbm>>) target(%dma_start3A_162 : memref<128x128xbf16, #tpu.memory_space<vmem>>) offsets(%dma_start3A_165 : memref<128xi32, #tpu.memory_space<vmem>>) semaphore(%arg12 : memref<!tpu.dma_semaphore, #tpu.memory_space<semaphore_mem>>)
      %dma_wait3A_169 = arith.constant 0 : i32
      %dma_wait3A_170 = arith.constant 2 : i32
      %dma_wait3A_171 = arith.constant 0 : i32
      %dma_wait3A_172 = arith.constant 0 : i32
      %dma_wait3A_173 = tpu.memref_slice %arg8[%dma_wait3A_170, %dma_wait3A_171, %dma_wait3A_172] : memref<4x128x128xbf16, #tpu.memory_space<vmem>> -> memref<1x128x128xbf16, #tpu.memory_space<vmem>>
      %dma_wait3A_174 = tpu.memref_squeeze %dma_wait3A_173 : memref<1x128x128xbf16, #tpu.memory_space<vmem>> -> memref<128x128xbf16, #tpu.memory_space<vmem>>
      %dma_wait3A_175 = arith.constant 0 : i32
      %dma_wait3A_176 = tpu.memref_slice %arg6[%dma_wait3A_169, %dma_wait3A_175] : memref<80x128xi32, #tpu.memory_space<vmem>> -> memref<1x128xi32, #tpu.memory_space<vmem>>
      %dma_wait3A_177 = tpu.memref_squeeze %dma_wait3A_176 : memref<1x128xi32, #tpu.memory_space<vmem>> -> memref<128xi32, #tpu.memory_space<vmem>>
      %dma_wait3A_178 = arith.constant 0 : i32
      %dma_wait3A_179 = arith.constant 0 : i32
      %dma_wait3A_180 = tpu.memref_slice %arg2[%dma_wait3A_178, %dma_wait3A_179] : memref<10000x128xbf16, #tpu.memory_space<hbm>> -> memref<10000x128xbf16, #tpu.memory_space<hbm>>
      tpu.wait_indirect_dma semaphore(%arg12 : memref<!tpu.dma_semaphore, #tpu.memory_space<semaphore_mem>>) src(%dma_wait3A_180 : memref<10000x128xbf16, #tpu.memory_space<hbm>>) dst(%dma_wait3A_174 : memref<128x128xbf16, #tpu.memory_space<vmem>>)
      %dma_wait3A_181 = arith.constant 0 : i32
      %dma_wait3A_182 = arith.constant 3 : i32
      %dma_wait3A_183 = arith.constant 0 : i32
      %dma_wait3A_184 = arith.constant 0 : i32
      %dma_wait3A_185 = tpu.memref_slice %arg8[%dma_wait3A_182, %dma_wait3A_183, %dma_wait3A_184] : memref<4x128x128xbf16, #tpu.memory_space<vmem>> -> memref<1x128x128xbf16, #tpu.memory_space<vmem>>
      %dma_wait3A_186 = tpu.memref_squeeze %dma_wait3A_185 : memref<1x128x128xbf16, #tpu.memory_space<vmem>> -> memref<128x128xbf16, #tpu.memory_space<vmem>>
      %dma_wait3A_187 = arith.constant 0 : i32
      %dma_wait3A_188 = tpu.memref_slice %arg6[%dma_wait3A_181, %dma_wait3A_187] : memref<80x128xi32, #tpu.memory_space<vmem>> -> memref<1x128xi32, #tpu.memory_space<vmem>>
      %dma_wait3A_189 = tpu.memref_squeeze %dma_wait3A_188 : memref<1x128xi32, #tpu.memory_space<vmem>> -> memref<128xi32, #tpu.memory_space<vmem>>
      %dma_wait3A_190 = arith.constant 0 : i32
      %dma_wait3A_191 = arith.constant 0 : i32
      %dma_wait3A_192 = tpu.memref_slice %arg2[%dma_wait3A_190, %dma_wait3A_191] : memref<10000x128xbf16, #tpu.memory_space<hbm>> -> memref<10000x128xbf16, #tpu.memory_space<hbm>>
      tpu.wait_indirect_dma semaphore(%arg12 : memref<!tpu.dma_semaphore, #tpu.memory_space<semaphore_mem>>) src(%dma_wait3A_192 : memref<10000x128xbf16, #tpu.memory_space<hbm>>) dst(%dma_wait3A_186 : memref<128x128xbf16, #tpu.memory_space<vmem>>)
      %add3A_193 = arith.constant 2 : i32
      %add3A_194 = arith.addi %mul3A_88, %add3A_193 : i32
      %add3A_195 = arith.constant 0 : i32
      %add3A_196 = arith.addi %add3A_194, %add3A_195 : i32
      %dma_start3A_197 = arith.constant 2 : i32
      %dma_start3A_198 = arith.constant 0 : i32
      %dma_start3A_199 = arith.constant 0 : i32
      %dma_start3A_200 = tpu.memref_slice %arg8[%dma_start3A_197, %dma_start3A_198, %dma_start3A_199] : memref<4x128x128xbf16, #tpu.memory_space<vmem>> -> memref<1x128x128xbf16, #tpu.memory_space<vmem>>
      %dma_start3A_201 = tpu.memref_squeeze %dma_start3A_200 : memref<1x128x128xbf16, #tpu.memory_space<vmem>> -> memref<128x128xbf16, #tpu.memory_space<vmem>>
      %dma_start3A_202 = arith.constant 0 : i32
      %dma_start3A_203 = tpu.memref_slice %arg7[%add3A_196, %dma_start3A_202] : memref<80x128xi32, #tpu.memory_space<vmem>> -> memref<1x128xi32, #tpu.memory_space<vmem>>
      %dma_start3A_204 = tpu.memref_squeeze %dma_start3A_203 : memref<1x128xi32, #tpu.memory_space<vmem>> -> memref<128xi32, #tpu.memory_space<vmem>>
      %dma_start3A_205 = arith.constant 0 : i32
      %dma_start3A_206 = arith.constant 0 : i32
      %dma_start3A_207 = tpu.memref_slice %arg10[%dma_start3A_205, %dma_start3A_206] : memref<10240x128xbf16, #tpu.memory_space<vmem_shared>> -> memref<10240x128xbf16, #tpu.memory_space<vmem_shared>>
      tpu.enqueue_indirect_dma source(%dma_start3A_201 : memref<128x128xbf16, #tpu.memory_space<vmem>>) target(%dma_start3A_207 : memref<10240x128xbf16, #tpu.memory_space<vmem_shared>>) offsets(%dma_start3A_204 : memref<128xi32, #tpu.memory_space<vmem>>) semaphore(%arg14 : memref<!tpu.dma_semaphore, #tpu.memory_space<semaphore_mem>>) {add = true}
      %add3A_208 = arith.constant 1 : i32
      %add3A_209 = arith.addi %add3A_194, %add3A_208 : i32
      %dma_start3A_210 = arith.constant 3 : i32
      %dma_start3A_211 = arith.constant 0 : i32
      %dma_start3A_212 = arith.constant 0 : i32
      %dma_start3A_213 = tpu.memref_slice %arg8[%dma_start3A_210, %dma_start3A_211, %dma_start3A_212] : memref<4x128x128xbf16, #tpu.memory_space<vmem>> -> memref<1x128x128xbf16, #tpu.memory_space<vmem>>
      %dma_start3A_214 = tpu.memref_squeeze %dma_start3A_213 : memref<1x128x128xbf16, #tpu.memory_space<vmem>> -> memref<128x128xbf16, #tpu.memory_space<vmem>>
      %dma_start3A_215 = arith.constant 0 : i32
      %dma_start3A_216 = tpu.memref_slice %arg7[%add3A_209, %dma_start3A_215] : memref<80x128xi32, #tpu.memory_space<vmem>> -> memref<1x128xi32, #tpu.memory_space<vmem>>
      %dma_start3A_217 = tpu.memref_squeeze %dma_start3A_216 : memref<1x128xi32, #tpu.memory_space<vmem>> -> memref<128xi32, #tpu.memory_space<vmem>>
      %dma_start3A_218 = arith.constant 0 : i32
      %dma_start3A_219 = arith.constant 0 : i32
      %dma_start3A_220 = tpu.memref_slice %arg10[%dma_start3A_218, %dma_start3A_219] : memref<10240x128xbf16, #tpu.memory_space<vmem_shared>> -> memref<10240x128xbf16, #tpu.memory_space<vmem_shared>>
      tpu.enqueue_indirect_dma source(%dma_start3A_214 : memref<128x128xbf16, #tpu.memory_space<vmem>>) target(%dma_start3A_220 : memref<10240x128xbf16, #tpu.memory_space<vmem_shared>>) offsets(%dma_start3A_217 : memref<128xi32, #tpu.memory_space<vmem>>) semaphore(%arg14 : memref<!tpu.dma_semaphore, #tpu.memory_space<semaphore_mem>>) {add = true}
      %dma_wait3A_221 = arith.constant 0 : i32
      %dma_wait3A_222 = arith.constant 0 : i32
      %dma_wait3A_223 = arith.constant 0 : i32
      %dma_wait3A_224 = arith.constant 0 : i32
      %dma_wait3A_225 = tpu.memref_slice %arg8[%dma_wait3A_221, %dma_wait3A_223, %dma_wait3A_224] : memref<4x128x128xbf16, #tpu.memory_space<vmem>> -> memref<1x128x128xbf16, #tpu.memory_space<vmem>>
      %dma_wait3A_226 = tpu.memref_squeeze %dma_wait3A_225 : memref<1x128x128xbf16, #tpu.memory_space<vmem>> -> memref<128x128xbf16, #tpu.memory_space<vmem>>
      %dma_wait3A_227 = arith.constant 0 : i32
      %dma_wait3A_228 = tpu.memref_slice %arg7[%dma_wait3A_222, %dma_wait3A_227] : memref<80x128xi32, #tpu.memory_space<vmem>> -> memref<1x128xi32, #tpu.memory_space<vmem>>
      %dma_wait3A_229 = tpu.memref_squeeze %dma_wait3A_228 : memref<1x128xi32, #tpu.memory_space<vmem>> -> memref<128xi32, #tpu.memory_space<vmem>>
      %dma_wait3A_230 = arith.constant 0 : i32
      %dma_wait3A_231 = arith.constant 0 : i32
      %dma_wait3A_232 = tpu.memref_slice %arg10[%dma_wait3A_230, %dma_wait3A_231] : memref<10240x128xbf16, #tpu.memory_space<vmem_shared>> -> memref<10240x128xbf16, #tpu.memory_space<vmem_shared>>
      tpu.wait_indirect_dma semaphore(%arg13 : memref<!tpu.dma_semaphore, #tpu.memory_space<semaphore_mem>>) src(%dma_wait3A_226 : memref<128x128xbf16, #tpu.memory_space<vmem>>) dst(%dma_wait3A_232 : memref<10240x128xbf16, #tpu.memory_space<vmem_shared>>)
      %dma_wait3A_233 = arith.constant 1 : i32
      %dma_wait3A_234 = arith.constant 0 : i32
      %dma_wait3A_235 = arith.constant 0 : i32
      %dma_wait3A_236 = arith.constant 0 : i32
      %dma_wait3A_237 = tpu.memref_slice %arg8[%dma_wait3A_233, %dma_wait3A_235, %dma_wait3A_236] : memref<4x128x128xbf16, #tpu.memory_space<vmem>> -> memref<1x128x128xbf16, #tpu.memory_space<vmem>>
      %dma_wait3A_238 = tpu.memref_squeeze %dma_wait3A_237 : memref<1x128x128xbf16, #tpu.memory_space<vmem>> -> memref<128x128xbf16, #tpu.memory_space<vmem>>
      %dma_wait3A_239 = arith.constant 0 : i32
      %dma_wait3A_240 = tpu.memref_slice %arg7[%dma_wait3A_234, %dma_wait3A_239] : memref<80x128xi32, #tpu.memory_space<vmem>> -> memref<1x128xi32, #tpu.memory_space<vmem>>
      %dma_wait3A_241 = tpu.memref_squeeze %dma_wait3A_240 : memref<1x128xi32, #tpu.memory_space<vmem>> -> memref<128xi32, #tpu.memory_space<vmem>>
      %dma_wait3A_242 = arith.constant 0 : i32
      %dma_wait3A_243 = arith.constant 0 : i32
      %dma_wait3A_244 = tpu.memref_slice %arg10[%dma_wait3A_242, %dma_wait3A_243] : memref<10240x128xbf16, #tpu.memory_space<vmem_shared>> -> memref<10240x128xbf16, #tpu.memory_space<vmem_shared>>
      tpu.wait_indirect_dma semaphore(%arg13 : memref<!tpu.dma_semaphore, #tpu.memory_space<semaphore_mem>>) src(%dma_wait3A_238 : memref<128x128xbf16, #tpu.memory_space<vmem>>) dst(%dma_wait3A_244 : memref<10240x128xbf16, #tpu.memory_space<vmem_shared>>)
      %lt3A = arith.constant 19 : i32
      %lt3A_245 = arith.cmpi slt, %scan3A_85, %lt3A : i32
      %convert_element_type3A_246 = arith.extui %lt3A_245 : i1 to i32
      %cond3A_247 = arith.constant 0 : i32
      %cond3A_248 = arith.cmpi ne, %convert_element_type3A_246, %cond3A_247 : i32
      scf.if %cond3A_248 {
        %add3A_250 = arith.constant 4 : i32
        %add3A_251 = arith.addi %mul3A_88, %add3A_250 : i32
        %add3A_252 = arith.constant 0 : i32
        %add3A_253 = arith.addi %add3A_251, %add3A_252 : i32
        %dma_start3A_254 = arith.constant 0 : i32
        %dma_start3A_255 = arith.constant 0 : i32
        %dma_start3A_256 = arith.constant 0 : i32
        %dma_start3A_257 = tpu.memref_slice %arg8[%dma_start3A_254, %dma_start3A_255, %dma_start3A_256] : memref<4x128x128xbf16, #tpu.memory_space<vmem>> -> memref<1x128x128xbf16, #tpu.memory_space<vmem>>
        %dma_start3A_258 = tpu.memref_squeeze %dma_start3A_257 : memref<1x128x128xbf16, #tpu.memory_space<vmem>> -> memref<128x128xbf16, #tpu.memory_space<vmem>>
        %dma_start3A_259 = arith.constant 0 : i32
        %dma_start3A_260 = tpu.memref_slice %arg6[%add3A_253, %dma_start3A_259] : memref<80x128xi32, #tpu.memory_space<vmem>> -> memref<1x128xi32, #tpu.memory_space<vmem>>
        %dma_start3A_261 = tpu.memref_squeeze %dma_start3A_260 : memref<1x128xi32, #tpu.memory_space<vmem>> -> memref<128xi32, #tpu.memory_space<vmem>>
        %dma_start3A_262 = arith.constant 0 : i32
        %dma_start3A_263 = arith.constant 0 : i32
        %dma_start3A_264 = tpu.memref_slice %arg2[%dma_start3A_262, %dma_start3A_263] : memref<10000x128xbf16, #tpu.memory_space<hbm>> -> memref<10000x128xbf16, #tpu.memory_space<hbm>>
        tpu.enqueue_indirect_dma source(%dma_start3A_264 : memref<10000x128xbf16, #tpu.memory_space<hbm>>) target(%dma_start3A_258 : memref<128x128xbf16, #tpu.memory_space<vmem>>) offsets(%dma_start3A_261 : memref<128xi32, #tpu.memory_space<vmem>>) semaphore(%arg11 : memref<!tpu.dma_semaphore, #tpu.memory_space<semaphore_mem>>)
        %add3A_265 = arith.constant 1 : i32
        %add3A_266 = arith.addi %add3A_251, %add3A_265 : i32
        %dma_start3A_267 = arith.constant 1 : i32
        %dma_start3A_268 = arith.constant 0 : i32
        %dma_start3A_269 = arith.constant 0 : i32
        %dma_start3A_270 = tpu.memref_slice %arg8[%dma_start3A_267, %dma_start3A_268, %dma_start3A_269] : memref<4x128x128xbf16, #tpu.memory_space<vmem>> -> memref<1x128x128xbf16, #tpu.memory_space<vmem>>
        %dma_start3A_271 = tpu.memref_squeeze %dma_start3A_270 : memref<1x128x128xbf16, #tpu.memory_space<vmem>> -> memref<128x128xbf16, #tpu.memory_space<vmem>>
        %dma_start3A_272 = arith.constant 0 : i32
        %dma_start3A_273 = tpu.memref_slice %arg6[%add3A_266, %dma_start3A_272] : memref<80x128xi32, #tpu.memory_space<vmem>> -> memref<1x128xi32, #tpu.memory_space<vmem>>
        %dma_start3A_274 = tpu.memref_squeeze %dma_start3A_273 : memref<1x128xi32, #tpu.memory_space<vmem>> -> memref<128xi32, #tpu.memory_space<vmem>>
        %dma_start3A_275 = arith.constant 0 : i32
        %dma_start3A_276 = arith.constant 0 : i32
        %dma_start3A_277 = tpu.memref_slice %arg2[%dma_start3A_275, %dma_start3A_276] : memref<10000x128xbf16, #tpu.memory_space<hbm>> -> memref<10000x128xbf16, #tpu.memory_space<hbm>>
        tpu.enqueue_indirect_dma source(%dma_start3A_277 : memref<10000x128xbf16, #tpu.memory_space<hbm>>) target(%dma_start3A_271 : memref<128x128xbf16, #tpu.memory_space<vmem>>) offsets(%dma_start3A_274 : memref<128xi32, #tpu.memory_space<vmem>>) semaphore(%arg11 : memref<!tpu.dma_semaphore, #tpu.memory_space<semaphore_mem>>)
      } else {
      }
      %scan3A_249 = arith.constant 0 : i32
      scf.yield %scan3A_249 : i32
    }
    %scan3A_56 = arith.constant 20 : i32
    %dma_wait3A = arith.constant 2 : i32
    %dma_wait3A_57 = arith.constant 0 : i32
    %dma_wait3A_58 = arith.constant 0 : i32
    %dma_wait3A_59 = arith.constant 0 : i32
    %dma_wait3A_60 = tpu.memref_slice %arg8[%dma_wait3A, %dma_wait3A_58, %dma_wait3A_59] : memref<4x128x128xbf16, #tpu.memory_space<vmem>> -> memref<1x128x128xbf16, #tpu.memory_space<vmem>>
    %dma_wait3A_61 = tpu.memref_squeeze %dma_wait3A_60 : memref<1x128x128xbf16, #tpu.memory_space<vmem>> -> memref<128x128xbf16, #tpu.memory_space<vmem>>
    %dma_wait3A_62 = arith.constant 0 : i32
    %dma_wait3A_63 = tpu.memref_slice %arg7[%dma_wait3A_57, %dma_wait3A_62] : memref<80x128xi32, #tpu.memory_space<vmem>> -> memref<1x128xi32, #tpu.memory_space<vmem>>
    %dma_wait3A_64 = tpu.memref_squeeze %dma_wait3A_63 : memref<1x128xi32, #tpu.memory_space<vmem>> -> memref<128xi32, #tpu.memory_space<vmem>>
    %dma_wait3A_65 = arith.constant 0 : i32
    %dma_wait3A_66 = arith.constant 0 : i32
    %dma_wait3A_67 = tpu.memref_slice %arg10[%dma_wait3A_65, %dma_wait3A_66] : memref<10240x128xbf16, #tpu.memory_space<vmem_shared>> -> memref<10240x128xbf16, #tpu.memory_space<vmem_shared>>
    tpu.wait_indirect_dma semaphore(%arg14 : memref<!tpu.dma_semaphore, #tpu.memory_space<semaphore_mem>>) src(%dma_wait3A_61 : memref<128x128xbf16, #tpu.memory_space<vmem>>) dst(%dma_wait3A_67 : memref<10240x128xbf16, #tpu.memory_space<vmem_shared>>)
    %dma_wait3A_68 = arith.constant 3 : i32
    %dma_wait3A_69 = arith.constant 0 : i32
    %dma_wait3A_70 = arith.constant 0 : i32
    %dma_wait3A_71 = arith.constant 0 : i32
    %dma_wait3A_72 = tpu.memref_slice %arg8[%dma_wait3A_68, %dma_wait3A_70, %dma_wait3A_71] : memref<4x128x128xbf16, #tpu.memory_space<vmem>> -> memref<1x128x128xbf16, #tpu.memory_space<vmem>>
    %dma_wait3A_73 = tpu.memref_squeeze %dma_wait3A_72 : memref<1x128x128xbf16, #tpu.memory_space<vmem>> -> memref<128x128xbf16, #tpu.memory_space<vmem>>
    %dma_wait3A_74 = arith.constant 0 : i32
    %dma_wait3A_75 = tpu.memref_slice %arg7[%dma_wait3A_69, %dma_wait3A_74] : memref<80x128xi32, #tpu.memory_space<vmem>> -> memref<1x128xi32, #tpu.memory_space<vmem>>
    %dma_wait3A_76 = tpu.memref_squeeze %dma_wait3A_75 : memref<1x128xi32, #tpu.memory_space<vmem>> -> memref<128xi32, #tpu.memory_space<vmem>>
    %dma_wait3A_77 = arith.constant 0 : i32
    %dma_wait3A_78 = arith.constant 0 : i32
    %dma_wait3A_79 = tpu.memref_slice %arg10[%dma_wait3A_77, %dma_wait3A_78] : memref<10240x128xbf16, #tpu.memory_space<vmem_shared>> -> memref<10240x128xbf16, #tpu.memory_space<vmem_shared>>
    tpu.wait_indirect_dma semaphore(%arg14 : memref<!tpu.dma_semaphore, #tpu.memory_space<semaphore_mem>>) src(%dma_wait3A_73 : memref<128x128xbf16, #tpu.memory_space<vmem>>) dst(%dma_wait3A_79 : memref<10240x128xbf16, #tpu.memory_space<vmem_shared>>)
    %barrier3A_80 = arith.constant 0 : index
    tpu.barrier barrier_id(%barrier3A_80)
    %mul3A_81 = arith.constant 640 : i32
    %mul3A_82 = arith.muli %arg1, %mul3A_81 : i32
    %mul3A_83 = arith.constant 640 : i32
    %mul3A_84 = arith.muli %arg1, %mul3A_83 : i32
    "tpu.region"() ({
      %run_scoped3A = tpu.sem_alloc : memref<!tpu.dma_semaphore, #tpu.memory_space<semaphore_mem>>
      %dma_start3A_85 = arith.constant 0 : i32
      %dma_start3A_86 = tpu.memref_slice %arg5[%arg0, %mul3A_84, %dma_start3A_85] : memref<2x10240x128xbf16, #tpu.memory_space<hbm>> -> memref<1x640x128xbf16, #tpu.memory_space<hbm>>
      %dma_start3A_87 = tpu.memref_squeeze %dma_start3A_86 : memref<1x640x128xbf16, #tpu.memory_space<hbm>> -> memref<640x128xbf16, #tpu.memory_space<hbm>>
      %dma_start3A_88 = arith.constant 0 : i32
      %dma_start3A_89 = tpu.memref_slice %arg10[%mul3A_82, %dma_start3A_88] : memref<10240x128xbf16, #tpu.memory_space<vmem_shared>> -> memref<640x128xbf16, #tpu.memory_space<vmem_shared>>
      tpu.enqueue_dma source(%dma_start3A_89 : memref<640x128xbf16, #tpu.memory_space<vmem_shared>>) target(%dma_start3A_87 : memref<640x128xbf16, #tpu.memory_space<hbm>>) target_semaphore(%run_scoped3A : memref<!tpu.dma_semaphore, #tpu.memory_space<semaphore_mem>>)
      %dma_wait3A_90 = arith.constant 0 : i32
      %dma_wait3A_91 = tpu.memref_slice %arg5[%arg0, %mul3A_84, %dma_wait3A_90] : memref<2x10240x128xbf16, #tpu.memory_space<hbm>> -> memref<1x640x128xbf16, #tpu.memory_space<hbm>>
      %dma_wait3A_92 = tpu.memref_squeeze %dma_wait3A_91 : memref<1x640x128xbf16, #tpu.memory_space<hbm>> -> memref<640x128xbf16, #tpu.memory_space<hbm>>
      %dma_wait3A_93 = arith.constant 0 : i32
      %dma_wait3A_94 = tpu.memref_slice %arg10[%mul3A_82, %dma_wait3A_93] : memref<10240x128xbf16, #tpu.memory_space<vmem_shared>> -> memref<640x128xbf16, #tpu.memory_space<vmem_shared>>
      tpu.wait_dma2 semaphore(%run_scoped3A : memref<!tpu.dma_semaphore, #tpu.memory_space<semaphore_mem>>) src(%dma_wait3A_94 : memref<640x128xbf16, #tpu.memory_space<vmem_shared>>) dst(%dma_wait3A_92 : memref<640x128xbf16, #tpu.memory_space<hbm>>)
      tpu.yield
    }) : () -> ()
    return
  }
}

module attributes {stable_mosaic.version = 14 : i64} {
  func.func @_layer_tc(%arg0: memref<10000x128xf32, #tpu.memory_space<vmem>>, %arg1: memref<2x10240x128xbf16, #tpu.memory_space<vmem>>, %arg2: memref<128x128xf32, #tpu.memory_space<vmem>>, %arg3: memref<1x128xf32, #tpu.memory_space<vmem>>, %arg4: memref<1x128xf32, #tpu.memory_space<vmem>>, %arg5: memref<1x128xf32, #tpu.memory_space<vmem>>, %arg6: memref<10000x128xf32, #tpu.memory_space<vmem>>, %arg7: memref<10000x128xbf16, #tpu.memory_space<vmem>>, %arg8: memref<1x128xf32, #tpu.memory_space<vmem>>, %arg9: memref<1x128xf32, #tpu.memory_space<vmem>>) attributes {dimension_semantics = [], scalar_prefetch = 0 : i64, scratch_operands = 0 : i64, tpu.core_type = #tpu.core_type<tc>} {
    %get3A = arith.constant 0 : index
    %get3A_0 = arith.constant 0 : index
    %get3A_1 = vector.load %arg0[%get3A, %get3A_0] : memref<10000x128xf32, #tpu.memory_space<vmem>>, vector<10000x128xf32>
    %get3A_2 = arith.constant 0 : index
    %get3A_3 = arith.constant 0 : index
    %get3A_4 = arith.constant 0 : index
    %get3A_5 = vector.load %arg1[%get3A_2, %get3A_3, %get3A_4] : memref<2x10240x128xbf16, #tpu.memory_space<vmem>>, vector<1x10000x128xbf16>
    %get3A_6 = vector.shape_cast %get3A_5 : vector<1x10000x128xbf16> to vector<10000x128xbf16>
    %convert_element_type3A = arith.extf %get3A_6 : vector<10000x128xbf16> to vector<10000x128xf32>
    %get3A_7 = arith.constant 1 : index
    %get3A_8 = arith.constant 0 : index
    %get3A_9 = arith.constant 0 : index
    %get3A_10 = vector.load %arg1[%get3A_7, %get3A_8, %get3A_9] : memref<2x10240x128xbf16, #tpu.memory_space<vmem>>, vector<1x10000x128xbf16>
    %get3A_11 = vector.shape_cast %get3A_10 : vector<1x10000x128xbf16> to vector<10000x128xbf16>
    %convert_element_type3A_12 = arith.extf %get3A_11 : vector<10000x128xbf16> to vector<10000x128xf32>
    %add3A = arith.addf %convert_element_type3A, %convert_element_type3A_12 : vector<10000x128xf32>
    %add3A_13 = arith.addf %get3A_1, %add3A : vector<10000x128xf32>
    %get3A_14 = arith.constant 0 : index
    %get3A_15 = arith.constant 0 : index
    %get3A_16 = vector.load %arg2[%get3A_14, %get3A_15] : memref<128x128xf32, #tpu.memory_space<vmem>>, vector<128x128xf32>
    %dot_general3A = arith.constant dense<0.000000e+00> : vector<10000x128xf32>
    %dot_general3A_17 = tpu.matmul %add3A_13, %get3A_16, %dot_general3A {dimension_numbers = #tpu.dot_dimension_numbers<[1], [0], [0], [1], [0, 0, 1, 1], [], []>, transpose_lhs_hint = false} : vector<10000x128xf32>, vector<128x128xf32>, vector<10000x128xf32> -> vector<10000x128xf32>
    %get3A_18 = arith.constant 0 : index
    %get3A_19 = arith.constant 0 : index
    %get3A_20 = vector.load %arg3[%get3A_18, %get3A_19] : memref<1x128xf32, #tpu.memory_space<vmem>>, vector<1x128xf32>
    %add3A_21 = vector.broadcast %get3A_20 : vector<1x128xf32> to vector<10000x128xf32>
    %add3A_22 = arith.addf %dot_general3A_17, %add3A_21 : vector<10000x128xf32>
    %reduce_sum3A = arith.constant dense<0.000000e+00> : vector<128xf32>
    %reduce_sum3A_23 = vector.multi_reduction <add>, %add3A_22, %reduce_sum3A [0] : vector<10000x128xf32> to vector<128xf32>
    %broadcast_in_dim3A = vector.shape_cast %reduce_sum3A_23 : vector<128xf32> to vector<1x128xf32>
    %div3A = arith.constant 1.000000e+04 : f32
    %div3A_24 = vector.broadcast %div3A : f32 to vector<1x128xf32>
    %div3A_25 = arith.divf %broadcast_in_dim3A, %div3A_24 : vector<1x128xf32>
    %sub3A = vector.broadcast %div3A_25 : vector<1x128xf32> to vector<10000x128xf32>
    %sub3A_26 = arith.subf %add3A_22, %sub3A : vector<10000x128xf32>
    %integer_pow3A = arith.mulf %sub3A_26, %sub3A_26 : vector<10000x128xf32>
    %reduce_sum3A_27 = arith.constant dense<0.000000e+00> : vector<128xf32>
    %reduce_sum3A_28 = vector.multi_reduction <add>, %integer_pow3A, %reduce_sum3A_27 [0] : vector<10000x128xf32> to vector<128xf32>
    %broadcast_in_dim3A_29 = vector.shape_cast %reduce_sum3A_28 : vector<128xf32> to vector<1x128xf32>
    %div3A_30 = arith.constant 1.000000e+04 : f32
    %div3A_31 = vector.broadcast %div3A_30 : f32 to vector<1x128xf32>
    %div3A_32 = arith.divf %broadcast_in_dim3A_29, %div3A_31 : vector<1x128xf32>
    %sub3A_33 = vector.broadcast %div3A_25 : vector<1x128xf32> to vector<10000x128xf32>
    %sub3A_34 = arith.subf %add3A_22, %sub3A_33 : vector<10000x128xf32>
    %add3A_35 = arith.constant 9.99999974E-6 : f32
    %add3A_36 = vector.broadcast %add3A_35 : f32 to vector<1x128xf32>
    %add3A_37 = arith.addf %div3A_32, %add3A_36 : vector<1x128xf32>
    %rsqrt3A = math.rsqrt %add3A_37 : vector<1x128xf32>
    %mul3A = vector.broadcast %rsqrt3A : vector<1x128xf32> to vector<10000x128xf32>
    %mul3A_38 = arith.mulf %sub3A_34, %mul3A : vector<10000x128xf32>
    %get3A_39 = arith.constant 0 : index
    %get3A_40 = arith.constant 0 : index
    %get3A_41 = vector.load %arg4[%get3A_39, %get3A_40] : memref<1x128xf32, #tpu.memory_space<vmem>>, vector<1x128xf32>
    %mul3A_42 = vector.broadcast %get3A_41 : vector<1x128xf32> to vector<10000x128xf32>
    %mul3A_43 = arith.mulf %mul3A_38, %mul3A_42 : vector<10000x128xf32>
    %get3A_44 = arith.constant 0 : index
    %get3A_45 = arith.constant 0 : index
    %get3A_46 = vector.load %arg5[%get3A_44, %get3A_45] : memref<1x128xf32, #tpu.memory_space<vmem>>, vector<1x128xf32>
    %add3A_47 = vector.broadcast %get3A_46 : vector<1x128xf32> to vector<10000x128xf32>
    %add3A_48 = arith.addf %mul3A_43, %add3A_47 : vector<10000x128xf32>
    %max3A = arith.constant 0.000000e+00 : f32
    %max3A_49 = vector.broadcast %max3A : f32 to vector<10000x128xf32>
    %max3A_50 = arith.maximumf %add3A_48, %max3A_49 : vector<10000x128xf32>
    %swap3A = arith.constant 0 : index
    %swap3A_51 = arith.constant 0 : index
    %swap3A_52 = vector.load %arg6[%swap3A, %swap3A_51] : memref<10000x128xf32, #tpu.memory_space<vmem>>, vector<10000x128xf32>
    tpu.vector_store %arg6[%swap3A, %swap3A_51], %max3A_50 {strides = array<i32>} : memref<10000x128xf32, #tpu.memory_space<vmem>>, vector<10000x128xf32>,
    %convert_element_type3A_53 = arith.truncf %max3A_50 : vector<10000x128xf32> to vector<10000x128xbf16>
    %swap3A_54 = arith.constant 0 : index
    %swap3A_55 = arith.constant 0 : index
    %swap3A_56 = vector.load %arg7[%swap3A_54, %swap3A_55] : memref<10000x128xbf16, #tpu.memory_space<vmem>>, vector<10000x128xbf16>
    tpu.vector_store %arg7[%swap3A_54, %swap3A_55], %convert_element_type3A_53 {strides = array<i32>} : memref<10000x128xbf16, #tpu.memory_space<vmem>>, vector<10000x128xbf16>,
    %reduce_sum3A_57 = arith.constant dense<0.000000e+00> : vector<128xf32>
    %reduce_sum3A_58 = vector.multi_reduction <add>, %get3A_1, %reduce_sum3A_57 [0] : vector<10000x128xf32> to vector<128xf32>
    %broadcast_in_dim3A_59 = vector.shape_cast %reduce_sum3A_58 : vector<128xf32> to vector<1x128xf32>
    %swap3A_60 = arith.constant 0 : index
    %swap3A_61 = arith.constant 0 : index
    %swap3A_62 = vector.load %arg8[%swap3A_60, %swap3A_61] : memref<1x128xf32, #tpu.memory_space<vmem>>, vector<1x128xf32>
    tpu.vector_store %arg8[%swap3A_60, %swap3A_61], %broadcast_in_dim3A_59 {strides = array<i32>} : memref<1x128xf32, #tpu.memory_space<vmem>>, vector<1x128xf32>,
    %reduce_sum3A_63 = arith.constant dense<0.000000e+00> : vector<128xf32>
    %reduce_sum3A_64 = vector.multi_reduction <add>, %max3A_50, %reduce_sum3A_63 [0] : vector<10000x128xf32> to vector<128xf32>
    %broadcast_in_dim3A_65 = vector.shape_cast %reduce_sum3A_64 : vector<128xf32> to vector<1x128xf32>
    %swap3A_66 = arith.constant 0 : index
    %swap3A_67 = arith.constant 0 : index
    %swap3A_68 = vector.load %arg9[%swap3A_66, %swap3A_67] : memref<1x128xf32, #tpu.memory_space<vmem>>, vector<1x128xf32>
    tpu.vector_store %arg9[%swap3A_66, %swap3A_67], %broadcast_in_dim3A_65 {strides = array<i32>} : memref<1x128xf32, #tpu.memory_space<vmem>>, vector<1x128xf32>,
    return
  }
}

module attributes {stable_mosaic.version = 14 : i64} {
  func.func @_layer_tc(%arg0: memref<10000x128xf32, #tpu.memory_space<vmem>>, %arg1: memref<2x10240x128xbf16, #tpu.memory_space<vmem>>, %arg2: memref<128x128xf32, #tpu.memory_space<vmem>>, %arg3: memref<1x128xf32, #tpu.memory_space<vmem>>, %arg4: memref<1x128xf32, #tpu.memory_space<vmem>>, %arg5: memref<1x128xf32, #tpu.memory_space<vmem>>, %arg6: memref<10000x128xf32, #tpu.memory_space<vmem>>, %arg7: memref<10000x128xbf16, #tpu.memory_space<vmem>>, %arg8: memref<1x128xf32, #tpu.memory_space<vmem>>, %arg9: memref<1x128xf32, #tpu.memory_space<vmem>>) attributes {dimension_semantics = [], scalar_prefetch = 0 : i64, scratch_operands = 0 : i64, tpu.core_type = #tpu.core_type<tc>} {
    %get3A = arith.constant 0 : index
    %get3A_0 = arith.constant 0 : index
    %get3A_1 = vector.load %arg0[%get3A, %get3A_0] : memref<10000x128xf32, #tpu.memory_space<vmem>>, vector<10000x128xf32>
    %get3A_2 = arith.constant 0 : index
    %get3A_3 = arith.constant 0 : index
    %get3A_4 = arith.constant 0 : index
    %get3A_5 = vector.load %arg1[%get3A_2, %get3A_3, %get3A_4] : memref<2x10240x128xbf16, #tpu.memory_space<vmem>>, vector<1x10000x128xbf16>
    %get3A_6 = vector.shape_cast %get3A_5 : vector<1x10000x128xbf16> to vector<10000x128xbf16>
    %convert_element_type3A = arith.extf %get3A_6 : vector<10000x128xbf16> to vector<10000x128xf32>
    %get3A_7 = arith.constant 1 : index
    %get3A_8 = arith.constant 0 : index
    %get3A_9 = arith.constant 0 : index
    %get3A_10 = vector.load %arg1[%get3A_7, %get3A_8, %get3A_9] : memref<2x10240x128xbf16, #tpu.memory_space<vmem>>, vector<1x10000x128xbf16>
    %get3A_11 = vector.shape_cast %get3A_10 : vector<1x10000x128xbf16> to vector<10000x128xbf16>
    %convert_element_type3A_12 = arith.extf %get3A_11 : vector<10000x128xbf16> to vector<10000x128xf32>
    %add3A = arith.addf %convert_element_type3A, %convert_element_type3A_12 : vector<10000x128xf32>
    %add3A_13 = arith.addf %get3A_1, %add3A : vector<10000x128xf32>
    %get3A_14 = arith.constant 0 : index
    %get3A_15 = arith.constant 0 : index
    %get3A_16 = vector.load %arg2[%get3A_14, %get3A_15] : memref<128x128xf32, #tpu.memory_space<vmem>>, vector<128x128xf32>
    %dot_general3A = arith.constant dense<0.000000e+00> : vector<10000x128xf32>
    %dot_general3A_17 = tpu.matmul %add3A_13, %get3A_16, %dot_general3A {dimension_numbers = #tpu.dot_dimension_numbers<[1], [0], [0], [1], [0, 0, 1, 1], [], []>, transpose_lhs_hint = false} : vector<10000x128xf32>, vector<128x128xf32>, vector<10000x128xf32> -> vector<10000x128xf32>
    %get3A_18 = arith.constant 0 : index
    %get3A_19 = arith.constant 0 : index
    %get3A_20 = vector.load %arg3[%get3A_18, %get3A_19] : memref<1x128xf32, #tpu.memory_space<vmem>>, vector<1x128xf32>
    %add3A_21 = vector.broadcast %get3A_20 : vector<1x128xf32> to vector<10000x128xf32>
    %add3A_22 = arith.addf %dot_general3A_17, %add3A_21 : vector<10000x128xf32>
    %reduce_sum3A = arith.constant dense<0.000000e+00> : vector<128xf32>
    %reduce_sum3A_23 = vector.multi_reduction <add>, %add3A_22, %reduce_sum3A [0] : vector<10000x128xf32> to vector<128xf32>
    %broadcast_in_dim3A = vector.shape_cast %reduce_sum3A_23 : vector<128xf32> to vector<1x128xf32>
    %div3A = arith.constant 1.000000e+04 : f32
    %div3A_24 = vector.broadcast %div3A : f32 to vector<1x128xf32>
    %div3A_25 = arith.divf %broadcast_in_dim3A, %div3A_24 : vector<1x128xf32>
    %sub3A = vector.broadcast %div3A_25 : vector<1x128xf32> to vector<10000x128xf32>
    %sub3A_26 = arith.subf %add3A_22, %sub3A : vector<10000x128xf32>
    %integer_pow3A = arith.mulf %sub3A_26, %sub3A_26 : vector<10000x128xf32>
    %reduce_sum3A_27 = arith.constant dense<0.000000e+00> : vector<128xf32>
    %reduce_sum3A_28 = vector.multi_reduction <add>, %integer_pow3A, %reduce_sum3A_27 [0] : vector<10000x128xf32> to vector<128xf32>
    %broadcast_in_dim3A_29 = vector.shape_cast %reduce_sum3A_28 : vector<128xf32> to vector<1x128xf32>
    %div3A_30 = arith.constant 1.000000e+04 : f32
    %div3A_31 = vector.broadcast %div3A_30 : f32 to vector<1x128xf32>
    %div3A_32 = arith.divf %broadcast_in_dim3A_29, %div3A_31 : vector<1x128xf32>
    %sub3A_33 = vector.broadcast %div3A_25 : vector<1x128xf32> to vector<10000x128xf32>
    %sub3A_34 = arith.subf %add3A_22, %sub3A_33 : vector<10000x128xf32>
    %add3A_35 = arith.constant 9.99999974E-6 : f32
    %add3A_36 = vector.broadcast %add3A_35 : f32 to vector<1x128xf32>
    %add3A_37 = arith.addf %div3A_32, %add3A_36 : vector<1x128xf32>
    %rsqrt3A = math.rsqrt %add3A_37 : vector<1x128xf32>
    %mul3A = vector.broadcast %rsqrt3A : vector<1x128xf32> to vector<10000x128xf32>
    %mul3A_38 = arith.mulf %sub3A_34, %mul3A : vector<10000x128xf32>
    %get3A_39 = arith.constant 0 : index
    %get3A_40 = arith.constant 0 : index
    %get3A_41 = vector.load %arg4[%get3A_39, %get3A_40] : memref<1x128xf32, #tpu.memory_space<vmem>>, vector<1x128xf32>
    %mul3A_42 = vector.broadcast %get3A_41 : vector<1x128xf32> to vector<10000x128xf32>
    %mul3A_43 = arith.mulf %mul3A_38, %mul3A_42 : vector<10000x128xf32>
    %get3A_44 = arith.constant 0 : index
    %get3A_45 = arith.constant 0 : index
    %get3A_46 = vector.load %arg5[%get3A_44, %get3A_45] : memref<1x128xf32, #tpu.memory_space<vmem>>, vector<1x128xf32>
    %add3A_47 = vector.broadcast %get3A_46 : vector<1x128xf32> to vector<10000x128xf32>
    %add3A_48 = arith.addf %mul3A_43, %add3A_47 : vector<10000x128xf32>
    %max3A = arith.constant 0.000000e+00 : f32
    %max3A_49 = vector.broadcast %max3A : f32 to vector<10000x128xf32>
    %max3A_50 = arith.maximumf %add3A_48, %max3A_49 : vector<10000x128xf32>
    %swap3A = arith.constant 0 : index
    %swap3A_51 = arith.constant 0 : index
    %swap3A_52 = vector.load %arg6[%swap3A, %swap3A_51] : memref<10000x128xf32, #tpu.memory_space<vmem>>, vector<10000x128xf32>
    tpu.vector_store %arg6[%swap3A, %swap3A_51], %max3A_50 {strides = array<i32>} : memref<10000x128xf32, #tpu.memory_space<vmem>>, vector<10000x128xf32>,
    %convert_element_type3A_53 = arith.truncf %max3A_50 : vector<10000x128xf32> to vector<10000x128xbf16>
    %swap3A_54 = arith.constant 0 : index
    %swap3A_55 = arith.constant 0 : index
    %swap3A_56 = vector.load %arg7[%swap3A_54, %swap3A_55] : memref<10000x128xbf16, #tpu.memory_space<vmem>>, vector<10000x128xbf16>
    tpu.vector_store %arg7[%swap3A_54, %swap3A_55], %convert_element_type3A_53 {strides = array<i32>} : memref<10000x128xbf16, #tpu.memory_space<vmem>>, vector<10000x128xbf16>,
    %reduce_sum3A_57 = arith.constant dense<0.000000e+00> : vector<128xf32>
    %reduce_sum3A_58 = vector.multi_reduction <add>, %get3A_1, %reduce_sum3A_57 [0] : vector<10000x128xf32> to vector<128xf32>
    %broadcast_in_dim3A_59 = vector.shape_cast %reduce_sum3A_58 : vector<128xf32> to vector<1x128xf32>
    %swap3A_60 = arith.constant 0 : index
    %swap3A_61 = arith.constant 0 : index
    %swap3A_62 = vector.load %arg8[%swap3A_60, %swap3A_61] : memref<1x128xf32, #tpu.memory_space<vmem>>, vector<1x128xf32>
    tpu.vector_store %arg8[%swap3A_60, %swap3A_61], %broadcast_in_dim3A_59 {strides = array<i32>} : memref<1x128xf32, #tpu.memory_space<vmem>>, vector<1x128xf32>,
    %reduce_sum3A_63 = arith.constant dense<0.000000e+00> : vector<128xf32>
    %reduce_sum3A_64 = vector.multi_reduction <add>, %max3A_50, %reduce_sum3A_63 [0] : vector<10000x128xf32> to vector<128xf32>
    %broadcast_in_dim3A_65 = vector.shape_cast %reduce_sum3A_64 : vector<128xf32> to vector<1x128xf32>
    %swap3A_66 = arith.constant 0 : index
    %swap3A_67 = arith.constant 0 : index
    %swap3A_68 = vector.load %arg9[%swap3A_66, %swap3A_67] : memref<1x128xf32, #tpu.memory_space<vmem>>, vector<1x128xf32>
    tpu.vector_store %arg9[%swap3A_66, %swap3A_67], %broadcast_in_dim3A_65 {strides = array<i32>} : memref<1x128xf32, #tpu.memory_space<vmem>>, vector<1x128xf32>,
    return
  }
}

module attributes {stable_mosaic.version = 14 : i64} {
  func.func @_layer_tc(%arg0: memref<10000x128xf32, #tpu.memory_space<vmem>>, %arg1: memref<2x10240x128xbf16, #tpu.memory_space<vmem>>, %arg2: memref<128x128xf32, #tpu.memory_space<vmem>>, %arg3: memref<1x128xf32, #tpu.memory_space<vmem>>, %arg4: memref<1x128xf32, #tpu.memory_space<vmem>>, %arg5: memref<1x128xf32, #tpu.memory_space<vmem>>, %arg6: memref<10000x128xf32, #tpu.memory_space<vmem>>, %arg7: memref<10000x128xbf16, #tpu.memory_space<vmem>>, %arg8: memref<1x128xf32, #tpu.memory_space<vmem>>, %arg9: memref<1x128xf32, #tpu.memory_space<vmem>>) attributes {dimension_semantics = [], scalar_prefetch = 0 : i64, scratch_operands = 0 : i64, tpu.core_type = #tpu.core_type<tc>} {
    %get3A = arith.constant 0 : index
    %get3A_0 = arith.constant 0 : index
    %get3A_1 = vector.load %arg0[%get3A, %get3A_0] : memref<10000x128xf32, #tpu.memory_space<vmem>>, vector<10000x128xf32>
    %get3A_2 = arith.constant 0 : index
    %get3A_3 = arith.constant 0 : index
    %get3A_4 = arith.constant 0 : index
    %get3A_5 = vector.load %arg1[%get3A_2, %get3A_3, %get3A_4] : memref<2x10240x128xbf16, #tpu.memory_space<vmem>>, vector<1x10000x128xbf16>
    %get3A_6 = vector.shape_cast %get3A_5 : vector<1x10000x128xbf16> to vector<10000x128xbf16>
    %convert_element_type3A = arith.extf %get3A_6 : vector<10000x128xbf16> to vector<10000x128xf32>
    %get3A_7 = arith.constant 1 : index
    %get3A_8 = arith.constant 0 : index
    %get3A_9 = arith.constant 0 : index
    %get3A_10 = vector.load %arg1[%get3A_7, %get3A_8, %get3A_9] : memref<2x10240x128xbf16, #tpu.memory_space<vmem>>, vector<1x10000x128xbf16>
    %get3A_11 = vector.shape_cast %get3A_10 : vector<1x10000x128xbf16> to vector<10000x128xbf16>
    %convert_element_type3A_12 = arith.extf %get3A_11 : vector<10000x128xbf16> to vector<10000x128xf32>
    %add3A = arith.addf %convert_element_type3A, %convert_element_type3A_12 : vector<10000x128xf32>
    %add3A_13 = arith.addf %get3A_1, %add3A : vector<10000x128xf32>
    %get3A_14 = arith.constant 0 : index
    %get3A_15 = arith.constant 0 : index
    %get3A_16 = vector.load %arg2[%get3A_14, %get3A_15] : memref<128x128xf32, #tpu.memory_space<vmem>>, vector<128x128xf32>
    %dot_general3A = arith.constant dense<0.000000e+00> : vector<10000x128xf32>
    %dot_general3A_17 = tpu.matmul %add3A_13, %get3A_16, %dot_general3A {dimension_numbers = #tpu.dot_dimension_numbers<[1], [0], [0], [1], [0, 0, 1, 1], [], []>, transpose_lhs_hint = false} : vector<10000x128xf32>, vector<128x128xf32>, vector<10000x128xf32> -> vector<10000x128xf32>
    %get3A_18 = arith.constant 0 : index
    %get3A_19 = arith.constant 0 : index
    %get3A_20 = vector.load %arg3[%get3A_18, %get3A_19] : memref<1x128xf32, #tpu.memory_space<vmem>>, vector<1x128xf32>
    %add3A_21 = vector.broadcast %get3A_20 : vector<1x128xf32> to vector<10000x128xf32>
    %add3A_22 = arith.addf %dot_general3A_17, %add3A_21 : vector<10000x128xf32>
    %reduce_sum3A = arith.constant dense<0.000000e+00> : vector<128xf32>
    %reduce_sum3A_23 = vector.multi_reduction <add>, %add3A_22, %reduce_sum3A [0] : vector<10000x128xf32> to vector<128xf32>
    %broadcast_in_dim3A = vector.shape_cast %reduce_sum3A_23 : vector<128xf32> to vector<1x128xf32>
    %div3A = arith.constant 1.000000e+04 : f32
    %div3A_24 = vector.broadcast %div3A : f32 to vector<1x128xf32>
    %div3A_25 = arith.divf %broadcast_in_dim3A, %div3A_24 : vector<1x128xf32>
    %sub3A = vector.broadcast %div3A_25 : vector<1x128xf32> to vector<10000x128xf32>
    %sub3A_26 = arith.subf %add3A_22, %sub3A : vector<10000x128xf32>
    %integer_pow3A = arith.mulf %sub3A_26, %sub3A_26 : vector<10000x128xf32>
    %reduce_sum3A_27 = arith.constant dense<0.000000e+00> : vector<128xf32>
    %reduce_sum3A_28 = vector.multi_reduction <add>, %integer_pow3A, %reduce_sum3A_27 [0] : vector<10000x128xf32> to vector<128xf32>
    %broadcast_in_dim3A_29 = vector.shape_cast %reduce_sum3A_28 : vector<128xf32> to vector<1x128xf32>
    %div3A_30 = arith.constant 1.000000e+04 : f32
    %div3A_31 = vector.broadcast %div3A_30 : f32 to vector<1x128xf32>
    %div3A_32 = arith.divf %broadcast_in_dim3A_29, %div3A_31 : vector<1x128xf32>
    %sub3A_33 = vector.broadcast %div3A_25 : vector<1x128xf32> to vector<10000x128xf32>
    %sub3A_34 = arith.subf %add3A_22, %sub3A_33 : vector<10000x128xf32>
    %add3A_35 = arith.constant 9.99999974E-6 : f32
    %add3A_36 = vector.broadcast %add3A_35 : f32 to vector<1x128xf32>
    %add3A_37 = arith.addf %div3A_32, %add3A_36 : vector<1x128xf32>
    %rsqrt3A = math.rsqrt %add3A_37 : vector<1x128xf32>
    %mul3A = vector.broadcast %rsqrt3A : vector<1x128xf32> to vector<10000x128xf32>
    %mul3A_38 = arith.mulf %sub3A_34, %mul3A : vector<10000x128xf32>
    %get3A_39 = arith.constant 0 : index
    %get3A_40 = arith.constant 0 : index
    %get3A_41 = vector.load %arg4[%get3A_39, %get3A_40] : memref<1x128xf32, #tpu.memory_space<vmem>>, vector<1x128xf32>
    %mul3A_42 = vector.broadcast %get3A_41 : vector<1x128xf32> to vector<10000x128xf32>
    %mul3A_43 = arith.mulf %mul3A_38, %mul3A_42 : vector<10000x128xf32>
    %get3A_44 = arith.constant 0 : index
    %get3A_45 = arith.constant 0 : index
    %get3A_46 = vector.load %arg5[%get3A_44, %get3A_45] : memref<1x128xf32, #tpu.memory_space<vmem>>, vector<1x128xf32>
    %add3A_47 = vector.broadcast %get3A_46 : vector<1x128xf32> to vector<10000x128xf32>
    %add3A_48 = arith.addf %mul3A_43, %add3A_47 : vector<10000x128xf32>
    %max3A = arith.constant 0.000000e+00 : f32
    %max3A_49 = vector.broadcast %max3A : f32 to vector<10000x128xf32>
    %max3A_50 = arith.maximumf %add3A_48, %max3A_49 : vector<10000x128xf32>
    %swap3A = arith.constant 0 : index
    %swap3A_51 = arith.constant 0 : index
    %swap3A_52 = vector.load %arg6[%swap3A, %swap3A_51] : memref<10000x128xf32, #tpu.memory_space<vmem>>, vector<10000x128xf32>
    tpu.vector_store %arg6[%swap3A, %swap3A_51], %max3A_50 {strides = array<i32>} : memref<10000x128xf32, #tpu.memory_space<vmem>>, vector<10000x128xf32>,
    %convert_element_type3A_53 = arith.truncf %max3A_50 : vector<10000x128xf32> to vector<10000x128xbf16>
    %swap3A_54 = arith.constant 0 : index
    %swap3A_55 = arith.constant 0 : index
    %swap3A_56 = vector.load %arg7[%swap3A_54, %swap3A_55] : memref<10000x128xbf16, #tpu.memory_space<vmem>>, vector<10000x128xbf16>
    tpu.vector_store %arg7[%swap3A_54, %swap3A_55], %convert_element_type3A_53 {strides = array<i32>} : memref<10000x128xbf16, #tpu.memory_space<vmem>>, vector<10000x128xbf16>,
    %reduce_sum3A_57 = arith.constant dense<0.000000e+00> : vector<128xf32>
    %reduce_sum3A_58 = vector.multi_reduction <add>, %get3A_1, %reduce_sum3A_57 [0] : vector<10000x128xf32> to vector<128xf32>
    %broadcast_in_dim3A_59 = vector.shape_cast %reduce_sum3A_58 : vector<128xf32> to vector<1x128xf32>
    %swap3A_60 = arith.constant 0 : index
    %swap3A_61 = arith.constant 0 : index
    %swap3A_62 = vector.load %arg8[%swap3A_60, %swap3A_61] : memref<1x128xf32, #tpu.memory_space<vmem>>, vector<1x128xf32>
    tpu.vector_store %arg8[%swap3A_60, %swap3A_61], %broadcast_in_dim3A_59 {strides = array<i32>} : memref<1x128xf32, #tpu.memory_space<vmem>>, vector<1x128xf32>,
    %reduce_sum3A_63 = arith.constant dense<0.000000e+00> : vector<128xf32>
    %reduce_sum3A_64 = vector.multi_reduction <add>, %max3A_50, %reduce_sum3A_63 [0] : vector<10000x128xf32> to vector<128xf32>
    %broadcast_in_dim3A_65 = vector.shape_cast %reduce_sum3A_64 : vector<128xf32> to vector<1x128xf32>
    %swap3A_66 = arith.constant 0 : index
    %swap3A_67 = arith.constant 0 : index
    %swap3A_68 = vector.load %arg9[%swap3A_66, %swap3A_67] : memref<1x128xf32, #tpu.memory_space<vmem>>, vector<1x128xf32>
    tpu.vector_store %arg9[%swap3A_66, %swap3A_67], %broadcast_in_dim3A_65 {strides = array<i32>} : memref<1x128xf32, #tpu.memory_space<vmem>>, vector<1x128xf32>,
    return
  }
}

module attributes {stable_mosaic.version = 14 : i64} {
  func.func @_score_tc(%arg0: memref<5x128xf32, #tpu.memory_space<vmem>>, %arg1: memref<5x128x128xf32, #tpu.memory_space<vmem>>, %arg2: memref<5x128xf32, #tpu.memory_space<vmem>>, %arg3: memref<1x128xf32, #tpu.memory_space<vmem>>) attributes {dimension_semantics = [], scalar_prefetch = 0 : i64, scratch_operands = 0 : i64, tpu.core_type = #tpu.core_type<tc>} {
    %get3A = arith.constant 0 : index
    %get3A_0 = arith.constant 0 : index
    %get3A_1 = vector.load %arg2[%get3A, %get3A_0] : memref<5x128xf32, #tpu.memory_space<vmem>>, vector<5x128xf32>
    %reduce_sum3A = arith.constant dense<0.000000e+00> : vector<128xf32>
    %reduce_sum3A_2 = vector.multi_reduction <add>, %get3A_1, %reduce_sum3A [0] : vector<5x128xf32> to vector<128xf32>
    %broadcast_in_dim3A = vector.shape_cast %reduce_sum3A_2 : vector<128xf32> to vector<1x128xf32>
    %get3A_3 = arith.constant 0 : index
    %get3A_4 = arith.constant 0 : index
    %get3A_5 = vector.load %arg0[%get3A_3, %get3A_4] : memref<5x128xf32, #tpu.memory_space<vmem>>, vector<1x128xf32>
    %get3A_6 = arith.constant 0 : index
    %get3A_7 = arith.constant 0 : index
    %get3A_8 = arith.constant 0 : index
    %get3A_9 = vector.load %arg1[%get3A_6, %get3A_7, %get3A_8] : memref<5x128x128xf32, #tpu.memory_space<vmem>>, vector<1x128x128xf32>
    %get3A_10 = vector.shape_cast %get3A_9 : vector<1x128x128xf32> to vector<128x128xf32>
    %dot_general3A = arith.constant dense<0.000000e+00> : vector<1x128xf32>
    %dot_general3A_11 = tpu.matmul %get3A_5, %get3A_10, %dot_general3A {dimension_numbers = #tpu.dot_dimension_numbers<[1], [0], [0], [1], [0, 0, 1, 1], [], []>, transpose_lhs_hint = false} : vector<1x128xf32>, vector<128x128xf32>, vector<1x128xf32> -> vector<1x128xf32>
    %add3A = arith.addf %broadcast_in_dim3A, %dot_general3A_11 : vector<1x128xf32>
    %get3A_12 = arith.constant 1 : index
    %get3A_13 = arith.constant 0 : index
    %get3A_14 = vector.load %arg0[%get3A_12, %get3A_13] : memref<5x128xf32, #tpu.memory_space<vmem>>, vector<1x128xf32>
    %get3A_15 = arith.constant 1 : index
    %get3A_16 = arith.constant 0 : index
    %get3A_17 = arith.constant 0 : index
    %get3A_18 = vector.load %arg1[%get3A_15, %get3A_16, %get3A_17] : memref<5x128x128xf32, #tpu.memory_space<vmem>>, vector<1x128x128xf32>
    %get3A_19 = vector.shape_cast %get3A_18 : vector<1x128x128xf32> to vector<128x128xf32>
    %dot_general3A_20 = arith.constant dense<0.000000e+00> : vector<1x128xf32>
    %dot_general3A_21 = tpu.matmul %get3A_14, %get3A_19, %dot_general3A_20 {dimension_numbers = #tpu.dot_dimension_numbers<[1], [0], [0], [1], [0, 0, 1, 1], [], []>, transpose_lhs_hint = false} : vector<1x128xf32>, vector<128x128xf32>, vector<1x128xf32> -> vector<1x128xf32>
    %add3A_22 = arith.addf %add3A, %dot_general3A_21 : vector<1x128xf32>
    %get3A_23 = arith.constant 2 : index
    %get3A_24 = arith.constant 0 : index
    %get3A_25 = vector.load %arg0[%get3A_23, %get3A_24] : memref<5x128xf32, #tpu.memory_space<vmem>>, vector<1x128xf32>
    %get3A_26 = arith.constant 2 : index
    %get3A_27 = arith.constant 0 : index
    %get3A_28 = arith.constant 0 : index
    %get3A_29 = vector.load %arg1[%get3A_26, %get3A_27, %get3A_28] : memref<5x128x128xf32, #tpu.memory_space<vmem>>, vector<1x128x128xf32>
    %get3A_30 = vector.shape_cast %get3A_29 : vector<1x128x128xf32> to vector<128x128xf32>
    %dot_general3A_31 = arith.constant dense<0.000000e+00> : vector<1x128xf32>
    %dot_general3A_32 = tpu.matmul %get3A_25, %get3A_30, %dot_general3A_31 {dimension_numbers = #tpu.dot_dimension_numbers<[1], [0], [0], [1], [0, 0, 1, 1], [], []>, transpose_lhs_hint = false} : vector<1x128xf32>, vector<128x128xf32>, vector<1x128xf32> -> vector<1x128xf32>
    %add3A_33 = arith.addf %add3A_22, %dot_general3A_32 : vector<1x128xf32>
    %get3A_34 = arith.constant 3 : index
    %get3A_35 = arith.constant 0 : index
    %get3A_36 = vector.load %arg0[%get3A_34, %get3A_35] : memref<5x128xf32, #tpu.memory_space<vmem>>, vector<1x128xf32>
    %get3A_37 = arith.constant 3 : index
    %get3A_38 = arith.constant 0 : index
    %get3A_39 = arith.constant 0 : index
    %get3A_40 = vector.load %arg1[%get3A_37, %get3A_38, %get3A_39] : memref<5x128x128xf32, #tpu.memory_space<vmem>>, vector<1x128x128xf32>
    %get3A_41 = vector.shape_cast %get3A_40 : vector<1x128x128xf32> to vector<128x128xf32>
    %dot_general3A_42 = arith.constant dense<0.000000e+00> : vector<1x128xf32>
    %dot_general3A_43 = tpu.matmul %get3A_36, %get3A_41, %dot_general3A_42 {dimension_numbers = #tpu.dot_dimension_numbers<[1], [0], [0], [1], [0, 0, 1, 1], [], []>, transpose_lhs_hint = false} : vector<1x128xf32>, vector<128x128xf32>, vector<1x128xf32> -> vector<1x128xf32>
    %add3A_44 = arith.addf %add3A_33, %dot_general3A_43 : vector<1x128xf32>
    %get3A_45 = arith.constant 4 : index
    %get3A_46 = arith.constant 0 : index
    %get3A_47 = vector.load %arg0[%get3A_45, %get3A_46] : memref<5x128xf32, #tpu.memory_space<vmem>>, vector<1x128xf32>
    %get3A_48 = arith.constant 4 : index
    %get3A_49 = arith.constant 0 : index
    %get3A_50 = arith.constant 0 : index
    %get3A_51 = vector.load %arg1[%get3A_48, %get3A_49, %get3A_50] : memref<5x128x128xf32, #tpu.memory_space<vmem>>, vector<1x128x128xf32>
    %get3A_52 = vector.shape_cast %get3A_51 : vector<1x128x128xf32> to vector<128x128xf32>
    %dot_general3A_53 = arith.constant dense<0.000000e+00> : vector<1x128xf32>
    %dot_general3A_54 = tpu.matmul %get3A_47, %get3A_52, %dot_general3A_53 {dimension_numbers = #tpu.dot_dimension_numbers<[1], [0], [0], [1], [0, 0, 1, 1], [], []>, transpose_lhs_hint = false} : vector<1x128xf32>, vector<128x128xf32>, vector<1x128xf32> -> vector<1x128xf32>
    %add3A_55 = arith.addf %add3A_44, %dot_general3A_54 : vector<1x128xf32>
    %swap3A = arith.constant 0 : index
    %swap3A_56 = arith.constant 0 : index
    %swap3A_57 = vector.load %arg3[%swap3A, %swap3A_56] : memref<1x128xf32, #tpu.memory_space<vmem>>, vector<1x128xf32>
    tpu.vector_store %arg3[%swap3A, %swap3A_56], %add3A_55 {strides = array<i32>} : memref<1x128xf32, #tpu.memory_space<vmem>>, vector<1x128xf32>,
    return
  }
}

</mosaic_0001>

<sc_bundles>
// kernel: kernel.11.cloned.1.call-start
scs
__scs_entry_jumppad:
0x0: {  	(pc) =	sbr.rel $0x88, $3  }
0x1: {  	(tag) =	ssettag $0x0;
	lr =	simm.s32 $0x1  }
0x2: {  	[smem:$0x3F85] =	sst lr;
	_ =	strace $0xD0000000  }
0x3: {  	_ = 	snop  }
0x4: {  	_ = 	snop  }
0x5: {  	_ = 	snop  }
0x6: {  	_ = 	snop  }
0x7: {  	_ = 	snop  }
__scs_overlays_trampoline_lowered:
0x8: {  	[smem:$0x3F94] =	sst s0  }
0x9: {  	[smem:$0x3F95] =	sst s1  }
0xa: {  	[smem:$0x3F96] =	sst s2  }
0xb: {  	[smem:$0x3F97] =	sst s3  }
0xc: {  	[smem:$0x3F98] =	sst s4  }
0xd: {  	[smem:$0x3F99] =	sst s5  }
0xe: {  	[smem:$0x3F9A] =	sst s6  }
0xf: {  	[smem:$0x3F9B] =	sst s7  }
0x10: {  	[smem:$0x3F9C] =	sst s8  }
0x11: {  	[smem:$0x3F9D] =	sst s9;
	s0 =	simm.s32 @!p0 $0x0  }
0x12: {  	s1 =	sld [smem:$0x3F83];
	s0 =	simm.s32 @p0 $0x1  }
0x13: {  	[smem:$0x3F9E] =	sst s0;
	s0 =	simm.s32 @!p1 $0x0  }
0x14: {  	s2 =	sld [smem:$0x3F82];
	s0 =	simm.s32 @p1 $0x1  }
0x15: {  	[smem:$0x3F9F] =	sst s0;
	s0 =	simm.s32 @!p2 $0x0  }
0x16: {  	s3 =	sld [smem:$0x3FDB];
	s0 =	simm.s32 @p2 $0x1  }
0x17: {  	s4 =	simm.s32 $0x1BF5;
	[smem:$0x3FA1] =	sst s0  }
0x18: {  	s0 =	sld [smem:$0x3F84];
	_ =	swait.ge [sflag:s4], $0x0  }
0x19: {  	s7 =	sld [smem:$0x3F85]  }
0x1a: {  	s8 =	sadd.s32 $0xFFFFE003, lr  }
0x1b: {  	s9 =	sadd.s32 $0xFFFFFEF7, lr;
	s5 =	simm.s32 $0xFFFFFFFF;
	p2 =	slt.u32 s8, $0xFFFFF086  }
0x1c: {  	p1 =	slt.u32 s9, $0xF7A;
	s5 =	simm.s32 @!p2 $0x0  }
0x1d: {  	s5 =	simm.s32 @p1 $0x1;
	p0 =	seq.s32 s7, s2  }
0x1e: {  	s7 =	smul.u32 @!p0 $0xF7A, s2;
	p2 =	seq.s32 @!p0 s5, $0x0  }
0x1f: {  	s9 =	smul.u32 $0xF7A, s1;
	s8 =	simm.s32 @!p0 $0x1BF5;
	p2 =	por !p2, p0  }
0x20: {  	[sflag:s8] =	ssyncset.s32 @!p0 $0xFFFFF086;
	s6 =	sadd.s32 @!p0 s3, s7;
	s7 =	simm.s32 @!p0 $0x108  }
0x21: {  	s3 =	sadd.s32 s3, s9;
	s6 =	sadd.s32 @!p0 $0x88, s6;
	s7 =	simm.s32 @p2 $0x1082  }
0x22: {  	[simem:s7], [sflag:s8] =	dma.local @!p0 [hbm:s6], $0xF7A  }
0x23: {  	s9 =	sor.u32 $0xD0000000, s2;
	s6 =	simm.s32 $0x108;
	_ =	swait.ge @!p0 [sflag:s8], $0x0  }
0x24: {  	s3 =	sadd.s32 $0x88, s3;
	s6 =	simm.s32 @!p1 $0x1082;
	[sflag:s4] =	ssyncset.s32 $0xFFFFF086  }
0x25: {  	[simem:s6], [sflag:s4] =	dma.local [hbm:s3], $0xF7A  }
0x26: {  	[smem:$0x3F85] =	sst s1;
	(tag) =	ssettag s2;
	_ =	strace s9  }
0x27: {  	s1 =	sld [smem:$0x3F95]  }
0x28: {  	s2 =	sld [smem:$0x3F96]  }
0x29: {  	s4 =	sld [smem:$0x3F98]  }
0x2a: {  	p0 =	seq.s32 s5, $0x0;
	s5 =	sld [smem:$0x3F99]  }
0x2b: {  	s6 =	sld [smem:$0x3F9A]  }
0x2c: {  	s7 =	sld [smem:$0x3F9B]  }
0x2d: {  	s3 =	simm.s32 $0x108;
	s8 =	sld [smem:$0x3F9C]  }
0x2e: {  	s3 =	simm.s32 @!p0 $0x1082;
	s9 =	sld [smem:$0x3F9D]  }
0x2f: {  	lr =	sadd.s32 s0, s3;
	s0 =	sld [smem:$0x3F94]  }
0x30: {  	s3 =	sld [smem:$0x3F97]  }
0x31: {  	[smem:$0x3FA0] =	sst s10  }
0x32: {  	s10 =	sld [smem:$0x3F9E];
	_ =	sdelay $0x3  }
0x33: {  	p0 =	seq.s32 s10, $0x1;
	s10 =	sld [smem:$0x3FA0];
	_ =	sdelay $0x3  }
0x34: {  	[smem:$0x3FA0] =	sst s10  }
0x35: {  	s10 =	sld [smem:$0x3F9F];
	_ =	sdelay $0x3  }
0x36: {  	p1 =	seq.s32 s10, $0x1;
	s10 =	sld [smem:$0x3FA0];
	_ =	sdelay $0x3  }
0x37: {  	[smem:$0x3FA0] =	sst s10  }
0x38: {  	s10 =	sld [smem:$0x3FA1]  }
0x39: {  	_ = 	snop;
	(pc) =	sbr.ind lr, $3  }
0x3a: {  	_ = 	snop  }
0x3b: {  	_ = 	snop  }
0x3c: {  	p2 =	seq.s32 s10, $0x1;
	s10 =	sld [smem:$0x3FA0]  }
0x3d: {  	_ =	shalt  }
0x3e: {  	_ =	shalt  }
0x3f: {  	_ =	shalt  }
0x40: {  	_ =	shalt  }
0x41: {  	_ =	shalt  }
0x42: {  	_ =	shalt  }
0x43: {  	_ =	shalt  }
0x44: {  	_ =	shalt  }
0x45: {  	_ =	shalt  }
0x46: {  	_ =	shalt  }
0x47: {  	_ =	shalt  }
0x48: {  	_ =	shalt  }
0x49: {  	_ =	shalt  }
0x4a: {  	_ =	shalt  }
0x4b: {  	_ =	shalt  }
0x4c: {  	_ =	shalt  }
0x4d: {  	_ =	shalt  }
0x4e: {  	_ =	shalt  }
0x4f: {  	_ =	shalt  }
0x50: {  	_ =	shalt  }
0x51: {  	_ =	shalt  }
0x52: {  	_ =	shalt  }
0x53: {  	_ =	shalt  }
0x54: {  	_ =	shalt  }
0x55: {  	_ =	shalt  }
0x56: {  	_ =	shalt  }
0x57: {  	_ =	shalt  }
0x58: {  	_ =	shalt  }
0x59: {  	_ =	shalt  }
0x5a: {  	_ =	shalt  }
0x5b: {  	_ =	shalt  }
0x5c: {  	_ =	shalt  }
0x5d: {  	_ =	shalt  }
0x5e: {  	_ =	shalt  }
0x5f: {  	_ =	shalt  }
0x60: {  	_ =	shalt  }
0x61: {  	_ =	shalt  }
0x62: {  	_ =	shalt  }
0x63: {  	_ =	shalt  }
0x64: {  	_ =	shalt  }
0x65: {  	_ =	shalt  }
0x66: {  	_ =	shalt  }
0x67: {  	_ =	shalt  }
0x68: {  	_ =	shalt  }
0x69: {  	_ =	shalt  }
0x6a: {  	_ =	shalt  }
0x6b: {  	_ =	shalt  }
0x6c: {  	_ =	shalt  }
0x6d: {  	_ =	shalt  }
0x6e: {  	_ =	shalt  }
0x6f: {  	_ =	shalt  }
0x70: {  	_ =	shalt  }
0x71: {  	_ =	shalt  }
0x72: {  	_ =	shalt  }
0x73: {  	_ =	shalt  }
0x74: {  	_ =	shalt  }
0x75: {  	_ =	shalt  }
0x76: {  	_ =	shalt  }
0x77: {  	_ =	shalt  }
0x78: {  	_ =	shalt  }
0x79: {  	_ =	shalt  }
0x7a: {  	_ =	shalt  }
0x7b: {  	_ =	shalt  }
0x7c: {  	_ =	shalt  }
0x7d: {  	_ =	shalt  }
0x7e: {  	_ =	shalt  }
0x7f: {  	_ =	shalt  }
0x80: {  	_ =	shalt  }
0x81: {  	_ =	shalt  }
0x82: {  	_ =	shalt  }
0x83: {  	_ =	shalt  }
0x84: {  	_ =	shalt  }
0x85: {  	_ =	shalt  }
0x86: {  	_ =	shalt  }
0x87: {  	_ =	shalt  }
.Lfunc_end0:
.L_simem_size_0:
called_computation_lowered:
.L_overlay_start_0:
0x88: {  	s2 =	sld [smem:$0x3FD9]  }
0x89: {  	s3 =	sld [smem:$0x3FFE];
	_ =	sdelay $0x1  }
0x8a: {  	s1 =	srdreg.scid  }
0x8b: {  	s0 =	sand.u32 $0x1, s1  }
0x8c: {  	s16 =	sshll.u32 s0, $0xA;
	s2 =	sadd.s32 s3, s2  }
0x8d: {  	s2 =	sadd.s32 s2, s16  }
0x8e: {  	[smem:$0x3FAC] =	sst s2  }
0x8f: {  	_ = 	snop  }
0x90: {  	(tm) =	ssettm $0x1  }
0x91: {  	s17 =	sld [smem:$0x3FFB];
	_ =	sdelay $0x3  }
0x92: {  	_ =	strace s17  }
0x93: {  	s2 =	sld [smem:$0x3FFC];
	_ =	sdelay $0x3  }
0x94: {  	_ =	strace s2  }
0x95: {  	s2 =	sld [smem:$0x3FFD];
	_ =	sdelay $0x3  }
0x96: {  	_ =	strace s2  }
0x97: {  	_ =	strace $0x8FFFFFFF  }
0x98: {  	s18 =	sld [smem:$0x3FDB];
	_ =	sdelay $0x1  }
0x99: {  	s19 =	simm.s32 $_scs_section_size  }
0x9a: {  	s4 =	simm.s32 $_size__tile_overlayer_lowered;
	s5 =	simm.s32 $_tile_overlayer_lowered  }
0x9b: {  	s22 =	simm.s32 $0x1BFF;
	s21 =	sshll.u32 s5, $0x1;
	s2 =	sadd.s32 s19, s18  }
0x9c: {  	s6 =	simm.s32 $0x0;
	s20 =	sshll.u32 s4, $0x1;
	s4 =	sadd.s32 s21, s2  }
0x9d: {  	[timem:s6], [sflag:s22] =	dma.local [hbm:s4], s20  }
0x9e: {  	_ =	swait.ge [sflag:s22], s20  }
0x9f: {  	s3 =	ssub.s32 $0x0, s20;
	[sflag:s22] =	ssyncset.done $0x0  }
0xa0: {  	[sflag:s22] =	ssyncadd.s32 s3;
	_ =	sdelay $0x1  }
0xa1: {  	s23 =	simm.s32 $0x1B8B  }
0xa2: {  	_ =	swait.ge [sflag:s23], $0x1  }
0xa3: {  	[sflag:s23] =	ssyncset.done $0x0  }
0xa4: {  	s25 =	simm.s32 $0x1B8E;
	s24 =	sld [smem:$0x3FFE];
	[sflag:s23] =	ssyncadd.s32 $0xFFFFFFFF  }
0xa5: {  	s26 =	simm.s32 $execute0_lowered;
	[smem:$0x3FD2] =	sst s25  }
0xa6: {  	s4 =	sshll.u32 s26, $0x1;
	_ =	strace $0x80000046;
	[dreg:$0x1] =	wrdreg $0xFFFFFFFF  }
0xa7: {  	s28 =	simm.s32 $_size_execute0_lowered;
	s2 =	sadd.s32 s2, s4;
	[dreg:$0x0] =	wrdreg $0x0  }
0xa8: {  	s4 =	sshll.u32 s28, $0x1;
	[dreg:$0x2] =	wrdreg s2  }
0xa9: {  	[dreg:$0x3] =	wrdreg s4  }
0xaa: {  	[dreg:$0x4] =	wrdreg $0xC0  }
0xab: {  	_ =	task [dreg:s6], $0x5FFFF  }
0xac: {  	[dreg:$0x1] =	wrdreg $0xFFFFFFFF  }
0xad: {  	[dreg:$0x0] =	wrdreg $0x60  }
0xae: {  	[dreg:$0x2] =	wrdreg s24  }
0xaf: {  	[dreg:$0x3] =	wrdreg $0xF0000  }
0xb0: {  	[dreg:$0x4] =	wrdreg $0x9  }
0xb1: {  	_ =	task.clear_ibuf [dreg:s6], $0x5FFFF;
	_ =	strace $0x90000046  }
0xb2: {  	s29 =	simm.s32 $0x9;
	_ =	strace $0x80000048  }
0xb3: {  	_ =	swait.ge [sflag:s29], $0x1  }
0xb4: {  	[sflag:s29] =	ssyncadd.s32 $0xFFFFFFFF  }
0xb5: {  	_ =	strace $0x90000048  }
0xb6: {  	_ =	sfence  }
0xb7: {  	s30 =	sld [smem:$0x0];
	_ =	sdelay $0x2  }
0xb8: {  	s31 =	sshll.u32 s1, $0xD;
	s1 =	sshrl.u32 s1, $0x2  }
0xb9: {  	s3 =	sand.u32 $0x4000, s31;
	s1 =	sadd.s32 s1, s30  }
0xba: {  	s0 =	sor.u32 s3, s0;
	s1 =	sshll.u32 s1, $0x11  }
0xbb: {  	s0 =	sor.u32 s1, s0  }
0xbc: {  	s0 =	sadd.s32 $0x8F2B, s0  }
0xbd: {  	[sflag:s0] =	ssyncadd.remote.s32 $0x1  }
0xbe: {  	_ =	sfence.sel $0xFFFF  }
0xbf: {  	[dreg:$0x0] =	wrdreg $0xFFFFFFFF;
	(pc) =	sbr.abs _section_cstart, $3  }
0xc0: {  	[dreg:$0x1] =	wrdreg $0xFFFFFFFF  }
0xc1: {  	_ =	task.clear_ibuf [dreg:s6], $0x2FFFF;
	_ =	strace $0x9FFFFFFF  }
0xc2: {  	(tm) =	ssettm $0x7FFFFFFF  }
0xc3: {  	_ =	shalt  }
tec
execute0_lowered:
.L_overlay_start_1:
0x0: {  	(tag) =	ssettag $0x1  }
0x1: {  	s0 =	rddreg [dreg:$0x0]  }
0x2: {  	s2 =	rddreg [dreg:$0x1];
	s1 =	srdreg.scid  }
0x3: {  	s8 =	stileid.u32;
	s3 =	simm.s32 $0x0;
	s14 =	simm.s32 $0x5  }
0x4: {  	s15 =	simm.s32 $0x2800;
	s16 =	simm.s32 $0x80;
	s17 =	simm.s32 $0x5000  }
0x5: {  	s18 =	simm.s32 $0x7000;
	s19 =	simm.s32 $0xD000;
	s20 =	simm.s32 $0x1  }
0x6: {  	s23 =	simm.s32 $0x9000;
	s25 =	simm.s32 $0xB000;
	s26 =	simm.s32 $0x2  }
0x7: {  	s29 =	simm.s32 $0x2980;
	s30 =	simm.s32 $0x3;
	s31 =	simm.s32 $0x200  }
0x8: {  	s21 =	simm.s32 $0x0;
	s1 =	sand.u32 $0x1, s1;
	s7 =	smul.u32 $0x14000, s8  }
0x9: {  	[smem:$0x7FF] =	sst s3;
	s4 =	sshll.u32 s8, $0x1;
	s8 =	smul.u32 $0x28000, s8  }
0xa: {  	s5 =	smul.u32 $0x140000, s1;
	_ =	strace $0x80000047;
	s6 =	sor.u32 s1, s4  }
0xb: {  	s4 =	sadd.s32 $0x5000, s0;
	s1 =	ssub.s32 $0x2, s1;
	s6 =	smul.u32 $0x500, s6  }
0xc: {  	s28 =	sshrl.u32 s1, $0x1;
	s8 =	sshrl.u32 s8, $0x2;
	s5 =	sadd.s32 s7, s5  }
0xd: {  	s1 =	ssub.s32 s1, s28;
	s7 =	sshrl.u32 s7, $0x1;
	s11 =	sadd.s32 s8, s2  }
.Ltmp0:
0xe: {  	s5 =	sshrl.u32 s5, $0x4;
	s6 =	sadd.s32 s6, s0;
	(pc) =	sbr.rel .LBB2_1-.Ltmp0, $4  }
0xf: {  	s7 =	sadd.s32 s7, s2;
	s8 =	sadd.s32 $0x2000, s11;
	s9 =	sadd.s32 $0x4000, s11  }
0x10: {  	s10 =	sadd.s32 $0x6000, s11;
	s11 =	sadd.s32 $0x8000, s11;
	s13 =	smax.u32 s1, $0x1  }
0x11: {  	s1 =	simm.s32 $0x4;
	s0 =	sadd.s32 s5, s0;
	s5 =	sadd.s32 $0x18A00, s6  }
0x12: {  	v0 =	vimm.bf16 $0.0e+00;
	s6 =	sadd.s32 $0x22A00, s6;
	s12 =	sadd.s32 $0x2CA00, s0;
	s0 =	simm.s32 $0x280  }
.LBB2_6:
0x13: {  	_ =	swait.ge [sflag:s1], $0x2000  }
0x14: {  	[sflag:s1] =	ssyncset.done $0x0  }
0x15: {  	[sflag:s1] =	ssyncadd.s32 $0xFFFFE000  }
0x16: {  	s22 =	stileid.u32;
	_ =	swait.ge [sflag:s1], $0x2000  }
0x17: {  	s24 =	sshrl.u32 s7, $0x3;
	s21 =	sadd.s32 $0x1, s21;
	[sflag:s1] =	ssyncset.done $0x0  }
0x18: {  	s22 =	sshll.u32 s22, $0x6;
	p0 =	sne.s32 s21, s13;
	[sflag:s1] =	ssyncadd.s32 $0xFFFFE000  }
.Ltmp1:
0x19: {  	s22 =	sor.u32 $0x1C05, s22;
	[bflag:$0x0] =	sbarrier.arrive $0xFFFF;
	(pc) =	sbr.rel @!p0 .LBB2_7-.Ltmp1, $4  }
0x1a: {  	[hbm:s12], [sflag:s22] =	dma.local [spmem:s24], $0x1400  }
0x1b: {  	_ =	swait.ge [sflag:s14], $0x1400  }
0x1c: {  	[sflag:s14] =	ssyncset.done $0x0  }
0x1d: {  	[sflag:s14] =	ssyncadd.s32 $0xFFFFEC00  }
.LBB2_1:
0x1e: {  	[tilespmem:s3], [sflag:$0x5] =	stream.linear.gather [hbm4b:s5+s3], $0x2800, $0x38;
	[tilespmem:$0x19000] =	vst v63  }
0x1f: {  	_ =	swait.ge [sflag:s14], $0x2800  }
0x20: {  	[sflag:s14] =	ssyncset.done $0x0  }
0x21: {  	[sflag:s14] =	ssyncadd.s32 $0xFFFFD800  }
0x22: {  	[tilespmem:s15], [sflag:$0x5] =	stream.linear.gather [hbm4b:s6+s3], $0x2800, $0x38;
	[tilespmem:$0x19000] =	vst v63  }
0x23: {  	_ =	swait.ge [sflag:s14], $0x2800  }
0x24: {  	[sflag:s14] =	ssyncset.done $0x0  }
0x25: {  	[sflag:s14] =	ssyncadd.s32 $0xFFFFD800  }
0x26: {  	[tilespmem:s17], [sflag:$0x1] =	stream.indirect.gather [hbm4b:s4+s16], $0x40, s3, s16, $0xb8;
	[tilespmem:$0x19000] =	vst v63  }
0x27: {  	s24 =	simm.s32 $0x100;
	s22 =	simm.s32 $0x0  }
0x28: {  	[tilespmem:s18], [sflag:$0x1] =	stream.indirect.gather [hbm4b:s4+s16], $0x40, s16, s16, $0xb8;
	[tilespmem:$0x19000] =	vst v63  }
.LBB2_2:
0x29: {  	p0 =	sne.s32 s24, $0x7F00;
	[tilespmem:s22+$0xD030] =	vst v0;
	s28 =	smov.u32 s24;
	s24 =	sadd.s32 $0x100, s24  }
.Ltmp2:
0x2a: {  	[tilespmem:s22+$0xD020] =	vst v0;
	(pc) =	sbr.rel @p0 .LBB2_2-.Ltmp2, $3  }
0x2b: {  	[tilespmem:s22+$0xD000] =	vst v0  }
0x2c: {  	[tilespmem:s22+$0xD010] =	vst v0;
	_ =	sdelay $0x1  }
0x2d: {  	s22 =	sshra.s32 s28, $0x2  }
0x2e: {  	[tilespmem:s22+$0xD030] =	vst v0  }
0x2f: {  	[tilespmem:s22+$0xD020] =	vst v0  }
0x30: {  	[tilespmem:s22+$0xD000] =	vst v0  }
0x31: {  	[tilespmem:s22+$0xD010] =	vst v0  }
0x32: {  	[spmem:s7] =	stream.linear.scatter [tilespmem:s19], [sflag:$0x5], $0x2000, $0x38;
	[tilespmem:$0x19000] =	vst v63  }
0x33: {  	_ =	swait.ge [sflag:s14], $0x2000  }
0x34: {  	[sflag:s14] =	ssyncset.done $0x0  }
0x35: {  	[sflag:s14] =	ssyncadd.s32 $0xFFFFE000  }
0x36: {  	[spmem:s8] =	stream.linear.scatter [tilespmem:s19], [sflag:$0x5], $0x2000, $0x38;
	[tilespmem:$0x19000] =	vst v63  }
0x37: {  	_ =	swait.ge [sflag:s14], $0x2000  }
0x38: {  	[sflag:s14] =	ssyncset.done $0x0  }
0x39: {  	[sflag:s14] =	ssyncadd.s32 $0xFFFFE000  }
0x3a: {  	[spmem:s9] =	stream.linear.scatter [tilespmem:s19], [sflag:$0x5], $0x2000, $0x38;
	[tilespmem:$0x19000] =	vst v63  }
0x3b: {  	_ =	swait.ge [sflag:s14], $0x2000  }
0x3c: {  	[sflag:s14] =	ssyncset.done $0x0  }
0x3d: {  	[sflag:s14] =	ssyncadd.s32 $0xFFFFE000  }
0x3e: {  	[spmem:s10] =	stream.linear.scatter [tilespmem:s19], [sflag:$0x5], $0x2000, $0x38;
	[tilespmem:$0x19000] =	vst v63  }
0x3f: {  	_ =	swait.ge [sflag:s14], $0x2000  }
0x40: {  	[sflag:s14] =	ssyncset.done $0x0  }
0x41: {  	[sflag:s14] =	ssyncadd.s32 $0xFFFFE000  }
0x42: {  	[spmem:s11] =	stream.linear.scatter [tilespmem:s19], [sflag:$0x5], $0x2000, $0x38;
	[tilespmem:$0x19000] =	vst v63  }
0x43: {  	_ =	swait.ge [sflag:s14], $0x2000  }
0x44: {  	[sflag:s14] =	ssyncset.done $0x0  }
0x45: {  	[sflag:s14] =	ssyncadd.s32 $0xFFFFE000  }
0x46: {  	[bflag:$0x0] =	sbarrier.arrive $0xFFFF  }
0x47: {  	_ =	swait.ge [sflag:s20], $0x2000  }
0x48: {  	[sflag:s20] =	ssyncset.done $0x0  }
0x49: {  	[sflag:s20] =	ssyncadd.s32 $0xFFFFE000  }
0x4a: {  	_ =	swait.ge [sflag:s20], $0x2000  }
0x4b: {  	[sflag:s20] =	ssyncset.done $0x0  }
0x4c: {  	[sflag:s20] =	ssyncadd.s32 $0xFFFFE000  }
0x4d: {  	[spmem:s2] =	stream.indirect.scatter.add.bf16 [tilespmem:s17], [sflag:$0x3], $0x40, s15, s16, $0xb8;
	[tilespmem:$0x19000] =	vst v63  }
0x4e: {  	s24 =	simm.s32 $0x2880  }
0x4f: {  	[spmem:s2] =	stream.indirect.scatter.add.bf16 [tilespmem:s18], [sflag:$0x3], $0x40, s24, s16, $0xb8;
	[tilespmem:$0x19000] =	vst v63  }
0x50: {  	s28 =	simm.s32 $0x100  }
0x51: {  	[tilespmem:s23], [sflag:$0x2] =	stream.indirect.gather [hbm4b:s4+s16], $0x40, s28, s16, $0xb8;
	[tilespmem:$0x19000] =	vst v63  }
0x52: {  	s24 =	simm.s32 $0x180  }
0x53: {  	[tilespmem:s25], [sflag:$0x2] =	stream.indirect.gather [hbm4b:s4+s16], $0x40, s24, s16, $0xb8;
	[tilespmem:$0x19000] =	vst v63  }
0x54: {  	_ =	swait.ge [sflag:s26], $0x2000  }
0x55: {  	[sflag:s26] =	ssyncset.done $0x0  }
0x56: {  	[sflag:s26] =	ssyncadd.s32 $0xFFFFE000  }
0x57: {  	_ =	swait.ge [sflag:s26], $0x2000  }
0x58: {  	[sflag:s26] =	ssyncset.done $0x0  }
0x59: {  	s28 =	simm.s32 $0x2900;
	[sflag:s26] =	ssyncadd.s32 $0xFFFFE000  }
0x5a: {  	[spmem:s2] =	stream.indirect.scatter.add.bf16 [tilespmem:s23], [sflag:$0x4], $0x40, s28, s16, $0xb8;
	[tilespmem:$0x19000] =	vst v63  }
0x5b: {  	_ = 	snop  }
0x5c: {  	[spmem:s2] =	stream.indirect.scatter.add.bf16 [tilespmem:s25], [sflag:$0x4], $0x40, s29, s16, $0xb8;
	[tilespmem:$0x19000] =	vst v63  }
0x5d: {  	_ =	swait.ge [sflag:s30], $0x2000  }
0x5e: {  	[sflag:s30] =	ssyncset.done $0x0  }
0x5f: {  	[sflag:s30] =	ssyncadd.s32 $0xFFFFE000  }
0x60: {  	_ =	swait.ge [sflag:s30], $0x2000  }
0x61: {  	[sflag:s30] =	ssyncset.done $0x0  }
0x62: {  	[sflag:s30] =	ssyncadd.s32 $0xFFFFE000  }
0x63: {  	[tilespmem:s17], [sflag:$0x1] =	stream.indirect.gather [hbm4b:s4+s16], $0x40, s31, s16, $0xb8;
	[tilespmem:$0x19000] =	vst v63  }
0x64: {  	s22 =	simm.s32 $0x0  }
0x65: {  	[tilespmem:s18], [sflag:$0x1] =	stream.indirect.gather [hbm4b:s4+s16], $0x40, s0, s16, $0xb8;
	[tilespmem:$0x19000] =	vst v63  }
.LBB2_4:
0x66: {  	_ =	swait.ge [sflag:s20], $0x2000  }
0x67: {  	[sflag:s20] =	ssyncset.done $0x0  }
0x68: {  	[sflag:s20] =	ssyncadd.s32 $0xFFFFE000  }
0x69: {  	_ =	swait.ge [sflag:s20], $0x2000  }
0x6a: {  	s24 =	sshra.s32 s22, $0x2;
	[sflag:s20] =	ssyncset.done $0x0  }
0x6b: {  	s28 =	sadd.s32 $0x2A00, s24;
	[sflag:s20] =	ssyncadd.s32 $0xFFFFE000  }
0x6c: {  	[spmem:s2] =	stream.indirect.scatter.add.bf16 [tilespmem:s17], [sflag:$0x3], $0x40, s28, s16, $0xb8;
	[tilespmem:$0x19000] =	vst v63  }
0x6d: {  	s28 =	sadd.s32 $0x2A80, s24  }
0x6e: {  	[spmem:s2] =	stream.indirect.scatter.add.bf16 [tilespmem:s18], [sflag:$0x3], $0x40, s28, s16, $0xb8;
	[tilespmem:$0x19000] =	vst v63  }
0x6f: {  	_ =	swait.ge [sflag:s1], $0x2000  }
0x70: {  	[sflag:s1] =	ssyncset.done $0x0  }
0x71: {  	[sflag:s1] =	ssyncadd.s32 $0xFFFFE000  }
0x72: {  	_ =	swait.ge [sflag:s1], $0x2000  }
0x73: {  	[sflag:s1] =	ssyncset.done $0x0  }
0x74: {  	s28 =	sadd.s32 $0x300, s24;
	[sflag:s1] =	ssyncadd.s32 $0xFFFFE000  }
0x75: {  	[tilespmem:s23], [sflag:$0x2] =	stream.indirect.gather [hbm4b:s4+s16], $0x40, s28, s16, $0xb8;
	[tilespmem:$0x19000] =	vst v63  }
0x76: {  	s28 =	sadd.s32 $0x380, s24  }
0x77: {  	[tilespmem:s25], [sflag:$0x2] =	stream.indirect.gather [hbm4b:s4+s16], $0x40, s28, s16, $0xb8;
	[tilespmem:$0x19000] =	vst v63  }
0x78: {  	_ =	swait.ge [sflag:s26], $0x2000  }
0x79: {  	[sflag:s26] =	ssyncset.done $0x0  }
0x7a: {  	[sflag:s26] =	ssyncadd.s32 $0xFFFFE000  }
0x7b: {  	_ =	swait.ge [sflag:s26], $0x2000  }
0x7c: {  	[sflag:s26] =	ssyncset.done $0x0  }
0x7d: {  	s28 =	sadd.s32 $0x2B00, s24;
	[sflag:s26] =	ssyncadd.s32 $0xFFFFE000  }
0x7e: {  	[spmem:s2] =	stream.indirect.scatter.add.bf16 [tilespmem:s23], [sflag:$0x4], $0x40, s28, s16, $0xb8;
	[tilespmem:$0x19000] =	vst v63  }
0x7f: {  	s28 =	sadd.s32 $0x2B80, s24  }
0x80: {  	[spmem:s2] =	stream.indirect.scatter.add.bf16 [tilespmem:s25], [sflag:$0x4], $0x40, s28, s16, $0xb8;
	[tilespmem:$0x19000] =	vst v63  }
0x81: {  	p0 =	seq.s32 s22, $0x9000;
	_ =	swait.ge [sflag:s30], $0x2000  }
.Ltmp3:
0x82: {  	[sflag:s30] =	ssyncset.done $0x0;
	(pc) =	sbr.rel @p0 .LBB2_6-.Ltmp3, $4  }
0x83: {  	[sflag:s30] =	ssyncadd.s32 $0xFFFFE000  }
0x84: {  	_ =	swait.ge [sflag:s30], $0x2000  }
0x85: {  	[sflag:s30] =	ssyncset.done $0x0  }
0x86: {  	[sflag:s30] =	ssyncadd.s32 $0xFFFFE000  }
.Ltmp4:
0x87: {  	(pc) =	sbr.rel .LBB2_4-.Ltmp4, $4  }
0x88: {  	s28 =	sadd.s32 $0x400, s24  }
0x89: {  	[tilespmem:s17], [sflag:$0x1] =	stream.indirect.gather [hbm4b:s4+s16], $0x40, s28, s16, $0xb8;
	[tilespmem:$0x19000] =	vst v63  }
0x8a: {  	s22 =	sadd.s32 $0x800, s22;
	s28 =	sadd.s32 $0x480, s24  }
0x8b: {  	[tilespmem:s18], [sflag:$0x1] =	stream.indirect.gather [hbm4b:s4+s16], $0x40, s28, s16, $0xb8;
	[tilespmem:$0x19000] =	vst v63  }
.LBB2_7:
0x8c: {  	_ =	sfence.sel $0x180000  }
0x8d: {  	[bflag:$0x0] =	sbarrier.arrive $0xFFFF  }
0x8e: {  	_ =	strace $0x90000047  }
0x8f: {  	s0 =	stileid.u32;
	[bflag:$0x2] =	sbarrier.arrive $0xFFFF  }
0x90: {  	p0 =	sne.s32 s0, $0x0;
	s0 =	rddreg [dreg:$0x2]  }
0x91: {  	s0 =	sadd.s32 @!p0 $0x100000, s0  }
0x92: {  	[sflag:s0] =	ssyncadd.tile.s32 @!p0 $0x1;
	_ =	shalt  }
.Lfunc_end2:
_tile_overlayer_lowered:
.L_overlay_start_2:
0x93: {  	(tag) =	ssettag $0x2  }
0x94: {  	s0 =	rddreg [dreg:$0x0];
	s2 =	stileid.u32  }
0x95: {  	s1 =	rddreg [dreg:$0x1];
	p0 =	sne.s32 s2, $0x0  }
0x96: {  	s3 =	rddreg [dreg:$0x2];
	[bflag:$0x3] =	sbarrier.arrive $0xFFFF;
	s2 =	simm.s32 @!p0 $0x1C05  }
0x97: {  	[timem:s3], [sflag:s2] =	dma.local @!p0 [hbm:s0], s1  }
0x98: {  	s0 =	simm.s32 @!p0 $0x5  }
0x99: {  	_ =	swait.ge @!p0 [sflag:s0], s1  }
0x9a: {  	s1 =	ssub.s32 @!p0 $0x0, s1;
	[sflag:s0] =	ssyncset.done @!p0 $0x0  }
0x9b: {  	[sflag:s0] =	ssyncadd.s32 @!p0 s1  }
0x9c: {  	[bflag:$0x3] =	sbarrier.arrive $0xFFFF  }
0x9d: {  	_ =	shalt  }

// kernel: kernel.14.cloned.1.call-start
scs
__scs_entry_jumppad:
0x0: {  	(pc) =	sbr.rel $0x88, $3  }
0x1: {  	(tag) =	ssettag $0x0;
	lr =	simm.s32 $0x1  }
0x2: {  	[smem:$0x3F85] =	sst lr;
	_ =	strace $0xD0000000  }
0x3: {  	_ = 	snop  }
0x4: {  	_ = 	snop  }
0x5: {  	_ = 	snop  }
0x6: {  	_ = 	snop  }
0x7: {  	_ = 	snop  }
__scs_overlays_trampoline_lowered:
0x8: {  	[smem:$0x3F94] =	sst s0  }
0x9: {  	[smem:$0x3F95] =	sst s1  }
0xa: {  	[smem:$0x3F96] =	sst s2  }
0xb: {  	[smem:$0x3F97] =	sst s3  }
0xc: {  	[smem:$0x3F98] =	sst s4  }
0xd: {  	[smem:$0x3F99] =	sst s5  }
0xe: {  	[smem:$0x3F9A] =	sst s6  }
0xf: {  	[smem:$0x3F9B] =	sst s7  }
0x10: {  	[smem:$0x3F9C] =	sst s8  }
0x11: {  	[smem:$0x3F9D] =	sst s9;
	s0 =	simm.s32 @!p0 $0x0  }
0x12: {  	s1 =	sld [smem:$0x3F83];
	s0 =	simm.s32 @p0 $0x1  }
0x13: {  	[smem:$0x3F9E] =	sst s0;
	s0 =	simm.s32 @!p1 $0x0  }
0x14: {  	s2 =	sld [smem:$0x3F82];
	s0 =	simm.s32 @p1 $0x1  }
0x15: {  	[smem:$0x3F9F] =	sst s0;
	s0 =	simm.s32 @!p2 $0x0  }
0x16: {  	s3 =	sld [smem:$0x3FDB];
	s0 =	simm.s32 @p2 $0x1  }
0x17: {  	s4 =	simm.s32 $0x1BF5;
	[smem:$0x3FA1] =	sst s0  }
0x18: {  	s0 =	sld [smem:$0x3F84];
	_ =	swait.ge [sflag:s4], $0x0  }
0x19: {  	s7 =	sld [smem:$0x3F85]  }
0x1a: {  	s8 =	sadd.s32 $0xFFFFE003, lr  }
0x1b: {  	s9 =	sadd.s32 $0xFFFFFEF7, lr;
	s5 =	simm.s32 $0xFFFFFFFF;
	p2 =	slt.u32 s8, $0xFFFFF086  }
0x1c: {  	p1 =	slt.u32 s9, $0xF7A;
	s5 =	simm.s32 @!p2 $0x0  }
0x1d: {  	s5 =	simm.s32 @p1 $0x1;
	p0 =	seq.s32 s7, s2  }
0x1e: {  	s7 =	smul.u32 @!p0 $0xF7A, s2;
	p2 =	seq.s32 @!p0 s5, $0x0  }
0x1f: {  	s9 =	smul.u32 $0xF7A, s1;
	s8 =	simm.s32 @!p0 $0x1BF5;
	p2 =	por !p2, p0  }
0x20: {  	[sflag:s8] =	ssyncset.s32 @!p0 $0xFFFFF086;
	s6 =	sadd.s32 @!p0 s3, s7;
	s7 =	simm.s32 @!p0 $0x108  }
0x21: {  	s3 =	sadd.s32 s3, s9;
	s6 =	sadd.s32 @!p0 $0x88, s6;
	s7 =	simm.s32 @p2 $0x1082  }
0x22: {  	[simem:s7], [sflag:s8] =	dma.local @!p0 [hbm:s6], $0xF7A  }
0x23: {  	s9 =	sor.u32 $0xD0000000, s2;
	s6 =	simm.s32 $0x108;
	_ =	swait.ge @!p0 [sflag:s8], $0x0  }
0x24: {  	s3 =	sadd.s32 $0x88, s3;
	s6 =	simm.s32 @!p1 $0x1082;
	[sflag:s4] =	ssyncset.s32 $0xFFFFF086  }
0x25: {  	[simem:s6], [sflag:s4] =	dma.local [hbm:s3], $0xF7A  }
0x26: {  	[smem:$0x3F85] =	sst s1;
	(tag) =	ssettag s2;
	_ =	strace s9  }
0x27: {  	s1 =	sld [smem:$0x3F95]  }
0x28: {  	s2 =	sld [smem:$0x3F96]  }
0x29: {  	s4 =	sld [smem:$0x3F98]  }
0x2a: {  	p0 =	seq.s32 s5, $0x0;
	s5 =	sld [smem:$0x3F99]  }
0x2b: {  	s6 =	sld [smem:$0x3F9A]  }
0x2c: {  	s7 =	sld [smem:$0x3F9B]  }
0x2d: {  	s3 =	simm.s32 $0x108;
	s8 =	sld [smem:$0x3F9C]  }
0x2e: {  	s3 =	simm.s32 @!p0 $0x1082;
	s9 =	sld [smem:$0x3F9D]  }
0x2f: {  	lr =	sadd.s32 s0, s3;
	s0 =	sld [smem:$0x3F94]  }
0x30: {  	s3 =	sld [smem:$0x3F97]  }
0x31: {  	[smem:$0x3FA0] =	sst s10  }
0x32: {  	s10 =	sld [smem:$0x3F9E];
	_ =	sdelay $0x3  }
0x33: {  	p0 =	seq.s32 s10, $0x1;
	s10 =	sld [smem:$0x3FA0];
	_ =	sdelay $0x3  }
0x34: {  	[smem:$0x3FA0] =	sst s10  }
0x35: {  	s10 =	sld [smem:$0x3F9F];
	_ =	sdelay $0x3  }
0x36: {  	p1 =	seq.s32 s10, $0x1;
	s10 =	sld [smem:$0x3FA0];
	_ =	sdelay $0x3  }
0x37: {  	[smem:$0x3FA0] =	sst s10  }
0x38: {  	s10 =	sld [smem:$0x3FA1]  }
0x39: {  	_ = 	snop;
	(pc) =	sbr.ind lr, $3  }
0x3a: {  	_ = 	snop  }
0x3b: {  	_ = 	snop  }
0x3c: {  	p2 =	seq.s32 s10, $0x1;
	s10 =	sld [smem:$0x3FA0]  }
0x3d: {  	_ =	shalt  }
0x3e: {  	_ =	shalt  }
0x3f: {  	_ =	shalt  }
0x40: {  	_ =	shalt  }
0x41: {  	_ =	shalt  }
0x42: {  	_ =	shalt  }
0x43: {  	_ =	shalt  }
0x44: {  	_ =	shalt  }
0x45: {  	_ =	shalt  }
0x46: {  	_ =	shalt  }
0x47: {  	_ =	shalt  }
0x48: {  	_ =	shalt  }
0x49: {  	_ =	shalt  }
0x4a: {  	_ =	shalt  }
0x4b: {  	_ =	shalt  }
0x4c: {  	_ =	shalt  }
0x4d: {  	_ =	shalt  }
0x4e: {  	_ =	shalt  }
0x4f: {  	_ =	shalt  }
0x50: {  	_ =	shalt  }
0x51: {  	_ =	shalt  }
0x52: {  	_ =	shalt  }
0x53: {  	_ =	shalt  }
0x54: {  	_ =	shalt  }
0x55: {  	_ =	shalt  }
0x56: {  	_ =	shalt  }
0x57: {  	_ =	shalt  }
0x58: {  	_ =	shalt  }
0x59: {  	_ =	shalt  }
0x5a: {  	_ =	shalt  }
0x5b: {  	_ =	shalt  }
0x5c: {  	_ =	shalt  }
0x5d: {  	_ =	shalt  }
0x5e: {  	_ =	shalt  }
0x5f: {  	_ =	shalt  }
0x60: {  	_ =	shalt  }
0x61: {  	_ =	shalt  }
0x62: {  	_ =	shalt  }
0x63: {  	_ =	shalt  }
0x64: {  	_ =	shalt  }
0x65: {  	_ =	shalt  }
0x66: {  	_ =	shalt  }
0x67: {  	_ =	shalt  }
0x68: {  	_ =	shalt  }
0x69: {  	_ =	shalt  }
0x6a: {  	_ =	shalt  }
0x6b: {  	_ =	shalt  }
0x6c: {  	_ =	shalt  }
0x6d: {  	_ =	shalt  }
0x6e: {  	_ =	shalt  }
0x6f: {  	_ =	shalt  }
0x70: {  	_ =	shalt  }
0x71: {  	_ =	shalt  }
0x72: {  	_ =	shalt  }
0x73: {  	_ =	shalt  }
0x74: {  	_ =	shalt  }
0x75: {  	_ =	shalt  }
0x76: {  	_ =	shalt  }
0x77: {  	_ =	shalt  }
0x78: {  	_ =	shalt  }
0x79: {  	_ =	shalt  }
0x7a: {  	_ =	shalt  }
0x7b: {  	_ =	shalt  }
0x7c: {  	_ =	shalt  }
0x7d: {  	_ =	shalt  }
0x7e: {  	_ =	shalt  }
0x7f: {  	_ =	shalt  }
0x80: {  	_ =	shalt  }
0x81: {  	_ =	shalt  }
0x82: {  	_ =	shalt  }
0x83: {  	_ =	shalt  }
0x84: {  	_ =	shalt  }
0x85: {  	_ =	shalt  }
0x86: {  	_ =	shalt  }
0x87: {  	_ =	shalt  }
.Lfunc_end0:
.L_simem_size_0:
called_computation.1_lowered:
.L_overlay_start_0:
0x88: {  	s2 =	sld [smem:$0x3FD9]  }
0x89: {  	s3 =	sld [smem:$0x3FFE];
	_ =	sdelay $0x1  }
0x8a: {  	s1 =	srdreg.scid  }
0x8b: {  	s0 =	sand.u32 $0x1, s1  }
0x8c: {  	s16 =	sshll.u32 s0, $0xA;
	s2 =	sadd.s32 s3, s2  }
0x8d: {  	s2 =	sadd.s32 s2, s16  }
0x8e: {  	[smem:$0x3FAC] =	sst s2  }
0x8f: {  	_ = 	snop  }
0x90: {  	(tm) =	ssettm $0x1  }
0x91: {  	s17 =	sld [smem:$0x3FFB];
	_ =	sdelay $0x3  }
0x92: {  	_ =	strace s17  }
0x93: {  	s2 =	sld [smem:$0x3FFC];
	_ =	sdelay $0x3  }
0x94: {  	_ =	strace s2  }
0x95: {  	s2 =	sld [smem:$0x3FFD];
	_ =	sdelay $0x3  }
0x96: {  	_ =	strace s2  }
0x97: {  	_ =	strace $0x8FFFFFFF  }
0x98: {  	s18 =	sld [smem:$0x3FDB];
	_ =	sdelay $0x1  }
0x99: {  	s19 =	simm.s32 $_scs_section_size  }
0x9a: {  	s4 =	simm.s32 $_size__tile_overlayer_lowered;
	s5 =	simm.s32 $_tile_overlayer_lowered  }
0x9b: {  	s22 =	simm.s32 $0x1BFF;
	s21 =	sshll.u32 s5, $0x1;
	s2 =	sadd.s32 s19, s18  }
0x9c: {  	s6 =	simm.s32 $0x0;
	s20 =	sshll.u32 s4, $0x1;
	s4 =	sadd.s32 s21, s2  }
0x9d: {  	[timem:s6], [sflag:s22] =	dma.local [hbm:s4], s20  }
0x9e: {  	_ =	swait.ge [sflag:s22], s20  }
0x9f: {  	s3 =	ssub.s32 $0x0, s20;
	[sflag:s22] =	ssyncset.done $0x0  }
0xa0: {  	[sflag:s22] =	ssyncadd.s32 s3;
	_ =	sdelay $0x1  }
0xa1: {  	s23 =	simm.s32 $0x1B8B  }
0xa2: {  	_ =	swait.ge [sflag:s23], $0x1  }
0xa3: {  	[sflag:s23] =	ssyncset.done $0x0  }
0xa4: {  	s25 =	simm.s32 $0x1B8E;
	s24 =	sld [smem:$0x3FFE];
	[sflag:s23] =	ssyncadd.s32 $0xFFFFFFFF  }
0xa5: {  	s26 =	simm.s32 $execute0_lowered;
	[smem:$0x3FD2] =	sst s25  }
0xa6: {  	s4 =	sshll.u32 s26, $0x1;
	_ =	strace $0x80000049;
	[dreg:$0x1] =	wrdreg $0xFFFFFFFF  }
0xa7: {  	s28 =	simm.s32 $_size_execute0_lowered;
	s2 =	sadd.s32 s2, s4;
	[dreg:$0x0] =	wrdreg $0x0  }
0xa8: {  	s4 =	sshll.u32 s28, $0x1;
	[dreg:$0x2] =	wrdreg s2  }
0xa9: {  	[dreg:$0x3] =	wrdreg s4  }
0xaa: {  	[dreg:$0x4] =	wrdreg $0xC0  }
0xab: {  	_ =	task [dreg:s6], $0x5FFFF  }
0xac: {  	[dreg:$0x1] =	wrdreg $0xFFFFFFFF  }
0xad: {  	[dreg:$0x0] =	wrdreg $0x60  }
0xae: {  	[dreg:$0x2] =	wrdreg s24  }
0xaf: {  	[dreg:$0x3] =	wrdreg $0xF0000  }
0xb0: {  	[dreg:$0x4] =	wrdreg $0x9  }
0xb1: {  	_ =	task.clear_ibuf [dreg:s6], $0x5FFFF;
	_ =	strace $0x90000049  }
0xb2: {  	s29 =	simm.s32 $0x9;
	_ =	strace $0x8000004B  }
0xb3: {  	_ =	swait.ge [sflag:s29], $0x1  }
0xb4: {  	[sflag:s29] =	ssyncadd.s32 $0xFFFFFFFF  }
0xb5: {  	_ =	strace $0x9000004B  }
0xb6: {  	_ =	sfence  }
0xb7: {  	s30 =	sld [smem:$0x0];
	_ =	sdelay $0x2  }
0xb8: {  	s31 =	sshll.u32 s1, $0xD;
	s1 =	sshrl.u32 s1, $0x2  }
0xb9: {  	s3 =	sand.u32 $0x4000, s31;
	s1 =	sadd.s32 s1, s30  }
0xba: {  	s0 =	sor.u32 s3, s0;
	s1 =	sshll.u32 s1, $0x11  }
0xbb: {  	s0 =	sor.u32 s1, s0  }
0xbc: {  	s0 =	sadd.s32 $0x8F2B, s0  }
0xbd: {  	[sflag:s0] =	ssyncadd.remote.s32 $0x1  }
0xbe: {  	_ =	sfence.sel $0xFFFF  }
0xbf: {  	[dreg:$0x0] =	wrdreg $0xFFFFFFFF;
	(pc) =	sbr.abs _section_cstart, $3  }
0xc0: {  	[dreg:$0x1] =	wrdreg $0xFFFFFFFF  }
0xc1: {  	_ =	task.clear_ibuf [dreg:s6], $0x2FFFF;
	_ =	strace $0x9FFFFFFF  }
0xc2: {  	(tm) =	ssettm $0x7FFFFFFF  }
0xc3: {  	_ =	shalt  }
tec
execute0_lowered:
.L_overlay_start_1:
0x0: {  	(tag) =	ssettag $0x1  }
0x1: {  	s0 =	rddreg [dreg:$0x0]  }
0x2: {  	s2 =	rddreg [dreg:$0x1];
	s1 =	srdreg.scid  }
0x3: {  	s8 =	stileid.u32;
	s3 =	simm.s32 $0x0;
	s14 =	simm.s32 $0x5  }
0x4: {  	s15 =	simm.s32 $0x2800;
	s16 =	simm.s32 $0x80;
	s17 =	simm.s32 $0x5000  }
0x5: {  	s18 =	simm.s32 $0x7000;
	s19 =	simm.s32 $0xD000;
	s20 =	simm.s32 $0x1  }
0x6: {  	s23 =	simm.s32 $0x9000;
	s25 =	simm.s32 $0xB000;
	s26 =	simm.s32 $0x2  }
0x7: {  	s29 =	simm.s32 $0x2980;
	s30 =	simm.s32 $0x3;
	s31 =	simm.s32 $0x200  }
0x8: {  	s21 =	simm.s32 $0x0;
	s1 =	sand.u32 $0x1, s1;
	s7 =	smul.u32 $0x14000, s8  }
0x9: {  	[smem:$0x7FF] =	sst s3;
	s4 =	sshll.u32 s8, $0x1;
	s8 =	smul.u32 $0x28000, s8  }
0xa: {  	s5 =	smul.u32 $0x140000, s1;
	_ =	strace $0x8000004A;
	s6 =	sor.u32 s1, s4  }
0xb: {  	s4 =	sadd.s32 $0x5000, s0;
	s1 =	ssub.s32 $0x2, s1;
	s6 =	smul.u32 $0x500, s6  }
0xc: {  	s28 =	sshrl.u32 s1, $0x1;
	s8 =	sshrl.u32 s8, $0x2;
	s5 =	sadd.s32 s7, s5  }
0xd: {  	s1 =	ssub.s32 s1, s28;
	s7 =	sshrl.u32 s7, $0x1;
	s11 =	sadd.s32 s8, s2  }
.Ltmp0:
0xe: {  	s5 =	sshrl.u32 s5, $0x4;
	s6 =	sadd.s32 s6, s0;
	(pc) =	sbr.rel .LBB2_1-.Ltmp0, $4  }
0xf: {  	s7 =	sadd.s32 s7, s2;
	s8 =	sadd.s32 $0x2000, s11;
	s9 =	sadd.s32 $0x4000, s11  }
0x10: {  	s10 =	sadd.s32 $0x6000, s11;
	s11 =	sadd.s32 $0x8000, s11;
	s13 =	smax.u32 s1, $0x1  }
0x11: {  	s1 =	simm.s32 $0x4;
	s0 =	sadd.s32 s5, s0;
	s5 =	sadd.s32 $0x18A00, s6  }
0x12: {  	v0 =	vimm.bf16 $0.0e+00;
	s6 =	sadd.s32 $0x22A00, s6;
	s12 =	sadd.s32 $0x2CA00, s0;
	s0 =	simm.s32 $0x280  }
.LBB2_6:
0x13: {  	_ =	swait.ge [sflag:s1], $0x2000  }
0x14: {  	[sflag:s1] =	ssyncset.done $0x0  }
0x15: {  	[sflag:s1] =	ssyncadd.s32 $0xFFFFE000  }
0x16: {  	s22 =	stileid.u32;
	_ =	swait.ge [sflag:s1], $0x2000  }
0x17: {  	s24 =	sshrl.u32 s7, $0x3;
	s21 =	sadd.s32 $0x1, s21;
	[sflag:s1] =	ssyncset.done $0x0  }
0x18: {  	s22 =	sshll.u32 s22, $0x6;
	p0 =	sne.s32 s21, s13;
	[sflag:s1] =	ssyncadd.s32 $0xFFFFE000  }
.Ltmp1:
0x19: {  	s22 =	sor.u32 $0x1C05, s22;
	[bflag:$0x0] =	sbarrier.arrive $0xFFFF;
	(pc) =	sbr.rel @!p0 .LBB2_7-.Ltmp1, $4  }
0x1a: {  	[hbm:s12], [sflag:s22] =	dma.local [spmem:s24], $0x1400  }
0x1b: {  	_ =	swait.ge [sflag:s14], $0x1400  }
0x1c: {  	[sflag:s14] =	ssyncset.done $0x0  }
0x1d: {  	[sflag:s14] =	ssyncadd.s32 $0xFFFFEC00  }
.LBB2_1:
0x1e: {  	[tilespmem:s3], [sflag:$0x5] =	stream.linear.gather [hbm4b:s5+s3], $0x2800, $0x38;
	[tilespmem:$0x19000] =	vst v63  }
0x1f: {  	_ =	swait.ge [sflag:s14], $0x2800  }
0x20: {  	[sflag:s14] =	ssyncset.done $0x0  }
0x21: {  	[sflag:s14] =	ssyncadd.s32 $0xFFFFD800  }
0x22: {  	[tilespmem:s15], [sflag:$0x5] =	stream.linear.gather [hbm4b:s6+s3], $0x2800, $0x38;
	[tilespmem:$0x19000] =	vst v63  }
0x23: {  	_ =	swait.ge [sflag:s14], $0x2800  }
0x24: {  	[sflag:s14] =	ssyncset.done $0x0  }
0x25: {  	[sflag:s14] =	ssyncadd.s32 $0xFFFFD800  }
0x26: {  	[tilespmem:s17], [sflag:$0x1] =	stream.indirect.gather [hbm4b:s4+s16], $0x40, s3, s16, $0xb8;
	[tilespmem:$0x19000] =	vst v63  }
0x27: {  	s24 =	simm.s32 $0x100;
	s22 =	simm.s32 $0x0  }
0x28: {  	[tilespmem:s18], [sflag:$0x1] =	stream.indirect.gather [hbm4b:s4+s16], $0x40, s16, s16, $0xb8;
	[tilespmem:$0x19000] =	vst v63  }
.LBB2_2:
0x29: {  	p0 =	sne.s32 s24, $0x7F00;
	[tilespmem:s22+$0xD030] =	vst v0;
	s28 =	smov.u32 s24;
	s24 =	sadd.s32 $0x100, s24  }
.Ltmp2:
0x2a: {  	[tilespmem:s22+$0xD020] =	vst v0;
	(pc) =	sbr.rel @p0 .LBB2_2-.Ltmp2, $3  }
0x2b: {  	[tilespmem:s22+$0xD000] =	vst v0  }
0x2c: {  	[tilespmem:s22+$0xD010] =	vst v0;
	_ =	sdelay $0x1  }
0x2d: {  	s22 =	sshra.s32 s28, $0x2  }
0x2e: {  	[tilespmem:s22+$0xD030] =	vst v0  }
0x2f: {  	[tilespmem:s22+$0xD020] =	vst v0  }
0x30: {  	[tilespmem:s22+$0xD000] =	vst v0  }
0x31: {  	[tilespmem:s22+$0xD010] =	vst v0  }
0x32: {  	[spmem:s7] =	stream.linear.scatter [tilespmem:s19], [sflag:$0x5], $0x2000, $0x38;
	[tilespmem:$0x19000] =	vst v63  }
0x33: {  	_ =	swait.ge [sflag:s14], $0x2000  }
0x34: {  	[sflag:s14] =	ssyncset.done $0x0  }
0x35: {  	[sflag:s14] =	ssyncadd.s32 $0xFFFFE000  }
0x36: {  	[spmem:s8] =	stream.linear.scatter [tilespmem:s19], [sflag:$0x5], $0x2000, $0x38;
	[tilespmem:$0x19000] =	vst v63  }
0x37: {  	_ =	swait.ge [sflag:s14], $0x2000  }
0x38: {  	[sflag:s14] =	ssyncset.done $0x0  }
0x39: {  	[sflag:s14] =	ssyncadd.s32 $0xFFFFE000  }
0x3a: {  	[spmem:s9] =	stream.linear.scatter [tilespmem:s19], [sflag:$0x5], $0x2000, $0x38;
	[tilespmem:$0x19000] =	vst v63  }
0x3b: {  	_ =	swait.ge [sflag:s14], $0x2000  }
0x3c: {  	[sflag:s14] =	ssyncset.done $0x0  }
0x3d: {  	[sflag:s14] =	ssyncadd.s32 $0xFFFFE000  }
0x3e: {  	[spmem:s10] =	stream.linear.scatter [tilespmem:s19], [sflag:$0x5], $0x2000, $0x38;
	[tilespmem:$0x19000] =	vst v63  }
0x3f: {  	_ =	swait.ge [sflag:s14], $0x2000  }
0x40: {  	[sflag:s14] =	ssyncset.done $0x0  }
0x41: {  	[sflag:s14] =	ssyncadd.s32 $0xFFFFE000  }
0x42: {  	[spmem:s11] =	stream.linear.scatter [tilespmem:s19], [sflag:$0x5], $0x2000, $0x38;
	[tilespmem:$0x19000] =	vst v63  }
0x43: {  	_ =	swait.ge [sflag:s14], $0x2000  }
0x44: {  	[sflag:s14] =	ssyncset.done $0x0  }
0x45: {  	[sflag:s14] =	ssyncadd.s32 $0xFFFFE000  }
0x46: {  	[bflag:$0x0] =	sbarrier.arrive $0xFFFF  }
0x47: {  	_ =	swait.ge [sflag:s20], $0x2000  }
0x48: {  	[sflag:s20] =	ssyncset.done $0x0  }
0x49: {  	[sflag:s20] =	ssyncadd.s32 $0xFFFFE000  }
0x4a: {  	_ =	swait.ge [sflag:s20], $0x2000  }
0x4b: {  	[sflag:s20] =	ssyncset.done $0x0  }
0x4c: {  	[sflag:s20] =	ssyncadd.s32 $0xFFFFE000  }
0x4d: {  	[spmem:s2] =	stream.indirect.scatter.add.bf16 [tilespmem:s17], [sflag:$0x3], $0x40, s15, s16, $0xb8;
	[tilespmem:$0x19000] =	vst v63  }
0x4e: {  	s24 =	simm.s32 $0x2880  }
0x4f: {  	[spmem:s2] =	stream.indirect.scatter.add.bf16 [tilespmem:s18], [sflag:$0x3], $0x40, s24, s16, $0xb8;
	[tilespmem:$0x19000] =	vst v63  }
0x50: {  	s28 =	simm.s32 $0x100  }
0x51: {  	[tilespmem:s23], [sflag:$0x2] =	stream.indirect.gather [hbm4b:s4+s16], $0x40, s28, s16, $0xb8;
	[tilespmem:$0x19000] =	vst v63  }
0x52: {  	s24 =	simm.s32 $0x180  }
0x53: {  	[tilespmem:s25], [sflag:$0x2] =	stream.indirect.gather [hbm4b:s4+s16], $0x40, s24, s16, $0xb8;
	[tilespmem:$0x19000] =	vst v63  }
0x54: {  	_ =	swait.ge [sflag:s26], $0x2000  }
0x55: {  	[sflag:s26] =	ssyncset.done $0x0  }
0x56: {  	[sflag:s26] =	ssyncadd.s32 $0xFFFFE000  }
0x57: {  	_ =	swait.ge [sflag:s26], $0x2000  }
0x58: {  	[sflag:s26] =	ssyncset.done $0x0  }
0x59: {  	s28 =	simm.s32 $0x2900;
	[sflag:s26] =	ssyncadd.s32 $0xFFFFE000  }
0x5a: {  	[spmem:s2] =	stream.indirect.scatter.add.bf16 [tilespmem:s23], [sflag:$0x4], $0x40, s28, s16, $0xb8;
	[tilespmem:$0x19000] =	vst v63  }
0x5b: {  	_ = 	snop  }
0x5c: {  	[spmem:s2] =	stream.indirect.scatter.add.bf16 [tilespmem:s25], [sflag:$0x4], $0x40, s29, s16, $0xb8;
	[tilespmem:$0x19000] =	vst v63  }
0x5d: {  	_ =	swait.ge [sflag:s30], $0x2000  }
0x5e: {  	[sflag:s30] =	ssyncset.done $0x0  }
0x5f: {  	[sflag:s30] =	ssyncadd.s32 $0xFFFFE000  }
0x60: {  	_ =	swait.ge [sflag:s30], $0x2000  }
0x61: {  	[sflag:s30] =	ssyncset.done $0x0  }
0x62: {  	[sflag:s30] =	ssyncadd.s32 $0xFFFFE000  }
0x63: {  	[tilespmem:s17], [sflag:$0x1] =	stream.indirect.gather [hbm4b:s4+s16], $0x40, s31, s16, $0xb8;
	[tilespmem:$0x19000] =	vst v63  }
0x64: {  	s22 =	simm.s32 $0x0  }
0x65: {  	[tilespmem:s18], [sflag:$0x1] =	stream.indirect.gather [hbm4b:s4+s16], $0x40, s0, s16, $0xb8;
	[tilespmem:$0x19000] =	vst v63  }
.LBB2_4:
0x66: {  	_ =	swait.ge [sflag:s20], $0x2000  }
0x67: {  	[sflag:s20] =	ssyncset.done $0x0  }
0x68: {  	[sflag:s20] =	ssyncadd.s32 $0xFFFFE000  }
0x69: {  	_ =	swait.ge [sflag:s20], $0x2000  }
0x6a: {  	s24 =	sshra.s32 s22, $0x2;
	[sflag:s20] =	ssyncset.done $0x0  }
0x6b: {  	s28 =	sadd.s32 $0x2A00, s24;
	[sflag:s20] =	ssyncadd.s32 $0xFFFFE000  }
0x6c: {  	[spmem:s2] =	stream.indirect.scatter.add.bf16 [tilespmem:s17], [sflag:$0x3], $0x40, s28, s16, $0xb8;
	[tilespmem:$0x19000] =	vst v63  }
0x6d: {  	s28 =	sadd.s32 $0x2A80, s24  }
0x6e: {  	[spmem:s2] =	stream.indirect.scatter.add.bf16 [tilespmem:s18], [sflag:$0x3], $0x40, s28, s16, $0xb8;
	[tilespmem:$0x19000] =	vst v63  }
0x6f: {  	_ =	swait.ge [sflag:s1], $0x2000  }
0x70: {  	[sflag:s1] =	ssyncset.done $0x0  }
0x71: {  	[sflag:s1] =	ssyncadd.s32 $0xFFFFE000  }
0x72: {  	_ =	swait.ge [sflag:s1], $0x2000  }
0x73: {  	[sflag:s1] =	ssyncset.done $0x0  }
0x74: {  	s28 =	sadd.s32 $0x300, s24;
	[sflag:s1] =	ssyncadd.s32 $0xFFFFE000  }
0x75: {  	[tilespmem:s23], [sflag:$0x2] =	stream.indirect.gather [hbm4b:s4+s16], $0x40, s28, s16, $0xb8;
	[tilespmem:$0x19000] =	vst v63  }
0x76: {  	s28 =	sadd.s32 $0x380, s24  }
0x77: {  	[tilespmem:s25], [sflag:$0x2] =	stream.indirect.gather [hbm4b:s4+s16], $0x40, s28, s16, $0xb8;
	[tilespmem:$0x19000] =	vst v63  }
0x78: {  	_ =	swait.ge [sflag:s26], $0x2000  }
0x79: {  	[sflag:s26] =	ssyncset.done $0x0  }
0x7a: {  	[sflag:s26] =	ssyncadd.s32 $0xFFFFE000  }
0x7b: {  	_ =	swait.ge [sflag:s26], $0x2000  }
0x7c: {  	[sflag:s26] =	ssyncset.done $0x0  }
0x7d: {  	s28 =	sadd.s32 $0x2B00, s24;
	[sflag:s26] =	ssyncadd.s32 $0xFFFFE000  }
0x7e: {  	[spmem:s2] =	stream.indirect.scatter.add.bf16 [tilespmem:s23], [sflag:$0x4], $0x40, s28, s16, $0xb8;
	[tilespmem:$0x19000] =	vst v63  }
0x7f: {  	s28 =	sadd.s32 $0x2B80, s24  }
0x80: {  	[spmem:s2] =	stream.indirect.scatter.add.bf16 [tilespmem:s25], [sflag:$0x4], $0x40, s28, s16, $0xb8;
	[tilespmem:$0x19000] =	vst v63  }
0x81: {  	p0 =	seq.s32 s22, $0x9000;
	_ =	swait.ge [sflag:s30], $0x2000  }
.Ltmp3:
0x82: {  	[sflag:s30] =	ssyncset.done $0x0;
	(pc) =	sbr.rel @p0 .LBB2_6-.Ltmp3, $4  }
0x83: {  	[sflag:s30] =	ssyncadd.s32 $0xFFFFE000  }
0x84: {  	_ =	swait.ge [sflag:s30], $0x2000  }
0x85: {  	[sflag:s30] =	ssyncset.done $0x0  }
0x86: {  	[sflag:s30] =	ssyncadd.s32 $0xFFFFE000  }
.Ltmp4:
0x87: {  	(pc) =	sbr.rel .LBB2_4-.Ltmp4, $4  }
0x88: {  	s28 =	sadd.s32 $0x400, s24  }
0x89: {  	[tilespmem:s17], [sflag:$0x1] =	stream.indirect.gather [hbm4b:s4+s16], $0x40, s28, s16, $0xb8;
	[tilespmem:$0x19000] =	vst v63  }
0x8a: {  	s22 =	sadd.s32 $0x800, s22;
	s28 =	sadd.s32 $0x480, s24  }
0x8b: {  	[tilespmem:s18], [sflag:$0x1] =	stream.indirect.gather [hbm4b:s4+s16], $0x40, s28, s16, $0xb8;
	[tilespmem:$0x19000] =	vst v63  }
.LBB2_7:
0x8c: {  	_ =	sfence.sel $0x180000  }
0x8d: {  	[bflag:$0x0] =	sbarrier.arrive $0xFFFF  }
0x8e: {  	_ =	strace $0x9000004A  }
0x8f: {  	s0 =	stileid.u32;
	[bflag:$0x2] =	sbarrier.arrive $0xFFFF  }
0x90: {  	p0 =	sne.s32 s0, $0x0;
	s0 =	rddreg [dreg:$0x2]  }
0x91: {  	s0 =	sadd.s32 @!p0 $0x100000, s0  }
0x92: {  	[sflag:s0] =	ssyncadd.tile.s32 @!p0 $0x1;
	_ =	shalt  }
.Lfunc_end2:
_tile_overlayer_lowered:
.L_overlay_start_2:
0x93: {  	(tag) =	ssettag $0x2  }
0x94: {  	s0 =	rddreg [dreg:$0x0];
	s2 =	stileid.u32  }
0x95: {  	s1 =	rddreg [dreg:$0x1];
	p0 =	sne.s32 s2, $0x0  }
0x96: {  	s3 =	rddreg [dreg:$0x2];
	[bflag:$0x3] =	sbarrier.arrive $0xFFFF;
	s2 =	simm.s32 @!p0 $0x1C05  }
0x97: {  	[timem:s3], [sflag:s2] =	dma.local @!p0 [hbm:s0], s1  }
0x98: {  	s0 =	simm.s32 @!p0 $0x5  }
0x99: {  	_ =	swait.ge @!p0 [sflag:s0], s1  }
0x9a: {  	s1 =	ssub.s32 @!p0 $0x0, s1;
	[sflag:s0] =	ssyncset.done @!p0 $0x0  }
0x9b: {  	[sflag:s0] =	ssyncadd.s32 @!p0 s1  }
0x9c: {  	[bflag:$0x3] =	sbarrier.arrive $0xFFFF  }
0x9d: {  	_ =	shalt  }

// kernel: kernel.17.cloned.1.call-start
scs
__scs_entry_jumppad:
0x0: {  	(pc) =	sbr.rel $0x88, $3  }
0x1: {  	(tag) =	ssettag $0x0;
	lr =	simm.s32 $0x1  }
0x2: {  	[smem:$0x3F85] =	sst lr;
	_ =	strace $0xD0000000  }
0x3: {  	_ = 	snop  }
0x4: {  	_ = 	snop  }
0x5: {  	_ = 	snop  }
0x6: {  	_ = 	snop  }
0x7: {  	_ = 	snop  }
__scs_overlays_trampoline_lowered:
0x8: {  	[smem:$0x3F94] =	sst s0  }
0x9: {  	[smem:$0x3F95] =	sst s1  }
0xa: {  	[smem:$0x3F96] =	sst s2  }
0xb: {  	[smem:$0x3F97] =	sst s3  }
0xc: {  	[smem:$0x3F98] =	sst s4  }
0xd: {  	[smem:$0x3F99] =	sst s5  }
0xe: {  	[smem:$0x3F9A] =	sst s6  }
0xf: {  	[smem:$0x3F9B] =	sst s7  }
0x10: {  	[smem:$0x3F9C] =	sst s8  }
0x11: {  	[smem:$0x3F9D] =	sst s9;
	s0 =	simm.s32 @!p0 $0x0  }
0x12: {  	s1 =	sld [smem:$0x3F83];
	s0 =	simm.s32 @p0 $0x1  }
0x13: {  	[smem:$0x3F9E] =	sst s0;
	s0 =	simm.s32 @!p1 $0x0  }
0x14: {  	s2 =	sld [smem:$0x3F82];
	s0 =	simm.s32 @p1 $0x1  }
0x15: {  	[smem:$0x3F9F] =	sst s0;
	s0 =	simm.s32 @!p2 $0x0  }
0x16: {  	s3 =	sld [smem:$0x3FDB];
	s0 =	simm.s32 @p2 $0x1  }
0x17: {  	s4 =	simm.s32 $0x1BF5;
	[smem:$0x3FA1] =	sst s0  }
0x18: {  	s0 =	sld [smem:$0x3F84];
	_ =	swait.ge [sflag:s4], $0x0  }
0x19: {  	s7 =	sld [smem:$0x3F85]  }
0x1a: {  	s8 =	sadd.s32 $0xFFFFE003, lr  }
0x1b: {  	s9 =	sadd.s32 $0xFFFFFEF7, lr;
	s5 =	simm.s32 $0xFFFFFFFF;
	p2 =	slt.u32 s8, $0xFFFFF086  }
0x1c: {  	p1 =	slt.u32 s9, $0xF7A;
	s5 =	simm.s32 @!p2 $0x0  }
0x1d: {  	s5 =	simm.s32 @p1 $0x1;
	p0 =	seq.s32 s7, s2  }
0x1e: {  	s7 =	smul.u32 @!p0 $0xF7A, s2;
	p2 =	seq.s32 @!p0 s5, $0x0  }
0x1f: {  	s9 =	smul.u32 $0xF7A, s1;
	s8 =	simm.s32 @!p0 $0x1BF5;
	p2 =	por !p2, p0  }
0x20: {  	[sflag:s8] =	ssyncset.s32 @!p0 $0xFFFFF086;
	s6 =	sadd.s32 @!p0 s3, s7;
	s7 =	simm.s32 @!p0 $0x108  }
0x21: {  	s3 =	sadd.s32 s3, s9;
	s6 =	sadd.s32 @!p0 $0x88, s6;
	s7 =	simm.s32 @p2 $0x1082  }
0x22: {  	[simem:s7], [sflag:s8] =	dma.local @!p0 [hbm:s6], $0xF7A  }
0x23: {  	s9 =	sor.u32 $0xD0000000, s2;
	s6 =	simm.s32 $0x108;
	_ =	swait.ge @!p0 [sflag:s8], $0x0  }
0x24: {  	s3 =	sadd.s32 $0x88, s3;
	s6 =	simm.s32 @!p1 $0x1082;
	[sflag:s4] =	ssyncset.s32 $0xFFFFF086  }
0x25: {  	[simem:s6], [sflag:s4] =	dma.local [hbm:s3], $0xF7A  }
0x26: {  	[smem:$0x3F85] =	sst s1;
	(tag) =	ssettag s2;
	_ =	strace s9  }
0x27: {  	s1 =	sld [smem:$0x3F95]  }
0x28: {  	s2 =	sld [smem:$0x3F96]  }
0x29: {  	s4 =	sld [smem:$0x3F98]  }
0x2a: {  	p0 =	seq.s32 s5, $0x0;
	s5 =	sld [smem:$0x3F99]  }
0x2b: {  	s6 =	sld [smem:$0x3F9A]  }
0x2c: {  	s7 =	sld [smem:$0x3F9B]  }
0x2d: {  	s3 =	simm.s32 $0x108;
	s8 =	sld [smem:$0x3F9C]  }
0x2e: {  	s3 =	simm.s32 @!p0 $0x1082;
	s9 =	sld [smem:$0x3F9D]  }
0x2f: {  	lr =	sadd.s32 s0, s3;
	s0 =	sld [smem:$0x3F94]  }
0x30: {  	s3 =	sld [smem:$0x3F97]  }
0x31: {  	[smem:$0x3FA0] =	sst s10  }
0x32: {  	s10 =	sld [smem:$0x3F9E];
	_ =	sdelay $0x3  }
0x33: {  	p0 =	seq.s32 s10, $0x1;
	s10 =	sld [smem:$0x3FA0];
	_ =	sdelay $0x3  }
0x34: {  	[smem:$0x3FA0] =	sst s10  }
0x35: {  	s10 =	sld [smem:$0x3F9F];
	_ =	sdelay $0x3  }
0x36: {  	p1 =	seq.s32 s10, $0x1;
	s10 =	sld [smem:$0x3FA0];
	_ =	sdelay $0x3  }
0x37: {  	[smem:$0x3FA0] =	sst s10  }
0x38: {  	s10 =	sld [smem:$0x3FA1]  }
0x39: {  	_ = 	snop;
	(pc) =	sbr.ind lr, $3  }
0x3a: {  	_ = 	snop  }
0x3b: {  	_ = 	snop  }
0x3c: {  	p2 =	seq.s32 s10, $0x1;
	s10 =	sld [smem:$0x3FA0]  }
0x3d: {  	_ =	shalt  }
0x3e: {  	_ =	shalt  }
0x3f: {  	_ =	shalt  }
0x40: {  	_ =	shalt  }
0x41: {  	_ =	shalt  }
0x42: {  	_ =	shalt  }
0x43: {  	_ =	shalt  }
0x44: {  	_ =	shalt  }
0x45: {  	_ =	shalt  }
0x46: {  	_ =	shalt  }
0x47: {  	_ =	shalt  }
0x48: {  	_ =	shalt  }
0x49: {  	_ =	shalt  }
0x4a: {  	_ =	shalt  }
0x4b: {  	_ =	shalt  }
0x4c: {  	_ =	shalt  }
0x4d: {  	_ =	shalt  }
0x4e: {  	_ =	shalt  }
0x4f: {  	_ =	shalt  }
0x50: {  	_ =	shalt  }
0x51: {  	_ =	shalt  }
0x52: {  	_ =	shalt  }
0x53: {  	_ =	shalt  }
0x54: {  	_ =	shalt  }
0x55: {  	_ =	shalt  }
0x56: {  	_ =	shalt  }
0x57: {  	_ =	shalt  }
0x58: {  	_ =	shalt  }
0x59: {  	_ =	shalt  }
0x5a: {  	_ =	shalt  }
0x5b: {  	_ =	shalt  }
0x5c: {  	_ =	shalt  }
0x5d: {  	_ =	shalt  }
0x5e: {  	_ =	shalt  }
0x5f: {  	_ =	shalt  }
0x60: {  	_ =	shalt  }
0x61: {  	_ =	shalt  }
0x62: {  	_ =	shalt  }
0x63: {  	_ =	shalt  }
0x64: {  	_ =	shalt  }
0x65: {  	_ =	shalt  }
0x66: {  	_ =	shalt  }
0x67: {  	_ =	shalt  }
0x68: {  	_ =	shalt  }
0x69: {  	_ =	shalt  }
0x6a: {  	_ =	shalt  }
0x6b: {  	_ =	shalt  }
0x6c: {  	_ =	shalt  }
0x6d: {  	_ =	shalt  }
0x6e: {  	_ =	shalt  }
0x6f: {  	_ =	shalt  }
0x70: {  	_ =	shalt  }
0x71: {  	_ =	shalt  }
0x72: {  	_ =	shalt  }
0x73: {  	_ =	shalt  }
0x74: {  	_ =	shalt  }
0x75: {  	_ =	shalt  }
0x76: {  	_ =	shalt  }
0x77: {  	_ =	shalt  }
0x78: {  	_ =	shalt  }
0x79: {  	_ =	shalt  }
0x7a: {  	_ =	shalt  }
0x7b: {  	_ =	shalt  }
0x7c: {  	_ =	shalt  }
0x7d: {  	_ =	shalt  }
0x7e: {  	_ =	shalt  }
0x7f: {  	_ =	shalt  }
0x80: {  	_ =	shalt  }
0x81: {  	_ =	shalt  }
0x82: {  	_ =	shalt  }
0x83: {  	_ =	shalt  }
0x84: {  	_ =	shalt  }
0x85: {  	_ =	shalt  }
0x86: {  	_ =	shalt  }
0x87: {  	_ =	shalt  }
.Lfunc_end0:
.L_simem_size_0:
called_computation.2_lowered:
.L_overlay_start_0:
0x88: {  	s2 =	sld [smem:$0x3FD9]  }
0x89: {  	s3 =	sld [smem:$0x3FFE];
	_ =	sdelay $0x1  }
0x8a: {  	s1 =	srdreg.scid  }
0x8b: {  	s0 =	sand.u32 $0x1, s1  }
0x8c: {  	s16 =	sshll.u32 s0, $0xA;
	s2 =	sadd.s32 s3, s2  }
0x8d: {  	s2 =	sadd.s32 s2, s16  }
0x8e: {  	[smem:$0x3FAC] =	sst s2  }
0x8f: {  	_ = 	snop  }
0x90: {  	(tm) =	ssettm $0x1  }
0x91: {  	s17 =	sld [smem:$0x3FFB];
	_ =	sdelay $0x3  }
0x92: {  	_ =	strace s17  }
0x93: {  	s2 =	sld [smem:$0x3FFC];
	_ =	sdelay $0x3  }
0x94: {  	_ =	strace s2  }
0x95: {  	s2 =	sld [smem:$0x3FFD];
	_ =	sdelay $0x3  }
0x96: {  	_ =	strace s2  }
0x97: {  	_ =	strace $0x8FFFFFFF  }
0x98: {  	s18 =	sld [smem:$0x3FDB];
	_ =	sdelay $0x1  }
0x99: {  	s19 =	simm.s32 $_scs_section_size  }
0x9a: {  	s4 =	simm.s32 $_size__tile_overlayer_lowered;
	s5 =	simm.s32 $_tile_overlayer_lowered  }
0x9b: {  	s22 =	simm.s32 $0x1BFF;
	s21 =	sshll.u32 s5, $0x1;
	s2 =	sadd.s32 s19, s18  }
0x9c: {  	s6 =	simm.s32 $0x0;
	s20 =	sshll.u32 s4, $0x1;
	s4 =	sadd.s32 s21, s2  }
0x9d: {  	[timem:s6], [sflag:s22] =	dma.local [hbm:s4], s20  }
0x9e: {  	_ =	swait.ge [sflag:s22], s20  }
0x9f: {  	s3 =	ssub.s32 $0x0, s20;
	[sflag:s22] =	ssyncset.done $0x0  }
0xa0: {  	[sflag:s22] =	ssyncadd.s32 s3;
	_ =	sdelay $0x1  }
0xa1: {  	s23 =	simm.s32 $0x1B8B  }
0xa2: {  	_ =	swait.ge [sflag:s23], $0x1  }
0xa3: {  	[sflag:s23] =	ssyncset.done $0x0  }
0xa4: {  	s25 =	simm.s32 $0x1B8E;
	s24 =	sld [smem:$0x3FFE];
	[sflag:s23] =	ssyncadd.s32 $0xFFFFFFFF  }
0xa5: {  	s26 =	simm.s32 $execute0_lowered;
	[smem:$0x3FD2] =	sst s25  }
0xa6: {  	s4 =	sshll.u32 s26, $0x1;
	_ =	strace $0x8000004C;
	[dreg:$0x1] =	wrdreg $0xFFFFFFFF  }
0xa7: {  	s28 =	simm.s32 $_size_execute0_lowered;
	s2 =	sadd.s32 s2, s4;
	[dreg:$0x0] =	wrdreg $0x0  }
0xa8: {  	s4 =	sshll.u32 s28, $0x1;
	[dreg:$0x2] =	wrdreg s2  }
0xa9: {  	[dreg:$0x3] =	wrdreg s4  }
0xaa: {  	[dreg:$0x4] =	wrdreg $0xC0  }
0xab: {  	_ =	task [dreg:s6], $0x5FFFF  }
0xac: {  	[dreg:$0x1] =	wrdreg $0xFFFFFFFF  }
0xad: {  	[dreg:$0x0] =	wrdreg $0x60  }
0xae: {  	[dreg:$0x2] =	wrdreg s24  }
0xaf: {  	[dreg:$0x3] =	wrdreg $0xF0000  }
0xb0: {  	[dreg:$0x4] =	wrdreg $0x9  }
0xb1: {  	_ =	task.clear_ibuf [dreg:s6], $0x5FFFF;
	_ =	strace $0x9000004C  }
0xb2: {  	s29 =	simm.s32 $0x9;
	_ =	strace $0x8000004E  }
0xb3: {  	_ =	swait.ge [sflag:s29], $0x1  }
0xb4: {  	[sflag:s29] =	ssyncadd.s32 $0xFFFFFFFF  }
0xb5: {  	_ =	strace $0x9000004E  }
0xb6: {  	_ =	sfence  }
0xb7: {  	s30 =	sld [smem:$0x0];
	_ =	sdelay $0x2  }
0xb8: {  	s31 =	sshll.u32 s1, $0xD;
	s1 =	sshrl.u32 s1, $0x2  }
0xb9: {  	s3 =	sand.u32 $0x4000, s31;
	s1 =	sadd.s32 s1, s30  }
0xba: {  	s0 =	sor.u32 s3, s0;
	s1 =	sshll.u32 s1, $0x11  }
0xbb: {  	s0 =	sor.u32 s1, s0  }
0xbc: {  	s0 =	sadd.s32 $0x8F2B, s0  }
0xbd: {  	[sflag:s0] =	ssyncadd.remote.s32 $0x1  }
0xbe: {  	_ =	sfence.sel $0xFFFF  }
0xbf: {  	[dreg:$0x0] =	wrdreg $0xFFFFFFFF;
	(pc) =	sbr.abs _section_cstart, $3  }
0xc0: {  	[dreg:$0x1] =	wrdreg $0xFFFFFFFF  }
0xc1: {  	_ =	task.clear_ibuf [dreg:s6], $0x2FFFF;
	_ =	strace $0x9FFFFFFF  }
0xc2: {  	(tm) =	ssettm $0x7FFFFFFF  }
0xc3: {  	_ =	shalt  }
tec
execute0_lowered:
.L_overlay_start_1:
0x0: {  	(tag) =	ssettag $0x1  }
0x1: {  	s0 =	rddreg [dreg:$0x0]  }
0x2: {  	s2 =	rddreg [dreg:$0x1];
	s1 =	srdreg.scid  }
0x3: {  	s8 =	stileid.u32;
	s3 =	simm.s32 $0x0;
	s14 =	simm.s32 $0x5  }
0x4: {  	s15 =	simm.s32 $0x2800;
	s16 =	simm.s32 $0x80;
	s17 =	simm.s32 $0x5000  }
0x5: {  	s18 =	simm.s32 $0x7000;
	s19 =	simm.s32 $0xD000;
	s20 =	simm.s32 $0x1  }
0x6: {  	s23 =	simm.s32 $0x9000;
	s25 =	simm.s32 $0xB000;
	s26 =	simm.s32 $0x2  }
0x7: {  	s29 =	simm.s32 $0x2980;
	s30 =	simm.s32 $0x3;
	s31 =	simm.s32 $0x200  }
0x8: {  	s21 =	simm.s32 $0x0;
	s1 =	sand.u32 $0x1, s1;
	s7 =	smul.u32 $0x14000, s8  }
0x9: {  	[smem:$0x7FF] =	sst s3;
	s4 =	sshll.u32 s8, $0x1;
	s8 =	smul.u32 $0x28000, s8  }
0xa: {  	s5 =	smul.u32 $0x140000, s1;
	_ =	strace $0x8000004D;
	s6 =	sor.u32 s1, s4  }
0xb: {  	s4 =	sadd.s32 $0x5000, s0;
	s1 =	ssub.s32 $0x2, s1;
	s6 =	smul.u32 $0x500, s6  }
0xc: {  	s28 =	sshrl.u32 s1, $0x1;
	s8 =	sshrl.u32 s8, $0x2;
	s5 =	sadd.s32 s7, s5  }
0xd: {  	s1 =	ssub.s32 s1, s28;
	s7 =	sshrl.u32 s7, $0x1;
	s11 =	sadd.s32 s8, s2  }
.Ltmp0:
0xe: {  	s5 =	sshrl.u32 s5, $0x4;
	s6 =	sadd.s32 s6, s0;
	(pc) =	sbr.rel .LBB2_1-.Ltmp0, $4  }
0xf: {  	s7 =	sadd.s32 s7, s2;
	s8 =	sadd.s32 $0x2000, s11;
	s9 =	sadd.s32 $0x4000, s11  }
0x10: {  	s10 =	sadd.s32 $0x6000, s11;
	s11 =	sadd.s32 $0x8000, s11;
	s13 =	smax.u32 s1, $0x1  }
0x11: {  	s1 =	simm.s32 $0x4;
	s0 =	sadd.s32 s5, s0;
	s5 =	sadd.s32 $0x18A00, s6  }
0x12: {  	v0 =	vimm.bf16 $0.0e+00;
	s6 =	sadd.s32 $0x22A00, s6;
	s12 =	sadd.s32 $0x2CA00, s0;
	s0 =	simm.s32 $0x280  }
.LBB2_6:
0x13: {  	_ =	swait.ge [sflag:s1], $0x2000  }
0x14: {  	[sflag:s1] =	ssyncset.done $0x0  }
0x15: {  	[sflag:s1] =	ssyncadd.s32 $0xFFFFE000  }
0x16: {  	s22 =	stileid.u32;
	_ =	swait.ge [sflag:s1], $0x2000  }
0x17: {  	s24 =	sshrl.u32 s7, $0x3;
	s21 =	sadd.s32 $0x1, s21;
	[sflag:s1] =	ssyncset.done $0x0  }
0x18: {  	s22 =	sshll.u32 s22, $0x6;
	p0 =	sne.s32 s21, s13;
	[sflag:s1] =	ssyncadd.s32 $0xFFFFE000  }
.Ltmp1:
0x19: {  	s22 =	sor.u32 $0x1C05, s22;
	[bflag:$0x0] =	sbarrier.arrive $0xFFFF;
	(pc) =	sbr.rel @!p0 .LBB2_7-.Ltmp1, $4  }
0x1a: {  	[hbm:s12], [sflag:s22] =	dma.local [spmem:s24], $0x1400  }
0x1b: {  	_ =	swait.ge [sflag:s14], $0x1400  }
0x1c: {  	[sflag:s14] =	ssyncset.done $0x0  }
0x1d: {  	[sflag:s14] =	ssyncadd.s32 $0xFFFFEC00  }
.LBB2_1:
0x1e: {  	[tilespmem:s3], [sflag:$0x5] =	stream.linear.gather [hbm4b:s5+s3], $0x2800, $0x38;
	[tilespmem:$0x19000] =	vst v63  }
0x1f: {  	_ =	swait.ge [sflag:s14], $0x2800  }
0x20: {  	[sflag:s14] =	ssyncset.done $0x0  }
0x21: {  	[sflag:s14] =	ssyncadd.s32 $0xFFFFD800  }
0x22: {  	[tilespmem:s15], [sflag:$0x5] =	stream.linear.gather [hbm4b:s6+s3], $0x2800, $0x38;
	[tilespmem:$0x19000] =	vst v63  }
0x23: {  	_ =	swait.ge [sflag:s14], $0x2800  }
0x24: {  	[sflag:s14] =	ssyncset.done $0x0  }
0x25: {  	[sflag:s14] =	ssyncadd.s32 $0xFFFFD800  }
0x26: {  	[tilespmem:s17], [sflag:$0x1] =	stream.indirect.gather [hbm4b:s4+s16], $0x40, s3, s16, $0xb8;
	[tilespmem:$0x19000] =	vst v63  }
0x27: {  	s24 =	simm.s32 $0x100;
	s22 =	simm.s32 $0x0  }
0x28: {  	[tilespmem:s18], [sflag:$0x1] =	stream.indirect.gather [hbm4b:s4+s16], $0x40, s16, s16, $0xb8;
	[tilespmem:$0x19000] =	vst v63  }
.LBB2_2:
0x29: {  	p0 =	sne.s32 s24, $0x7F00;
	[tilespmem:s22+$0xD030] =	vst v0;
	s28 =	smov.u32 s24;
	s24 =	sadd.s32 $0x100, s24  }
.Ltmp2:
0x2a: {  	[tilespmem:s22+$0xD020] =	vst v0;
	(pc) =	sbr.rel @p0 .LBB2_2-.Ltmp2, $3  }
0x2b: {  	[tilespmem:s22+$0xD000] =	vst v0  }
0x2c: {  	[tilespmem:s22+$0xD010] =	vst v0;
	_ =	sdelay $0x1  }
0x2d: {  	s22 =	sshra.s32 s28, $0x2  }
0x2e: {  	[tilespmem:s22+$0xD030] =	vst v0  }
0x2f: {  	[tilespmem:s22+$0xD020] =	vst v0  }
0x30: {  	[tilespmem:s22+$0xD000] =	vst v0  }
0x31: {  	[tilespmem:s22+$0xD010] =	vst v0  }
0x32: {  	[spmem:s7] =	stream.linear.scatter [tilespmem:s19], [sflag:$0x5], $0x2000, $0x38;
	[tilespmem:$0x19000] =	vst v63  }
0x33: {  	_ =	swait.ge [sflag:s14], $0x2000  }
0x34: {  	[sflag:s14] =	ssyncset.done $0x0  }
0x35: {  	[sflag:s14] =	ssyncadd.s32 $0xFFFFE000  }
0x36: {  	[spmem:s8] =	stream.linear.scatter [tilespmem:s19], [sflag:$0x5], $0x2000, $0x38;
	[tilespmem:$0x19000] =	vst v63  }
0x37: {  	_ =	swait.ge [sflag:s14], $0x2000  }
0x38: {  	[sflag:s14] =	ssyncset.done $0x0  }
0x39: {  	[sflag:s14] =	ssyncadd.s32 $0xFFFFE000  }
0x3a: {  	[spmem:s9] =	stream.linear.scatter [tilespmem:s19], [sflag:$0x5], $0x2000, $0x38;
	[tilespmem:$0x19000] =	vst v63  }
0x3b: {  	_ =	swait.ge [sflag:s14], $0x2000  }
0x3c: {  	[sflag:s14] =	ssyncset.done $0x0  }
0x3d: {  	[sflag:s14] =	ssyncadd.s32 $0xFFFFE000  }
0x3e: {  	[spmem:s10] =	stream.linear.scatter [tilespmem:s19], [sflag:$0x5], $0x2000, $0x38;
	[tilespmem:$0x19000] =	vst v63  }
0x3f: {  	_ =	swait.ge [sflag:s14], $0x2000  }
0x40: {  	[sflag:s14] =	ssyncset.done $0x0  }
0x41: {  	[sflag:s14] =	ssyncadd.s32 $0xFFFFE000  }
0x42: {  	[spmem:s11] =	stream.linear.scatter [tilespmem:s19], [sflag:$0x5], $0x2000, $0x38;
	[tilespmem:$0x19000] =	vst v63  }
0x43: {  	_ =	swait.ge [sflag:s14], $0x2000  }
0x44: {  	[sflag:s14] =	ssyncset.done $0x0  }
0x45: {  	[sflag:s14] =	ssyncadd.s32 $0xFFFFE000  }
0x46: {  	[bflag:$0x0] =	sbarrier.arrive $0xFFFF  }
0x47: {  	_ =	swait.ge [sflag:s20], $0x2000  }
0x48: {  	[sflag:s20] =	ssyncset.done $0x0  }
0x49: {  	[sflag:s20] =	ssyncadd.s32 $0xFFFFE000  }
0x4a: {  	_ =	swait.ge [sflag:s20], $0x2000  }
0x4b: {  	[sflag:s20] =	ssyncset.done $0x0  }
0x4c: {  	[sflag:s20] =	ssyncadd.s32 $0xFFFFE000  }
0x4d: {  	[spmem:s2] =	stream.indirect.scatter.add.bf16 [tilespmem:s17], [sflag:$0x3], $0x40, s15, s16, $0xb8;
	[tilespmem:$0x19000] =	vst v63  }
0x4e: {  	s24 =	simm.s32 $0x2880  }
0x4f: {  	[spmem:s2] =	stream.indirect.scatter.add.bf16 [tilespmem:s18], [sflag:$0x3], $0x40, s24, s16, $0xb8;
	[tilespmem:$0x19000] =	vst v63  }
0x50: {  	s28 =	simm.s32 $0x100  }
0x51: {  	[tilespmem:s23], [sflag:$0x2] =	stream.indirect.gather [hbm4b:s4+s16], $0x40, s28, s16, $0xb8;
	[tilespmem:$0x19000] =	vst v63  }
0x52: {  	s24 =	simm.s32 $0x180  }
0x53: {  	[tilespmem:s25], [sflag:$0x2] =	stream.indirect.gather [hbm4b:s4+s16], $0x40, s24, s16, $0xb8;
	[tilespmem:$0x19000] =	vst v63  }
0x54: {  	_ =	swait.ge [sflag:s26], $0x2000  }
0x55: {  	[sflag:s26] =	ssyncset.done $0x0  }
0x56: {  	[sflag:s26] =	ssyncadd.s32 $0xFFFFE000  }
0x57: {  	_ =	swait.ge [sflag:s26], $0x2000  }
0x58: {  	[sflag:s26] =	ssyncset.done $0x0  }
0x59: {  	s28 =	simm.s32 $0x2900;
	[sflag:s26] =	ssyncadd.s32 $0xFFFFE000  }
0x5a: {  	[spmem:s2] =	stream.indirect.scatter.add.bf16 [tilespmem:s23], [sflag:$0x4], $0x40, s28, s16, $0xb8;
	[tilespmem:$0x19000] =	vst v63  }
0x5b: {  	_ = 	snop  }
0x5c: {  	[spmem:s2] =	stream.indirect.scatter.add.bf16 [tilespmem:s25], [sflag:$0x4], $0x40, s29, s16, $0xb8;
	[tilespmem:$0x19000] =	vst v63  }
0x5d: {  	_ =	swait.ge [sflag:s30], $0x2000  }
0x5e: {  	[sflag:s30] =	ssyncset.done $0x0  }
0x5f: {  	[sflag:s30] =	ssyncadd.s32 $0xFFFFE000  }
0x60: {  	_ =	swait.ge [sflag:s30], $0x2000  }
0x61: {  	[sflag:s30] =	ssyncset.done $0x0  }
0x62: {  	[sflag:s30] =	ssyncadd.s32 $0xFFFFE000  }
0x63: {  	[tilespmem:s17], [sflag:$0x1] =	stream.indirect.gather [hbm4b:s4+s16], $0x40, s31, s16, $0xb8;
	[tilespmem:$0x19000] =	vst v63  }
0x64: {  	s22 =	simm.s32 $0x0  }
0x65: {  	[tilespmem:s18], [sflag:$0x1] =	stream.indirect.gather [hbm4b:s4+s16], $0x40, s0, s16, $0xb8;
	[tilespmem:$0x19000] =	vst v63  }
.LBB2_4:
0x66: {  	_ =	swait.ge [sflag:s20], $0x2000  }
0x67: {  	[sflag:s20] =	ssyncset.done $0x0  }
0x68: {  	[sflag:s20] =	ssyncadd.s32 $0xFFFFE000  }
0x69: {  	_ =	swait.ge [sflag:s20], $0x2000  }
0x6a: {  	s24 =	sshra.s32 s22, $0x2;
	[sflag:s20] =	ssyncset.done $0x0  }
0x6b: {  	s28 =	sadd.s32 $0x2A00, s24;
	[sflag:s20] =	ssyncadd.s32 $0xFFFFE000  }
0x6c: {  	[spmem:s2] =	stream.indirect.scatter.add.bf16 [tilespmem:s17], [sflag:$0x3], $0x40, s28, s16, $0xb8;
	[tilespmem:$0x19000] =	vst v63  }
0x6d: {  	s28 =	sadd.s32 $0x2A80, s24  }
0x6e: {  	[spmem:s2] =	stream.indirect.scatter.add.bf16 [tilespmem:s18], [sflag:$0x3], $0x40, s28, s16, $0xb8;
	[tilespmem:$0x19000] =	vst v63  }
0x6f: {  	_ =	swait.ge [sflag:s1], $0x2000  }
0x70: {  	[sflag:s1] =	ssyncset.done $0x0  }
0x71: {  	[sflag:s1] =	ssyncadd.s32 $0xFFFFE000  }
0x72: {  	_ =	swait.ge [sflag:s1], $0x2000  }
0x73: {  	[sflag:s1] =	ssyncset.done $0x0  }
0x74: {  	s28 =	sadd.s32 $0x300, s24;
	[sflag:s1] =	ssyncadd.s32 $0xFFFFE000  }
0x75: {  	[tilespmem:s23], [sflag:$0x2] =	stream.indirect.gather [hbm4b:s4+s16], $0x40, s28, s16, $0xb8;
	[tilespmem:$0x19000] =	vst v63  }
0x76: {  	s28 =	sadd.s32 $0x380, s24  }
0x77: {  	[tilespmem:s25], [sflag:$0x2] =	stream.indirect.gather [hbm4b:s4+s16], $0x40, s28, s16, $0xb8;
	[tilespmem:$0x19000] =	vst v63  }
0x78: {  	_ =	swait.ge [sflag:s26], $0x2000  }
0x79: {  	[sflag:s26] =	ssyncset.done $0x0  }
0x7a: {  	[sflag:s26] =	ssyncadd.s32 $0xFFFFE000  }
0x7b: {  	_ =	swait.ge [sflag:s26], $0x2000  }
0x7c: {  	[sflag:s26] =	ssyncset.done $0x0  }
0x7d: {  	s28 =	sadd.s32 $0x2B00, s24;
	[sflag:s26] =	ssyncadd.s32 $0xFFFFE000  }
0x7e: {  	[spmem:s2] =	stream.indirect.scatter.add.bf16 [tilespmem:s23], [sflag:$0x4], $0x40, s28, s16, $0xb8;
	[tilespmem:$0x19000] =	vst v63  }
0x7f: {  	s28 =	sadd.s32 $0x2B80, s24  }
0x80: {  	[spmem:s2] =	stream.indirect.scatter.add.bf16 [tilespmem:s25], [sflag:$0x4], $0x40, s28, s16, $0xb8;
	[tilespmem:$0x19000] =	vst v63  }
0x81: {  	p0 =	seq.s32 s22, $0x9000;
	_ =	swait.ge [sflag:s30], $0x2000  }
.Ltmp3:
0x82: {  	[sflag:s30] =	ssyncset.done $0x0;
	(pc) =	sbr.rel @p0 .LBB2_6-.Ltmp3, $4  }
0x83: {  	[sflag:s30] =	ssyncadd.s32 $0xFFFFE000  }
0x84: {  	_ =	swait.ge [sflag:s30], $0x2000  }
0x85: {  	[sflag:s30] =	ssyncset.done $0x0  }
0x86: {  	[sflag:s30] =	ssyncadd.s32 $0xFFFFE000  }
.Ltmp4:
0x87: {  	(pc) =	sbr.rel .LBB2_4-.Ltmp4, $4  }
0x88: {  	s28 =	sadd.s32 $0x400, s24  }
0x89: {  	[tilespmem:s17], [sflag:$0x1] =	stream.indirect.gather [hbm4b:s4+s16], $0x40, s28, s16, $0xb8;
	[tilespmem:$0x19000] =	vst v63  }
0x8a: {  	s22 =	sadd.s32 $0x800, s22;
	s28 =	sadd.s32 $0x480, s24  }
0x8b: {  	[tilespmem:s18], [sflag:$0x1] =	stream.indirect.gather [hbm4b:s4+s16], $0x40, s28, s16, $0xb8;
	[tilespmem:$0x19000] =	vst v63  }
.LBB2_7:
0x8c: {  	_ =	sfence.sel $0x180000  }
0x8d: {  	[bflag:$0x0] =	sbarrier.arrive $0xFFFF  }
0x8e: {  	_ =	strace $0x9000004D  }
0x8f: {  	s0 =	stileid.u32;
	[bflag:$0x2] =	sbarrier.arrive $0xFFFF  }
0x90: {  	p0 =	sne.s32 s0, $0x0;
	s0 =	rddreg [dreg:$0x2]  }
0x91: {  	s0 =	sadd.s32 @!p0 $0x100000, s0  }
0x92: {  	[sflag:s0] =	ssyncadd.tile.s32 @!p0 $0x1;
	_ =	shalt  }
.Lfunc_end2:
_tile_overlayer_lowered:
.L_overlay_start_2:
0x93: {  	(tag) =	ssettag $0x2  }
0x94: {  	s0 =	rddreg [dreg:$0x0];
	s2 =	stileid.u32  }
0x95: {  	s1 =	rddreg [dreg:$0x1];
	p0 =	sne.s32 s2, $0x0  }
0x96: {  	s3 =	rddreg [dreg:$0x2];
	[bflag:$0x3] =	sbarrier.arrive $0xFFFF;
	s2 =	simm.s32 @!p0 $0x1C05  }
0x97: {  	[timem:s3], [sflag:s2] =	dma.local @!p0 [hbm:s0], s1  }
0x98: {  	s0 =	simm.s32 @!p0 $0x5  }
0x99: {  	_ =	swait.ge @!p0 [sflag:s0], s1  }
0x9a: {  	s1 =	ssub.s32 @!p0 $0x0, s1;
	[sflag:s0] =	ssyncset.done @!p0 $0x0  }
0x9b: {  	[sflag:s0] =	ssyncadd.s32 @!p0 s1  }
0x9c: {  	[bflag:$0x3] =	sbarrier.arrive $0xFFFF  }
0x9d: {  	_ =	shalt  }

// kernel: kernel.20.cloned.1.call-start
scs
__scs_entry_jumppad:
0x0: {  	(pc) =	sbr.rel $0x88, $3  }
0x1: {  	(tag) =	ssettag $0x0;
	lr =	simm.s32 $0x1  }
0x2: {  	[smem:$0x3F85] =	sst lr;
	_ =	strace $0xD0000000  }
0x3: {  	_ = 	snop  }
0x4: {  	_ = 	snop  }
0x5: {  	_ = 	snop  }
0x6: {  	_ = 	snop  }
0x7: {  	_ = 	snop  }
__scs_overlays_trampoline_lowered:
0x8: {  	[smem:$0x3F94] =	sst s0  }
0x9: {  	[smem:$0x3F95] =	sst s1  }
0xa: {  	[smem:$0x3F96] =	sst s2  }
0xb: {  	[smem:$0x3F97] =	sst s3  }
0xc: {  	[smem:$0x3F98] =	sst s4  }
0xd: {  	[smem:$0x3F99] =	sst s5  }
0xe: {  	[smem:$0x3F9A] =	sst s6  }
0xf: {  	[smem:$0x3F9B] =	sst s7  }
0x10: {  	[smem:$0x3F9C] =	sst s8  }
0x11: {  	[smem:$0x3F9D] =	sst s9;
	s0 =	simm.s32 @!p0 $0x0  }
0x12: {  	s1 =	sld [smem:$0x3F83];
	s0 =	simm.s32 @p0 $0x1  }
0x13: {  	[smem:$0x3F9E] =	sst s0;
	s0 =	simm.s32 @!p1 $0x0  }
0x14: {  	s2 =	sld [smem:$0x3F82];
	s0 =	simm.s32 @p1 $0x1  }
0x15: {  	[smem:$0x3F9F] =	sst s0;
	s0 =	simm.s32 @!p2 $0x0  }
0x16: {  	s3 =	sld [smem:$0x3FDB];
	s0 =	simm.s32 @p2 $0x1  }
0x17: {  	s4 =	simm.s32 $0x1BF5;
	[smem:$0x3FA1] =	sst s0  }
0x18: {  	s0 =	sld [smem:$0x3F84];
	_ =	swait.ge [sflag:s4], $0x0  }
0x19: {  	s7 =	sld [smem:$0x3F85]  }
0x1a: {  	s8 =	sadd.s32 $0xFFFFE003, lr  }
0x1b: {  	s9 =	sadd.s32 $0xFFFFFEF7, lr;
	s5 =	simm.s32 $0xFFFFFFFF;
	p2 =	slt.u32 s8, $0xFFFFF086  }
0x1c: {  	p1 =	slt.u32 s9, $0xF7A;
	s5 =	simm.s32 @!p2 $0x0  }
0x1d: {  	s5 =	simm.s32 @p1 $0x1;
	p0 =	seq.s32 s7, s2  }
0x1e: {  	s7 =	smul.u32 @!p0 $0xF7A, s2;
	p2 =	seq.s32 @!p0 s5, $0x0  }
0x1f: {  	s9 =	smul.u32 $0xF7A, s1;
	s8 =	simm.s32 @!p0 $0x1BF5;
	p2 =	por !p2, p0  }
0x20: {  	[sflag:s8] =	ssyncset.s32 @!p0 $0xFFFFF086;
	s6 =	sadd.s32 @!p0 s3, s7;
	s7 =	simm.s32 @!p0 $0x108  }
0x21: {  	s3 =	sadd.s32 s3, s9;
	s6 =	sadd.s32 @!p0 $0x88, s6;
	s7 =	simm.s32 @p2 $0x1082  }
0x22: {  	[simem:s7], [sflag:s8] =	dma.local @!p0 [hbm:s6], $0xF7A  }
0x23: {  	s9 =	sor.u32 $0xD0000000, s2;
	s6 =	simm.s32 $0x108;
	_ =	swait.ge @!p0 [sflag:s8], $0x0  }
0x24: {  	s3 =	sadd.s32 $0x88, s3;
	s6 =	simm.s32 @!p1 $0x1082;
	[sflag:s4] =	ssyncset.s32 $0xFFFFF086  }
0x25: {  	[simem:s6], [sflag:s4] =	dma.local [hbm:s3], $0xF7A  }
0x26: {  	[smem:$0x3F85] =	sst s1;
	(tag) =	ssettag s2;
	_ =	strace s9  }
0x27: {  	s1 =	sld [smem:$0x3F95]  }
0x28: {  	s2 =	sld [smem:$0x3F96]  }
0x29: {  	s4 =	sld [smem:$0x3F98]  }
0x2a: {  	p0 =	seq.s32 s5, $0x0;
	s5 =	sld [smem:$0x3F99]  }
0x2b: {  	s6 =	sld [smem:$0x3F9A]  }
0x2c: {  	s7 =	sld [smem:$0x3F9B]  }
0x2d: {  	s3 =	simm.s32 $0x108;
	s8 =	sld [smem:$0x3F9C]  }
0x2e: {  	s3 =	simm.s32 @!p0 $0x1082;
	s9 =	sld [smem:$0x3F9D]  }
0x2f: {  	lr =	sadd.s32 s0, s3;
	s0 =	sld [smem:$0x3F94]  }
0x30: {  	s3 =	sld [smem:$0x3F97]  }
0x31: {  	[smem:$0x3FA0] =	sst s10  }
0x32: {  	s10 =	sld [smem:$0x3F9E];
	_ =	sdelay $0x3  }
0x33: {  	p0 =	seq.s32 s10, $0x1;
	s10 =	sld [smem:$0x3FA0];
	_ =	sdelay $0x3  }
0x34: {  	[smem:$0x3FA0] =	sst s10  }
0x35: {  	s10 =	sld [smem:$0x3F9F];
	_ =	sdelay $0x3  }
0x36: {  	p1 =	seq.s32 s10, $0x1;
	s10 =	sld [smem:$0x3FA0];
	_ =	sdelay $0x3  }
0x37: {  	[smem:$0x3FA0] =	sst s10  }
0x38: {  	s10 =	sld [smem:$0x3FA1]  }
0x39: {  	_ = 	snop;
	(pc) =	sbr.ind lr, $3  }
0x3a: {  	_ = 	snop  }
0x3b: {  	_ = 	snop  }
0x3c: {  	p2 =	seq.s32 s10, $0x1;
	s10 =	sld [smem:$0x3FA0]  }
0x3d: {  	_ =	shalt  }
0x3e: {  	_ =	shalt  }
0x3f: {  	_ =	shalt  }
0x40: {  	_ =	shalt  }
0x41: {  	_ =	shalt  }
0x42: {  	_ =	shalt  }
0x43: {  	_ =	shalt  }
0x44: {  	_ =	shalt  }
0x45: {  	_ =	shalt  }
0x46: {  	_ =	shalt  }
0x47: {  	_ =	shalt  }
0x48: {  	_ =	shalt  }
0x49: {  	_ =	shalt  }
0x4a: {  	_ =	shalt  }
0x4b: {  	_ =	shalt  }
0x4c: {  	_ =	shalt  }
0x4d: {  	_ =	shalt  }
0x4e: {  	_ =	shalt  }
0x4f: {  	_ =	shalt  }
0x50: {  	_ =	shalt  }
0x51: {  	_ =	shalt  }
0x52: {  	_ =	shalt  }
0x53: {  	_ =	shalt  }
0x54: {  	_ =	shalt  }
0x55: {  	_ =	shalt  }
0x56: {  	_ =	shalt  }
0x57: {  	_ =	shalt  }
0x58: {  	_ =	shalt  }
0x59: {  	_ =	shalt  }
0x5a: {  	_ =	shalt  }
0x5b: {  	_ =	shalt  }
0x5c: {  	_ =	shalt  }
0x5d: {  	_ =	shalt  }
0x5e: {  	_ =	shalt  }
0x5f: {  	_ =	shalt  }
0x60: {  	_ =	shalt  }
0x61: {  	_ =	shalt  }
0x62: {  	_ =	shalt  }
0x63: {  	_ =	shalt  }
0x64: {  	_ =	shalt  }
0x65: {  	_ =	shalt  }
0x66: {  	_ =	shalt  }
0x67: {  	_ =	shalt  }
0x68: {  	_ =	shalt  }
0x69: {  	_ =	shalt  }
0x6a: {  	_ =	shalt  }
0x6b: {  	_ =	shalt  }
0x6c: {  	_ =	shalt  }
0x6d: {  	_ =	shalt  }
0x6e: {  	_ =	shalt  }
0x6f: {  	_ =	shalt  }
0x70: {  	_ =	shalt  }
0x71: {  	_ =	shalt  }
0x72: {  	_ =	shalt  }
0x73: {  	_ =	shalt  }
0x74: {  	_ =	shalt  }
0x75: {  	_ =	shalt  }
0x76: {  	_ =	shalt  }
0x77: {  	_ =	shalt  }
0x78: {  	_ =	shalt  }
0x79: {  	_ =	shalt  }
0x7a: {  	_ =	shalt  }
0x7b: {  	_ =	shalt  }
0x7c: {  	_ =	shalt  }
0x7d: {  	_ =	shalt  }
0x7e: {  	_ =	shalt  }
0x7f: {  	_ =	shalt  }
0x80: {  	_ =	shalt  }
0x81: {  	_ =	shalt  }
0x82: {  	_ =	shalt  }
0x83: {  	_ =	shalt  }
0x84: {  	_ =	shalt  }
0x85: {  	_ =	shalt  }
0x86: {  	_ =	shalt  }
0x87: {  	_ =	shalt  }
.Lfunc_end0:
.L_simem_size_0:
called_computation.3_lowered:
.L_overlay_start_0:
0x88: {  	s2 =	sld [smem:$0x3FD9]  }
0x89: {  	s3 =	sld [smem:$0x3FFE];
	_ =	sdelay $0x1  }
0x8a: {  	s1 =	srdreg.scid  }
0x8b: {  	s0 =	sand.u32 $0x1, s1  }
0x8c: {  	s16 =	sshll.u32 s0, $0xA;
	s2 =	sadd.s32 s3, s2  }
0x8d: {  	s2 =	sadd.s32 s2, s16  }
0x8e: {  	[smem:$0x3FAC] =	sst s2  }
0x8f: {  	_ = 	snop  }
0x90: {  	(tm) =	ssettm $0x1  }
0x91: {  	s17 =	sld [smem:$0x3FFB];
	_ =	sdelay $0x3  }
0x92: {  	_ =	strace s17  }
0x93: {  	s2 =	sld [smem:$0x3FFC];
	_ =	sdelay $0x3  }
0x94: {  	_ =	strace s2  }
0x95: {  	s2 =	sld [smem:$0x3FFD];
	_ =	sdelay $0x3  }
0x96: {  	_ =	strace s2  }
0x97: {  	_ =	strace $0x8FFFFFFF  }
0x98: {  	s18 =	sld [smem:$0x3FDB];
	_ =	sdelay $0x1  }
0x99: {  	s19 =	simm.s32 $_scs_section_size  }
0x9a: {  	s4 =	simm.s32 $_size__tile_overlayer_lowered;
	s5 =	simm.s32 $_tile_overlayer_lowered  }
0x9b: {  	s22 =	simm.s32 $0x1BFF;
	s21 =	sshll.u32 s5, $0x1;
	s2 =	sadd.s32 s19, s18  }
0x9c: {  	s6 =	simm.s32 $0x0;
	s20 =	sshll.u32 s4, $0x1;
	s4 =	sadd.s32 s21, s2  }
0x9d: {  	[timem:s6], [sflag:s22] =	dma.local [hbm:s4], s20  }
0x9e: {  	_ =	swait.ge [sflag:s22], s20  }
0x9f: {  	s3 =	ssub.s32 $0x0, s20;
	[sflag:s22] =	ssyncset.done $0x0  }
0xa0: {  	[sflag:s22] =	ssyncadd.s32 s3;
	_ =	sdelay $0x1  }
0xa1: {  	s23 =	simm.s32 $0x1B8B  }
0xa2: {  	_ =	swait.ge [sflag:s23], $0x1  }
0xa3: {  	[sflag:s23] =	ssyncset.done $0x0  }
0xa4: {  	s25 =	simm.s32 $0x1B8E;
	s24 =	sld [smem:$0x3FFE];
	[sflag:s23] =	ssyncadd.s32 $0xFFFFFFFF  }
0xa5: {  	s26 =	simm.s32 $execute0_lowered;
	[smem:$0x3FD2] =	sst s25  }
0xa6: {  	s4 =	sshll.u32 s26, $0x1;
	_ =	strace $0x8000004F;
	[dreg:$0x1] =	wrdreg $0xFFFFFFFF  }
0xa7: {  	s28 =	simm.s32 $_size_execute0_lowered;
	s2 =	sadd.s32 s2, s4;
	[dreg:$0x0] =	wrdreg $0x0  }
0xa8: {  	s4 =	sshll.u32 s28, $0x1;
	[dreg:$0x2] =	wrdreg s2  }
0xa9: {  	[dreg:$0x3] =	wrdreg s4  }
0xaa: {  	[dreg:$0x4] =	wrdreg $0xC0  }
0xab: {  	_ =	task [dreg:s6], $0x5FFFF  }
0xac: {  	[dreg:$0x1] =	wrdreg $0xFFFFFFFF  }
0xad: {  	[dreg:$0x0] =	wrdreg $0x60  }
0xae: {  	[dreg:$0x2] =	wrdreg s24  }
0xaf: {  	[dreg:$0x3] =	wrdreg $0xF0000  }
0xb0: {  	[dreg:$0x4] =	wrdreg $0x9  }
0xb1: {  	_ =	task.clear_ibuf [dreg:s6], $0x5FFFF;
	_ =	strace $0x9000004F  }
0xb2: {  	s29 =	simm.s32 $0x9;
	_ =	strace $0x80000051  }
0xb3: {  	_ =	swait.ge [sflag:s29], $0x1  }
0xb4: {  	[sflag:s29] =	ssyncadd.s32 $0xFFFFFFFF  }
0xb5: {  	_ =	strace $0x90000051  }
0xb6: {  	_ =	sfence  }
0xb7: {  	s30 =	sld [smem:$0x0];
	_ =	sdelay $0x2  }
0xb8: {  	s31 =	sshll.u32 s1, $0xD;
	s1 =	sshrl.u32 s1, $0x2  }
0xb9: {  	s3 =	sand.u32 $0x4000, s31;
	s1 =	sadd.s32 s1, s30  }
0xba: {  	s0 =	sor.u32 s3, s0;
	s1 =	sshll.u32 s1, $0x11  }
0xbb: {  	s0 =	sor.u32 s1, s0  }
0xbc: {  	s0 =	sadd.s32 $0x8F2B, s0  }
0xbd: {  	[sflag:s0] =	ssyncadd.remote.s32 $0x1  }
0xbe: {  	_ =	sfence.sel $0xFFFF  }
0xbf: {  	[dreg:$0x0] =	wrdreg $0xFFFFFFFF;
	(pc) =	sbr.abs _section_cstart, $3  }
0xc0: {  	[dreg:$0x1] =	wrdreg $0xFFFFFFFF  }
0xc1: {  	_ =	task.clear_ibuf [dreg:s6], $0x2FFFF;
	_ =	strace $0x9FFFFFFF  }
0xc2: {  	(tm) =	ssettm $0x7FFFFFFF  }
0xc3: {  	_ =	shalt  }
tec
execute0_lowered:
.L_overlay_start_1:
0x0: {  	(tag) =	ssettag $0x1  }
0x1: {  	s0 =	rddreg [dreg:$0x0]  }
0x2: {  	s2 =	rddreg [dreg:$0x1];
	s1 =	srdreg.scid  }
0x3: {  	s8 =	stileid.u32;
	s3 =	simm.s32 $0x0;
	s14 =	simm.s32 $0x5  }
0x4: {  	s15 =	simm.s32 $0x2800;
	s16 =	simm.s32 $0x80;
	s17 =	simm.s32 $0x5000  }
0x5: {  	s18 =	simm.s32 $0x7000;
	s19 =	simm.s32 $0xD000;
	s20 =	simm.s32 $0x1  }
0x6: {  	s23 =	simm.s32 $0x9000;
	s25 =	simm.s32 $0xB000;
	s26 =	simm.s32 $0x2  }
0x7: {  	s29 =	simm.s32 $0x2980;
	s30 =	simm.s32 $0x3;
	s31 =	simm.s32 $0x200  }
0x8: {  	s21 =	simm.s32 $0x0;
	s1 =	sand.u32 $0x1, s1;
	s7 =	smul.u32 $0x14000, s8  }
0x9: {  	[smem:$0x7FF] =	sst s3;
	s4 =	sshll.u32 s8, $0x1;
	s8 =	smul.u32 $0x28000, s8  }
0xa: {  	s5 =	smul.u32 $0x140000, s1;
	_ =	strace $0x80000050;
	s6 =	sor.u32 s1, s4  }
0xb: {  	s4 =	sadd.s32 $0x5000, s0;
	s1 =	ssub.s32 $0x2, s1;
	s6 =	smul.u32 $0x500, s6  }
0xc: {  	s28 =	sshrl.u32 s1, $0x1;
	s8 =	sshrl.u32 s8, $0x2;
	s5 =	sadd.s32 s7, s5  }
0xd: {  	s1 =	ssub.s32 s1, s28;
	s7 =	sshrl.u32 s7, $0x1;
	s11 =	sadd.s32 s8, s2  }
.Ltmp0:
0xe: {  	s5 =	sshrl.u32 s5, $0x4;
	s6 =	sadd.s32 s6, s0;
	(pc) =	sbr.rel .LBB2_1-.Ltmp0, $4  }
0xf: {  	s7 =	sadd.s32 s7, s2;
	s8 =	sadd.s32 $0x2000, s11;
	s9 =	sadd.s32 $0x4000, s11  }
0x10: {  	s10 =	sadd.s32 $0x6000, s11;
	s11 =	sadd.s32 $0x8000, s11;
	s13 =	smax.u32 s1, $0x1  }
0x11: {  	s1 =	simm.s32 $0x4;
	s0 =	sadd.s32 s5, s0;
	s5 =	sadd.s32 $0x18A00, s6  }
0x12: {  	v0 =	vimm.bf16 $0.0e+00;
	s6 =	sadd.s32 $0x22A00, s6;
	s12 =	sadd.s32 $0x2CA00, s0;
	s0 =	simm.s32 $0x280  }
.LBB2_6:
0x13: {  	_ =	swait.ge [sflag:s1], $0x2000  }
0x14: {  	[sflag:s1] =	ssyncset.done $0x0  }
0x15: {  	[sflag:s1] =	ssyncadd.s32 $0xFFFFE000  }
0x16: {  	s22 =	stileid.u32;
	_ =	swait.ge [sflag:s1], $0x2000  }
0x17: {  	s24 =	sshrl.u32 s7, $0x3;
	s21 =	sadd.s32 $0x1, s21;
	[sflag:s1] =	ssyncset.done $0x0  }
0x18: {  	s22 =	sshll.u32 s22, $0x6;
	p0 =	sne.s32 s21, s13;
	[sflag:s1] =	ssyncadd.s32 $0xFFFFE000  }
.Ltmp1:
0x19: {  	s22 =	sor.u32 $0x1C05, s22;
	[bflag:$0x0] =	sbarrier.arrive $0xFFFF;
	(pc) =	sbr.rel @!p0 .LBB2_7-.Ltmp1, $4  }
0x1a: {  	[hbm:s12], [sflag:s22] =	dma.local [spmem:s24], $0x1400  }
0x1b: {  	_ =	swait.ge [sflag:s14], $0x1400  }
0x1c: {  	[sflag:s14] =	ssyncset.done $0x0  }
0x1d: {  	[sflag:s14] =	ssyncadd.s32 $0xFFFFEC00  }
.LBB2_1:
0x1e: {  	[tilespmem:s3], [sflag:$0x5] =	stream.linear.gather [hbm4b:s5+s3], $0x2800, $0x38;
	[tilespmem:$0x19000] =	vst v63  }
0x1f: {  	_ =	swait.ge [sflag:s14], $0x2800  }
0x20: {  	[sflag:s14] =	ssyncset.done $0x0  }
0x21: {  	[sflag:s14] =	ssyncadd.s32 $0xFFFFD800  }
0x22: {  	[tilespmem:s15], [sflag:$0x5] =	stream.linear.gather [hbm4b:s6+s3], $0x2800, $0x38;
	[tilespmem:$0x19000] =	vst v63  }
0x23: {  	_ =	swait.ge [sflag:s14], $0x2800  }
0x24: {  	[sflag:s14] =	ssyncset.done $0x0  }
0x25: {  	[sflag:s14] =	ssyncadd.s32 $0xFFFFD800  }
0x26: {  	[tilespmem:s17], [sflag:$0x1] =	stream.indirect.gather [hbm4b:s4+s16], $0x40, s3, s16, $0xb8;
	[tilespmem:$0x19000] =	vst v63  }
0x27: {  	s24 =	simm.s32 $0x100;
	s22 =	simm.s32 $0x0  }
0x28: {  	[tilespmem:s18], [sflag:$0x1] =	stream.indirect.gather [hbm4b:s4+s16], $0x40, s16, s16, $0xb8;
	[tilespmem:$0x19000] =	vst v63  }
.LBB2_2:
0x29: {  	p0 =	sne.s32 s24, $0x7F00;
	[tilespmem:s22+$0xD030] =	vst v0;
	s28 =	smov.u32 s24;
	s24 =	sadd.s32 $0x100, s24  }
.Ltmp2:
0x2a: {  	[tilespmem:s22+$0xD020] =	vst v0;
	(pc) =	sbr.rel @p0 .LBB2_2-.Ltmp2, $3  }
0x2b: {  	[tilespmem:s22+$0xD000] =	vst v0  }
0x2c: {  	[tilespmem:s22+$0xD010] =	vst v0;
	_ =	sdelay $0x1  }
0x2d: {  	s22 =	sshra.s32 s28, $0x2  }
0x2e: {  	[tilespmem:s22+$0xD030] =	vst v0  }
0x2f: {  	[tilespmem:s22+$0xD020] =	vst v0  }
0x30: {  	[tilespmem:s22+$0xD000] =	vst v0  }
0x31: {  	[tilespmem:s22+$0xD010] =	vst v0  }
0x32: {  	[spmem:s7] =	stream.linear.scatter [tilespmem:s19], [sflag:$0x5], $0x2000, $0x38;
	[tilespmem:$0x19000] =	vst v63  }
0x33: {  	_ =	swait.ge [sflag:s14], $0x2000  }
0x34: {  	[sflag:s14] =	ssyncset.done $0x0  }
0x35: {  	[sflag:s14] =	ssyncadd.s32 $0xFFFFE000  }
0x36: {  	[spmem:s8] =	stream.linear.scatter [tilespmem:s19], [sflag:$0x5], $0x2000, $0x38;
	[tilespmem:$0x19000] =	vst v63  }
0x37: {  	_ =	swait.ge [sflag:s14], $0x2000  }
0x38: {  	[sflag:s14] =	ssyncset.done $0x0  }
0x39: {  	[sflag:s14] =	ssyncadd.s32 $0xFFFFE000  }
0x3a: {  	[spmem:s9] =	stream.linear.scatter [tilespmem:s19], [sflag:$0x5], $0x2000, $0x38;
	[tilespmem:$0x19000] =	vst v63  }
0x3b: {  	_ =	swait.ge [sflag:s14], $0x2000  }
0x3c: {  	[sflag:s14] =	ssyncset.done $0x0  }
0x3d: {  	[sflag:s14] =	ssyncadd.s32 $0xFFFFE000  }
0x3e: {  	[spmem:s10] =	stream.linear.scatter [tilespmem:s19], [sflag:$0x5], $0x2000, $0x38;
	[tilespmem:$0x19000] =	vst v63  }
0x3f: {  	_ =	swait.ge [sflag:s14], $0x2000  }
0x40: {  	[sflag:s14] =	ssyncset.done $0x0  }
0x41: {  	[sflag:s14] =	ssyncadd.s32 $0xFFFFE000  }
0x42: {  	[spmem:s11] =	stream.linear.scatter [tilespmem:s19], [sflag:$0x5], $0x2000, $0x38;
	[tilespmem:$0x19000] =	vst v63  }
0x43: {  	_ =	swait.ge [sflag:s14], $0x2000  }
0x44: {  	[sflag:s14] =	ssyncset.done $0x0  }
0x45: {  	[sflag:s14] =	ssyncadd.s32 $0xFFFFE000  }
0x46: {  	[bflag:$0x0] =	sbarrier.arrive $0xFFFF  }
0x47: {  	_ =	swait.ge [sflag:s20], $0x2000  }
0x48: {  	[sflag:s20] =	ssyncset.done $0x0  }
0x49: {  	[sflag:s20] =	ssyncadd.s32 $0xFFFFE000  }
0x4a: {  	_ =	swait.ge [sflag:s20], $0x2000  }
0x4b: {  	[sflag:s20] =	ssyncset.done $0x0  }
0x4c: {  	[sflag:s20] =	ssyncadd.s32 $0xFFFFE000  }
0x4d: {  	[spmem:s2] =	stream.indirect.scatter.add.bf16 [tilespmem:s17], [sflag:$0x3], $0x40, s15, s16, $0xb8;
	[tilespmem:$0x19000] =	vst v63  }
0x4e: {  	s24 =	simm.s32 $0x2880  }
0x4f: {  	[spmem:s2] =	stream.indirect.scatter.add.bf16 [tilespmem:s18], [sflag:$0x3], $0x40, s24, s16, $0xb8;
	[tilespmem:$0x19000] =	vst v63  }
0x50: {  	s28 =	simm.s32 $0x100  }
0x51: {  	[tilespmem:s23], [sflag:$0x2] =	stream.indirect.gather [hbm4b:s4+s16], $0x40, s28, s16, $0xb8;
	[tilespmem:$0x19000] =	vst v63  }
0x52: {  	s24 =	simm.s32 $0x180  }
0x53: {  	[tilespmem:s25], [sflag:$0x2] =	stream.indirect.gather [hbm4b:s4+s16], $0x40, s24, s16, $0xb8;
	[tilespmem:$0x19000] =	vst v63  }
0x54: {  	_ =	swait.ge [sflag:s26], $0x2000  }
0x55: {  	[sflag:s26] =	ssyncset.done $0x0  }
0x56: {  	[sflag:s26] =	ssyncadd.s32 $0xFFFFE000  }
0x57: {  	_ =	swait.ge [sflag:s26], $0x2000  }
0x58: {  	[sflag:s26] =	ssyncset.done $0x0  }
0x59: {  	s28 =	simm.s32 $0x2900;
	[sflag:s26] =	ssyncadd.s32 $0xFFFFE000  }
0x5a: {  	[spmem:s2] =	stream.indirect.scatter.add.bf16 [tilespmem:s23], [sflag:$0x4], $0x40, s28, s16, $0xb8;
	[tilespmem:$0x19000] =	vst v63  }
0x5b: {  	_ = 	snop  }
0x5c: {  	[spmem:s2] =	stream.indirect.scatter.add.bf16 [tilespmem:s25], [sflag:$0x4], $0x40, s29, s16, $0xb8;
	[tilespmem:$0x19000] =	vst v63  }
0x5d: {  	_ =	swait.ge [sflag:s30], $0x2000  }
0x5e: {  	[sflag:s30] =	ssyncset.done $0x0  }
0x5f: {  	[sflag:s30] =	ssyncadd.s32 $0xFFFFE000  }
0x60: {  	_ =	swait.ge [sflag:s30], $0x2000  }
0x61: {  	[sflag:s30] =	ssyncset.done $0x0  }
0x62: {  	[sflag:s30] =	ssyncadd.s32 $0xFFFFE000  }
0x63: {  	[tilespmem:s17], [sflag:$0x1] =	stream.indirect.gather [hbm4b:s4+s16], $0x40, s31, s16, $0xb8;
	[tilespmem:$0x19000] =	vst v63  }
0x64: {  	s22 =	simm.s32 $0x0  }
0x65: {  	[tilespmem:s18], [sflag:$0x1] =	stream.indirect.gather [hbm4b:s4+s16], $0x40, s0, s16, $0xb8;
	[tilespmem:$0x19000] =	vst v63  }
.LBB2_4:
0x66: {  	_ =	swait.ge [sflag:s20], $0x2000  }
0x67: {  	[sflag:s20] =	ssyncset.done $0x0  }
0x68: {  	[sflag:s20] =	ssyncadd.s32 $0xFFFFE000  }
0x69: {  	_ =	swait.ge [sflag:s20], $0x2000  }
0x6a: {  	s24 =	sshra.s32 s22, $0x2;
	[sflag:s20] =	ssyncset.done $0x0  }
0x6b: {  	s28 =	sadd.s32 $0x2A00, s24;
	[sflag:s20] =	ssyncadd.s32 $0xFFFFE000  }
0x6c: {  	[spmem:s2] =	stream.indirect.scatter.add.bf16 [tilespmem:s17], [sflag:$0x3], $0x40, s28, s16, $0xb8;
	[tilespmem:$0x19000] =	vst v63  }
0x6d: {  	s28 =	sadd.s32 $0x2A80, s24  }
0x6e: {  	[spmem:s2] =	stream.indirect.scatter.add.bf16 [tilespmem:s18], [sflag:$0x3], $0x40, s28, s16, $0xb8;
	[tilespmem:$0x19000] =	vst v63  }
0x6f: {  	_ =	swait.ge [sflag:s1], $0x2000  }
0x70: {  	[sflag:s1] =	ssyncset.done $0x0  }
0x71: {  	[sflag:s1] =	ssyncadd.s32 $0xFFFFE000  }
0x72: {  	_ =	swait.ge [sflag:s1], $0x2000  }
0x73: {  	[sflag:s1] =	ssyncset.done $0x0  }
0x74: {  	s28 =	sadd.s32 $0x300, s24;
	[sflag:s1] =	ssyncadd.s32 $0xFFFFE000  }
0x75: {  	[tilespmem:s23], [sflag:$0x2] =	stream.indirect.gather [hbm4b:s4+s16], $0x40, s28, s16, $0xb8;
	[tilespmem:$0x19000] =	vst v63  }
0x76: {  	s28 =	sadd.s32 $0x380, s24  }
0x77: {  	[tilespmem:s25], [sflag:$0x2] =	stream.indirect.gather [hbm4b:s4+s16], $0x40, s28, s16, $0xb8;
	[tilespmem:$0x19000] =	vst v63  }
0x78: {  	_ =	swait.ge [sflag:s26], $0x2000  }
0x79: {  	[sflag:s26] =	ssyncset.done $0x0  }
0x7a: {  	[sflag:s26] =	ssyncadd.s32 $0xFFFFE000  }
0x7b: {  	_ =	swait.ge [sflag:s26], $0x2000  }
0x7c: {  	[sflag:s26] =	ssyncset.done $0x0  }
0x7d: {  	s28 =	sadd.s32 $0x2B00, s24;
	[sflag:s26] =	ssyncadd.s32 $0xFFFFE000  }
0x7e: {  	[spmem:s2] =	stream.indirect.scatter.add.bf16 [tilespmem:s23], [sflag:$0x4], $0x40, s28, s16, $0xb8;
	[tilespmem:$0x19000] =	vst v63  }
0x7f: {  	s28 =	sadd.s32 $0x2B80, s24  }
0x80: {  	[spmem:s2] =	stream.indirect.scatter.add.bf16 [tilespmem:s25], [sflag:$0x4], $0x40, s28, s16, $0xb8;
	[tilespmem:$0x19000] =	vst v63  }
0x81: {  	p0 =	seq.s32 s22, $0x9000;
	_ =	swait.ge [sflag:s30], $0x2000  }
.Ltmp3:
0x82: {  	[sflag:s30] =	ssyncset.done $0x0;
	(pc) =	sbr.rel @p0 .LBB2_6-.Ltmp3, $4  }
0x83: {  	[sflag:s30] =	ssyncadd.s32 $0xFFFFE000  }
0x84: {  	_ =	swait.ge [sflag:s30], $0x2000  }
0x85: {  	[sflag:s30] =	ssyncset.done $0x0  }
0x86: {  	[sflag:s30] =	ssyncadd.s32 $0xFFFFE000  }
.Ltmp4:
0x87: {  	(pc) =	sbr.rel .LBB2_4-.Ltmp4, $4  }
0x88: {  	s28 =	sadd.s32 $0x400, s24  }
0x89: {  	[tilespmem:s17], [sflag:$0x1] =	stream.indirect.gather [hbm4b:s4+s16], $0x40, s28, s16, $0xb8;
	[tilespmem:$0x19000] =	vst v63  }
0x8a: {  	s22 =	sadd.s32 $0x800, s22;
	s28 =	sadd.s32 $0x480, s24  }
0x8b: {  	[tilespmem:s18], [sflag:$0x1] =	stream.indirect.gather [hbm4b:s4+s16], $0x40, s28, s16, $0xb8;
	[tilespmem:$0x19000] =	vst v63  }
.LBB2_7:
0x8c: {  	_ =	sfence.sel $0x180000  }
0x8d: {  	[bflag:$0x0] =	sbarrier.arrive $0xFFFF  }
0x8e: {  	_ =	strace $0x90000050  }
0x8f: {  	s0 =	stileid.u32;
	[bflag:$0x2] =	sbarrier.arrive $0xFFFF  }
0x90: {  	p0 =	sne.s32 s0, $0x0;
	s0 =	rddreg [dreg:$0x2]  }
0x91: {  	s0 =	sadd.s32 @!p0 $0x100000, s0  }
0x92: {  	[sflag:s0] =	ssyncadd.tile.s32 @!p0 $0x1;
	_ =	shalt  }
.Lfunc_end2:
_tile_overlayer_lowered:
.L_overlay_start_2:
0x93: {  	(tag) =	ssettag $0x2  }
0x94: {  	s0 =	rddreg [dreg:$0x0];
	s2 =	stileid.u32  }
0x95: {  	s1 =	rddreg [dreg:$0x1];
	p0 =	sne.s32 s2, $0x0  }
0x96: {  	s3 =	rddreg [dreg:$0x2];
	[bflag:$0x3] =	sbarrier.arrive $0xFFFF;
	s2 =	simm.s32 @!p0 $0x1C05  }
0x97: {  	[timem:s3], [sflag:s2] =	dma.local @!p0 [hbm:s0], s1  }
0x98: {  	s0 =	simm.s32 @!p0 $0x5  }
0x99: {  	_ =	swait.ge @!p0 [sflag:s0], s1  }
0x9a: {  	s1 =	ssub.s32 @!p0 $0x0, s1;
	[sflag:s0] =	ssyncset.done @!p0 $0x0  }
0x9b: {  	[sflag:s0] =	ssyncadd.s32 @!p0 s1  }
0x9c: {  	[bflag:$0x3] =	sbarrier.arrive $0xFFFF  }
0x9d: {  	_ =	shalt  }

</sc_bundles>
